<compile_context>
chip_gen: v7x
topology: tpu7x:2x2x1
jax: 0.10.2.dev20260603
libtpu: 0.0.44.dev20260713+nightly
codegen_flags: <defaults>
</compile_context>

<pallas_src>
import functools

import jax
import jax.numpy as jnp
from jax import lax
from jax.experimental import pallas as pl
from jax.experimental.pallas import tpu as pltpu
from jax.experimental.pallas import tpu_sc as plsc

N = 10000
D = 128
E = 320000
G = 128
NW = 32
K = 128
NB = 80
EPW = NB * K
E_PAD = NW * EPW
NPAD = 10240
RPS = NPAD // 16
RB = 2000

_MESH = plsc.VectorSubcoreMesh(core_axis_name="c", subcore_axis_name="s")


def _sc_degree(dst3):
    @functools.partial(
        pl.kernel,
        out_type=jax.ShapeDtypeStruct((2, NPAD), jnp.float32),
        mesh=_MESH,
        scratch_types=[
            pltpu.VMEM((NB, K), jnp.int32),
            pltpu.VMEM((RPS,), jnp.float32),
            pltpu.VMEM((K,), jnp.float32),
            pltpu.VMEM_SHARED((NPAD,), jnp.float32),
        ],
    )
    def deg_kernel(dst_hbm, out_hbm, dst_v, zeros_v, ones_v, acc):
        cid = lax.axis_index("c")
        sid = lax.axis_index("s")
        wid = sid * 2 + cid

        @pl.loop(0, RPS, step=16)
        def _(i):
            zeros_v.at[pl.ds(i, 16)][...] = jnp.zeros((16,), jnp.float32)

        @pl.loop(0, K, step=16)
        def _(i):
            ones_v.at[pl.ds(i, 16)][...] = jnp.full((16,), 1.0, jnp.float32)

        pltpu.sync_copy(zeros_v, acc.at[pl.ds(sid * RPS, RPS)])
        pltpu.sync_copy(dst_hbm.at[wid], dst_v)
        plsc.subcore_barrier()

        @pl.loop(0, NB)
        def _(j):
            pltpu.sync_copy(ones_v, acc.at[dst_v.at[j]], add=True)

        plsc.subcore_barrier()
        pltpu.sync_copy(acc.at[pl.ds(sid * RPS, RPS)],
                        out_hbm.at[cid, pl.ds(sid * RPS, RPS)])

    return deg_kernel(dst3)


NBUF = 2
NI = 2 * NBUF

B0 = 156
B1 = 4
NBLK = 16 * (B0 + B1)
NB_MAX = ((max(B0, B1) + NI - 1) // NI) * NI


def _sc_spmm(scaled, sd3):
    @functools.partial(
        pl.kernel,
        out_type=jax.ShapeDtypeStruct((2, NPAD, D), jnp.float32),
        mesh=_MESH,
        scratch_types=(
            [pltpu.VMEM((2, K), jnp.int32) for _ in range(NI)]
            + [pltpu.VMEM((K, D), jnp.float32) for _ in range(NBUF)]
            + [pltpu.SemaphoreType.DMA for _ in range(NI + NBUF)]
            + [pltpu.VMEM_SHARED((NPAD, D), jnp.float32)]
        ),
    )
    def spmm_kernel(scaled_hbm, sd_hbm, out_hbm, *rest):
        sd = rest[:NI]
        rows = rest[NI:NI + NBUF]
        sem_i = rest[NI + NBUF:2 * NI + NBUF]
        sem_g = rest[2 * NI + NBUF:2 * NI + 2 * NBUF]
        acc = rest[2 * NI + 2 * NBUF]
        cid = lax.axis_index("c")
        sid = lax.axis_index("s")
        nb = jnp.where(cid == 0, B0, B1)
        base = jnp.where(cid == 0, sid * B0, 16 * B0 + sid * B1)

        @pl.loop(0, K)
        def _(r):
            @pl.loop(0, D, step=16)
            def _(cc):
                rows[0].at[r, pl.ds(cc, 16)][...] = jnp.zeros((16,), jnp.float32)

        @pl.loop(0, RPS, step=K)
        def _(r):
            pltpu.sync_copy(rows[0], acc.at[pl.ds(sid * RPS + r, K)])

        for q in range(NI):
            @pl.when(q < nb)
            def _():
                pltpu.async_copy(sd_hbm.at[base + q], sd[q], sem_i[q])
        plsc.subcore_barrier()
        for b in range(NBUF):
            @pl.when(b < nb)
            def _():
                pltpu.make_async_copy(sd_hbm.at[base + b], sd[b],
                                      sem_i[b]).wait()
                pltpu.async_copy(scaled_hbm.at[sd[b].at[0]], rows[b], sem_g[b])

        nb_up = ((nb + NI - 1) // NI) * NI

        @pl.loop(0, nb_up, step=NI)
        def _(j0):
            for q in range(NI):
                j = j0 + q
                b = q % NBUF

                @pl.when(j < nb)
                def _():
                    pltpu.make_async_copy(scaled_hbm.at[sd[q].at[0]], rows[b],
                                          sem_g[b]).wait()
                    pltpu.sync_copy(rows[b], acc.at[sd[q].at[1]], add=True)

                    @pl.when(j + NBUF < nb)
                    def _():
                        qq = (q + NBUF) % NI
                        pltpu.make_async_copy(sd_hbm.at[base + j + NBUF],
                                              sd[qq], sem_i[qq]).wait()
                        pltpu.async_copy(scaled_hbm.at[sd[qq].at[0]], rows[b],
                                         sem_g[b])

                    @pl.when(j + NI < nb)
                    def _():
                        pltpu.async_copy(sd_hbm.at[base + j + NI], sd[q],
                                         sem_i[q])

        plsc.subcore_barrier()
        pltpu.sync_copy(acc.at[pl.ds(sid * RPS, RPS)],
                        out_hbm.at[cid, pl.ds(sid * RPS, RPS)])

    return spmm_kernel(scaled, sd3)


def _enc_body(x_ref, w1_ref, b1_ref, w2_ref, b2_ref, h_ref):
    h1 = jnp.dot(x_ref[...], w1_ref[...], preferred_element_type=jnp.float32)
    h1 = jnp.maximum(h1 + b1_ref[...], 0.0)
    h2 = jnp.dot(h1, w2_ref[...], preferred_element_type=jnp.float32)
    h_ref[...] = jnp.maximum(h2 + b2_ref[...], 0.0)


def _encoder(x, W1, b1, W2, b2):
    return pl.pallas_call(
        _enc_body,
        grid=(N // RB,),
        in_specs=[
            pl.BlockSpec((RB, D), lambda i: (i, 0)),
            pl.BlockSpec((D, D), lambda i: (0, 0)),
            pl.BlockSpec((1, D), lambda i: (0, 0)),
            pl.BlockSpec((D, D), lambda i: (0, 0)),
            pl.BlockSpec((1, D), lambda i: (0, 0)),
        ],
        out_specs=pl.BlockSpec((RB, D), lambda i: (i, 0)),
        out_shape=jax.ShapeDtypeStruct((N, D), jnp.float32),
    )(x, W1, b1, W2, b2)


def _scale_body(degp_ref, h_ref, dinv_ref, scaled_ref):
    dp = degp_ref[...]
    deg = dp[0] + dp[1]
    dinv = lax.rsqrt(jnp.maximum(deg, 1.0))
    dinv_ref[...] = dinv
    scaled_ref[...] = h_ref[...] * dinv


def _scale(degp, h):
    return pl.pallas_call(
        _scale_body,
        grid=(N // RB,),
        in_specs=[
            pl.BlockSpec((2, RB, 1), lambda i: (0, i, 0)),
            pl.BlockSpec((RB, D), lambda i: (i, 0)),
        ],
        out_specs=[
            pl.BlockSpec((RB, 1), lambda i: (i, 0)),
            pl.BlockSpec((RB, D), lambda i: (i, 0)),
        ],
        out_shape=[
            jax.ShapeDtypeStruct((N, 1), jnp.float32),
            jax.ShapeDtypeStruct((N, D), jnp.float32),
        ],
    )(degp, h)


def _lap_body(aggp_ref, feat_ref, dinv_ref, u_ref, scaled_ref):
    ap = aggp_ref[...]
    dinv = dinv_ref[...]
    u = feat_ref[...] - dinv * (ap[0] + ap[1])
    u_ref[...] = u
    scaled_ref[...] = dinv * u


def _lap(aggp, feat, dinv):
    return pl.pallas_call(
        _lap_body,
        grid=(N // RB,),
        in_specs=[
            pl.BlockSpec((2, RB, D), lambda i: (0, i, 0)),
            pl.BlockSpec((RB, D), lambda i: (i, 0)),
            pl.BlockSpec((RB, 1), lambda i: (i, 0)),
        ],
        out_specs=[
            pl.BlockSpec((RB, D), lambda i: (i, 0)),
            pl.BlockSpec((RB, D), lambda i: (i, 0)),
        ],
        out_shape=[
            jax.ShapeDtypeStruct((N, D), jnp.float32),
            jax.ShapeDtypeStruct((N, D), jnp.float32),
        ],
    )(aggp, feat, dinv)


def _final_body(u1_ref, aggp_ref, h_ref, dinv_ref, batch_ref,
                w3_ref, b3_ref, w4_ref, b4_ref, out_ref,
                sums_ref, counts_ref):
    i = pl.program_id(0)
    ap = aggp_ref[...]
    u1 = u1_ref[...]
    u2 = u1 - dinv_ref[...] * (ap[0] + ap[1])
    h = h_ref[...]
    W3 = w3_ref[...]
    Wh = 3.0 * W3[0:D]
    Wa = -3.0 * W3[0:D] + 3.0 * W3[D:2 * D]
    Wb = 0.75 * W3[0:D] - 1.5 * W3[D:2 * D] + 0.75 * W3[2 * D:3 * D]
    y = (jnp.dot(h, Wh, preferred_element_type=jnp.float32)
         + jnp.dot(u1, Wa, preferred_element_type=jnp.float32)
         + jnp.dot(u2, Wb, preferred_element_type=jnp.float32)
         + b3_ref[...])
    y = jnp.maximum(y, 0.0)
    node = jnp.dot(y, w4_ref[...], preferred_element_type=jnp.float32)
    node = node + b4_ref[...]

    gids = lax.broadcasted_iota(jnp.int32, (1, G), 1)
    onehot = (batch_ref[...] == gids).astype(jnp.float32)
    psum = lax.dot_general(onehot, node, (((0,), (0,)), ((), ())),
                           preferred_element_type=jnp.float32)
    pcnt = lax.dot_general(onehot, jnp.ones((onehot.shape[0], 1), jnp.float32),
                           (((0,), (0,)), ((), ())),
                           preferred_element_type=jnp.float32)

    @pl.when(i == 0)
    def _():
        sums_ref[...] = jnp.zeros_like(sums_ref)
        counts_ref[...] = jnp.zeros_like(counts_ref)

    sums_ref[...] += psum
    counts_ref[...] += pcnt

    @pl.when(i == pl.num_programs(0) - 1)
    def _():
        out_ref[...] = sums_ref[...] / jnp.maximum(counts_ref[...], 1.0)


def _final(u1, aggp, h, dinv, batch2, W3, b3, W4, b4):
    return pl.pallas_call(
        _final_body,
        grid=(N // RB,),
        in_specs=[
            pl.BlockSpec((RB, D), lambda i: (i, 0)),
            pl.BlockSpec((2, RB, D), lambda i: (0, i, 0)),
            pl.BlockSpec((RB, D), lambda i: (i, 0)),
            pl.BlockSpec((RB, 1), lambda i: (i, 0)),
            pl.BlockSpec((RB, 1), lambda i: (i, 0)),
            pl.BlockSpec((3 * D, D), lambda i: (0, 0)),
            pl.BlockSpec((1, D), lambda i: (0, 0)),
            pl.BlockSpec((D, D), lambda i: (0, 0)),
            pl.BlockSpec((1, D), lambda i: (0, 0)),
        ],
        out_specs=pl.BlockSpec((G, D), lambda i: (0, 0)),
        out_shape=jax.ShapeDtypeStruct((G, D), jnp.float32),
        scratch_shapes=[
            pltpu.VMEM((G, D), jnp.float32),
            pltpu.VMEM((G, 1), jnp.float32),
        ],
    )(u1, aggp, h, dinv, batch2, W3, b3, W4, b4)


def kernel(x, edge_index, batch, W1, b1, W2, b2, W3, b3, W4, b4):
    src = edge_index[0]
    dst = edge_index[1]
    pad = E_PAD - E
    src_p = jnp.concatenate([src, jnp.zeros((pad,), jnp.int32)])
    dst_p = jnp.concatenate([dst, jnp.full((pad,), N, jnp.int32)])
    dst3 = dst_p.reshape(NW, NB, K)
    sd3 = jnp.stack([src_p.reshape(NBLK, K), dst_p.reshape(NBLK, K)],
                    axis=1)

    h = _encoder(x, W1, b1.reshape(1, D), W2, b2.reshape(1, D))
    degp = _sc_degree(dst3)
    dinv, scaled1 = _scale(degp.reshape(2, NPAD, 1), h)
    agg1 = _sc_spmm(scaled1, sd3)
    u1, scaled2 = _lap(agg1, h, dinv)
    agg2 = _sc_spmm(scaled2, sd3)
    return _final(u1, agg2, h, dinv, batch.reshape(N, 1),
                  W3, b3.reshape(1, D), W4, b4.reshape(1, D))

# --- scband reference (transcript-rebuilt; emitter-appended) ---
"""Pipeline reference for scband-hf-encoder-78786880078068 (READ-ONLY COPY).

The authoritative reference and input builder live on the scoring server;
editing this copy changes nothing except your own understanding.
"""

import jax, jax.numpy as jnp
import numpy as np

N_NODES = 10000
N_EDGES = 320000
IN_DIM = 128
HID_DIM = 128
OUT_DIM = 128
NUM_GRAPHS = 128

# Beta-wavelet polynomial coefficients for BWGNN with d=2 (calculate_theta2(d=2)),
# ascending powers of the normalized Laplacian.
THETAS = [[3.0, -3.0, 0.75], [0.0, 3.0, -1.5], [0.0, 0.0, 0.75]]


def setup_inputs(seed: int = 0) -> dict:
    key = jax.random.key(seed)
    ks = jax.random.split(key, 12)
    x = jax.random.normal(ks[0], (N_NODES, IN_DIM), dtype=jnp.float32)
    edge_index = jax.random.randint(ks[1], (2, N_EDGES), 0, N_NODES, dtype=jnp.int32)
    batch = jnp.sort(jax.random.randint(ks[2], (N_NODES,), 0, NUM_GRAPHS, dtype=jnp.int32))
    def lin(k, fan_in, fan_out):
        s = 1.0 / np.sqrt(fan_in)
        return jax.random.uniform(k, (fan_in, fan_out), jnp.float32, -s, s)
    W1 = lin(ks[3], IN_DIM, HID_DIM)
    b1 = jnp.zeros((HID_DIM,), jnp.float32)
    W2 = lin(ks[4], HID_DIM, HID_DIM)
    b2 = jnp.zeros((HID_DIM,), jnp.float32)
    W3 = lin(ks[5], HID_DIM * len(THETAS), HID_DIM)
    b3 = jnp.zeros((HID_DIM,), jnp.float32)
    W4 = lin(ks[6], HID_DIM, OUT_DIM)
    b4 = jnp.zeros((OUT_DIM,), jnp.float32)
    return {"x": x, "edge_index": edge_index, "batch": batch,
            "W1": W1, "b1": b1, "W2": W2, "b2": b2,
            "W3": W3, "b3": b3, "W4": W4, "b4": b4}


def reference(x, edge_index, batch, W1, b1, W2, b2, W3, b3, W4, b4):
    N = x.shape[0]
    src = edge_index[0]
    dst = edge_index[1]
    deg = jnp.zeros((N,), x.dtype).at[dst].add(1.0)
    d_invsqrt = jnp.maximum(deg, 1.0) ** -0.5

    def unn_laplacian(feat):
        # L_hat feat = feat - D^{-1/2} A D^{-1/2} feat
        scaled = feat * d_invsqrt[:, None]
        agg = jnp.zeros_like(feat).at[dst].add(scaled[src])
        return feat - d_invsqrt[:, None] * agg

    # BWGNN encoder
    h = jax.nn.relu(x @ W1 + b1)
    h = jax.nn.relu(h @ W2 + b2)
    outs = []
    for theta in THETAS:
        feat = h
        acc = theta[0] * feat
        for k in range(1, len(theta)):
            feat = unn_laplacian(feat)
            acc = acc + theta[k] * feat
        outs.append(acc)
    h_final = jnp.concatenate(outs, axis=1)
    h = jax.nn.relu(h_final @ W3 + b3)
    node_emb = h @ W4 + b4

    # global_mean_pool over graph ids
    sums = jax.ops.segment_sum(node_emb, batch, num_segments=NUM_GRAPHS)
    counts = jax.ops.segment_sum(jnp.ones((N,), node_emb.dtype), batch, num_segments=NUM_GRAPHS)
    graph_emb = sums / jnp.maximum(counts, 1.0)[:, None]
    return graph_emb

if __name__ == "__main__":
    import jax
    _d = setup_inputs()
    print(jax.jit(kernel)(*tuple(_d.values())))

</pallas_src>

<mosaic_0001>
#map = affine_map<(d0, d1) -> (0, 0)>
#map1 = affine_map<(d0, d1) -> (0, 0, 0)>
module attributes {stable_mosaic.version = 14 : i64} {
  func.func @spmm_kernel(%arg0: i32, %arg1: i32, %arg2: memref<10000x128xf32, #tpu.memory_space<hbm>>, %arg3: memref<2560x2x128xi32, #tpu.memory_space<hbm>>, %arg4: memref<2x10240x128xf32, #tpu.memory_space<hbm>>, %arg5: memref<2x128xi32, #tpu.memory_space<vmem>>, %arg6: memref<2x128xi32, #tpu.memory_space<vmem>>, %arg7: memref<2x128xi32, #tpu.memory_space<vmem>>, %arg8: memref<2x128xi32, #tpu.memory_space<vmem>>, %arg9: memref<128x128xf32, #tpu.memory_space<vmem>>, %arg10: memref<128x128xf32, #tpu.memory_space<vmem>>, %arg11: memref<!tpu.dma_semaphore, #tpu.memory_space<semaphore_mem>>, %arg12: memref<!tpu.dma_semaphore, #tpu.memory_space<semaphore_mem>>, %arg13: memref<!tpu.dma_semaphore, #tpu.memory_space<semaphore_mem>>, %arg14: memref<!tpu.dma_semaphore, #tpu.memory_space<semaphore_mem>>, %arg15: memref<!tpu.dma_semaphore, #tpu.memory_space<semaphore_mem>>, %arg16: memref<!tpu.dma_semaphore, #tpu.memory_space<semaphore_mem>>, %arg17: memref<10240x128xf32, #tpu.memory_space<vmem_shared>>) attributes {dimension_semantics = [#tpu.dimension_semantics<core_parallel>, #tpu.dimension_semantics<subcore_parallel>], iteration_bounds = array<i64: 2, 16>, scalar_prefetch = 0 : i64, scratch_operands = 13 : i64, tpu.core_type = #tpu.core_type<sc_vector_subcore>, window_params = [{transform_indices = #map}, {transform_indices = #map1}, {transform_indices = #map1}]} {
    %eq3A = arith.constant 0 : i32
    %eq3A_0 = arith.cmpi eq, %arg0, %eq3A : i32
    %jit3A = arith.constant 156 : i32
    %jit3A_1 = arith.constant 4 : i32
    %select_n3A = arith.select %eq3A_0, %jit3A, %jit3A_1 : i32
    %eq3A_2 = arith.constant 0 : i32
    %eq3A_3 = arith.cmpi eq, %arg0, %eq3A_2 : i32
    %mul3A = arith.constant 156 : i32
    %mul3A_4 = arith.muli %arg1, %mul3A : i32
    %mul3A_5 = arith.constant 4 : i32
    %mul3A_6 = arith.muli %arg1, %mul3A_5 : i32
    %add3A = arith.constant 2496 : i32
    %add3A_7 = arith.addi %add3A, %mul3A_6 : i32
    %select_n3A_8 = arith.select %eq3A_3, %mul3A_4, %add3A_7 : i32
    %scan3A = arith.constant 0 : i32
    %scan3A_9 = arith.constant 128 : i32
    %scan3A_10 = arith.addi %scan3A, %scan3A_9 : i32
    %scan3A_11 = arith.constant 1 : i32
    scf.for %scan3A_92 = %scan3A to %scan3A_10 step %scan3A_11  : i32 {
      %mul3A_93 = arith.constant 1 : i32
      %mul3A_94 = arith.muli %scan3A_92, %mul3A_93 : i32
      %add3A_95 = arith.constant 0 : i32
      %add3A_96 = arith.addi %add3A_95, %mul3A_94 : i32
      %scan3A_97 = arith.constant 0 : i32
      %scan3A_98 = arith.constant 8 : i32
      %scan3A_99 = arith.addi %scan3A_97, %scan3A_98 : i32
      %scan3A_100 = arith.constant 1 : i32
      scf.for %scan3A_102 = %scan3A_97 to %scan3A_99 step %scan3A_100  : i32 {
        %mul3A_103 = arith.constant 16 : i32
        %mul3A_104 = arith.muli %scan3A_102, %mul3A_103 : i32
        %add3A_105 = arith.constant 0 : i32
        %add3A_106 = arith.addi %add3A_105, %mul3A_104 : i32
        %broadcast_in_dim3A = arith.constant 0.000000e+00 : f32
        %broadcast_in_dim3A_107 = vector.broadcast %broadcast_in_dim3A : f32 to vector<16xf32>
        %swap3A = arith.index_cast %add3A_96 : i32 to index
        %swap3A_108 = arith.index_cast %add3A_106 : i32 to index
        %swap3A_109 = tpu.vector_load %arg9[%swap3A, %swap3A_108] {strides = array<i32>} : memref<128x128xf32, #tpu.memory_space<vmem>>, vector<1x16xf32>,
        %swap3A_110 = vector.shape_cast %swap3A_109 : vector<1x16xf32> to vector<16xf32>
        %swap3A_111 = vector.shape_cast %broadcast_in_dim3A_107 : vector<16xf32> to vector<1x16xf32>
        tpu.vector_store %arg9[%swap3A, %swap3A_108], %swap3A_111 {strides = array<i32>} : memref<128x128xf32, #tpu.memory_space<vmem>>, vector<1x16xf32>,
      }
      %scan3A_101 = arith.constant 8 : i32
    }
    %scan3A_12 = arith.constant 128 : i32
    %scan3A_13 = arith.constant 0 : i32
    %scan3A_14 = arith.constant 5 : i32
    %scan3A_15 = arith.addi %scan3A_13, %scan3A_14 : i32
    %scan3A_16 = arith.constant 1 : i32
    scf.for %scan3A_92 = %scan3A_13 to %scan3A_15 step %scan3A_16  : i32 {
      %mul3A_93 = arith.constant 128 : i32
      %mul3A_94 = arith.muli %scan3A_92, %mul3A_93 : i32
      %add3A_95 = arith.constant 0 : i32
      %add3A_96 = arith.addi %add3A_95, %mul3A_94 : i32
      %mul3A_97 = arith.constant 640 : i32
      %mul3A_98 = arith.muli %arg1, %mul3A_97 : i32
      %add3A_99 = arith.addi %mul3A_98, %add3A_96 : i32
      "tpu.region"() ({
        %run_scoped3A = tpu.sem_alloc : memref<!tpu.dma_semaphore, #tpu.memory_space<semaphore_mem>>
        %dma_start3A = arith.constant 0 : i32
        %dma_start3A_100 = tpu.memref_slice %arg17[%add3A_99, %dma_start3A] : memref<10240x128xf32, #tpu.memory_space<vmem_shared>> -> memref<128x128xf32, #tpu.memory_space<vmem_shared>>
        %dma_start3A_101 = arith.constant 0 : i32
        %dma_start3A_102 = tpu.memref_slice %arg17[%add3A_99, %dma_start3A_101] : memref<10240x128xf32, #tpu.memory_space<vmem_shared>> -> memref<128x128xf32, #tpu.memory_space<vmem_shared>>
        tpu.enqueue_dma source(%arg9 : memref<128x128xf32, #tpu.memory_space<vmem>>) target(%dma_start3A_102 : memref<128x128xf32, #tpu.memory_space<vmem_shared>>) target_semaphore(%run_scoped3A : memref<!tpu.dma_semaphore, #tpu.memory_space<semaphore_mem>>)
        %dma_wait3A = arith.constant 0 : i32
        %dma_wait3A_103 = tpu.memref_slice %arg17[%add3A_99, %dma_wait3A] : memref<10240x128xf32, #tpu.memory_space<vmem_shared>> -> memref<128x128xf32, #tpu.memory_space<vmem_shared>>
        %dma_wait3A_104 = arith.constant 0 : i32
        %dma_wait3A_105 = tpu.memref_slice %arg17[%add3A_99, %dma_wait3A_104] : memref<10240x128xf32, #tpu.memory_space<vmem_shared>> -> memref<128x128xf32, #tpu.memory_space<vmem_shared>>
        tpu.wait_dma2 semaphore(%run_scoped3A : memref<!tpu.dma_semaphore, #tpu.memory_space<semaphore_mem>>) src(%arg9 : memref<128x128xf32, #tpu.memory_space<vmem>>) dst(%dma_wait3A_105 : memref<128x128xf32, #tpu.memory_space<vmem_shared>>)
        tpu.yield
      }) : () -> ()
    }
    %scan3A_17 = arith.constant 5 : i32
    %gt3A = arith.constant 0 : i32
    %gt3A_18 = arith.cmpi sgt, %select_n3A, %gt3A : i32
    %convert_element_type3A = arith.extui %gt3A_18 : i1 to i32
    %cond3A = arith.constant 0 : i32
    %cond3A_19 = arith.cmpi ne, %convert_element_type3A, %cond3A : i32
    scf.if %cond3A_19 {
      %add3A_92 = arith.constant 0 : i32
      %add3A_93 = arith.addi %select_n3A_8, %add3A_92 : i32
      %dma_start3A = arith.constant 0 : i32
      %dma_start3A_94 = arith.constant 0 : i32
      %dma_start3A_95 = tpu.memref_slice %arg3[%add3A_93, %dma_start3A, %dma_start3A_94] : memref<2560x2x128xi32, #tpu.memory_space<hbm>> -> memref<1x2x128xi32, #tpu.memory_space<hbm>>
      %dma_start3A_96 = tpu.memref_squeeze %dma_start3A_95 : memref<1x2x128xi32, #tpu.memory_space<hbm>> -> memref<2x128xi32, #tpu.memory_space<hbm>>
      %dma_start3A_97 = arith.constant 0 : i32
      %dma_start3A_98 = arith.constant 0 : i32
      %dma_start3A_99 = tpu.memref_slice %arg3[%add3A_93, %dma_start3A_97, %dma_start3A_98] : memref<2560x2x128xi32, #tpu.memory_space<hbm>> -> memref<1x2x128xi32, #tpu.memory_space<hbm>>
      %dma_start3A_100 = tpu.memref_squeeze %dma_start3A_99 : memref<1x2x128xi32, #tpu.memory_space<hbm>> -> memref<2x128xi32, #tpu.memory_space<hbm>>
      tpu.enqueue_dma source(%dma_start3A_100 : memref<2x128xi32, #tpu.memory_space<hbm>>) target(%arg5 : memref<2x128xi32, #tpu.memory_space<vmem>>) target_semaphore(%arg11 : memref<!tpu.dma_semaphore, #tpu.memory_space<semaphore_mem>>)
    } else {
    }
    %gt3A_20 = arith.constant 1 : i32
    %gt3A_21 = arith.cmpi sgt, %select_n3A, %gt3A_20 : i32
    %convert_element_type3A_22 = arith.extui %gt3A_21 : i1 to i32
    %cond3A_23 = arith.constant 0 : i32
    %cond3A_24 = arith.cmpi ne, %convert_element_type3A_22, %cond3A_23 : i32
    scf.if %cond3A_24 {
      %add3A_92 = arith.constant 1 : i32
      %add3A_93 = arith.addi %select_n3A_8, %add3A_92 : i32
      %dma_start3A = arith.constant 0 : i32
      %dma_start3A_94 = arith.constant 0 : i32
      %dma_start3A_95 = tpu.memref_slice %arg3[%add3A_93, %dma_start3A, %dma_start3A_94] : memref<2560x2x128xi32, #tpu.memory_space<hbm>> -> memref<1x2x128xi32, #tpu.memory_space<hbm>>
      %dma_start3A_96 = tpu.memref_squeeze %dma_start3A_95 : memref<1x2x128xi32, #tpu.memory_space<hbm>> -> memref<2x128xi32, #tpu.memory_space<hbm>>
      %dma_start3A_97 = arith.constant 0 : i32
      %dma_start3A_98 = arith.constant 0 : i32
      %dma_start3A_99 = tpu.memref_slice %arg3[%add3A_93, %dma_start3A_97, %dma_start3A_98] : memref<2560x2x128xi32, #tpu.memory_space<hbm>> -> memref<1x2x128xi32, #tpu.memory_space<hbm>>
      %dma_start3A_100 = tpu.memref_squeeze %dma_start3A_99 : memref<1x2x128xi32, #tpu.memory_space<hbm>> -> memref<2x128xi32, #tpu.memory_space<hbm>>
      tpu.enqueue_dma source(%dma_start3A_100 : memref<2x128xi32, #tpu.memory_space<hbm>>) target(%arg6 : memref<2x128xi32, #tpu.memory_space<vmem>>) target_semaphore(%arg12 : memref<!tpu.dma_semaphore, #tpu.memory_space<semaphore_mem>>)
    } else {
    }
    %gt3A_25 = arith.constant 2 : i32
    %gt3A_26 = arith.cmpi sgt, %select_n3A, %gt3A_25 : i32
    %convert_element_type3A_27 = arith.extui %gt3A_26 : i1 to i32
    %cond3A_28 = arith.constant 0 : i32
    %cond3A_29 = arith.cmpi ne, %convert_element_type3A_27, %cond3A_28 : i32
    scf.if %cond3A_29 {
      %add3A_92 = arith.constant 2 : i32
      %add3A_93 = arith.addi %select_n3A_8, %add3A_92 : i32
      %dma_start3A = arith.constant 0 : i32
      %dma_start3A_94 = arith.constant 0 : i32
      %dma_start3A_95 = tpu.memref_slice %arg3[%add3A_93, %dma_start3A, %dma_start3A_94] : memref<2560x2x128xi32, #tpu.memory_space<hbm>> -> memref<1x2x128xi32, #tpu.memory_space<hbm>>
      %dma_start3A_96 = tpu.memref_squeeze %dma_start3A_95 : memref<1x2x128xi32, #tpu.memory_space<hbm>> -> memref<2x128xi32, #tpu.memory_space<hbm>>
      %dma_start3A_97 = arith.constant 0 : i32
      %dma_start3A_98 = arith.constant 0 : i32
      %dma_start3A_99 = tpu.memref_slice %arg3[%add3A_93, %dma_start3A_97, %dma_start3A_98] : memref<2560x2x128xi32, #tpu.memory_space<hbm>> -> memref<1x2x128xi32, #tpu.memory_space<hbm>>
      %dma_start3A_100 = tpu.memref_squeeze %dma_start3A_99 : memref<1x2x128xi32, #tpu.memory_space<hbm>> -> memref<2x128xi32, #tpu.memory_space<hbm>>
      tpu.enqueue_dma source(%dma_start3A_100 : memref<2x128xi32, #tpu.memory_space<hbm>>) target(%arg7 : memref<2x128xi32, #tpu.memory_space<vmem>>) target_semaphore(%arg13 : memref<!tpu.dma_semaphore, #tpu.memory_space<semaphore_mem>>)
    } else {
    }
    %gt3A_30 = arith.constant 3 : i32
    %gt3A_31 = arith.cmpi sgt, %select_n3A, %gt3A_30 : i32
    %convert_element_type3A_32 = arith.extui %gt3A_31 : i1 to i32
    %cond3A_33 = arith.constant 0 : i32
    %cond3A_34 = arith.cmpi ne, %convert_element_type3A_32, %cond3A_33 : i32
    scf.if %cond3A_34 {
      %add3A_92 = arith.constant 3 : i32
      %add3A_93 = arith.addi %select_n3A_8, %add3A_92 : i32
      %dma_start3A = arith.constant 0 : i32
      %dma_start3A_94 = arith.constant 0 : i32
      %dma_start3A_95 = tpu.memref_slice %arg3[%add3A_93, %dma_start3A, %dma_start3A_94] : memref<2560x2x128xi32, #tpu.memory_space<hbm>> -> memref<1x2x128xi32, #tpu.memory_space<hbm>>
      %dma_start3A_96 = tpu.memref_squeeze %dma_start3A_95 : memref<1x2x128xi32, #tpu.memory_space<hbm>> -> memref<2x128xi32, #tpu.memory_space<hbm>>
      %dma_start3A_97 = arith.constant 0 : i32
      %dma_start3A_98 = arith.constant 0 : i32
      %dma_start3A_99 = tpu.memref_slice %arg3[%add3A_93, %dma_start3A_97, %dma_start3A_98] : memref<2560x2x128xi32, #tpu.memory_space<hbm>> -> memref<1x2x128xi32, #tpu.memory_space<hbm>>
      %dma_start3A_100 = tpu.memref_squeeze %dma_start3A_99 : memref<1x2x128xi32, #tpu.memory_space<hbm>> -> memref<2x128xi32, #tpu.memory_space<hbm>>
      tpu.enqueue_dma source(%dma_start3A_100 : memref<2x128xi32, #tpu.memory_space<hbm>>) target(%arg8 : memref<2x128xi32, #tpu.memory_space<vmem>>) target_semaphore(%arg14 : memref<!tpu.dma_semaphore, #tpu.memory_space<semaphore_mem>>)
    } else {
    }
    %barrier3A = arith.constant 0 : index
    tpu.barrier barrier_id(%barrier3A)
    %gt3A_35 = arith.constant 0 : i32
    %gt3A_36 = arith.cmpi sgt, %select_n3A, %gt3A_35 : i32
    %convert_element_type3A_37 = arith.extui %gt3A_36 : i1 to i32
    %cond3A_38 = arith.constant 0 : i32
    %cond3A_39 = arith.cmpi ne, %convert_element_type3A_37, %cond3A_38 : i32
    scf.if %cond3A_39 {
      %add3A_92 = arith.constant 0 : i32
      %add3A_93 = arith.addi %select_n3A_8, %add3A_92 : i32
      %dma_wait3A = arith.constant 0 : i32
      %dma_wait3A_94 = arith.constant 0 : i32
      %dma_wait3A_95 = tpu.memref_slice %arg3[%add3A_93, %dma_wait3A, %dma_wait3A_94] : memref<2560x2x128xi32, #tpu.memory_space<hbm>> -> memref<1x2x128xi32, #tpu.memory_space<hbm>>
      %dma_wait3A_96 = tpu.memref_squeeze %dma_wait3A_95 : memref<1x2x128xi32, #tpu.memory_space<hbm>> -> memref<2x128xi32, #tpu.memory_space<hbm>>
      %dma_wait3A_97 = arith.constant 0 : i32
      %dma_wait3A_98 = arith.constant 0 : i32
      %dma_wait3A_99 = tpu.memref_slice %arg3[%add3A_93, %dma_wait3A_97, %dma_wait3A_98] : memref<2560x2x128xi32, #tpu.memory_space<hbm>> -> memref<1x2x128xi32, #tpu.memory_space<hbm>>
      %dma_wait3A_100 = tpu.memref_squeeze %dma_wait3A_99 : memref<1x2x128xi32, #tpu.memory_space<hbm>> -> memref<2x128xi32, #tpu.memory_space<hbm>>
      tpu.wait_dma2 semaphore(%arg11 : memref<!tpu.dma_semaphore, #tpu.memory_space<semaphore_mem>>) src(%dma_wait3A_100 : memref<2x128xi32, #tpu.memory_space<hbm>>) dst(%arg5 : memref<2x128xi32, #tpu.memory_space<vmem>>)
      %dma_start3A = arith.constant 0 : i32
      %dma_start3A_101 = arith.constant 0 : i32
      %dma_start3A_102 = tpu.memref_slice %arg5[%dma_start3A, %dma_start3A_101] : memref<2x128xi32, #tpu.memory_space<vmem>> -> memref<1x128xi32, #tpu.memory_space<vmem>>
      %dma_start3A_103 = tpu.memref_squeeze %dma_start3A_102 : memref<1x128xi32, #tpu.memory_space<vmem>> -> memref<128xi32, #tpu.memory_space<vmem>>
      %dma_start3A_104 = arith.constant 0 : i32
      %dma_start3A_105 = arith.constant 0 : i32
      %dma_start3A_106 = tpu.memref_slice %arg2[%dma_start3A_104, %dma_start3A_105] : memref<10000x128xf32, #tpu.memory_space<hbm>> -> memref<10000x128xf32, #tpu.memory_space<hbm>>
      tpu.enqueue_indirect_dma source(%dma_start3A_106 : memref<10000x128xf32, #tpu.memory_space<hbm>>) target(%arg9 : memref<128x128xf32, #tpu.memory_space<vmem>>) offsets(%dma_start3A_103 : memref<128xi32, #tpu.memory_space<vmem>>) semaphore(%arg15 : memref<!tpu.dma_semaphore, #tpu.memory_space<semaphore_mem>>)
    } else {
    }
    %gt3A_40 = arith.constant 1 : i32
    %gt3A_41 = arith.cmpi sgt, %select_n3A, %gt3A_40 : i32
    %convert_element_type3A_42 = arith.extui %gt3A_41 : i1 to i32
    %cond3A_43 = arith.constant 0 : i32
    %cond3A_44 = arith.cmpi ne, %convert_element_type3A_42, %cond3A_43 : i32
    scf.if %cond3A_44 {
      %add3A_92 = arith.constant 1 : i32
      %add3A_93 = arith.addi %select_n3A_8, %add3A_92 : i32
      %dma_wait3A = arith.constant 0 : i32
      %dma_wait3A_94 = arith.constant 0 : i32
      %dma_wait3A_95 = tpu.memref_slice %arg3[%add3A_93, %dma_wait3A, %dma_wait3A_94] : memref<2560x2x128xi32, #tpu.memory_space<hbm>> -> memref<1x2x128xi32, #tpu.memory_space<hbm>>
      %dma_wait3A_96 = tpu.memref_squeeze %dma_wait3A_95 : memref<1x2x128xi32, #tpu.memory_space<hbm>> -> memref<2x128xi32, #tpu.memory_space<hbm>>
      %dma_wait3A_97 = arith.constant 0 : i32
      %dma_wait3A_98 = arith.constant 0 : i32
      %dma_wait3A_99 = tpu.memref_slice %arg3[%add3A_93, %dma_wait3A_97, %dma_wait3A_98] : memref<2560x2x128xi32, #tpu.memory_space<hbm>> -> memref<1x2x128xi32, #tpu.memory_space<hbm>>
      %dma_wait3A_100 = tpu.memref_squeeze %dma_wait3A_99 : memref<1x2x128xi32, #tpu.memory_space<hbm>> -> memref<2x128xi32, #tpu.memory_space<hbm>>
      tpu.wait_dma2 semaphore(%arg12 : memref<!tpu.dma_semaphore, #tpu.memory_space<semaphore_mem>>) src(%dma_wait3A_100 : memref<2x128xi32, #tpu.memory_space<hbm>>) dst(%arg6 : memref<2x128xi32, #tpu.memory_space<vmem>>)
      %dma_start3A = arith.constant 0 : i32
      %dma_start3A_101 = arith.constant 0 : i32
      %dma_start3A_102 = tpu.memref_slice %arg6[%dma_start3A, %dma_start3A_101] : memref<2x128xi32, #tpu.memory_space<vmem>> -> memref<1x128xi32, #tpu.memory_space<vmem>>
      %dma_start3A_103 = tpu.memref_squeeze %dma_start3A_102 : memref<1x128xi32, #tpu.memory_space<vmem>> -> memref<128xi32, #tpu.memory_space<vmem>>
      %dma_start3A_104 = arith.constant 0 : i32
      %dma_start3A_105 = arith.constant 0 : i32
      %dma_start3A_106 = tpu.memref_slice %arg2[%dma_start3A_104, %dma_start3A_105] : memref<10000x128xf32, #tpu.memory_space<hbm>> -> memref<10000x128xf32, #tpu.memory_space<hbm>>
      tpu.enqueue_indirect_dma source(%dma_start3A_106 : memref<10000x128xf32, #tpu.memory_space<hbm>>) target(%arg10 : memref<128x128xf32, #tpu.memory_space<vmem>>) offsets(%dma_start3A_103 : memref<128xi32, #tpu.memory_space<vmem>>) semaphore(%arg16 : memref<!tpu.dma_semaphore, #tpu.memory_space<semaphore_mem>>)
    } else {
    }
    %add3A_45 = arith.constant 4 : i32
    %add3A_46 = arith.addi %select_n3A, %add3A_45 : i32
    %sub3A = arith.constant 1 : i32
    %sub3A_47 = arith.subi %add3A_46, %sub3A : i32
    %jit3A_48 = arith.constant 4 : i32
    %div3A = arith.divsi %sub3A_47, %jit3A_48 : i32
    %sign3A = arith.constant 0 : i32
    %sign3A_49 = arith.cmpi sgt, %sub3A_47, %sign3A : i32
    %sign3A_50 = arith.extui %sign3A_49 : i1 to i32
    %sign3A_51 = arith.constant 0 : i32
    %sign3A_52 = arith.cmpi slt, %sub3A_47, %sign3A_51 : i32
    %sign3A_53 = arith.extui %sign3A_52 : i1 to i32
    %sign3A_54 = arith.subi %sign3A_50, %sign3A_53 : i32
    %sign3A_55 = arith.constant 0 : i32
    %sign3A_56 = arith.cmpi sgt, %jit3A_48, %sign3A_55 : i32
    %sign3A_57 = arith.extui %sign3A_56 : i1 to i32
    %sign3A_58 = arith.constant 0 : i32
    %sign3A_59 = arith.cmpi slt, %jit3A_48, %sign3A_58 : i32
    %sign3A_60 = arith.extui %sign3A_59 : i1 to i32
    %sign3A_61 = arith.subi %sign3A_57, %sign3A_60 : i32
    %ne3A = arith.cmpi ne, %sign3A_54, %sign3A_61 : i32
    %rem3A = arith.remsi %sub3A_47, %jit3A_48 : i32
    %ne3A_62 = arith.constant 0 : i32
    %ne3A_63 = arith.cmpi ne, %rem3A, %ne3A_62 : i32
    %and3A = arith.andi %ne3A, %ne3A_63 : i1
    %sub3A_64 = arith.constant 1 : i32
    %sub3A_65 = arith.subi %div3A, %sub3A_64 : i32
    %select_n3A_66 = arith.select %and3A, %sub3A_65, %div3A : i32
    %mul3A_67 = arith.constant 4 : i32
    %mul3A_68 = arith.muli %select_n3A_66, %mul3A_67 : i32
    %sub3A_69 = arith.constant 0 : i32
    %sub3A_70 = arith.subi %mul3A_68, %sub3A_69 : i32
    %sub3A_71 = arith.constant 4 : i32
    %sub3A_72 = arith.constant 1 : i32
    %sub3A_73 = arith.subi %sub3A_71, %sub3A_72 : i32
    %add3A_74 = arith.addi %sub3A_70, %sub3A_73 : i32
    %div3A_75 = arith.constant 4 : i32
    %div3A_76 = arith.divsi %add3A_74, %div3A_75 : i32
    %while3A = arith.constant 4 : i32
    %while3A_77 = arith.constant 0 : i32
    %while3A_78 = arith.constant 0 : i32
    %while3A_79 = arith.subi %div3A_76, %while3A_78 : i32
    %while3A_80 = arith.addi %while3A_78, %while3A_79 : i32
    %while3A_81 = arith.constant 1 : i32
    %while3A_82 = arith.divsi %while3A_79, %while3A_81 : i32
    %while3A_83 = arith.muli %while3A_82, %while3A_81 : i32
    %while3A_84 = arith.addi %while3A_78, %while3A_83 : i32
    %while3A_85 = arith.constant 1 : i32
    scf.for %while3A_92 = %while3A_78 to %while3A_84 step %while3A_85  : i32 {
      %mul3A_93 = arith.muli %while3A_92, %while3A : i32
      %add3A_94 = arith.addi %while3A_77, %mul3A_93 : i32
      %add3A_95 = arith.constant 0 : i32
      %add3A_96 = arith.addi %add3A_94, %add3A_95 : i32
      %lt3A = arith.cmpi slt, %add3A_96, %select_n3A : i32
      %convert_element_type3A_97 = arith.extui %lt3A : i1 to i32
      %cond3A_98 = arith.constant 0 : i32
      %cond3A_99 = arith.cmpi ne, %convert_element_type3A_97, %cond3A_98 : i32
      scf.if %cond3A_99 {
        %dma_wait3A = arith.constant 0 : i32
        %dma_wait3A_118 = arith.constant 0 : i32
        %dma_wait3A_119 = tpu.memref_slice %arg5[%dma_wait3A, %dma_wait3A_118] : memref<2x128xi32, #tpu.memory_space<vmem>> -> memref<1x128xi32, #tpu.memory_space<vmem>>
        %dma_wait3A_120 = tpu.memref_squeeze %dma_wait3A_119 : memref<1x128xi32, #tpu.memory_space<vmem>> -> memref<128xi32, #tpu.memory_space<vmem>>
        %dma_wait3A_121 = arith.constant 0 : i32
        %dma_wait3A_122 = arith.constant 0 : i32
        %dma_wait3A_123 = tpu.memref_slice %arg2[%dma_wait3A_121, %dma_wait3A_122] : memref<10000x128xf32, #tpu.memory_space<hbm>> -> memref<10000x128xf32, #tpu.memory_space<hbm>>
        tpu.wait_indirect_dma semaphore(%arg15 : memref<!tpu.dma_semaphore, #tpu.memory_space<semaphore_mem>>) src(%dma_wait3A_123 : memref<10000x128xf32, #tpu.memory_space<hbm>>) dst(%arg9 : memref<128x128xf32, #tpu.memory_space<vmem>>)
        %run_scoped3A = arith.constant 1 : i32
        "tpu.region"() ({
          %run_scoped3A_136 = tpu.sem_alloc : memref<!tpu.dma_semaphore, #tpu.memory_space<semaphore_mem>>
          %dma_start3A = arith.constant 0 : i32
          %dma_start3A_137 = tpu.memref_slice %arg5[%run_scoped3A, %dma_start3A] : memref<2x128xi32, #tpu.memory_space<vmem>> -> memref<1x128xi32, #tpu.memory_space<vmem>>
          %dma_start3A_138 = tpu.memref_squeeze %dma_start3A_137 : memref<1x128xi32, #tpu.memory_space<vmem>> -> memref<128xi32, #tpu.memory_space<vmem>>
          %dma_start3A_139 = arith.constant 0 : i32
          %dma_start3A_140 = arith.constant 0 : i32
          %dma_start3A_141 = tpu.memref_slice %arg17[%dma_start3A_139, %dma_start3A_140] : memref<10240x128xf32, #tpu.memory_space<vmem_shared>> -> memref<10240x128xf32, #tpu.memory_space<vmem_shared>>
          tpu.enqueue_indirect_dma source(%arg9 : memref<128x128xf32, #tpu.memory_space<vmem>>) target(%dma_start3A_141 : memref<10240x128xf32, #tpu.memory_space<vmem_shared>>) offsets(%dma_start3A_138 : memref<128xi32, #tpu.memory_space<vmem>>) semaphore(%run_scoped3A_136 : memref<!tpu.dma_semaphore, #tpu.memory_space<semaphore_mem>>) {add = true}
          %dma_wait3A_142 = arith.constant 0 : i32
          %dma_wait3A_143 = tpu.memref_slice %arg5[%run_scoped3A, %dma_wait3A_142] : memref<2x128xi32, #tpu.memory_space<vmem>> -> memref<1x128xi32, #tpu.memory_space<vmem>>
          %dma_wait3A_144 = tpu.memref_squeeze %dma_wait3A_143 : memref<1x128xi32, #tpu.memory_space<vmem>> -> memref<128xi32, #tpu.memory_space<vmem>>
          %dma_wait3A_145 = arith.constant 0 : i32
          %dma_wait3A_146 = arith.constant 0 : i32
          %dma_wait3A_147 = tpu.memref_slice %arg17[%dma_wait3A_145, %dma_wait3A_146] : memref<10240x128xf32, #tpu.memory_space<vmem_shared>> -> memref<10240x128xf32, #tpu.memory_space<vmem_shared>>
          tpu.wait_indirect_dma semaphore(%run_scoped3A_136 : memref<!tpu.dma_semaphore, #tpu.memory_space<semaphore_mem>>) src(%arg9 : memref<128x128xf32, #tpu.memory_space<vmem>>) dst(%dma_wait3A_147 : memref<10240x128xf32, #tpu.memory_space<vmem_shared>>)
          tpu.yield
        }) : () -> ()
        %add3A_124 = arith.constant 2 : i32
        %add3A_125 = arith.addi %add3A_96, %add3A_124 : i32
        %lt3A_126 = arith.cmpi slt, %add3A_125, %select_n3A : i32
        %convert_element_type3A_127 = arith.extui %lt3A_126 : i1 to i32
        %cond3A_128 = arith.constant 0 : i32
        %cond3A_129 = arith.cmpi ne, %convert_element_type3A_127, %cond3A_128 : i32
        scf.if %cond3A_129 {
          %add3A_136 = arith.addi %select_n3A_8, %add3A_96 : i32
          %add3A_137 = arith.constant 2 : i32
          %add3A_138 = arith.addi %add3A_136, %add3A_137 : i32
          %dma_wait3A_139 = arith.constant 0 : i32
          %dma_wait3A_140 = arith.constant 0 : i32
          %dma_wait3A_141 = tpu.memref_slice %arg3[%add3A_138, %dma_wait3A_139, %dma_wait3A_140] : memref<2560x2x128xi32, #tpu.memory_space<hbm>> -> memref<1x2x128xi32, #tpu.memory_space<hbm>>
          %dma_wait3A_142 = tpu.memref_squeeze %dma_wait3A_141 : memref<1x2x128xi32, #tpu.memory_space<hbm>> -> memref<2x128xi32, #tpu.memory_space<hbm>>
          %dma_wait3A_143 = arith.constant 0 : i32
          %dma_wait3A_144 = arith.constant 0 : i32
          %dma_wait3A_145 = tpu.memref_slice %arg3[%add3A_138, %dma_wait3A_143, %dma_wait3A_144] : memref<2560x2x128xi32, #tpu.memory_space<hbm>> -> memref<1x2x128xi32, #tpu.memory_space<hbm>>
          %dma_wait3A_146 = tpu.memref_squeeze %dma_wait3A_145 : memref<1x2x128xi32, #tpu.memory_space<hbm>> -> memref<2x128xi32, #tpu.memory_space<hbm>>
          tpu.wait_dma2 semaphore(%arg13 : memref<!tpu.dma_semaphore, #tpu.memory_space<semaphore_mem>>) src(%dma_wait3A_146 : memref<2x128xi32, #tpu.memory_space<hbm>>) dst(%arg7 : memref<2x128xi32, #tpu.memory_space<vmem>>)
          %dma_start3A = arith.constant 0 : i32
          %dma_start3A_147 = arith.constant 0 : i32
          %dma_start3A_148 = tpu.memref_slice %arg7[%dma_start3A, %dma_start3A_147] : memref<2x128xi32, #tpu.memory_space<vmem>> -> memref<1x128xi32, #tpu.memory_space<vmem>>
          %dma_start3A_149 = tpu.memref_squeeze %dma_start3A_148 : memref<1x128xi32, #tpu.memory_space<vmem>> -> memref<128xi32, #tpu.memory_space<vmem>>
          %dma_start3A_150 = arith.constant 0 : i32
          %dma_start3A_151 = arith.constant 0 : i32
          %dma_start3A_152 = tpu.memref_slice %arg2[%dma_start3A_150, %dma_start3A_151] : memref<10000x128xf32, #tpu.memory_space<hbm>> -> memref<10000x128xf32, #tpu.memory_space<hbm>>
          tpu.enqueue_indirect_dma source(%dma_start3A_152 : memref<10000x128xf32, #tpu.memory_space<hbm>>) target(%arg9 : memref<128x128xf32, #tpu.memory_space<vmem>>) offsets(%dma_start3A_149 : memref<128xi32, #tpu.memory_space<vmem>>) semaphore(%arg15 : memref<!tpu.dma_semaphore, #tpu.memory_space<semaphore_mem>>)
        } else {
        }
        %add3A_130 = arith.constant 4 : i32
        %add3A_131 = arith.addi %add3A_96, %add3A_130 : i32
        %lt3A_132 = arith.cmpi slt, %add3A_131, %select_n3A : i32
        %convert_element_type3A_133 = arith.extui %lt3A_132 : i1 to i32
        %cond3A_134 = arith.constant 0 : i32
        %cond3A_135 = arith.cmpi ne, %convert_element_type3A_133, %cond3A_134 : i32
        scf.if %cond3A_135 {
          %add3A_136 = arith.addi %select_n3A_8, %add3A_96 : i32
          %add3A_137 = arith.constant 4 : i32
          %add3A_138 = arith.addi %add3A_136, %add3A_137 : i32
          %dma_start3A = arith.constant 0 : i32
          %dma_start3A_139 = arith.constant 0 : i32
          %dma_start3A_140 = tpu.memref_slice %arg3[%add3A_138, %dma_start3A, %dma_start3A_139] : memref<2560x2x128xi32, #tpu.memory_space<hbm>> -> memref<1x2x128xi32, #tpu.memory_space<hbm>>
          %dma_start3A_141 = tpu.memref_squeeze %dma_start3A_140 : memref<1x2x128xi32, #tpu.memory_space<hbm>> -> memref<2x128xi32, #tpu.memory_space<hbm>>
          %dma_start3A_142 = arith.constant 0 : i32
          %dma_start3A_143 = arith.constant 0 : i32
          %dma_start3A_144 = tpu.memref_slice %arg3[%add3A_138, %dma_start3A_142, %dma_start3A_143] : memref<2560x2x128xi32, #tpu.memory_space<hbm>> -> memref<1x2x128xi32, #tpu.memory_space<hbm>>
          %dma_start3A_145 = tpu.memref_squeeze %dma_start3A_144 : memref<1x2x128xi32, #tpu.memory_space<hbm>> -> memref<2x128xi32, #tpu.memory_space<hbm>>
          tpu.enqueue_dma source(%dma_start3A_145 : memref<2x128xi32, #tpu.memory_space<hbm>>) target(%arg5 : memref<2x128xi32, #tpu.memory_space<vmem>>) target_semaphore(%arg11 : memref<!tpu.dma_semaphore, #tpu.memory_space<semaphore_mem>>)
        } else {
        }
      } else {
      }
      %add3A_100 = arith.constant 1 : i32
      %add3A_101 = arith.addi %add3A_94, %add3A_100 : i32
      %lt3A_102 = arith.cmpi slt, %add3A_101, %select_n3A : i32
      %convert_element_type3A_103 = arith.extui %lt3A_102 : i1 to i32
      %cond3A_104 = arith.constant 0 : i32
      %cond3A_105 = arith.cmpi ne, %convert_element_type3A_103, %cond3A_104 : i32
      scf.if %cond3A_105 {
        %dma_wait3A = arith.constant 0 : i32
        %dma_wait3A_118 = arith.constant 0 : i32
        %dma_wait3A_119 = tpu.memref_slice %arg6[%dma_wait3A, %dma_wait3A_118] : memref<2x128xi32, #tpu.memory_space<vmem>> -> memref<1x128xi32, #tpu.memory_space<vmem>>
        %dma_wait3A_120 = tpu.memref_squeeze %dma_wait3A_119 : memref<1x128xi32, #tpu.memory_space<vmem>> -> memref<128xi32, #tpu.memory_space<vmem>>
        %dma_wait3A_121 = arith.constant 0 : i32
        %dma_wait3A_122 = arith.constant 0 : i32
        %dma_wait3A_123 = tpu.memref_slice %arg2[%dma_wait3A_121, %dma_wait3A_122] : memref<10000x128xf32, #tpu.memory_space<hbm>> -> memref<10000x128xf32, #tpu.memory_space<hbm>>
        tpu.wait_indirect_dma semaphore(%arg16 : memref<!tpu.dma_semaphore, #tpu.memory_space<semaphore_mem>>) src(%dma_wait3A_123 : memref<10000x128xf32, #tpu.memory_space<hbm>>) dst(%arg10 : memref<128x128xf32, #tpu.memory_space<vmem>>)
        %run_scoped3A = arith.constant 1 : i32
        "tpu.region"() ({
          %run_scoped3A_136 = tpu.sem_alloc : memref<!tpu.dma_semaphore, #tpu.memory_space<semaphore_mem>>
          %dma_start3A = arith.constant 0 : i32
          %dma_start3A_137 = tpu.memref_slice %arg6[%run_scoped3A, %dma_start3A] : memref<2x128xi32, #tpu.memory_space<vmem>> -> memref<1x128xi32, #tpu.memory_space<vmem>>
          %dma_start3A_138 = tpu.memref_squeeze %dma_start3A_137 : memref<1x128xi32, #tpu.memory_space<vmem>> -> memref<128xi32, #tpu.memory_space<vmem>>
          %dma_start3A_139 = arith.constant 0 : i32
          %dma_start3A_140 = arith.constant 0 : i32
          %dma_start3A_141 = tpu.memref_slice %arg17[%dma_start3A_139, %dma_start3A_140] : memref<10240x128xf32, #tpu.memory_space<vmem_shared>> -> memref<10240x128xf32, #tpu.memory_space<vmem_shared>>
          tpu.enqueue_indirect_dma source(%arg10 : memref<128x128xf32, #tpu.memory_space<vmem>>) target(%dma_start3A_141 : memref<10240x128xf32, #tpu.memory_space<vmem_shared>>) offsets(%dma_start3A_138 : memref<128xi32, #tpu.memory_space<vmem>>) semaphore(%run_scoped3A_136 : memref<!tpu.dma_semaphore, #tpu.memory_space<semaphore_mem>>) {add = true}
          %dma_wait3A_142 = arith.constant 0 : i32
          %dma_wait3A_143 = tpu.memref_slice %arg6[%run_scoped3A, %dma_wait3A_142] : memref<2x128xi32, #tpu.memory_space<vmem>> -> memref<1x128xi32, #tpu.memory_space<vmem>>
          %dma_wait3A_144 = tpu.memref_squeeze %dma_wait3A_143 : memref<1x128xi32, #tpu.memory_space<vmem>> -> memref<128xi32, #tpu.memory_space<vmem>>
          %dma_wait3A_145 = arith.constant 0 : i32
          %dma_wait3A_146 = arith.constant 0 : i32
          %dma_wait3A_147 = tpu.memref_slice %arg17[%dma_wait3A_145, %dma_wait3A_146] : memref<10240x128xf32, #tpu.memory_space<vmem_shared>> -> memref<10240x128xf32, #tpu.memory_space<vmem_shared>>
          tpu.wait_indirect_dma semaphore(%run_scoped3A_136 : memref<!tpu.dma_semaphore, #tpu.memory_space<semaphore_mem>>) src(%arg10 : memref<128x128xf32, #tpu.memory_space<vmem>>) dst(%dma_wait3A_147 : memref<10240x128xf32, #tpu.memory_space<vmem_shared>>)
          tpu.yield
        }) : () -> ()
        %add3A_124 = arith.constant 2 : i32
        %add3A_125 = arith.addi %add3A_101, %add3A_124 : i32
        %lt3A_126 = arith.cmpi slt, %add3A_125, %select_n3A : i32
        %convert_element_type3A_127 = arith.extui %lt3A_126 : i1 to i32
        %cond3A_128 = arith.constant 0 : i32
        %cond3A_129 = arith.cmpi ne, %convert_element_type3A_127, %cond3A_128 : i32
        scf.if %cond3A_129 {
          %add3A_136 = arith.addi %select_n3A_8, %add3A_101 : i32
          %add3A_137 = arith.constant 2 : i32
          %add3A_138 = arith.addi %add3A_136, %add3A_137 : i32
          %dma_wait3A_139 = arith.constant 0 : i32
          %dma_wait3A_140 = arith.constant 0 : i32
          %dma_wait3A_141 = tpu.memref_slice %arg3[%add3A_138, %dma_wait3A_139, %dma_wait3A_140] : memref<2560x2x128xi32, #tpu.memory_space<hbm>> -> memref<1x2x128xi32, #tpu.memory_space<hbm>>
          %dma_wait3A_142 = tpu.memref_squeeze %dma_wait3A_141 : memref<1x2x128xi32, #tpu.memory_space<hbm>> -> memref<2x128xi32, #tpu.memory_space<hbm>>
          %dma_wait3A_143 = arith.constant 0 : i32
          %dma_wait3A_144 = arith.constant 0 : i32
          %dma_wait3A_145 = tpu.memref_slice %arg3[%add3A_138, %dma_wait3A_143, %dma_wait3A_144] : memref<2560x2x128xi32, #tpu.memory_space<hbm>> -> memref<1x2x128xi32, #tpu.memory_space<hbm>>
          %dma_wait3A_146 = tpu.memref_squeeze %dma_wait3A_145 : memref<1x2x128xi32, #tpu.memory_space<hbm>> -> memref<2x128xi32, #tpu.memory_space<hbm>>
          tpu.wait_dma2 semaphore(%arg14 : memref<!tpu.dma_semaphore, #tpu.memory_space<semaphore_mem>>) src(%dma_wait3A_146 : memref<2x128xi32, #tpu.memory_space<hbm>>) dst(%arg8 : memref<2x128xi32, #tpu.memory_space<vmem>>)
          %dma_start3A = arith.constant 0 : i32
          %dma_start3A_147 = arith.constant 0 : i32
          %dma_start3A_148 = tpu.memref_slice %arg8[%dma_start3A, %dma_start3A_147] : memref<2x128xi32, #tpu.memory_space<vmem>> -> memref<1x128xi32, #tpu.memory_space<vmem>>
          %dma_start3A_149 = tpu.memref_squeeze %dma_start3A_148 : memref<1x128xi32, #tpu.memory_space<vmem>> -> memref<128xi32, #tpu.memory_space<vmem>>
          %dma_start3A_150 = arith.constant 0 : i32
          %dma_start3A_151 = arith.constant 0 : i32
          %dma_start3A_152 = tpu.memref_slice %arg2[%dma_start3A_150, %dma_start3A_151] : memref<10000x128xf32, #tpu.memory_space<hbm>> -> memref<10000x128xf32, #tpu.memory_space<hbm>>
          tpu.enqueue_indirect_dma source(%dma_start3A_152 : memref<10000x128xf32, #tpu.memory_space<hbm>>) target(%arg10 : memref<128x128xf32, #tpu.memory_space<vmem>>) offsets(%dma_start3A_149 : memref<128xi32, #tpu.memory_space<vmem>>) semaphore(%arg16 : memref<!tpu.dma_semaphore, #tpu.memory_space<semaphore_mem>>)
        } else {
        }
        %add3A_130 = arith.constant 4 : i32
        %add3A_131 = arith.addi %add3A_101, %add3A_130 : i32
        %lt3A_132 = arith.cmpi slt, %add3A_131, %select_n3A : i32
        %convert_element_type3A_133 = arith.extui %lt3A_132 : i1 to i32
        %cond3A_134 = arith.constant 0 : i32
        %cond3A_135 = arith.cmpi ne, %convert_element_type3A_133, %cond3A_134 : i32
        scf.if %cond3A_135 {
          %add3A_136 = arith.addi %select_n3A_8, %add3A_101 : i32
          %add3A_137 = arith.constant 4 : i32
          %add3A_138 = arith.addi %add3A_136, %add3A_137 : i32
          %dma_start3A = arith.constant 0 : i32
          %dma_start3A_139 = arith.constant 0 : i32
          %dma_start3A_140 = tpu.memref_slice %arg3[%add3A_138, %dma_start3A, %dma_start3A_139] : memref<2560x2x128xi32, #tpu.memory_space<hbm>> -> memref<1x2x128xi32, #tpu.memory_space<hbm>>
          %dma_start3A_141 = tpu.memref_squeeze %dma_start3A_140 : memref<1x2x128xi32, #tpu.memory_space<hbm>> -> memref<2x128xi32, #tpu.memory_space<hbm>>
          %dma_start3A_142 = arith.constant 0 : i32
          %dma_start3A_143 = arith.constant 0 : i32
          %dma_start3A_144 = tpu.memref_slice %arg3[%add3A_138, %dma_start3A_142, %dma_start3A_143] : memref<2560x2x128xi32, #tpu.memory_space<hbm>> -> memref<1x2x128xi32, #tpu.memory_space<hbm>>
          %dma_start3A_145 = tpu.memref_squeeze %dma_start3A_144 : memref<1x2x128xi32, #tpu.memory_space<hbm>> -> memref<2x128xi32, #tpu.memory_space<hbm>>
          tpu.enqueue_dma source(%dma_start3A_145 : memref<2x128xi32, #tpu.memory_space<hbm>>) target(%arg6 : memref<2x128xi32, #tpu.memory_space<vmem>>) target_semaphore(%arg12 : memref<!tpu.dma_semaphore, #tpu.memory_space<semaphore_mem>>)
        } else {
        }
      } else {
      }
      %add3A_106 = arith.constant 2 : i32
      %add3A_107 = arith.addi %add3A_94, %add3A_106 : i32
      %lt3A_108 = arith.cmpi slt, %add3A_107, %select_n3A : i32
      %convert_element_type3A_109 = arith.extui %lt3A_108 : i1 to i32
      %cond3A_110 = arith.constant 0 : i32
      %cond3A_111 = arith.cmpi ne, %convert_element_type3A_109, %cond3A_110 : i32
      scf.if %cond3A_111 {
        %dma_wait3A = arith.constant 0 : i32
        %dma_wait3A_118 = arith.constant 0 : i32
        %dma_wait3A_119 = tpu.memref_slice %arg7[%dma_wait3A, %dma_wait3A_118] : memref<2x128xi32, #tpu.memory_space<vmem>> -> memref<1x128xi32, #tpu.memory_space<vmem>>
        %dma_wait3A_120 = tpu.memref_squeeze %dma_wait3A_119 : memref<1x128xi32, #tpu.memory_space<vmem>> -> memref<128xi32, #tpu.memory_space<vmem>>
        %dma_wait3A_121 = arith.constant 0 : i32
        %dma_wait3A_122 = arith.constant 0 : i32
        %dma_wait3A_123 = tpu.memref_slice %arg2[%dma_wait3A_121, %dma_wait3A_122] : memref<10000x128xf32, #tpu.memory_space<hbm>> -> memref<10000x128xf32, #tpu.memory_space<hbm>>
        tpu.wait_indirect_dma semaphore(%arg15 : memref<!tpu.dma_semaphore, #tpu.memory_space<semaphore_mem>>) src(%dma_wait3A_123 : memref<10000x128xf32, #tpu.memory_space<hbm>>) dst(%arg9 : memref<128x128xf32, #tpu.memory_space<vmem>>)
        %run_scoped3A = arith.constant 1 : i32
        "tpu.region"() ({
          %run_scoped3A_136 = tpu.sem_alloc : memref<!tpu.dma_semaphore, #tpu.memory_space<semaphore_mem>>
          %dma_start3A = arith.constant 0 : i32
          %dma_start3A_137 = tpu.memref_slice %arg7[%run_scoped3A, %dma_start3A] : memref<2x128xi32, #tpu.memory_space<vmem>> -> memref<1x128xi32, #tpu.memory_space<vmem>>
          %dma_start3A_138 = tpu.memref_squeeze %dma_start3A_137 : memref<1x128xi32, #tpu.memory_space<vmem>> -> memref<128xi32, #tpu.memory_space<vmem>>
          %dma_start3A_139 = arith.constant 0 : i32
          %dma_start3A_140 = arith.constant 0 : i32
          %dma_start3A_141 = tpu.memref_slice %arg17[%dma_start3A_139, %dma_start3A_140] : memref<10240x128xf32, #tpu.memory_space<vmem_shared>> -> memref<10240x128xf32, #tpu.memory_space<vmem_shared>>
          tpu.enqueue_indirect_dma source(%arg9 : memref<128x128xf32, #tpu.memory_space<vmem>>) target(%dma_start3A_141 : memref<10240x128xf32, #tpu.memory_space<vmem_shared>>) offsets(%dma_start3A_138 : memref<128xi32, #tpu.memory_space<vmem>>) semaphore(%run_scoped3A_136 : memref<!tpu.dma_semaphore, #tpu.memory_space<semaphore_mem>>) {add = true}
          %dma_wait3A_142 = arith.constant 0 : i32
          %dma_wait3A_143 = tpu.memref_slice %arg7[%run_scoped3A, %dma_wait3A_142] : memref<2x128xi32, #tpu.memory_space<vmem>> -> memref<1x128xi32, #tpu.memory_space<vmem>>
          %dma_wait3A_144 = tpu.memref_squeeze %dma_wait3A_143 : memref<1x128xi32, #tpu.memory_space<vmem>> -> memref<128xi32, #tpu.memory_space<vmem>>
          %dma_wait3A_145 = arith.constant 0 : i32
          %dma_wait3A_146 = arith.constant 0 : i32
          %dma_wait3A_147 = tpu.memref_slice %arg17[%dma_wait3A_145, %dma_wait3A_146] : memref<10240x128xf32, #tpu.memory_space<vmem_shared>> -> memref<10240x128xf32, #tpu.memory_space<vmem_shared>>
          tpu.wait_indirect_dma semaphore(%run_scoped3A_136 : memref<!tpu.dma_semaphore, #tpu.memory_space<semaphore_mem>>) src(%arg9 : memref<128x128xf32, #tpu.memory_space<vmem>>) dst(%dma_wait3A_147 : memref<10240x128xf32, #tpu.memory_space<vmem_shared>>)
          tpu.yield
        }) : () -> ()
        %add3A_124 = arith.constant 2 : i32
        %add3A_125 = arith.addi %add3A_107, %add3A_124 : i32
        %lt3A_126 = arith.cmpi slt, %add3A_125, %select_n3A : i32
        %convert_element_type3A_127 = arith.extui %lt3A_126 : i1 to i32
        %cond3A_128 = arith.constant 0 : i32
        %cond3A_129 = arith.cmpi ne, %convert_element_type3A_127, %cond3A_128 : i32
        scf.if %cond3A_129 {
          %add3A_136 = arith.addi %select_n3A_8, %add3A_107 : i32
          %add3A_137 = arith.constant 2 : i32
          %add3A_138 = arith.addi %add3A_136, %add3A_137 : i32
          %dma_wait3A_139 = arith.constant 0 : i32
          %dma_wait3A_140 = arith.constant 0 : i32
          %dma_wait3A_141 = tpu.memref_slice %arg3[%add3A_138, %dma_wait3A_139, %dma_wait3A_140] : memref<2560x2x128xi32, #tpu.memory_space<hbm>> -> memref<1x2x128xi32, #tpu.memory_space<hbm>>
          %dma_wait3A_142 = tpu.memref_squeeze %dma_wait3A_141 : memref<1x2x128xi32, #tpu.memory_space<hbm>> -> memref<2x128xi32, #tpu.memory_space<hbm>>
          %dma_wait3A_143 = arith.constant 0 : i32
          %dma_wait3A_144 = arith.constant 0 : i32
          %dma_wait3A_145 = tpu.memref_slice %arg3[%add3A_138, %dma_wait3A_143, %dma_wait3A_144] : memref<2560x2x128xi32, #tpu.memory_space<hbm>> -> memref<1x2x128xi32, #tpu.memory_space<hbm>>
          %dma_wait3A_146 = tpu.memref_squeeze %dma_wait3A_145 : memref<1x2x128xi32, #tpu.memory_space<hbm>> -> memref<2x128xi32, #tpu.memory_space<hbm>>
          tpu.wait_dma2 semaphore(%arg11 : memref<!tpu.dma_semaphore, #tpu.memory_space<semaphore_mem>>) src(%dma_wait3A_146 : memref<2x128xi32, #tpu.memory_space<hbm>>) dst(%arg5 : memref<2x128xi32, #tpu.memory_space<vmem>>)
          %dma_start3A = arith.constant 0 : i32
          %dma_start3A_147 = arith.constant 0 : i32
          %dma_start3A_148 = tpu.memref_slice %arg5[%dma_start3A, %dma_start3A_147] : memref<2x128xi32, #tpu.memory_space<vmem>> -> memref<1x128xi32, #tpu.memory_space<vmem>>
          %dma_start3A_149 = tpu.memref_squeeze %dma_start3A_148 : memref<1x128xi32, #tpu.memory_space<vmem>> -> memref<128xi32, #tpu.memory_space<vmem>>
          %dma_start3A_150 = arith.constant 0 : i32
          %dma_start3A_151 = arith.constant 0 : i32
          %dma_start3A_152 = tpu.memref_slice %arg2[%dma_start3A_150, %dma_start3A_151] : memref<10000x128xf32, #tpu.memory_space<hbm>> -> memref<10000x128xf32, #tpu.memory_space<hbm>>
          tpu.enqueue_indirect_dma source(%dma_start3A_152 : memref<10000x128xf32, #tpu.memory_space<hbm>>) target(%arg9 : memref<128x128xf32, #tpu.memory_space<vmem>>) offsets(%dma_start3A_149 : memref<128xi32, #tpu.memory_space<vmem>>) semaphore(%arg15 : memref<!tpu.dma_semaphore, #tpu.memory_space<semaphore_mem>>)
        } else {
        }
        %add3A_130 = arith.constant 4 : i32
        %add3A_131 = arith.addi %add3A_107, %add3A_130 : i32
        %lt3A_132 = arith.cmpi slt, %add3A_131, %select_n3A : i32
        %convert_element_type3A_133 = arith.extui %lt3A_132 : i1 to i32
        %cond3A_134 = arith.constant 0 : i32
        %cond3A_135 = arith.cmpi ne, %convert_element_type3A_133, %cond3A_134 : i32
        scf.if %cond3A_135 {
          %add3A_136 = arith.addi %select_n3A_8, %add3A_107 : i32
          %add3A_137 = arith.constant 4 : i32
          %add3A_138 = arith.addi %add3A_136, %add3A_137 : i32
          %dma_start3A = arith.constant 0 : i32
          %dma_start3A_139 = arith.constant 0 : i32
          %dma_start3A_140 = tpu.memref_slice %arg3[%add3A_138, %dma_start3A, %dma_start3A_139] : memref<2560x2x128xi32, #tpu.memory_space<hbm>> -> memref<1x2x128xi32, #tpu.memory_space<hbm>>
          %dma_start3A_141 = tpu.memref_squeeze %dma_start3A_140 : memref<1x2x128xi32, #tpu.memory_space<hbm>> -> memref<2x128xi32, #tpu.memory_space<hbm>>
          %dma_start3A_142 = arith.constant 0 : i32
          %dma_start3A_143 = arith.constant 0 : i32
          %dma_start3A_144 = tpu.memref_slice %arg3[%add3A_138, %dma_start3A_142, %dma_start3A_143] : memref<2560x2x128xi32, #tpu.memory_space<hbm>> -> memref<1x2x128xi32, #tpu.memory_space<hbm>>
          %dma_start3A_145 = tpu.memref_squeeze %dma_start3A_144 : memref<1x2x128xi32, #tpu.memory_space<hbm>> -> memref<2x128xi32, #tpu.memory_space<hbm>>
          tpu.enqueue_dma source(%dma_start3A_145 : memref<2x128xi32, #tpu.memory_space<hbm>>) target(%arg7 : memref<2x128xi32, #tpu.memory_space<vmem>>) target_semaphore(%arg13 : memref<!tpu.dma_semaphore, #tpu.memory_space<semaphore_mem>>)
        } else {
        }
      } else {
      }
      %add3A_112 = arith.constant 3 : i32
      %add3A_113 = arith.addi %add3A_94, %add3A_112 : i32
      %lt3A_114 = arith.cmpi slt, %add3A_113, %select_n3A : i32
      %convert_element_type3A_115 = arith.extui %lt3A_114 : i1 to i32
      %cond3A_116 = arith.constant 0 : i32
      %cond3A_117 = arith.cmpi ne, %convert_element_type3A_115, %cond3A_116 : i32
      scf.if %cond3A_117 {
        %dma_wait3A = arith.constant 0 : i32
        %dma_wait3A_118 = arith.constant 0 : i32
        %dma_wait3A_119 = tpu.memref_slice %arg8[%dma_wait3A, %dma_wait3A_118] : memref<2x128xi32, #tpu.memory_space<vmem>> -> memref<1x128xi32, #tpu.memory_space<vmem>>
        %dma_wait3A_120 = tpu.memref_squeeze %dma_wait3A_119 : memref<1x128xi32, #tpu.memory_space<vmem>> -> memref<128xi32, #tpu.memory_space<vmem>>
        %dma_wait3A_121 = arith.constant 0 : i32
        %dma_wait3A_122 = arith.constant 0 : i32
        %dma_wait3A_123 = tpu.memref_slice %arg2[%dma_wait3A_121, %dma_wait3A_122] : memref<10000x128xf32, #tpu.memory_space<hbm>> -> memref<10000x128xf32, #tpu.memory_space<hbm>>
        tpu.wait_indirect_dma semaphore(%arg16 : memref<!tpu.dma_semaphore, #tpu.memory_space<semaphore_mem>>) src(%dma_wait3A_123 : memref<10000x128xf32, #tpu.memory_space<hbm>>) dst(%arg10 : memref<128x128xf32, #tpu.memory_space<vmem>>)
        %run_scoped3A = arith.constant 1 : i32
        "tpu.region"() ({
          %run_scoped3A_136 = tpu.sem_alloc : memref<!tpu.dma_semaphore, #tpu.memory_space<semaphore_mem>>
          %dma_start3A = arith.constant 0 : i32
          %dma_start3A_137 = tpu.memref_slice %arg8[%run_scoped3A, %dma_start3A] : memref<2x128xi32, #tpu.memory_space<vmem>> -> memref<1x128xi32, #tpu.memory_space<vmem>>
          %dma_start3A_138 = tpu.memref_squeeze %dma_start3A_137 : memref<1x128xi32, #tpu.memory_space<vmem>> -> memref<128xi32, #tpu.memory_space<vmem>>
          %dma_start3A_139 = arith.constant 0 : i32
          %dma_start3A_140 = arith.constant 0 : i32
          %dma_start3A_141 = tpu.memref_slice %arg17[%dma_start3A_139, %dma_start3A_140] : memref<10240x128xf32, #tpu.memory_space<vmem_shared>> -> memref<10240x128xf32, #tpu.memory_space<vmem_shared>>
          tpu.enqueue_indirect_dma source(%arg10 : memref<128x128xf32, #tpu.memory_space<vmem>>) target(%dma_start3A_141 : memref<10240x128xf32, #tpu.memory_space<vmem_shared>>) offsets(%dma_start3A_138 : memref<128xi32, #tpu.memory_space<vmem>>) semaphore(%run_scoped3A_136 : memref<!tpu.dma_semaphore, #tpu.memory_space<semaphore_mem>>) {add = true}
          %dma_wait3A_142 = arith.constant 0 : i32
          %dma_wait3A_143 = tpu.memref_slice %arg8[%run_scoped3A, %dma_wait3A_142] : memref<2x128xi32, #tpu.memory_space<vmem>> -> memref<1x128xi32, #tpu.memory_space<vmem>>
          %dma_wait3A_144 = tpu.memref_squeeze %dma_wait3A_143 : memref<1x128xi32, #tpu.memory_space<vmem>> -> memref<128xi32, #tpu.memory_space<vmem>>
          %dma_wait3A_145 = arith.constant 0 : i32
          %dma_wait3A_146 = arith.constant 0 : i32
          %dma_wait3A_147 = tpu.memref_slice %arg17[%dma_wait3A_145, %dma_wait3A_146] : memref<10240x128xf32, #tpu.memory_space<vmem_shared>> -> memref<10240x128xf32, #tpu.memory_space<vmem_shared>>
          tpu.wait_indirect_dma semaphore(%run_scoped3A_136 : memref<!tpu.dma_semaphore, #tpu.memory_space<semaphore_mem>>) src(%arg10 : memref<128x128xf32, #tpu.memory_space<vmem>>) dst(%dma_wait3A_147 : memref<10240x128xf32, #tpu.memory_space<vmem_shared>>)
          tpu.yield
        }) : () -> ()
        %add3A_124 = arith.constant 2 : i32
        %add3A_125 = arith.addi %add3A_113, %add3A_124 : i32
        %lt3A_126 = arith.cmpi slt, %add3A_125, %select_n3A : i32
        %convert_element_type3A_127 = arith.extui %lt3A_126 : i1 to i32
        %cond3A_128 = arith.constant 0 : i32
        %cond3A_129 = arith.cmpi ne, %convert_element_type3A_127, %cond3A_128 : i32
        scf.if %cond3A_129 {
          %add3A_136 = arith.addi %select_n3A_8, %add3A_113 : i32
          %add3A_137 = arith.constant 2 : i32
          %add3A_138 = arith.addi %add3A_136, %add3A_137 : i32
          %dma_wait3A_139 = arith.constant 0 : i32
          %dma_wait3A_140 = arith.constant 0 : i32
          %dma_wait3A_141 = tpu.memref_slice %arg3[%add3A_138, %dma_wait3A_139, %dma_wait3A_140] : memref<2560x2x128xi32, #tpu.memory_space<hbm>> -> memref<1x2x128xi32, #tpu.memory_space<hbm>>
          %dma_wait3A_142 = tpu.memref_squeeze %dma_wait3A_141 : memref<1x2x128xi32, #tpu.memory_space<hbm>> -> memref<2x128xi32, #tpu.memory_space<hbm>>
          %dma_wait3A_143 = arith.constant 0 : i32
          %dma_wait3A_144 = arith.constant 0 : i32
          %dma_wait3A_145 = tpu.memref_slice %arg3[%add3A_138, %dma_wait3A_143, %dma_wait3A_144] : memref<2560x2x128xi32, #tpu.memory_space<hbm>> -> memref<1x2x128xi32, #tpu.memory_space<hbm>>
          %dma_wait3A_146 = tpu.memref_squeeze %dma_wait3A_145 : memref<1x2x128xi32, #tpu.memory_space<hbm>> -> memref<2x128xi32, #tpu.memory_space<hbm>>
          tpu.wait_dma2 semaphore(%arg12 : memref<!tpu.dma_semaphore, #tpu.memory_space<semaphore_mem>>) src(%dma_wait3A_146 : memref<2x128xi32, #tpu.memory_space<hbm>>) dst(%arg6 : memref<2x128xi32, #tpu.memory_space<vmem>>)
          %dma_start3A = arith.constant 0 : i32
          %dma_start3A_147 = arith.constant 0 : i32
          %dma_start3A_148 = tpu.memref_slice %arg6[%dma_start3A, %dma_start3A_147] : memref<2x128xi32, #tpu.memory_space<vmem>> -> memref<1x128xi32, #tpu.memory_space<vmem>>
          %dma_start3A_149 = tpu.memref_squeeze %dma_start3A_148 : memref<1x128xi32, #tpu.memory_space<vmem>> -> memref<128xi32, #tpu.memory_space<vmem>>
          %dma_start3A_150 = arith.constant 0 : i32
          %dma_start3A_151 = arith.constant 0 : i32
          %dma_start3A_152 = tpu.memref_slice %arg2[%dma_start3A_150, %dma_start3A_151] : memref<10000x128xf32, #tpu.memory_space<hbm>> -> memref<10000x128xf32, #tpu.memory_space<hbm>>
          tpu.enqueue_indirect_dma source(%dma_start3A_152 : memref<10000x128xf32, #tpu.memory_space<hbm>>) target(%arg10 : memref<128x128xf32, #tpu.memory_space<vmem>>) offsets(%dma_start3A_149 : memref<128xi32, #tpu.memory_space<vmem>>) semaphore(%arg16 : memref<!tpu.dma_semaphore, #tpu.memory_space<semaphore_mem>>)
        } else {
        }
        %add3A_130 = arith.constant 4 : i32
        %add3A_131 = arith.addi %add3A_113, %add3A_130 : i32
        %lt3A_132 = arith.cmpi slt, %add3A_131, %select_n3A : i32
        %convert_element_type3A_133 = arith.extui %lt3A_132 : i1 to i32
        %cond3A_134 = arith.constant 0 : i32
        %cond3A_135 = arith.cmpi ne, %convert_element_type3A_133, %cond3A_134 : i32
        scf.if %cond3A_135 {
          %add3A_136 = arith.addi %select_n3A_8, %add3A_113 : i32
          %add3A_137 = arith.constant 4 : i32
          %add3A_138 = arith.addi %add3A_136, %add3A_137 : i32
          %dma_start3A = arith.constant 0 : i32
          %dma_start3A_139 = arith.constant 0 : i32
          %dma_start3A_140 = tpu.memref_slice %arg3[%add3A_138, %dma_start3A, %dma_start3A_139] : memref<2560x2x128xi32, #tpu.memory_space<hbm>> -> memref<1x2x128xi32, #tpu.memory_space<hbm>>
          %dma_start3A_141 = tpu.memref_squeeze %dma_start3A_140 : memref<1x2x128xi32, #tpu.memory_space<hbm>> -> memref<2x128xi32, #tpu.memory_space<hbm>>
          %dma_start3A_142 = arith.constant 0 : i32
          %dma_start3A_143 = arith.constant 0 : i32
          %dma_start3A_144 = tpu.memref_slice %arg3[%add3A_138, %dma_start3A_142, %dma_start3A_143] : memref<2560x2x128xi32, #tpu.memory_space<hbm>> -> memref<1x2x128xi32, #tpu.memory_space<hbm>>
          %dma_start3A_145 = tpu.memref_squeeze %dma_start3A_144 : memref<1x2x128xi32, #tpu.memory_space<hbm>> -> memref<2x128xi32, #tpu.memory_space<hbm>>
          tpu.enqueue_dma source(%dma_start3A_145 : memref<2x128xi32, #tpu.memory_space<hbm>>) target(%arg8 : memref<2x128xi32, #tpu.memory_space<vmem>>) target_semaphore(%arg14 : memref<!tpu.dma_semaphore, #tpu.memory_space<semaphore_mem>>)
        } else {
        }
      } else {
      }
    }
    %while3A_86 = arith.constant 1 : i32
    scf.for %while3A_92 = %while3A_84 to %while3A_80 step %while3A_86  : i32 {
      %mul3A_93 = arith.muli %while3A_92, %while3A : i32
      %add3A_94 = arith.addi %while3A_77, %mul3A_93 : i32
      %add3A_95 = arith.constant 0 : i32
      %add3A_96 = arith.addi %add3A_94, %add3A_95 : i32
      %lt3A = arith.cmpi slt, %add3A_96, %select_n3A : i32
      %convert_element_type3A_97 = arith.extui %lt3A : i1 to i32
      %cond3A_98 = arith.constant 0 : i32
      %cond3A_99 = arith.cmpi ne, %convert_element_type3A_97, %cond3A_98 : i32
      scf.if %cond3A_99 {
        %dma_wait3A = arith.constant 0 : i32
        %dma_wait3A_118 = arith.constant 0 : i32
        %dma_wait3A_119 = tpu.memref_slice %arg5[%dma_wait3A, %dma_wait3A_118] : memref<2x128xi32, #tpu.memory_space<vmem>> -> memref<1x128xi32, #tpu.memory_space<vmem>>
        %dma_wait3A_120 = tpu.memref_squeeze %dma_wait3A_119 : memref<1x128xi32, #tpu.memory_space<vmem>> -> memref<128xi32, #tpu.memory_space<vmem>>
        %dma_wait3A_121 = arith.constant 0 : i32
        %dma_wait3A_122 = arith.constant 0 : i32
        %dma_wait3A_123 = tpu.memref_slice %arg2[%dma_wait3A_121, %dma_wait3A_122] : memref<10000x128xf32, #tpu.memory_space<hbm>> -> memref<10000x128xf32, #tpu.memory_space<hbm>>
        tpu.wait_indirect_dma semaphore(%arg15 : memref<!tpu.dma_semaphore, #tpu.memory_space<semaphore_mem>>) src(%dma_wait3A_123 : memref<10000x128xf32, #tpu.memory_space<hbm>>) dst(%arg9 : memref<128x128xf32, #tpu.memory_space<vmem>>)
        %run_scoped3A = arith.constant 1 : i32
        "tpu.region"() ({
          %run_scoped3A_136 = tpu.sem_alloc : memref<!tpu.dma_semaphore, #tpu.memory_space<semaphore_mem>>
          %dma_start3A = arith.constant 0 : i32
          %dma_start3A_137 = tpu.memref_slice %arg5[%run_scoped3A, %dma_start3A] : memref<2x128xi32, #tpu.memory_space<vmem>> -> memref<1x128xi32, #tpu.memory_space<vmem>>
          %dma_start3A_138 = tpu.memref_squeeze %dma_start3A_137 : memref<1x128xi32, #tpu.memory_space<vmem>> -> memref<128xi32, #tpu.memory_space<vmem>>
          %dma_start3A_139 = arith.constant 0 : i32
          %dma_start3A_140 = arith.constant 0 : i32
          %dma_start3A_141 = tpu.memref_slice %arg17[%dma_start3A_139, %dma_start3A_140] : memref<10240x128xf32, #tpu.memory_space<vmem_shared>> -> memref<10240x128xf32, #tpu.memory_space<vmem_shared>>
          tpu.enqueue_indirect_dma source(%arg9 : memref<128x128xf32, #tpu.memory_space<vmem>>) target(%dma_start3A_141 : memref<10240x128xf32, #tpu.memory_space<vmem_shared>>) offsets(%dma_start3A_138 : memref<128xi32, #tpu.memory_space<vmem>>) semaphore(%run_scoped3A_136 : memref<!tpu.dma_semaphore, #tpu.memory_space<semaphore_mem>>) {add = true}
          %dma_wait3A_142 = arith.constant 0 : i32
          %dma_wait3A_143 = tpu.memref_slice %arg5[%run_scoped3A, %dma_wait3A_142] : memref<2x128xi32, #tpu.memory_space<vmem>> -> memref<1x128xi32, #tpu.memory_space<vmem>>
          %dma_wait3A_144 = tpu.memref_squeeze %dma_wait3A_143 : memref<1x128xi32, #tpu.memory_space<vmem>> -> memref<128xi32, #tpu.memory_space<vmem>>
          %dma_wait3A_145 = arith.constant 0 : i32
          %dma_wait3A_146 = arith.constant 0 : i32
          %dma_wait3A_147 = tpu.memref_slice %arg17[%dma_wait3A_145, %dma_wait3A_146] : memref<10240x128xf32, #tpu.memory_space<vmem_shared>> -> memref<10240x128xf32, #tpu.memory_space<vmem_shared>>
          tpu.wait_indirect_dma semaphore(%run_scoped3A_136 : memref<!tpu.dma_semaphore, #tpu.memory_space<semaphore_mem>>) src(%arg9 : memref<128x128xf32, #tpu.memory_space<vmem>>) dst(%dma_wait3A_147 : memref<10240x128xf32, #tpu.memory_space<vmem_shared>>)
          tpu.yield
        }) : () -> ()
        %add3A_124 = arith.constant 2 : i32
        %add3A_125 = arith.addi %add3A_96, %add3A_124 : i32
        %lt3A_126 = arith.cmpi slt, %add3A_125, %select_n3A : i32
        %convert_element_type3A_127 = arith.extui %lt3A_126 : i1 to i32
        %cond3A_128 = arith.constant 0 : i32
        %cond3A_129 = arith.cmpi ne, %convert_element_type3A_127, %cond3A_128 : i32
        scf.if %cond3A_129 {
          %add3A_136 = arith.addi %select_n3A_8, %add3A_96 : i32
          %add3A_137 = arith.constant 2 : i32
          %add3A_138 = arith.addi %add3A_136, %add3A_137 : i32
          %dma_wait3A_139 = arith.constant 0 : i32
          %dma_wait3A_140 = arith.constant 0 : i32
          %dma_wait3A_141 = tpu.memref_slice %arg3[%add3A_138, %dma_wait3A_139, %dma_wait3A_140] : memref<2560x2x128xi32, #tpu.memory_space<hbm>> -> memref<1x2x128xi32, #tpu.memory_space<hbm>>
          %dma_wait3A_142 = tpu.memref_squeeze %dma_wait3A_141 : memref<1x2x128xi32, #tpu.memory_space<hbm>> -> memref<2x128xi32, #tpu.memory_space<hbm>>
          %dma_wait3A_143 = arith.constant 0 : i32
          %dma_wait3A_144 = arith.constant 0 : i32
          %dma_wait3A_145 = tpu.memref_slice %arg3[%add3A_138, %dma_wait3A_143, %dma_wait3A_144] : memref<2560x2x128xi32, #tpu.memory_space<hbm>> -> memref<1x2x128xi32, #tpu.memory_space<hbm>>
          %dma_wait3A_146 = tpu.memref_squeeze %dma_wait3A_145 : memref<1x2x128xi32, #tpu.memory_space<hbm>> -> memref<2x128xi32, #tpu.memory_space<hbm>>
          tpu.wait_dma2 semaphore(%arg13 : memref<!tpu.dma_semaphore, #tpu.memory_space<semaphore_mem>>) src(%dma_wait3A_146 : memref<2x128xi32, #tpu.memory_space<hbm>>) dst(%arg7 : memref<2x128xi32, #tpu.memory_space<vmem>>)
          %dma_start3A = arith.constant 0 : i32
          %dma_start3A_147 = arith.constant 0 : i32
          %dma_start3A_148 = tpu.memref_slice %arg7[%dma_start3A, %dma_start3A_147] : memref<2x128xi32, #tpu.memory_space<vmem>> -> memref<1x128xi32, #tpu.memory_space<vmem>>
          %dma_start3A_149 = tpu.memref_squeeze %dma_start3A_148 : memref<1x128xi32, #tpu.memory_space<vmem>> -> memref<128xi32, #tpu.memory_space<vmem>>
          %dma_start3A_150 = arith.constant 0 : i32
          %dma_start3A_151 = arith.constant 0 : i32
          %dma_start3A_152 = tpu.memref_slice %arg2[%dma_start3A_150, %dma_start3A_151] : memref<10000x128xf32, #tpu.memory_space<hbm>> -> memref<10000x128xf32, #tpu.memory_space<hbm>>
          tpu.enqueue_indirect_dma source(%dma_start3A_152 : memref<10000x128xf32, #tpu.memory_space<hbm>>) target(%arg9 : memref<128x128xf32, #tpu.memory_space<vmem>>) offsets(%dma_start3A_149 : memref<128xi32, #tpu.memory_space<vmem>>) semaphore(%arg15 : memref<!tpu.dma_semaphore, #tpu.memory_space<semaphore_mem>>)
        } else {
        }
        %add3A_130 = arith.constant 4 : i32
        %add3A_131 = arith.addi %add3A_96, %add3A_130 : i32
        %lt3A_132 = arith.cmpi slt, %add3A_131, %select_n3A : i32
        %convert_element_type3A_133 = arith.extui %lt3A_132 : i1 to i32
        %cond3A_134 = arith.constant 0 : i32
        %cond3A_135 = arith.cmpi ne, %convert_element_type3A_133, %cond3A_134 : i32
        scf.if %cond3A_135 {
          %add3A_136 = arith.addi %select_n3A_8, %add3A_96 : i32
          %add3A_137 = arith.constant 4 : i32
          %add3A_138 = arith.addi %add3A_136, %add3A_137 : i32
          %dma_start3A = arith.constant 0 : i32
          %dma_start3A_139 = arith.constant 0 : i32
          %dma_start3A_140 = tpu.memref_slice %arg3[%add3A_138, %dma_start3A, %dma_start3A_139] : memref<2560x2x128xi32, #tpu.memory_space<hbm>> -> memref<1x2x128xi32, #tpu.memory_space<hbm>>
          %dma_start3A_141 = tpu.memref_squeeze %dma_start3A_140 : memref<1x2x128xi32, #tpu.memory_space<hbm>> -> memref<2x128xi32, #tpu.memory_space<hbm>>
          %dma_start3A_142 = arith.constant 0 : i32
          %dma_start3A_143 = arith.constant 0 : i32
          %dma_start3A_144 = tpu.memref_slice %arg3[%add3A_138, %dma_start3A_142, %dma_start3A_143] : memref<2560x2x128xi32, #tpu.memory_space<hbm>> -> memref<1x2x128xi32, #tpu.memory_space<hbm>>
          %dma_start3A_145 = tpu.memref_squeeze %dma_start3A_144 : memref<1x2x128xi32, #tpu.memory_space<hbm>> -> memref<2x128xi32, #tpu.memory_space<hbm>>
          tpu.enqueue_dma source(%dma_start3A_145 : memref<2x128xi32, #tpu.memory_space<hbm>>) target(%arg5 : memref<2x128xi32, #tpu.memory_space<vmem>>) target_semaphore(%arg11 : memref<!tpu.dma_semaphore, #tpu.memory_space<semaphore_mem>>)
        } else {
        }
      } else {
      }
      %add3A_100 = arith.constant 1 : i32
      %add3A_101 = arith.addi %add3A_94, %add3A_100 : i32
      %lt3A_102 = arith.cmpi slt, %add3A_101, %select_n3A : i32
      %convert_element_type3A_103 = arith.extui %lt3A_102 : i1 to i32
      %cond3A_104 = arith.constant 0 : i32
      %cond3A_105 = arith.cmpi ne, %convert_element_type3A_103, %cond3A_104 : i32
      scf.if %cond3A_105 {
        %dma_wait3A = arith.constant 0 : i32
        %dma_wait3A_118 = arith.constant 0 : i32
        %dma_wait3A_119 = tpu.memref_slice %arg6[%dma_wait3A, %dma_wait3A_118] : memref<2x128xi32, #tpu.memory_space<vmem>> -> memref<1x128xi32, #tpu.memory_space<vmem>>
        %dma_wait3A_120 = tpu.memref_squeeze %dma_wait3A_119 : memref<1x128xi32, #tpu.memory_space<vmem>> -> memref<128xi32, #tpu.memory_space<vmem>>
        %dma_wait3A_121 = arith.constant 0 : i32
        %dma_wait3A_122 = arith.constant 0 : i32
        %dma_wait3A_123 = tpu.memref_slice %arg2[%dma_wait3A_121, %dma_wait3A_122] : memref<10000x128xf32, #tpu.memory_space<hbm>> -> memref<10000x128xf32, #tpu.memory_space<hbm>>
        tpu.wait_indirect_dma semaphore(%arg16 : memref<!tpu.dma_semaphore, #tpu.memory_space<semaphore_mem>>) src(%dma_wait3A_123 : memref<10000x128xf32, #tpu.memory_space<hbm>>) dst(%arg10 : memref<128x128xf32, #tpu.memory_space<vmem>>)
        %run_scoped3A = arith.constant 1 : i32
        "tpu.region"() ({
          %run_scoped3A_136 = tpu.sem_alloc : memref<!tpu.dma_semaphore, #tpu.memory_space<semaphore_mem>>
          %dma_start3A = arith.constant 0 : i32
          %dma_start3A_137 = tpu.memref_slice %arg6[%run_scoped3A, %dma_start3A] : memref<2x128xi32, #tpu.memory_space<vmem>> -> memref<1x128xi32, #tpu.memory_space<vmem>>
          %dma_start3A_138 = tpu.memref_squeeze %dma_start3A_137 : memref<1x128xi32, #tpu.memory_space<vmem>> -> memref<128xi32, #tpu.memory_space<vmem>>
          %dma_start3A_139 = arith.constant 0 : i32
          %dma_start3A_140 = arith.constant 0 : i32
          %dma_start3A_141 = tpu.memref_slice %arg17[%dma_start3A_139, %dma_start3A_140] : memref<10240x128xf32, #tpu.memory_space<vmem_shared>> -> memref<10240x128xf32, #tpu.memory_space<vmem_shared>>
          tpu.enqueue_indirect_dma source(%arg10 : memref<128x128xf32, #tpu.memory_space<vmem>>) target(%dma_start3A_141 : memref<10240x128xf32, #tpu.memory_space<vmem_shared>>) offsets(%dma_start3A_138 : memref<128xi32, #tpu.memory_space<vmem>>) semaphore(%run_scoped3A_136 : memref<!tpu.dma_semaphore, #tpu.memory_space<semaphore_mem>>) {add = true}
          %dma_wait3A_142 = arith.constant 0 : i32
          %dma_wait3A_143 = tpu.memref_slice %arg6[%run_scoped3A, %dma_wait3A_142] : memref<2x128xi32, #tpu.memory_space<vmem>> -> memref<1x128xi32, #tpu.memory_space<vmem>>
          %dma_wait3A_144 = tpu.memref_squeeze %dma_wait3A_143 : memref<1x128xi32, #tpu.memory_space<vmem>> -> memref<128xi32, #tpu.memory_space<vmem>>
          %dma_wait3A_145 = arith.constant 0 : i32
          %dma_wait3A_146 = arith.constant 0 : i32
          %dma_wait3A_147 = tpu.memref_slice %arg17[%dma_wait3A_145, %dma_wait3A_146] : memref<10240x128xf32, #tpu.memory_space<vmem_shared>> -> memref<10240x128xf32, #tpu.memory_space<vmem_shared>>
          tpu.wait_indirect_dma semaphore(%run_scoped3A_136 : memref<!tpu.dma_semaphore, #tpu.memory_space<semaphore_mem>>) src(%arg10 : memref<128x128xf32, #tpu.memory_space<vmem>>) dst(%dma_wait3A_147 : memref<10240x128xf32, #tpu.memory_space<vmem_shared>>)
          tpu.yield
        }) : () -> ()
        %add3A_124 = arith.constant 2 : i32
        %add3A_125 = arith.addi %add3A_101, %add3A_124 : i32
        %lt3A_126 = arith.cmpi slt, %add3A_125, %select_n3A : i32
        %convert_element_type3A_127 = arith.extui %lt3A_126 : i1 to i32
        %cond3A_128 = arith.constant 0 : i32
        %cond3A_129 = arith.cmpi ne, %convert_element_type3A_127, %cond3A_128 : i32
        scf.if %cond3A_129 {
          %add3A_136 = arith.addi %select_n3A_8, %add3A_101 : i32
          %add3A_137 = arith.constant 2 : i32
          %add3A_138 = arith.addi %add3A_136, %add3A_137 : i32
          %dma_wait3A_139 = arith.constant 0 : i32
          %dma_wait3A_140 = arith.constant 0 : i32
          %dma_wait3A_141 = tpu.memref_slice %arg3[%add3A_138, %dma_wait3A_139, %dma_wait3A_140] : memref<2560x2x128xi32, #tpu.memory_space<hbm>> -> memref<1x2x128xi32, #tpu.memory_space<hbm>>
          %dma_wait3A_142 = tpu.memref_squeeze %dma_wait3A_141 : memref<1x2x128xi32, #tpu.memory_space<hbm>> -> memref<2x128xi32, #tpu.memory_space<hbm>>
          %dma_wait3A_143 = arith.constant 0 : i32
          %dma_wait3A_144 = arith.constant 0 : i32
          %dma_wait3A_145 = tpu.memref_slice %arg3[%add3A_138, %dma_wait3A_143, %dma_wait3A_144] : memref<2560x2x128xi32, #tpu.memory_space<hbm>> -> memref<1x2x128xi32, #tpu.memory_space<hbm>>
          %dma_wait3A_146 = tpu.memref_squeeze %dma_wait3A_145 : memref<1x2x128xi32, #tpu.memory_space<hbm>> -> memref<2x128xi32, #tpu.memory_space<hbm>>
          tpu.wait_dma2 semaphore(%arg14 : memref<!tpu.dma_semaphore, #tpu.memory_space<semaphore_mem>>) src(%dma_wait3A_146 : memref<2x128xi32, #tpu.memory_space<hbm>>) dst(%arg8 : memref<2x128xi32, #tpu.memory_space<vmem>>)
          %dma_start3A = arith.constant 0 : i32
          %dma_start3A_147 = arith.constant 0 : i32
          %dma_start3A_148 = tpu.memref_slice %arg8[%dma_start3A, %dma_start3A_147] : memref<2x128xi32, #tpu.memory_space<vmem>> -> memref<1x128xi32, #tpu.memory_space<vmem>>
          %dma_start3A_149 = tpu.memref_squeeze %dma_start3A_148 : memref<1x128xi32, #tpu.memory_space<vmem>> -> memref<128xi32, #tpu.memory_space<vmem>>
          %dma_start3A_150 = arith.constant 0 : i32
          %dma_start3A_151 = arith.constant 0 : i32
          %dma_start3A_152 = tpu.memref_slice %arg2[%dma_start3A_150, %dma_start3A_151] : memref<10000x128xf32, #tpu.memory_space<hbm>> -> memref<10000x128xf32, #tpu.memory_space<hbm>>
          tpu.enqueue_indirect_dma source(%dma_start3A_152 : memref<10000x128xf32, #tpu.memory_space<hbm>>) target(%arg10 : memref<128x128xf32, #tpu.memory_space<vmem>>) offsets(%dma_start3A_149 : memref<128xi32, #tpu.memory_space<vmem>>) semaphore(%arg16 : memref<!tpu.dma_semaphore, #tpu.memory_space<semaphore_mem>>)
        } else {
        }
        %add3A_130 = arith.constant 4 : i32
        %add3A_131 = arith.addi %add3A_101, %add3A_130 : i32
        %lt3A_132 = arith.cmpi slt, %add3A_131, %select_n3A : i32
        %convert_element_type3A_133 = arith.extui %lt3A_132 : i1 to i32
        %cond3A_134 = arith.constant 0 : i32
        %cond3A_135 = arith.cmpi ne, %convert_element_type3A_133, %cond3A_134 : i32
        scf.if %cond3A_135 {
          %add3A_136 = arith.addi %select_n3A_8, %add3A_101 : i32
          %add3A_137 = arith.constant 4 : i32
          %add3A_138 = arith.addi %add3A_136, %add3A_137 : i32
          %dma_start3A = arith.constant 0 : i32
          %dma_start3A_139 = arith.constant 0 : i32
          %dma_start3A_140 = tpu.memref_slice %arg3[%add3A_138, %dma_start3A, %dma_start3A_139] : memref<2560x2x128xi32, #tpu.memory_space<hbm>> -> memref<1x2x128xi32, #tpu.memory_space<hbm>>
          %dma_start3A_141 = tpu.memref_squeeze %dma_start3A_140 : memref<1x2x128xi32, #tpu.memory_space<hbm>> -> memref<2x128xi32, #tpu.memory_space<hbm>>
          %dma_start3A_142 = arith.constant 0 : i32
          %dma_start3A_143 = arith.constant 0 : i32
          %dma_start3A_144 = tpu.memref_slice %arg3[%add3A_138, %dma_start3A_142, %dma_start3A_143] : memref<2560x2x128xi32, #tpu.memory_space<hbm>> -> memref<1x2x128xi32, #tpu.memory_space<hbm>>
          %dma_start3A_145 = tpu.memref_squeeze %dma_start3A_144 : memref<1x2x128xi32, #tpu.memory_space<hbm>> -> memref<2x128xi32, #tpu.memory_space<hbm>>
          tpu.enqueue_dma source(%dma_start3A_145 : memref<2x128xi32, #tpu.memory_space<hbm>>) target(%arg6 : memref<2x128xi32, #tpu.memory_space<vmem>>) target_semaphore(%arg12 : memref<!tpu.dma_semaphore, #tpu.memory_space<semaphore_mem>>)
        } else {
        }
      } else {
      }
      %add3A_106 = arith.constant 2 : i32
      %add3A_107 = arith.addi %add3A_94, %add3A_106 : i32
      %lt3A_108 = arith.cmpi slt, %add3A_107, %select_n3A : i32
      %convert_element_type3A_109 = arith.extui %lt3A_108 : i1 to i32
      %cond3A_110 = arith.constant 0 : i32
      %cond3A_111 = arith.cmpi ne, %convert_element_type3A_109, %cond3A_110 : i32
      scf.if %cond3A_111 {
        %dma_wait3A = arith.constant 0 : i32
        %dma_wait3A_118 = arith.constant 0 : i32
        %dma_wait3A_119 = tpu.memref_slice %arg7[%dma_wait3A, %dma_wait3A_118] : memref<2x128xi32, #tpu.memory_space<vmem>> -> memref<1x128xi32, #tpu.memory_space<vmem>>
        %dma_wait3A_120 = tpu.memref_squeeze %dma_wait3A_119 : memref<1x128xi32, #tpu.memory_space<vmem>> -> memref<128xi32, #tpu.memory_space<vmem>>
        %dma_wait3A_121 = arith.constant 0 : i32
        %dma_wait3A_122 = arith.constant 0 : i32
        %dma_wait3A_123 = tpu.memref_slice %arg2[%dma_wait3A_121, %dma_wait3A_122] : memref<10000x128xf32, #tpu.memory_space<hbm>> -> memref<10000x128xf32, #tpu.memory_space<hbm>>
        tpu.wait_indirect_dma semaphore(%arg15 : memref<!tpu.dma_semaphore, #tpu.memory_space<semaphore_mem>>) src(%dma_wait3A_123 : memref<10000x128xf32, #tpu.memory_space<hbm>>) dst(%arg9 : memref<128x128xf32, #tpu.memory_space<vmem>>)
        %run_scoped3A = arith.constant 1 : i32
        "tpu.region"() ({
          %run_scoped3A_136 = tpu.sem_alloc : memref<!tpu.dma_semaphore, #tpu.memory_space<semaphore_mem>>
          %dma_start3A = arith.constant 0 : i32
          %dma_start3A_137 = tpu.memref_slice %arg7[%run_scoped3A, %dma_start3A] : memref<2x128xi32, #tpu.memory_space<vmem>> -> memref<1x128xi32, #tpu.memory_space<vmem>>
          %dma_start3A_138 = tpu.memref_squeeze %dma_start3A_137 : memref<1x128xi32, #tpu.memory_space<vmem>> -> memref<128xi32, #tpu.memory_space<vmem>>
          %dma_start3A_139 = arith.constant 0 : i32
          %dma_start3A_140 = arith.constant 0 : i32
          %dma_start3A_141 = tpu.memref_slice %arg17[%dma_start3A_139, %dma_start3A_140] : memref<10240x128xf32, #tpu.memory_space<vmem_shared>> -> memref<10240x128xf32, #tpu.memory_space<vmem_shared>>
          tpu.enqueue_indirect_dma source(%arg9 : memref<128x128xf32, #tpu.memory_space<vmem>>) target(%dma_start3A_141 : memref<10240x128xf32, #tpu.memory_space<vmem_shared>>) offsets(%dma_start3A_138 : memref<128xi32, #tpu.memory_space<vmem>>) semaphore(%run_scoped3A_136 : memref<!tpu.dma_semaphore, #tpu.memory_space<semaphore_mem>>) {add = true}
          %dma_wait3A_142 = arith.constant 0 : i32
          %dma_wait3A_143 = tpu.memref_slice %arg7[%run_scoped3A, %dma_wait3A_142] : memref<2x128xi32, #tpu.memory_space<vmem>> -> memref<1x128xi32, #tpu.memory_space<vmem>>
          %dma_wait3A_144 = tpu.memref_squeeze %dma_wait3A_143 : memref<1x128xi32, #tpu.memory_space<vmem>> -> memref<128xi32, #tpu.memory_space<vmem>>
          %dma_wait3A_145 = arith.constant 0 : i32
          %dma_wait3A_146 = arith.constant 0 : i32
          %dma_wait3A_147 = tpu.memref_slice %arg17[%dma_wait3A_145, %dma_wait3A_146] : memref<10240x128xf32, #tpu.memory_space<vmem_shared>> -> memref<10240x128xf32, #tpu.memory_space<vmem_shared>>
          tpu.wait_indirect_dma semaphore(%run_scoped3A_136 : memref<!tpu.dma_semaphore, #tpu.memory_space<semaphore_mem>>) src(%arg9 : memref<128x128xf32, #tpu.memory_space<vmem>>) dst(%dma_wait3A_147 : memref<10240x128xf32, #tpu.memory_space<vmem_shared>>)
          tpu.yield
        }) : () -> ()
        %add3A_124 = arith.constant 2 : i32
        %add3A_125 = arith.addi %add3A_107, %add3A_124 : i32
        %lt3A_126 = arith.cmpi slt, %add3A_125, %select_n3A : i32
        %convert_element_type3A_127 = arith.extui %lt3A_126 : i1 to i32
        %cond3A_128 = arith.constant 0 : i32
        %cond3A_129 = arith.cmpi ne, %convert_element_type3A_127, %cond3A_128 : i32
        scf.if %cond3A_129 {
          %add3A_136 = arith.addi %select_n3A_8, %add3A_107 : i32
          %add3A_137 = arith.constant 2 : i32
          %add3A_138 = arith.addi %add3A_136, %add3A_137 : i32
          %dma_wait3A_139 = arith.constant 0 : i32
          %dma_wait3A_140 = arith.constant 0 : i32
          %dma_wait3A_141 = tpu.memref_slice %arg3[%add3A_138, %dma_wait3A_139, %dma_wait3A_140] : memref<2560x2x128xi32, #tpu.memory_space<hbm>> -> memref<1x2x128xi32, #tpu.memory_space<hbm>>
          %dma_wait3A_142 = tpu.memref_squeeze %dma_wait3A_141 : memref<1x2x128xi32, #tpu.memory_space<hbm>> -> memref<2x128xi32, #tpu.memory_space<hbm>>
          %dma_wait3A_143 = arith.constant 0 : i32
          %dma_wait3A_144 = arith.constant 0 : i32
          %dma_wait3A_145 = tpu.memref_slice %arg3[%add3A_138, %dma_wait3A_143, %dma_wait3A_144] : memref<2560x2x128xi32, #tpu.memory_space<hbm>> -> memref<1x2x128xi32, #tpu.memory_space<hbm>>
          %dma_wait3A_146 = tpu.memref_squeeze %dma_wait3A_145 : memref<1x2x128xi32, #tpu.memory_space<hbm>> -> memref<2x128xi32, #tpu.memory_space<hbm>>
          tpu.wait_dma2 semaphore(%arg11 : memref<!tpu.dma_semaphore, #tpu.memory_space<semaphore_mem>>) src(%dma_wait3A_146 : memref<2x128xi32, #tpu.memory_space<hbm>>) dst(%arg5 : memref<2x128xi32, #tpu.memory_space<vmem>>)
          %dma_start3A = arith.constant 0 : i32
          %dma_start3A_147 = arith.constant 0 : i32
          %dma_start3A_148 = tpu.memref_slice %arg5[%dma_start3A, %dma_start3A_147] : memref<2x128xi32, #tpu.memory_space<vmem>> -> memref<1x128xi32, #tpu.memory_space<vmem>>
          %dma_start3A_149 = tpu.memref_squeeze %dma_start3A_148 : memref<1x128xi32, #tpu.memory_space<vmem>> -> memref<128xi32, #tpu.memory_space<vmem>>
          %dma_start3A_150 = arith.constant 0 : i32
          %dma_start3A_151 = arith.constant 0 : i32
          %dma_start3A_152 = tpu.memref_slice %arg2[%dma_start3A_150, %dma_start3A_151] : memref<10000x128xf32, #tpu.memory_space<hbm>> -> memref<10000x128xf32, #tpu.memory_space<hbm>>
          tpu.enqueue_indirect_dma source(%dma_start3A_152 : memref<10000x128xf32, #tpu.memory_space<hbm>>) target(%arg9 : memref<128x128xf32, #tpu.memory_space<vmem>>) offsets(%dma_start3A_149 : memref<128xi32, #tpu.memory_space<vmem>>) semaphore(%arg15 : memref<!tpu.dma_semaphore, #tpu.memory_space<semaphore_mem>>)
        } else {
        }
        %add3A_130 = arith.constant 4 : i32
        %add3A_131 = arith.addi %add3A_107, %add3A_130 : i32
        %lt3A_132 = arith.cmpi slt, %add3A_131, %select_n3A : i32
        %convert_element_type3A_133 = arith.extui %lt3A_132 : i1 to i32
        %cond3A_134 = arith.constant 0 : i32
        %cond3A_135 = arith.cmpi ne, %convert_element_type3A_133, %cond3A_134 : i32
        scf.if %cond3A_135 {
          %add3A_136 = arith.addi %select_n3A_8, %add3A_107 : i32
          %add3A_137 = arith.constant 4 : i32
          %add3A_138 = arith.addi %add3A_136, %add3A_137 : i32
          %dma_start3A = arith.constant 0 : i32
          %dma_start3A_139 = arith.constant 0 : i32
          %dma_start3A_140 = tpu.memref_slice %arg3[%add3A_138, %dma_start3A, %dma_start3A_139] : memref<2560x2x128xi32, #tpu.memory_space<hbm>> -> memref<1x2x128xi32, #tpu.memory_space<hbm>>
          %dma_start3A_141 = tpu.memref_squeeze %dma_start3A_140 : memref<1x2x128xi32, #tpu.memory_space<hbm>> -> memref<2x128xi32, #tpu.memory_space<hbm>>
          %dma_start3A_142 = arith.constant 0 : i32
          %dma_start3A_143 = arith.constant 0 : i32
          %dma_start3A_144 = tpu.memref_slice %arg3[%add3A_138, %dma_start3A_142, %dma_start3A_143] : memref<2560x2x128xi32, #tpu.memory_space<hbm>> -> memref<1x2x128xi32, #tpu.memory_space<hbm>>
          %dma_start3A_145 = tpu.memref_squeeze %dma_start3A_144 : memref<1x2x128xi32, #tpu.memory_space<hbm>> -> memref<2x128xi32, #tpu.memory_space<hbm>>
          tpu.enqueue_dma source(%dma_start3A_145 : memref<2x128xi32, #tpu.memory_space<hbm>>) target(%arg7 : memref<2x128xi32, #tpu.memory_space<vmem>>) target_semaphore(%arg13 : memref<!tpu.dma_semaphore, #tpu.memory_space<semaphore_mem>>)
        } else {
        }
      } else {
      }
      %add3A_112 = arith.constant 3 : i32
      %add3A_113 = arith.addi %add3A_94, %add3A_112 : i32
      %lt3A_114 = arith.cmpi slt, %add3A_113, %select_n3A : i32
      %convert_element_type3A_115 = arith.extui %lt3A_114 : i1 to i32
      %cond3A_116 = arith.constant 0 : i32
      %cond3A_117 = arith.cmpi ne, %convert_element_type3A_115, %cond3A_116 : i32
      scf.if %cond3A_117 {
        %dma_wait3A = arith.constant 0 : i32
        %dma_wait3A_118 = arith.constant 0 : i32
        %dma_wait3A_119 = tpu.memref_slice %arg8[%dma_wait3A, %dma_wait3A_118] : memref<2x128xi32, #tpu.memory_space<vmem>> -> memref<1x128xi32, #tpu.memory_space<vmem>>
        %dma_wait3A_120 = tpu.memref_squeeze %dma_wait3A_119 : memref<1x128xi32, #tpu.memory_space<vmem>> -> memref<128xi32, #tpu.memory_space<vmem>>
        %dma_wait3A_121 = arith.constant 0 : i32
        %dma_wait3A_122 = arith.constant 0 : i32
        %dma_wait3A_123 = tpu.memref_slice %arg2[%dma_wait3A_121, %dma_wait3A_122] : memref<10000x128xf32, #tpu.memory_space<hbm>> -> memref<10000x128xf32, #tpu.memory_space<hbm>>
        tpu.wait_indirect_dma semaphore(%arg16 : memref<!tpu.dma_semaphore, #tpu.memory_space<semaphore_mem>>) src(%dma_wait3A_123 : memref<10000x128xf32, #tpu.memory_space<hbm>>) dst(%arg10 : memref<128x128xf32, #tpu.memory_space<vmem>>)
        %run_scoped3A = arith.constant 1 : i32
        "tpu.region"() ({
          %run_scoped3A_136 = tpu.sem_alloc : memref<!tpu.dma_semaphore, #tpu.memory_space<semaphore_mem>>
          %dma_start3A = arith.constant 0 : i32
          %dma_start3A_137 = tpu.memref_slice %arg8[%run_scoped3A, %dma_start3A] : memref<2x128xi32, #tpu.memory_space<vmem>> -> memref<1x128xi32, #tpu.memory_space<vmem>>
          %dma_start3A_138 = tpu.memref_squeeze %dma_start3A_137 : memref<1x128xi32, #tpu.memory_space<vmem>> -> memref<128xi32, #tpu.memory_space<vmem>>
          %dma_start3A_139 = arith.constant 0 : i32
          %dma_start3A_140 = arith.constant 0 : i32
          %dma_start3A_141 = tpu.memref_slice %arg17[%dma_start3A_139, %dma_start3A_140] : memref<10240x128xf32, #tpu.memory_space<vmem_shared>> -> memref<10240x128xf32, #tpu.memory_space<vmem_shared>>
          tpu.enqueue_indirect_dma source(%arg10 : memref<128x128xf32, #tpu.memory_space<vmem>>) target(%dma_start3A_141 : memref<10240x128xf32, #tpu.memory_space<vmem_shared>>) offsets(%dma_start3A_138 : memref<128xi32, #tpu.memory_space<vmem>>) semaphore(%run_scoped3A_136 : memref<!tpu.dma_semaphore, #tpu.memory_space<semaphore_mem>>) {add = true}
          %dma_wait3A_142 = arith.constant 0 : i32
          %dma_wait3A_143 = tpu.memref_slice %arg8[%run_scoped3A, %dma_wait3A_142] : memref<2x128xi32, #tpu.memory_space<vmem>> -> memref<1x128xi32, #tpu.memory_space<vmem>>
          %dma_wait3A_144 = tpu.memref_squeeze %dma_wait3A_143 : memref<1x128xi32, #tpu.memory_space<vmem>> -> memref<128xi32, #tpu.memory_space<vmem>>
          %dma_wait3A_145 = arith.constant 0 : i32
          %dma_wait3A_146 = arith.constant 0 : i32
          %dma_wait3A_147 = tpu.memref_slice %arg17[%dma_wait3A_145, %dma_wait3A_146] : memref<10240x128xf32, #tpu.memory_space<vmem_shared>> -> memref<10240x128xf32, #tpu.memory_space<vmem_shared>>
          tpu.wait_indirect_dma semaphore(%run_scoped3A_136 : memref<!tpu.dma_semaphore, #tpu.memory_space<semaphore_mem>>) src(%arg10 : memref<128x128xf32, #tpu.memory_space<vmem>>) dst(%dma_wait3A_147 : memref<10240x128xf32, #tpu.memory_space<vmem_shared>>)
          tpu.yield
        }) : () -> ()
        %add3A_124 = arith.constant 2 : i32
        %add3A_125 = arith.addi %add3A_113, %add3A_124 : i32
        %lt3A_126 = arith.cmpi slt, %add3A_125, %select_n3A : i32
        %convert_element_type3A_127 = arith.extui %lt3A_126 : i1 to i32
        %cond3A_128 = arith.constant 0 : i32
        %cond3A_129 = arith.cmpi ne, %convert_element_type3A_127, %cond3A_128 : i32
        scf.if %cond3A_129 {
          %add3A_136 = arith.addi %select_n3A_8, %add3A_113 : i32
          %add3A_137 = arith.constant 2 : i32
          %add3A_138 = arith.addi %add3A_136, %add3A_137 : i32
          %dma_wait3A_139 = arith.constant 0 : i32
          %dma_wait3A_140 = arith.constant 0 : i32
          %dma_wait3A_141 = tpu.memref_slice %arg3[%add3A_138, %dma_wait3A_139, %dma_wait3A_140] : memref<2560x2x128xi32, #tpu.memory_space<hbm>> -> memref<1x2x128xi32, #tpu.memory_space<hbm>>
          %dma_wait3A_142 = tpu.memref_squeeze %dma_wait3A_141 : memref<1x2x128xi32, #tpu.memory_space<hbm>> -> memref<2x128xi32, #tpu.memory_space<hbm>>
          %dma_wait3A_143 = arith.constant 0 : i32
          %dma_wait3A_144 = arith.constant 0 : i32
          %dma_wait3A_145 = tpu.memref_slice %arg3[%add3A_138, %dma_wait3A_143, %dma_wait3A_144] : memref<2560x2x128xi32, #tpu.memory_space<hbm>> -> memref<1x2x128xi32, #tpu.memory_space<hbm>>
          %dma_wait3A_146 = tpu.memref_squeeze %dma_wait3A_145 : memref<1x2x128xi32, #tpu.memory_space<hbm>> -> memref<2x128xi32, #tpu.memory_space<hbm>>
          tpu.wait_dma2 semaphore(%arg12 : memref<!tpu.dma_semaphore, #tpu.memory_space<semaphore_mem>>) src(%dma_wait3A_146 : memref<2x128xi32, #tpu.memory_space<hbm>>) dst(%arg6 : memref<2x128xi32, #tpu.memory_space<vmem>>)
          %dma_start3A = arith.constant 0 : i32
          %dma_start3A_147 = arith.constant 0 : i32
          %dma_start3A_148 = tpu.memref_slice %arg6[%dma_start3A, %dma_start3A_147] : memref<2x128xi32, #tpu.memory_space<vmem>> -> memref<1x128xi32, #tpu.memory_space<vmem>>
          %dma_start3A_149 = tpu.memref_squeeze %dma_start3A_148 : memref<1x128xi32, #tpu.memory_space<vmem>> -> memref<128xi32, #tpu.memory_space<vmem>>
          %dma_start3A_150 = arith.constant 0 : i32
          %dma_start3A_151 = arith.constant 0 : i32
          %dma_start3A_152 = tpu.memref_slice %arg2[%dma_start3A_150, %dma_start3A_151] : memref<10000x128xf32, #tpu.memory_space<hbm>> -> memref<10000x128xf32, #tpu.memory_space<hbm>>
          tpu.enqueue_indirect_dma source(%dma_start3A_152 : memref<10000x128xf32, #tpu.memory_space<hbm>>) target(%arg10 : memref<128x128xf32, #tpu.memory_space<vmem>>) offsets(%dma_start3A_149 : memref<128xi32, #tpu.memory_space<vmem>>) semaphore(%arg16 : memref<!tpu.dma_semaphore, #tpu.memory_space<semaphore_mem>>)
        } else {
        }
        %add3A_130 = arith.constant 4 : i32
        %add3A_131 = arith.addi %add3A_113, %add3A_130 : i32
        %lt3A_132 = arith.cmpi slt, %add3A_131, %select_n3A : i32
        %convert_element_type3A_133 = arith.extui %lt3A_132 : i1 to i32
        %cond3A_134 = arith.constant 0 : i32
        %cond3A_135 = arith.cmpi ne, %convert_element_type3A_133, %cond3A_134 : i32
        scf.if %cond3A_135 {
          %add3A_136 = arith.addi %select_n3A_8, %add3A_113 : i32
          %add3A_137 = arith.constant 4 : i32
          %add3A_138 = arith.addi %add3A_136, %add3A_137 : i32
          %dma_start3A = arith.constant 0 : i32
          %dma_start3A_139 = arith.constant 0 : i32
          %dma_start3A_140 = tpu.memref_slice %arg3[%add3A_138, %dma_start3A, %dma_start3A_139] : memref<2560x2x128xi32, #tpu.memory_space<hbm>> -> memref<1x2x128xi32, #tpu.memory_space<hbm>>
          %dma_start3A_141 = tpu.memref_squeeze %dma_start3A_140 : memref<1x2x128xi32, #tpu.memory_space<hbm>> -> memref<2x128xi32, #tpu.memory_space<hbm>>
          %dma_start3A_142 = arith.constant 0 : i32
          %dma_start3A_143 = arith.constant 0 : i32
          %dma_start3A_144 = tpu.memref_slice %arg3[%add3A_138, %dma_start3A_142, %dma_start3A_143] : memref<2560x2x128xi32, #tpu.memory_space<hbm>> -> memref<1x2x128xi32, #tpu.memory_space<hbm>>
          %dma_start3A_145 = tpu.memref_squeeze %dma_start3A_144 : memref<1x2x128xi32, #tpu.memory_space<hbm>> -> memref<2x128xi32, #tpu.memory_space<hbm>>
          tpu.enqueue_dma source(%dma_start3A_145 : memref<2x128xi32, #tpu.memory_space<hbm>>) target(%arg8 : memref<2x128xi32, #tpu.memory_space<vmem>>) target_semaphore(%arg14 : memref<!tpu.dma_semaphore, #tpu.memory_space<semaphore_mem>>)
        } else {
        }
      } else {
      }
    }
    %barrier3A_87 = arith.constant 0 : index
    tpu.barrier barrier_id(%barrier3A_87)
    %mul3A_88 = arith.constant 640 : i32
    %mul3A_89 = arith.muli %arg1, %mul3A_88 : i32
    %mul3A_90 = arith.constant 640 : i32
    %mul3A_91 = arith.muli %arg1, %mul3A_90 : i32
    "tpu.region"() ({
      %run_scoped3A = tpu.sem_alloc : memref<!tpu.dma_semaphore, #tpu.memory_space<semaphore_mem>>
      %dma_start3A = arith.constant 0 : i32
      %dma_start3A_92 = tpu.memref_slice %arg4[%arg0, %mul3A_91, %dma_start3A] : memref<2x10240x128xf32, #tpu.memory_space<hbm>> -> memref<1x640x128xf32, #tpu.memory_space<hbm>>
      %dma_start3A_93 = tpu.memref_squeeze %dma_start3A_92 : memref<1x640x128xf32, #tpu.memory_space<hbm>> -> memref<640x128xf32, #tpu.memory_space<hbm>>
      %dma_start3A_94 = arith.constant 0 : i32
      %dma_start3A_95 = tpu.memref_slice %arg17[%mul3A_89, %dma_start3A_94] : memref<10240x128xf32, #tpu.memory_space<vmem_shared>> -> memref<640x128xf32, #tpu.memory_space<vmem_shared>>
      tpu.enqueue_dma source(%dma_start3A_95 : memref<640x128xf32, #tpu.memory_space<vmem_shared>>) target(%dma_start3A_93 : memref<640x128xf32, #tpu.memory_space<hbm>>) target_semaphore(%run_scoped3A : memref<!tpu.dma_semaphore, #tpu.memory_space<semaphore_mem>>)
      %dma_wait3A = arith.constant 0 : i32
      %dma_wait3A_96 = tpu.memref_slice %arg4[%arg0, %mul3A_91, %dma_wait3A] : memref<2x10240x128xf32, #tpu.memory_space<hbm>> -> memref<1x640x128xf32, #tpu.memory_space<hbm>>
      %dma_wait3A_97 = tpu.memref_squeeze %dma_wait3A_96 : memref<1x640x128xf32, #tpu.memory_space<hbm>> -> memref<640x128xf32, #tpu.memory_space<hbm>>
      %dma_wait3A_98 = arith.constant 0 : i32
      %dma_wait3A_99 = tpu.memref_slice %arg17[%mul3A_89, %dma_wait3A_98] : memref<10240x128xf32, #tpu.memory_space<vmem_shared>> -> memref<640x128xf32, #tpu.memory_space<vmem_shared>>
      tpu.wait_dma2 semaphore(%run_scoped3A : memref<!tpu.dma_semaphore, #tpu.memory_space<semaphore_mem>>) src(%dma_wait3A_99 : memref<640x128xf32, #tpu.memory_space<vmem_shared>>) dst(%dma_wait3A_97 : memref<640x128xf32, #tpu.memory_space<hbm>>)
      tpu.yield
    }) : () -> ()
    return
  }
}

#map = affine_map<(d0, d1) -> (0, 0, 0)>
#map1 = affine_map<(d0, d1) -> (0, 0)>
module attributes {stable_mosaic.version = 14 : i64} {
  func.func @deg_kernel(%arg0: i32, %arg1: i32, %arg2: memref<32x80x128xi32, #tpu.memory_space<hbm>>, %arg3: memref<2x10240xf32, #tpu.memory_space<hbm>>, %arg4: memref<80x128xi32, #tpu.memory_space<vmem>>, %arg5: memref<640xf32, #tpu.memory_space<vmem>>, %arg6: memref<128xf32, #tpu.memory_space<vmem>>, %arg7: memref<10240xf32, #tpu.memory_space<vmem_shared>>) attributes {dimension_semantics = [#tpu.dimension_semantics<core_parallel>, #tpu.dimension_semantics<subcore_parallel>], iteration_bounds = array<i64: 2, 16>, scalar_prefetch = 0 : i64, scratch_operands = 4 : i64, tpu.core_type = #tpu.core_type<sc_vector_subcore>, window_params = [{transform_indices = #map}, {transform_indices = #map1}]} {
    %mul3A = arith.constant 2 : i32
    %mul3A_0 = arith.muli %arg1, %mul3A : i32
    %add3A = arith.addi %mul3A_0, %arg0 : i32
    %scan3A = arith.constant 0 : i32
    %scan3A_1 = arith.constant 40 : i32
    %scan3A_2 = arith.addi %scan3A, %scan3A_1 : i32
    %scan3A_3 = arith.constant 1 : i32
    scf.for %scan3A_22 = %scan3A to %scan3A_2 step %scan3A_3  : i32 {
      %mul3A_23 = arith.constant 16 : i32
      %mul3A_24 = arith.muli %scan3A_22, %mul3A_23 : i32
      %add3A_25 = arith.constant 0 : i32
      %add3A_26 = arith.addi %add3A_25, %mul3A_24 : i32
      %broadcast_in_dim3A = arith.constant 0.000000e+00 : f32
      %broadcast_in_dim3A_27 = vector.broadcast %broadcast_in_dim3A : f32 to vector<16xf32>
      %swap3A = arith.index_cast %add3A_26 : i32 to index
      %swap3A_28 = tpu.vector_load %arg5[%swap3A] {strides = array<i32>} : memref<640xf32, #tpu.memory_space<vmem>>, vector<16xf32>,
      %swap3A_29 = vector.shape_cast %swap3A_28 : vector<16xf32> to vector<16xf32>
      %swap3A_30 = vector.shape_cast %broadcast_in_dim3A_27 : vector<16xf32> to vector<16xf32>
      tpu.vector_store %arg5[%swap3A], %swap3A_30 {strides = array<i32>} : memref<640xf32, #tpu.memory_space<vmem>>, vector<16xf32>,
    }
    %scan3A_4 = arith.constant 40 : i32
    %scan3A_5 = arith.constant 0 : i32
    %scan3A_6 = arith.constant 8 : i32
    %scan3A_7 = arith.addi %scan3A_5, %scan3A_6 : i32
    %scan3A_8 = arith.constant 1 : i32
    scf.for %scan3A_22 = %scan3A_5 to %scan3A_7 step %scan3A_8  : i32 {
      %mul3A_23 = arith.constant 16 : i32
      %mul3A_24 = arith.muli %scan3A_22, %mul3A_23 : i32
      %add3A_25 = arith.constant 0 : i32
      %add3A_26 = arith.addi %add3A_25, %mul3A_24 : i32
      %broadcast_in_dim3A = arith.constant 1.000000e+00 : f32
      %broadcast_in_dim3A_27 = vector.broadcast %broadcast_in_dim3A : f32 to vector<16xf32>
      %swap3A = arith.index_cast %add3A_26 : i32 to index
      %swap3A_28 = tpu.vector_load %arg6[%swap3A] {strides = array<i32>} : memref<128xf32, #tpu.memory_space<vmem>>, vector<16xf32>,
      %swap3A_29 = vector.shape_cast %swap3A_28 : vector<16xf32> to vector<16xf32>
      %swap3A_30 = vector.shape_cast %broadcast_in_dim3A_27 : vector<16xf32> to vector<16xf32>
      tpu.vector_store %arg6[%swap3A], %swap3A_30 {strides = array<i32>} : memref<128xf32, #tpu.memory_space<vmem>>, vector<16xf32>,
    }
    %scan3A_9 = arith.constant 8 : i32
    %mul3A_10 = arith.constant 640 : i32
    %mul3A_11 = arith.muli %arg1, %mul3A_10 : i32
    "tpu.region"() ({
      %run_scoped3A = tpu.sem_alloc : memref<!tpu.dma_semaphore, #tpu.memory_space<semaphore_mem>>
      %dma_start3A = tpu.memref_slice %arg7[%mul3A_11] : memref<10240xf32, #tpu.memory_space<vmem_shared>> -> memref<640xf32, #tpu.memory_space<vmem_shared>>
      %dma_start3A_22 = tpu.memref_slice %arg7[%mul3A_11] : memref<10240xf32, #tpu.memory_space<vmem_shared>> -> memref<640xf32, #tpu.memory_space<vmem_shared>>
      tpu.enqueue_dma source(%arg5 : memref<640xf32, #tpu.memory_space<vmem>>) target(%dma_start3A_22 : memref<640xf32, #tpu.memory_space<vmem_shared>>) target_semaphore(%run_scoped3A : memref<!tpu.dma_semaphore, #tpu.memory_space<semaphore_mem>>)
      %dma_wait3A = tpu.memref_slice %arg7[%mul3A_11] : memref<10240xf32, #tpu.memory_space<vmem_shared>> -> memref<640xf32, #tpu.memory_space<vmem_shared>>
      %dma_wait3A_23 = tpu.memref_slice %arg7[%mul3A_11] : memref<10240xf32, #tpu.memory_space<vmem_shared>> -> memref<640xf32, #tpu.memory_space<vmem_shared>>
      tpu.wait_dma2 semaphore(%run_scoped3A : memref<!tpu.dma_semaphore, #tpu.memory_space<semaphore_mem>>) src(%arg5 : memref<640xf32, #tpu.memory_space<vmem>>) dst(%dma_wait3A_23 : memref<640xf32, #tpu.memory_space<vmem_shared>>)
      tpu.yield
    }) : () -> ()
    "tpu.region"() ({
      %run_scoped3A = tpu.sem_alloc : memref<!tpu.dma_semaphore, #tpu.memory_space<semaphore_mem>>
      %dma_start3A = arith.constant 0 : i32
      %dma_start3A_22 = arith.constant 0 : i32
      %dma_start3A_23 = tpu.memref_slice %arg2[%add3A, %dma_start3A, %dma_start3A_22] : memref<32x80x128xi32, #tpu.memory_space<hbm>> -> memref<1x80x128xi32, #tpu.memory_space<hbm>>
      %dma_start3A_24 = tpu.memref_squeeze %dma_start3A_23 : memref<1x80x128xi32, #tpu.memory_space<hbm>> -> memref<80x128xi32, #tpu.memory_space<hbm>>
      %dma_start3A_25 = arith.constant 0 : i32
      %dma_start3A_26 = arith.constant 0 : i32
      %dma_start3A_27 = tpu.memref_slice %arg2[%add3A, %dma_start3A_25, %dma_start3A_26] : memref<32x80x128xi32, #tpu.memory_space<hbm>> -> memref<1x80x128xi32, #tpu.memory_space<hbm>>
      %dma_start3A_28 = tpu.memref_squeeze %dma_start3A_27 : memref<1x80x128xi32, #tpu.memory_space<hbm>> -> memref<80x128xi32, #tpu.memory_space<hbm>>
      tpu.enqueue_dma source(%dma_start3A_28 : memref<80x128xi32, #tpu.memory_space<hbm>>) target(%arg4 : memref<80x128xi32, #tpu.memory_space<vmem>>) target_semaphore(%run_scoped3A : memref<!tpu.dma_semaphore, #tpu.memory_space<semaphore_mem>>)
      %dma_wait3A = arith.constant 0 : i32
      %dma_wait3A_29 = arith.constant 0 : i32
      %dma_wait3A_30 = tpu.memref_slice %arg2[%add3A, %dma_wait3A, %dma_wait3A_29] : memref<32x80x128xi32, #tpu.memory_space<hbm>> -> memref<1x80x128xi32, #tpu.memory_space<hbm>>
      %dma_wait3A_31 = tpu.memref_squeeze %dma_wait3A_30 : memref<1x80x128xi32, #tpu.memory_space<hbm>> -> memref<80x128xi32, #tpu.memory_space<hbm>>
      %dma_wait3A_32 = arith.constant 0 : i32
      %dma_wait3A_33 = arith.constant 0 : i32
      %dma_wait3A_34 = tpu.memref_slice %arg2[%add3A, %dma_wait3A_32, %dma_wait3A_33] : memref<32x80x128xi32, #tpu.memory_space<hbm>> -> memref<1x80x128xi32, #tpu.memory_space<hbm>>
      %dma_wait3A_35 = tpu.memref_squeeze %dma_wait3A_34 : memref<1x80x128xi32, #tpu.memory_space<hbm>> -> memref<80x128xi32, #tpu.memory_space<hbm>>
      tpu.wait_dma2 semaphore(%run_scoped3A : memref<!tpu.dma_semaphore, #tpu.memory_space<semaphore_mem>>) src(%dma_wait3A_35 : memref<80x128xi32, #tpu.memory_space<hbm>>) dst(%arg4 : memref<80x128xi32, #tpu.memory_space<vmem>>)
      tpu.yield
    }) : () -> ()
    %barrier3A = arith.constant 0 : index
    tpu.barrier barrier_id(%barrier3A)
    %scan3A_12 = arith.constant 0 : i32
    %scan3A_13 = arith.constant 80 : i32
    %scan3A_14 = arith.addi %scan3A_12, %scan3A_13 : i32
    %scan3A_15 = arith.constant 1 : i32
    scf.for %scan3A_22 = %scan3A_12 to %scan3A_14 step %scan3A_15  : i32 {
      %mul3A_23 = arith.constant 1 : i32
      %mul3A_24 = arith.muli %scan3A_22, %mul3A_23 : i32
      %add3A_25 = arith.constant 0 : i32
      %add3A_26 = arith.addi %add3A_25, %mul3A_24 : i32
      "tpu.region"() ({
        %run_scoped3A = tpu.sem_alloc : memref<!tpu.dma_semaphore, #tpu.memory_space<semaphore_mem>>
        %dma_start3A = arith.constant 0 : i32
        %dma_start3A_27 = tpu.memref_slice %arg4[%add3A_26, %dma_start3A] : memref<80x128xi32, #tpu.memory_space<vmem>> -> memref<1x128xi32, #tpu.memory_space<vmem>>
        %dma_start3A_28 = tpu.memref_squeeze %dma_start3A_27 : memref<1x128xi32, #tpu.memory_space<vmem>> -> memref<128xi32, #tpu.memory_space<vmem>>
        %dma_start3A_29 = arith.constant 0 : i32
        %dma_start3A_30 = tpu.memref_slice %arg7[%dma_start3A_29] : memref<10240xf32, #tpu.memory_space<vmem_shared>> -> memref<10240xf32, #tpu.memory_space<vmem_shared>>
        tpu.enqueue_indirect_dma source(%arg6 : memref<128xf32, #tpu.memory_space<vmem>>) target(%dma_start3A_30 : memref<10240xf32, #tpu.memory_space<vmem_shared>>) offsets(%dma_start3A_28 : memref<128xi32, #tpu.memory_space<vmem>>) semaphore(%run_scoped3A : memref<!tpu.dma_semaphore, #tpu.memory_space<semaphore_mem>>) {add = true}
        %dma_wait3A = arith.constant 0 : i32
        %dma_wait3A_31 = tpu.memref_slice %arg4[%add3A_26, %dma_wait3A] : memref<80x128xi32, #tpu.memory_space<vmem>> -> memref<1x128xi32, #tpu.memory_space<vmem>>
        %dma_wait3A_32 = tpu.memref_squeeze %dma_wait3A_31 : memref<1x128xi32, #tpu.memory_space<vmem>> -> memref<128xi32, #tpu.memory_space<vmem>>
        %dma_wait3A_33 = arith.constant 0 : i32
        %dma_wait3A_34 = tpu.memref_slice %arg7[%dma_wait3A_33] : memref<10240xf32, #tpu.memory_space<vmem_shared>> -> memref<10240xf32, #tpu.memory_space<vmem_shared>>
        tpu.wait_indirect_dma semaphore(%run_scoped3A : memref<!tpu.dma_semaphore, #tpu.memory_space<semaphore_mem>>) src(%arg6 : memref<128xf32, #tpu.memory_space<vmem>>) dst(%dma_wait3A_34 : memref<10240xf32, #tpu.memory_space<vmem_shared>>)
        tpu.yield
      }) : () -> ()
    }
    %scan3A_16 = arith.constant 80 : i32
    %barrier3A_17 = arith.constant 0 : index
    tpu.barrier barrier_id(%barrier3A_17)
    %mul3A_18 = arith.constant 640 : i32
    %mul3A_19 = arith.muli %arg1, %mul3A_18 : i32
    %mul3A_20 = arith.constant 640 : i32
    %mul3A_21 = arith.muli %arg1, %mul3A_20 : i32
    "tpu.region"() ({
      %run_scoped3A = tpu.sem_alloc : memref<!tpu.dma_semaphore, #tpu.memory_space<semaphore_mem>>
      %dma_start3A = tpu.memref_slice %arg3[%arg0, %mul3A_21] : memref<2x10240xf32, #tpu.memory_space<hbm>> -> memref<1x640xf32, #tpu.memory_space<hbm>>
      %dma_start3A_22 = tpu.memref_squeeze %dma_start3A : memref<1x640xf32, #tpu.memory_space<hbm>> -> memref<640xf32, #tpu.memory_space<hbm>>
      %dma_start3A_23 = tpu.memref_slice %arg7[%mul3A_19] : memref<10240xf32, #tpu.memory_space<vmem_shared>> -> memref<640xf32, #tpu.memory_space<vmem_shared>>
      tpu.enqueue_dma source(%dma_start3A_23 : memref<640xf32, #tpu.memory_space<vmem_shared>>) target(%dma_start3A_22 : memref<640xf32, #tpu.memory_space<hbm>>) target_semaphore(%run_scoped3A : memref<!tpu.dma_semaphore, #tpu.memory_space<semaphore_mem>>)
      %dma_wait3A = tpu.memref_slice %arg3[%arg0, %mul3A_21] : memref<2x10240xf32, #tpu.memory_space<hbm>> -> memref<1x640xf32, #tpu.memory_space<hbm>>
      %dma_wait3A_24 = tpu.memref_squeeze %dma_wait3A : memref<1x640xf32, #tpu.memory_space<hbm>> -> memref<640xf32, #tpu.memory_space<hbm>>
      %dma_wait3A_25 = tpu.memref_slice %arg7[%mul3A_19] : memref<10240xf32, #tpu.memory_space<vmem_shared>> -> memref<640xf32, #tpu.memory_space<vmem_shared>>
      tpu.wait_dma2 semaphore(%run_scoped3A : memref<!tpu.dma_semaphore, #tpu.memory_space<semaphore_mem>>) src(%dma_wait3A_25 : memref<640xf32, #tpu.memory_space<vmem_shared>>) dst(%dma_wait3A_24 : memref<640xf32, #tpu.memory_space<hbm>>)
      tpu.yield
    }) : () -> ()
    return
  }
}

#map = affine_map<(d0, d1) -> (0, 0)>
#map1 = affine_map<(d0, d1) -> (0, 0, 0)>
module attributes {stable_mosaic.version = 14 : i64} {
  func.func @spmm_kernel(%arg0: i32, %arg1: i32, %arg2: memref<10000x128xf32, #tpu.memory_space<hbm>>, %arg3: memref<2560x2x128xi32, #tpu.memory_space<hbm>>, %arg4: memref<2x10240x128xf32, #tpu.memory_space<hbm>>, %arg5: memref<2x128xi32, #tpu.memory_space<vmem>>, %arg6: memref<2x128xi32, #tpu.memory_space<vmem>>, %arg7: memref<2x128xi32, #tpu.memory_space<vmem>>, %arg8: memref<2x128xi32, #tpu.memory_space<vmem>>, %arg9: memref<128x128xf32, #tpu.memory_space<vmem>>, %arg10: memref<128x128xf32, #tpu.memory_space<vmem>>, %arg11: memref<!tpu.dma_semaphore, #tpu.memory_space<semaphore_mem>>, %arg12: memref<!tpu.dma_semaphore, #tpu.memory_space<semaphore_mem>>, %arg13: memref<!tpu.dma_semaphore, #tpu.memory_space<semaphore_mem>>, %arg14: memref<!tpu.dma_semaphore, #tpu.memory_space<semaphore_mem>>, %arg15: memref<!tpu.dma_semaphore, #tpu.memory_space<semaphore_mem>>, %arg16: memref<!tpu.dma_semaphore, #tpu.memory_space<semaphore_mem>>, %arg17: memref<10240x128xf32, #tpu.memory_space<vmem_shared>>) attributes {dimension_semantics = [#tpu.dimension_semantics<core_parallel>, #tpu.dimension_semantics<subcore_parallel>], iteration_bounds = array<i64: 2, 16>, scalar_prefetch = 0 : i64, scratch_operands = 13 : i64, tpu.core_type = #tpu.core_type<sc_vector_subcore>, window_params = [{transform_indices = #map}, {transform_indices = #map1}, {transform_indices = #map1}]} {
    %eq3A = arith.constant 0 : i32
    %eq3A_0 = arith.cmpi eq, %arg0, %eq3A : i32
    %jit3A = arith.constant 156 : i32
    %jit3A_1 = arith.constant 4 : i32
    %select_n3A = arith.select %eq3A_0, %jit3A, %jit3A_1 : i32
    %eq3A_2 = arith.constant 0 : i32
    %eq3A_3 = arith.cmpi eq, %arg0, %eq3A_2 : i32
    %mul3A = arith.constant 156 : i32
    %mul3A_4 = arith.muli %arg1, %mul3A : i32
    %mul3A_5 = arith.constant 4 : i32
    %mul3A_6 = arith.muli %arg1, %mul3A_5 : i32
    %add3A = arith.constant 2496 : i32
    %add3A_7 = arith.addi %add3A, %mul3A_6 : i32
    %select_n3A_8 = arith.select %eq3A_3, %mul3A_4, %add3A_7 : i32
    %scan3A = arith.constant 0 : i32
    %scan3A_9 = arith.constant 128 : i32
    %scan3A_10 = arith.addi %scan3A, %scan3A_9 : i32
    %scan3A_11 = arith.constant 1 : i32
    scf.for %scan3A_92 = %scan3A to %scan3A_10 step %scan3A_11  : i32 {
      %mul3A_93 = arith.constant 1 : i32
      %mul3A_94 = arith.muli %scan3A_92, %mul3A_93 : i32
      %add3A_95 = arith.constant 0 : i32
      %add3A_96 = arith.addi %add3A_95, %mul3A_94 : i32
      %scan3A_97 = arith.constant 0 : i32
      %scan3A_98 = arith.constant 8 : i32
      %scan3A_99 = arith.addi %scan3A_97, %scan3A_98 : i32
      %scan3A_100 = arith.constant 1 : i32
      scf.for %scan3A_102 = %scan3A_97 to %scan3A_99 step %scan3A_100  : i32 {
        %mul3A_103 = arith.constant 16 : i32
        %mul3A_104 = arith.muli %scan3A_102, %mul3A_103 : i32
        %add3A_105 = arith.constant 0 : i32
        %add3A_106 = arith.addi %add3A_105, %mul3A_104 : i32
        %broadcast_in_dim3A = arith.constant 0.000000e+00 : f32
        %broadcast_in_dim3A_107 = vector.broadcast %broadcast_in_dim3A : f32 to vector<16xf32>
        %swap3A = arith.index_cast %add3A_96 : i32 to index
        %swap3A_108 = arith.index_cast %add3A_106 : i32 to index
        %swap3A_109 = tpu.vector_load %arg9[%swap3A, %swap3A_108] {strides = array<i32>} : memref<128x128xf32, #tpu.memory_space<vmem>>, vector<1x16xf32>,
        %swap3A_110 = vector.shape_cast %swap3A_109 : vector<1x16xf32> to vector<16xf32>
        %swap3A_111 = vector.shape_cast %broadcast_in_dim3A_107 : vector<16xf32> to vector<1x16xf32>
        tpu.vector_store %arg9[%swap3A, %swap3A_108], %swap3A_111 {strides = array<i32>} : memref<128x128xf32, #tpu.memory_space<vmem>>, vector<1x16xf32>,
      }
      %scan3A_101 = arith.constant 8 : i32
    }
    %scan3A_12 = arith.constant 128 : i32
    %scan3A_13 = arith.constant 0 : i32
    %scan3A_14 = arith.constant 5 : i32
    %scan3A_15 = arith.addi %scan3A_13, %scan3A_14 : i32
    %scan3A_16 = arith.constant 1 : i32
    scf.for %scan3A_92 = %scan3A_13 to %scan3A_15 step %scan3A_16  : i32 {
      %mul3A_93 = arith.constant 128 : i32
      %mul3A_94 = arith.muli %scan3A_92, %mul3A_93 : i32
      %add3A_95 = arith.constant 0 : i32
      %add3A_96 = arith.addi %add3A_95, %mul3A_94 : i32
      %mul3A_97 = arith.constant 640 : i32
      %mul3A_98 = arith.muli %arg1, %mul3A_97 : i32
      %add3A_99 = arith.addi %mul3A_98, %add3A_96 : i32
      "tpu.region"() ({
        %run_scoped3A = tpu.sem_alloc : memref<!tpu.dma_semaphore, #tpu.memory_space<semaphore_mem>>
        %dma_start3A = arith.constant 0 : i32
        %dma_start3A_100 = tpu.memref_slice %arg17[%add3A_99, %dma_start3A] : memref<10240x128xf32, #tpu.memory_space<vmem_shared>> -> memref<128x128xf32, #tpu.memory_space<vmem_shared>>
        %dma_start3A_101 = arith.constant 0 : i32
        %dma_start3A_102 = tpu.memref_slice %arg17[%add3A_99, %dma_start3A_101] : memref<10240x128xf32, #tpu.memory_space<vmem_shared>> -> memref<128x128xf32, #tpu.memory_space<vmem_shared>>
        tpu.enqueue_dma source(%arg9 : memref<128x128xf32, #tpu.memory_space<vmem>>) target(%dma_start3A_102 : memref<128x128xf32, #tpu.memory_space<vmem_shared>>) target_semaphore(%run_scoped3A : memref<!tpu.dma_semaphore, #tpu.memory_space<semaphore_mem>>)
        %dma_wait3A = arith.constant 0 : i32
        %dma_wait3A_103 = tpu.memref_slice %arg17[%add3A_99, %dma_wait3A] : memref<10240x128xf32, #tpu.memory_space<vmem_shared>> -> memref<128x128xf32, #tpu.memory_space<vmem_shared>>
        %dma_wait3A_104 = arith.constant 0 : i32
        %dma_wait3A_105 = tpu.memref_slice %arg17[%add3A_99, %dma_wait3A_104] : memref<10240x128xf32, #tpu.memory_space<vmem_shared>> -> memref<128x128xf32, #tpu.memory_space<vmem_shared>>
        tpu.wait_dma2 semaphore(%run_scoped3A : memref<!tpu.dma_semaphore, #tpu.memory_space<semaphore_mem>>) src(%arg9 : memref<128x128xf32, #tpu.memory_space<vmem>>) dst(%dma_wait3A_105 : memref<128x128xf32, #tpu.memory_space<vmem_shared>>)
        tpu.yield
      }) : () -> ()
    }
    %scan3A_17 = arith.constant 5 : i32
    %gt3A = arith.constant 0 : i32
    %gt3A_18 = arith.cmpi sgt, %select_n3A, %gt3A : i32
    %convert_element_type3A = arith.extui %gt3A_18 : i1 to i32
    %cond3A = arith.constant 0 : i32
    %cond3A_19 = arith.cmpi ne, %convert_element_type3A, %cond3A : i32
    scf.if %cond3A_19 {
      %add3A_92 = arith.constant 0 : i32
      %add3A_93 = arith.addi %select_n3A_8, %add3A_92 : i32
      %dma_start3A = arith.constant 0 : i32
      %dma_start3A_94 = arith.constant 0 : i32
      %dma_start3A_95 = tpu.memref_slice %arg3[%add3A_93, %dma_start3A, %dma_start3A_94] : memref<2560x2x128xi32, #tpu.memory_space<hbm>> -> memref<1x2x128xi32, #tpu.memory_space<hbm>>
      %dma_start3A_96 = tpu.memref_squeeze %dma_start3A_95 : memref<1x2x128xi32, #tpu.memory_space<hbm>> -> memref<2x128xi32, #tpu.memory_space<hbm>>
      %dma_start3A_97 = arith.constant 0 : i32
      %dma_start3A_98 = arith.constant 0 : i32
      %dma_start3A_99 = tpu.memref_slice %arg3[%add3A_93, %dma_start3A_97, %dma_start3A_98] : memref<2560x2x128xi32, #tpu.memory_space<hbm>> -> memref<1x2x128xi32, #tpu.memory_space<hbm>>
      %dma_start3A_100 = tpu.memref_squeeze %dma_start3A_99 : memref<1x2x128xi32, #tpu.memory_space<hbm>> -> memref<2x128xi32, #tpu.memory_space<hbm>>
      tpu.enqueue_dma source(%dma_start3A_100 : memref<2x128xi32, #tpu.memory_space<hbm>>) target(%arg5 : memref<2x128xi32, #tpu.memory_space<vmem>>) target_semaphore(%arg11 : memref<!tpu.dma_semaphore, #tpu.memory_space<semaphore_mem>>)
    } else {
    }
    %gt3A_20 = arith.constant 1 : i32
    %gt3A_21 = arith.cmpi sgt, %select_n3A, %gt3A_20 : i32
    %convert_element_type3A_22 = arith.extui %gt3A_21 : i1 to i32
    %cond3A_23 = arith.constant 0 : i32
    %cond3A_24 = arith.cmpi ne, %convert_element_type3A_22, %cond3A_23 : i32
    scf.if %cond3A_24 {
      %add3A_92 = arith.constant 1 : i32
      %add3A_93 = arith.addi %select_n3A_8, %add3A_92 : i32
      %dma_start3A = arith.constant 0 : i32
      %dma_start3A_94 = arith.constant 0 : i32
      %dma_start3A_95 = tpu.memref_slice %arg3[%add3A_93, %dma_start3A, %dma_start3A_94] : memref<2560x2x128xi32, #tpu.memory_space<hbm>> -> memref<1x2x128xi32, #tpu.memory_space<hbm>>
      %dma_start3A_96 = tpu.memref_squeeze %dma_start3A_95 : memref<1x2x128xi32, #tpu.memory_space<hbm>> -> memref<2x128xi32, #tpu.memory_space<hbm>>
      %dma_start3A_97 = arith.constant 0 : i32
      %dma_start3A_98 = arith.constant 0 : i32
      %dma_start3A_99 = tpu.memref_slice %arg3[%add3A_93, %dma_start3A_97, %dma_start3A_98] : memref<2560x2x128xi32, #tpu.memory_space<hbm>> -> memref<1x2x128xi32, #tpu.memory_space<hbm>>
      %dma_start3A_100 = tpu.memref_squeeze %dma_start3A_99 : memref<1x2x128xi32, #tpu.memory_space<hbm>> -> memref<2x128xi32, #tpu.memory_space<hbm>>
      tpu.enqueue_dma source(%dma_start3A_100 : memref<2x128xi32, #tpu.memory_space<hbm>>) target(%arg6 : memref<2x128xi32, #tpu.memory_space<vmem>>) target_semaphore(%arg12 : memref<!tpu.dma_semaphore, #tpu.memory_space<semaphore_mem>>)
    } else {
    }
    %gt3A_25 = arith.constant 2 : i32
    %gt3A_26 = arith.cmpi sgt, %select_n3A, %gt3A_25 : i32
    %convert_element_type3A_27 = arith.extui %gt3A_26 : i1 to i32
    %cond3A_28 = arith.constant 0 : i32
    %cond3A_29 = arith.cmpi ne, %convert_element_type3A_27, %cond3A_28 : i32
    scf.if %cond3A_29 {
      %add3A_92 = arith.constant 2 : i32
      %add3A_93 = arith.addi %select_n3A_8, %add3A_92 : i32
      %dma_start3A = arith.constant 0 : i32
      %dma_start3A_94 = arith.constant 0 : i32
      %dma_start3A_95 = tpu.memref_slice %arg3[%add3A_93, %dma_start3A, %dma_start3A_94] : memref<2560x2x128xi32, #tpu.memory_space<hbm>> -> memref<1x2x128xi32, #tpu.memory_space<hbm>>
      %dma_start3A_96 = tpu.memref_squeeze %dma_start3A_95 : memref<1x2x128xi32, #tpu.memory_space<hbm>> -> memref<2x128xi32, #tpu.memory_space<hbm>>
      %dma_start3A_97 = arith.constant 0 : i32
      %dma_start3A_98 = arith.constant 0 : i32
      %dma_start3A_99 = tpu.memref_slice %arg3[%add3A_93, %dma_start3A_97, %dma_start3A_98] : memref<2560x2x128xi32, #tpu.memory_space<hbm>> -> memref<1x2x128xi32, #tpu.memory_space<hbm>>
      %dma_start3A_100 = tpu.memref_squeeze %dma_start3A_99 : memref<1x2x128xi32, #tpu.memory_space<hbm>> -> memref<2x128xi32, #tpu.memory_space<hbm>>
      tpu.enqueue_dma source(%dma_start3A_100 : memref<2x128xi32, #tpu.memory_space<hbm>>) target(%arg7 : memref<2x128xi32, #tpu.memory_space<vmem>>) target_semaphore(%arg13 : memref<!tpu.dma_semaphore, #tpu.memory_space<semaphore_mem>>)
    } else {
    }
    %gt3A_30 = arith.constant 3 : i32
    %gt3A_31 = arith.cmpi sgt, %select_n3A, %gt3A_30 : i32
    %convert_element_type3A_32 = arith.extui %gt3A_31 : i1 to i32
    %cond3A_33 = arith.constant 0 : i32
    %cond3A_34 = arith.cmpi ne, %convert_element_type3A_32, %cond3A_33 : i32
    scf.if %cond3A_34 {
      %add3A_92 = arith.constant 3 : i32
      %add3A_93 = arith.addi %select_n3A_8, %add3A_92 : i32
      %dma_start3A = arith.constant 0 : i32
      %dma_start3A_94 = arith.constant 0 : i32
      %dma_start3A_95 = tpu.memref_slice %arg3[%add3A_93, %dma_start3A, %dma_start3A_94] : memref<2560x2x128xi32, #tpu.memory_space<hbm>> -> memref<1x2x128xi32, #tpu.memory_space<hbm>>
      %dma_start3A_96 = tpu.memref_squeeze %dma_start3A_95 : memref<1x2x128xi32, #tpu.memory_space<hbm>> -> memref<2x128xi32, #tpu.memory_space<hbm>>
      %dma_start3A_97 = arith.constant 0 : i32
      %dma_start3A_98 = arith.constant 0 : i32
      %dma_start3A_99 = tpu.memref_slice %arg3[%add3A_93, %dma_start3A_97, %dma_start3A_98] : memref<2560x2x128xi32, #tpu.memory_space<hbm>> -> memref<1x2x128xi32, #tpu.memory_space<hbm>>
      %dma_start3A_100 = tpu.memref_squeeze %dma_start3A_99 : memref<1x2x128xi32, #tpu.memory_space<hbm>> -> memref<2x128xi32, #tpu.memory_space<hbm>>
      tpu.enqueue_dma source(%dma_start3A_100 : memref<2x128xi32, #tpu.memory_space<hbm>>) target(%arg8 : memref<2x128xi32, #tpu.memory_space<vmem>>) target_semaphore(%arg14 : memref<!tpu.dma_semaphore, #tpu.memory_space<semaphore_mem>>)
    } else {
    }
    %barrier3A = arith.constant 0 : index
    tpu.barrier barrier_id(%barrier3A)
    %gt3A_35 = arith.constant 0 : i32
    %gt3A_36 = arith.cmpi sgt, %select_n3A, %gt3A_35 : i32
    %convert_element_type3A_37 = arith.extui %gt3A_36 : i1 to i32
    %cond3A_38 = arith.constant 0 : i32
    %cond3A_39 = arith.cmpi ne, %convert_element_type3A_37, %cond3A_38 : i32
    scf.if %cond3A_39 {
      %add3A_92 = arith.constant 0 : i32
      %add3A_93 = arith.addi %select_n3A_8, %add3A_92 : i32
      %dma_wait3A = arith.constant 0 : i32
      %dma_wait3A_94 = arith.constant 0 : i32
      %dma_wait3A_95 = tpu.memref_slice %arg3[%add3A_93, %dma_wait3A, %dma_wait3A_94] : memref<2560x2x128xi32, #tpu.memory_space<hbm>> -> memref<1x2x128xi32, #tpu.memory_space<hbm>>
      %dma_wait3A_96 = tpu.memref_squeeze %dma_wait3A_95 : memref<1x2x128xi32, #tpu.memory_space<hbm>> -> memref<2x128xi32, #tpu.memory_space<hbm>>
      %dma_wait3A_97 = arith.constant 0 : i32
      %dma_wait3A_98 = arith.constant 0 : i32
      %dma_wait3A_99 = tpu.memref_slice %arg3[%add3A_93, %dma_wait3A_97, %dma_wait3A_98] : memref<2560x2x128xi32, #tpu.memory_space<hbm>> -> memref<1x2x128xi32, #tpu.memory_space<hbm>>
      %dma_wait3A_100 = tpu.memref_squeeze %dma_wait3A_99 : memref<1x2x128xi32, #tpu.memory_space<hbm>> -> memref<2x128xi32, #tpu.memory_space<hbm>>
      tpu.wait_dma2 semaphore(%arg11 : memref<!tpu.dma_semaphore, #tpu.memory_space<semaphore_mem>>) src(%dma_wait3A_100 : memref<2x128xi32, #tpu.memory_space<hbm>>) dst(%arg5 : memref<2x128xi32, #tpu.memory_space<vmem>>)
      %dma_start3A = arith.constant 0 : i32
      %dma_start3A_101 = arith.constant 0 : i32
      %dma_start3A_102 = tpu.memref_slice %arg5[%dma_start3A, %dma_start3A_101] : memref<2x128xi32, #tpu.memory_space<vmem>> -> memref<1x128xi32, #tpu.memory_space<vmem>>
      %dma_start3A_103 = tpu.memref_squeeze %dma_start3A_102 : memref<1x128xi32, #tpu.memory_space<vmem>> -> memref<128xi32, #tpu.memory_space<vmem>>
      %dma_start3A_104 = arith.constant 0 : i32
      %dma_start3A_105 = arith.constant 0 : i32
      %dma_start3A_106 = tpu.memref_slice %arg2[%dma_start3A_104, %dma_start3A_105] : memref<10000x128xf32, #tpu.memory_space<hbm>> -> memref<10000x128xf32, #tpu.memory_space<hbm>>
      tpu.enqueue_indirect_dma source(%dma_start3A_106 : memref<10000x128xf32, #tpu.memory_space<hbm>>) target(%arg9 : memref<128x128xf32, #tpu.memory_space<vmem>>) offsets(%dma_start3A_103 : memref<128xi32, #tpu.memory_space<vmem>>) semaphore(%arg15 : memref<!tpu.dma_semaphore, #tpu.memory_space<semaphore_mem>>)
    } else {
    }
    %gt3A_40 = arith.constant 1 : i32
    %gt3A_41 = arith.cmpi sgt, %select_n3A, %gt3A_40 : i32
    %convert_element_type3A_42 = arith.extui %gt3A_41 : i1 to i32
    %cond3A_43 = arith.constant 0 : i32
    %cond3A_44 = arith.cmpi ne, %convert_element_type3A_42, %cond3A_43 : i32
    scf.if %cond3A_44 {
      %add3A_92 = arith.constant 1 : i32
      %add3A_93 = arith.addi %select_n3A_8, %add3A_92 : i32
      %dma_wait3A = arith.constant 0 : i32
      %dma_wait3A_94 = arith.constant 0 : i32
      %dma_wait3A_95 = tpu.memref_slice %arg3[%add3A_93, %dma_wait3A, %dma_wait3A_94] : memref<2560x2x128xi32, #tpu.memory_space<hbm>> -> memref<1x2x128xi32, #tpu.memory_space<hbm>>
      %dma_wait3A_96 = tpu.memref_squeeze %dma_wait3A_95 : memref<1x2x128xi32, #tpu.memory_space<hbm>> -> memref<2x128xi32, #tpu.memory_space<hbm>>
      %dma_wait3A_97 = arith.constant 0 : i32
      %dma_wait3A_98 = arith.constant 0 : i32
      %dma_wait3A_99 = tpu.memref_slice %arg3[%add3A_93, %dma_wait3A_97, %dma_wait3A_98] : memref<2560x2x128xi32, #tpu.memory_space<hbm>> -> memref<1x2x128xi32, #tpu.memory_space<hbm>>
      %dma_wait3A_100 = tpu.memref_squeeze %dma_wait3A_99 : memref<1x2x128xi32, #tpu.memory_space<hbm>> -> memref<2x128xi32, #tpu.memory_space<hbm>>
      tpu.wait_dma2 semaphore(%arg12 : memref<!tpu.dma_semaphore, #tpu.memory_space<semaphore_mem>>) src(%dma_wait3A_100 : memref<2x128xi32, #tpu.memory_space<hbm>>) dst(%arg6 : memref<2x128xi32, #tpu.memory_space<vmem>>)
      %dma_start3A = arith.constant 0 : i32
      %dma_start3A_101 = arith.constant 0 : i32
      %dma_start3A_102 = tpu.memref_slice %arg6[%dma_start3A, %dma_start3A_101] : memref<2x128xi32, #tpu.memory_space<vmem>> -> memref<1x128xi32, #tpu.memory_space<vmem>>
      %dma_start3A_103 = tpu.memref_squeeze %dma_start3A_102 : memref<1x128xi32, #tpu.memory_space<vmem>> -> memref<128xi32, #tpu.memory_space<vmem>>
      %dma_start3A_104 = arith.constant 0 : i32
      %dma_start3A_105 = arith.constant 0 : i32
      %dma_start3A_106 = tpu.memref_slice %arg2[%dma_start3A_104, %dma_start3A_105] : memref<10000x128xf32, #tpu.memory_space<hbm>> -> memref<10000x128xf32, #tpu.memory_space<hbm>>
      tpu.enqueue_indirect_dma source(%dma_start3A_106 : memref<10000x128xf32, #tpu.memory_space<hbm>>) target(%arg10 : memref<128x128xf32, #tpu.memory_space<vmem>>) offsets(%dma_start3A_103 : memref<128xi32, #tpu.memory_space<vmem>>) semaphore(%arg16 : memref<!tpu.dma_semaphore, #tpu.memory_space<semaphore_mem>>)
    } else {
    }
    %add3A_45 = arith.constant 4 : i32
    %add3A_46 = arith.addi %select_n3A, %add3A_45 : i32
    %sub3A = arith.constant 1 : i32
    %sub3A_47 = arith.subi %add3A_46, %sub3A : i32
    %jit3A_48 = arith.constant 4 : i32
    %div3A = arith.divsi %sub3A_47, %jit3A_48 : i32
    %sign3A = arith.constant 0 : i32
    %sign3A_49 = arith.cmpi sgt, %sub3A_47, %sign3A : i32
    %sign3A_50 = arith.extui %sign3A_49 : i1 to i32
    %sign3A_51 = arith.constant 0 : i32
    %sign3A_52 = arith.cmpi slt, %sub3A_47, %sign3A_51 : i32
    %sign3A_53 = arith.extui %sign3A_52 : i1 to i32
    %sign3A_54 = arith.subi %sign3A_50, %sign3A_53 : i32
    %sign3A_55 = arith.constant 0 : i32
    %sign3A_56 = arith.cmpi sgt, %jit3A_48, %sign3A_55 : i32
    %sign3A_57 = arith.extui %sign3A_56 : i1 to i32
    %sign3A_58 = arith.constant 0 : i32
    %sign3A_59 = arith.cmpi slt, %jit3A_48, %sign3A_58 : i32
    %sign3A_60 = arith.extui %sign3A_59 : i1 to i32
    %sign3A_61 = arith.subi %sign3A_57, %sign3A_60 : i32
    %ne3A = arith.cmpi ne, %sign3A_54, %sign3A_61 : i32
    %rem3A = arith.remsi %sub3A_47, %jit3A_48 : i32
    %ne3A_62 = arith.constant 0 : i32
    %ne3A_63 = arith.cmpi ne, %rem3A, %ne3A_62 : i32
    %and3A = arith.andi %ne3A, %ne3A_63 : i1
    %sub3A_64 = arith.constant 1 : i32
    %sub3A_65 = arith.subi %div3A, %sub3A_64 : i32
    %select_n3A_66 = arith.select %and3A, %sub3A_65, %div3A : i32
    %mul3A_67 = arith.constant 4 : i32
    %mul3A_68 = arith.muli %select_n3A_66, %mul3A_67 : i32
    %sub3A_69 = arith.constant 0 : i32
    %sub3A_70 = arith.subi %mul3A_68, %sub3A_69 : i32
    %sub3A_71 = arith.constant 4 : i32
    %sub3A_72 = arith.constant 1 : i32
    %sub3A_73 = arith.subi %sub3A_71, %sub3A_72 : i32
    %add3A_74 = arith.addi %sub3A_70, %sub3A_73 : i32
    %div3A_75 = arith.constant 4 : i32
    %div3A_76 = arith.divsi %add3A_74, %div3A_75 : i32
    %while3A = arith.constant 4 : i32
    %while3A_77 = arith.constant 0 : i32
    %while3A_78 = arith.constant 0 : i32
    %while3A_79 = arith.subi %div3A_76, %while3A_78 : i32
    %while3A_80 = arith.addi %while3A_78, %while3A_79 : i32
    %while3A_81 = arith.constant 1 : i32
    %while3A_82 = arith.divsi %while3A_79, %while3A_81 : i32
    %while3A_83 = arith.muli %while3A_82, %while3A_81 : i32
    %while3A_84 = arith.addi %while3A_78, %while3A_83 : i32
    %while3A_85 = arith.constant 1 : i32
    scf.for %while3A_92 = %while3A_78 to %while3A_84 step %while3A_85  : i32 {
      %mul3A_93 = arith.muli %while3A_92, %while3A : i32
      %add3A_94 = arith.addi %while3A_77, %mul3A_93 : i32
      %add3A_95 = arith.constant 0 : i32
      %add3A_96 = arith.addi %add3A_94, %add3A_95 : i32
      %lt3A = arith.cmpi slt, %add3A_96, %select_n3A : i32
      %convert_element_type3A_97 = arith.extui %lt3A : i1 to i32
      %cond3A_98 = arith.constant 0 : i32
      %cond3A_99 = arith.cmpi ne, %convert_element_type3A_97, %cond3A_98 : i32
      scf.if %cond3A_99 {
        %dma_wait3A = arith.constant 0 : i32
        %dma_wait3A_118 = arith.constant 0 : i32
        %dma_wait3A_119 = tpu.memref_slice %arg5[%dma_wait3A, %dma_wait3A_118] : memref<2x128xi32, #tpu.memory_space<vmem>> -> memref<1x128xi32, #tpu.memory_space<vmem>>
        %dma_wait3A_120 = tpu.memref_squeeze %dma_wait3A_119 : memref<1x128xi32, #tpu.memory_space<vmem>> -> memref<128xi32, #tpu.memory_space<vmem>>
        %dma_wait3A_121 = arith.constant 0 : i32
        %dma_wait3A_122 = arith.constant 0 : i32
        %dma_wait3A_123 = tpu.memref_slice %arg2[%dma_wait3A_121, %dma_wait3A_122] : memref<10000x128xf32, #tpu.memory_space<hbm>> -> memref<10000x128xf32, #tpu.memory_space<hbm>>
        tpu.wait_indirect_dma semaphore(%arg15 : memref<!tpu.dma_semaphore, #tpu.memory_space<semaphore_mem>>) src(%dma_wait3A_123 : memref<10000x128xf32, #tpu.memory_space<hbm>>) dst(%arg9 : memref<128x128xf32, #tpu.memory_space<vmem>>)
        %run_scoped3A = arith.constant 1 : i32
        "tpu.region"() ({
          %run_scoped3A_136 = tpu.sem_alloc : memref<!tpu.dma_semaphore, #tpu.memory_space<semaphore_mem>>
          %dma_start3A = arith.constant 0 : i32
          %dma_start3A_137 = tpu.memref_slice %arg5[%run_scoped3A, %dma_start3A] : memref<2x128xi32, #tpu.memory_space<vmem>> -> memref<1x128xi32, #tpu.memory_space<vmem>>
          %dma_start3A_138 = tpu.memref_squeeze %dma_start3A_137 : memref<1x128xi32, #tpu.memory_space<vmem>> -> memref<128xi32, #tpu.memory_space<vmem>>
          %dma_start3A_139 = arith.constant 0 : i32
          %dma_start3A_140 = arith.constant 0 : i32
          %dma_start3A_141 = tpu.memref_slice %arg17[%dma_start3A_139, %dma_start3A_140] : memref<10240x128xf32, #tpu.memory_space<vmem_shared>> -> memref<10240x128xf32, #tpu.memory_space<vmem_shared>>
          tpu.enqueue_indirect_dma source(%arg9 : memref<128x128xf32, #tpu.memory_space<vmem>>) target(%dma_start3A_141 : memref<10240x128xf32, #tpu.memory_space<vmem_shared>>) offsets(%dma_start3A_138 : memref<128xi32, #tpu.memory_space<vmem>>) semaphore(%run_scoped3A_136 : memref<!tpu.dma_semaphore, #tpu.memory_space<semaphore_mem>>) {add = true}
          %dma_wait3A_142 = arith.constant 0 : i32
          %dma_wait3A_143 = tpu.memref_slice %arg5[%run_scoped3A, %dma_wait3A_142] : memref<2x128xi32, #tpu.memory_space<vmem>> -> memref<1x128xi32, #tpu.memory_space<vmem>>
          %dma_wait3A_144 = tpu.memref_squeeze %dma_wait3A_143 : memref<1x128xi32, #tpu.memory_space<vmem>> -> memref<128xi32, #tpu.memory_space<vmem>>
          %dma_wait3A_145 = arith.constant 0 : i32
          %dma_wait3A_146 = arith.constant 0 : i32
          %dma_wait3A_147 = tpu.memref_slice %arg17[%dma_wait3A_145, %dma_wait3A_146] : memref<10240x128xf32, #tpu.memory_space<vmem_shared>> -> memref<10240x128xf32, #tpu.memory_space<vmem_shared>>
          tpu.wait_indirect_dma semaphore(%run_scoped3A_136 : memref<!tpu.dma_semaphore, #tpu.memory_space<semaphore_mem>>) src(%arg9 : memref<128x128xf32, #tpu.memory_space<vmem>>) dst(%dma_wait3A_147 : memref<10240x128xf32, #tpu.memory_space<vmem_shared>>)
          tpu.yield
        }) : () -> ()
        %add3A_124 = arith.constant 2 : i32
        %add3A_125 = arith.addi %add3A_96, %add3A_124 : i32
        %lt3A_126 = arith.cmpi slt, %add3A_125, %select_n3A : i32
        %convert_element_type3A_127 = arith.extui %lt3A_126 : i1 to i32
        %cond3A_128 = arith.constant 0 : i32
        %cond3A_129 = arith.cmpi ne, %convert_element_type3A_127, %cond3A_128 : i32
        scf.if %cond3A_129 {
          %add3A_136 = arith.addi %select_n3A_8, %add3A_96 : i32
          %add3A_137 = arith.constant 2 : i32
          %add3A_138 = arith.addi %add3A_136, %add3A_137 : i32
          %dma_wait3A_139 = arith.constant 0 : i32
          %dma_wait3A_140 = arith.constant 0 : i32
          %dma_wait3A_141 = tpu.memref_slice %arg3[%add3A_138, %dma_wait3A_139, %dma_wait3A_140] : memref<2560x2x128xi32, #tpu.memory_space<hbm>> -> memref<1x2x128xi32, #tpu.memory_space<hbm>>
          %dma_wait3A_142 = tpu.memref_squeeze %dma_wait3A_141 : memref<1x2x128xi32, #tpu.memory_space<hbm>> -> memref<2x128xi32, #tpu.memory_space<hbm>>
          %dma_wait3A_143 = arith.constant 0 : i32
          %dma_wait3A_144 = arith.constant 0 : i32
          %dma_wait3A_145 = tpu.memref_slice %arg3[%add3A_138, %dma_wait3A_143, %dma_wait3A_144] : memref<2560x2x128xi32, #tpu.memory_space<hbm>> -> memref<1x2x128xi32, #tpu.memory_space<hbm>>
          %dma_wait3A_146 = tpu.memref_squeeze %dma_wait3A_145 : memref<1x2x128xi32, #tpu.memory_space<hbm>> -> memref<2x128xi32, #tpu.memory_space<hbm>>
          tpu.wait_dma2 semaphore(%arg13 : memref<!tpu.dma_semaphore, #tpu.memory_space<semaphore_mem>>) src(%dma_wait3A_146 : memref<2x128xi32, #tpu.memory_space<hbm>>) dst(%arg7 : memref<2x128xi32, #tpu.memory_space<vmem>>)
          %dma_start3A = arith.constant 0 : i32
          %dma_start3A_147 = arith.constant 0 : i32
          %dma_start3A_148 = tpu.memref_slice %arg7[%dma_start3A, %dma_start3A_147] : memref<2x128xi32, #tpu.memory_space<vmem>> -> memref<1x128xi32, #tpu.memory_space<vmem>>
          %dma_start3A_149 = tpu.memref_squeeze %dma_start3A_148 : memref<1x128xi32, #tpu.memory_space<vmem>> -> memref<128xi32, #tpu.memory_space<vmem>>
          %dma_start3A_150 = arith.constant 0 : i32
          %dma_start3A_151 = arith.constant 0 : i32
          %dma_start3A_152 = tpu.memref_slice %arg2[%dma_start3A_150, %dma_start3A_151] : memref<10000x128xf32, #tpu.memory_space<hbm>> -> memref<10000x128xf32, #tpu.memory_space<hbm>>
          tpu.enqueue_indirect_dma source(%dma_start3A_152 : memref<10000x128xf32, #tpu.memory_space<hbm>>) target(%arg9 : memref<128x128xf32, #tpu.memory_space<vmem>>) offsets(%dma_start3A_149 : memref<128xi32, #tpu.memory_space<vmem>>) semaphore(%arg15 : memref<!tpu.dma_semaphore, #tpu.memory_space<semaphore_mem>>)
        } else {
        }
        %add3A_130 = arith.constant 4 : i32
        %add3A_131 = arith.addi %add3A_96, %add3A_130 : i32
        %lt3A_132 = arith.cmpi slt, %add3A_131, %select_n3A : i32
        %convert_element_type3A_133 = arith.extui %lt3A_132 : i1 to i32
        %cond3A_134 = arith.constant 0 : i32
        %cond3A_135 = arith.cmpi ne, %convert_element_type3A_133, %cond3A_134 : i32
        scf.if %cond3A_135 {
          %add3A_136 = arith.addi %select_n3A_8, %add3A_96 : i32
          %add3A_137 = arith.constant 4 : i32
          %add3A_138 = arith.addi %add3A_136, %add3A_137 : i32
          %dma_start3A = arith.constant 0 : i32
          %dma_start3A_139 = arith.constant 0 : i32
          %dma_start3A_140 = tpu.memref_slice %arg3[%add3A_138, %dma_start3A, %dma_start3A_139] : memref<2560x2x128xi32, #tpu.memory_space<hbm>> -> memref<1x2x128xi32, #tpu.memory_space<hbm>>
          %dma_start3A_141 = tpu.memref_squeeze %dma_start3A_140 : memref<1x2x128xi32, #tpu.memory_space<hbm>> -> memref<2x128xi32, #tpu.memory_space<hbm>>
          %dma_start3A_142 = arith.constant 0 : i32
          %dma_start3A_143 = arith.constant 0 : i32
          %dma_start3A_144 = tpu.memref_slice %arg3[%add3A_138, %dma_start3A_142, %dma_start3A_143] : memref<2560x2x128xi32, #tpu.memory_space<hbm>> -> memref<1x2x128xi32, #tpu.memory_space<hbm>>
          %dma_start3A_145 = tpu.memref_squeeze %dma_start3A_144 : memref<1x2x128xi32, #tpu.memory_space<hbm>> -> memref<2x128xi32, #tpu.memory_space<hbm>>
          tpu.enqueue_dma source(%dma_start3A_145 : memref<2x128xi32, #tpu.memory_space<hbm>>) target(%arg5 : memref<2x128xi32, #tpu.memory_space<vmem>>) target_semaphore(%arg11 : memref<!tpu.dma_semaphore, #tpu.memory_space<semaphore_mem>>)
        } else {
        }
      } else {
      }
      %add3A_100 = arith.constant 1 : i32
      %add3A_101 = arith.addi %add3A_94, %add3A_100 : i32
      %lt3A_102 = arith.cmpi slt, %add3A_101, %select_n3A : i32
      %convert_element_type3A_103 = arith.extui %lt3A_102 : i1 to i32
      %cond3A_104 = arith.constant 0 : i32
      %cond3A_105 = arith.cmpi ne, %convert_element_type3A_103, %cond3A_104 : i32
      scf.if %cond3A_105 {
        %dma_wait3A = arith.constant 0 : i32
        %dma_wait3A_118 = arith.constant 0 : i32
        %dma_wait3A_119 = tpu.memref_slice %arg6[%dma_wait3A, %dma_wait3A_118] : memref<2x128xi32, #tpu.memory_space<vmem>> -> memref<1x128xi32, #tpu.memory_space<vmem>>
        %dma_wait3A_120 = tpu.memref_squeeze %dma_wait3A_119 : memref<1x128xi32, #tpu.memory_space<vmem>> -> memref<128xi32, #tpu.memory_space<vmem>>
        %dma_wait3A_121 = arith.constant 0 : i32
        %dma_wait3A_122 = arith.constant 0 : i32
        %dma_wait3A_123 = tpu.memref_slice %arg2[%dma_wait3A_121, %dma_wait3A_122] : memref<10000x128xf32, #tpu.memory_space<hbm>> -> memref<10000x128xf32, #tpu.memory_space<hbm>>
        tpu.wait_indirect_dma semaphore(%arg16 : memref<!tpu.dma_semaphore, #tpu.memory_space<semaphore_mem>>) src(%dma_wait3A_123 : memref<10000x128xf32, #tpu.memory_space<hbm>>) dst(%arg10 : memref<128x128xf32, #tpu.memory_space<vmem>>)
        %run_scoped3A = arith.constant 1 : i32
        "tpu.region"() ({
          %run_scoped3A_136 = tpu.sem_alloc : memref<!tpu.dma_semaphore, #tpu.memory_space<semaphore_mem>>
          %dma_start3A = arith.constant 0 : i32
          %dma_start3A_137 = tpu.memref_slice %arg6[%run_scoped3A, %dma_start3A] : memref<2x128xi32, #tpu.memory_space<vmem>> -> memref<1x128xi32, #tpu.memory_space<vmem>>
          %dma_start3A_138 = tpu.memref_squeeze %dma_start3A_137 : memref<1x128xi32, #tpu.memory_space<vmem>> -> memref<128xi32, #tpu.memory_space<vmem>>
          %dma_start3A_139 = arith.constant 0 : i32
          %dma_start3A_140 = arith.constant 0 : i32
          %dma_start3A_141 = tpu.memref_slice %arg17[%dma_start3A_139, %dma_start3A_140] : memref<10240x128xf32, #tpu.memory_space<vmem_shared>> -> memref<10240x128xf32, #tpu.memory_space<vmem_shared>>
          tpu.enqueue_indirect_dma source(%arg10 : memref<128x128xf32, #tpu.memory_space<vmem>>) target(%dma_start3A_141 : memref<10240x128xf32, #tpu.memory_space<vmem_shared>>) offsets(%dma_start3A_138 : memref<128xi32, #tpu.memory_space<vmem>>) semaphore(%run_scoped3A_136 : memref<!tpu.dma_semaphore, #tpu.memory_space<semaphore_mem>>) {add = true}
          %dma_wait3A_142 = arith.constant 0 : i32
          %dma_wait3A_143 = tpu.memref_slice %arg6[%run_scoped3A, %dma_wait3A_142] : memref<2x128xi32, #tpu.memory_space<vmem>> -> memref<1x128xi32, #tpu.memory_space<vmem>>
          %dma_wait3A_144 = tpu.memref_squeeze %dma_wait3A_143 : memref<1x128xi32, #tpu.memory_space<vmem>> -> memref<128xi32, #tpu.memory_space<vmem>>
          %dma_wait3A_145 = arith.constant 0 : i32
          %dma_wait3A_146 = arith.constant 0 : i32
          %dma_wait3A_147 = tpu.memref_slice %arg17[%dma_wait3A_145, %dma_wait3A_146] : memref<10240x128xf32, #tpu.memory_space<vmem_shared>> -> memref<10240x128xf32, #tpu.memory_space<vmem_shared>>
          tpu.wait_indirect_dma semaphore(%run_scoped3A_136 : memref<!tpu.dma_semaphore, #tpu.memory_space<semaphore_mem>>) src(%arg10 : memref<128x128xf32, #tpu.memory_space<vmem>>) dst(%dma_wait3A_147 : memref<10240x128xf32, #tpu.memory_space<vmem_shared>>)
          tpu.yield
        }) : () -> ()
        %add3A_124 = arith.constant 2 : i32
        %add3A_125 = arith.addi %add3A_101, %add3A_124 : i32
        %lt3A_126 = arith.cmpi slt, %add3A_125, %select_n3A : i32
        %convert_element_type3A_127 = arith.extui %lt3A_126 : i1 to i32
        %cond3A_128 = arith.constant 0 : i32
        %cond3A_129 = arith.cmpi ne, %convert_element_type3A_127, %cond3A_128 : i32
        scf.if %cond3A_129 {
          %add3A_136 = arith.addi %select_n3A_8, %add3A_101 : i32
          %add3A_137 = arith.constant 2 : i32
          %add3A_138 = arith.addi %add3A_136, %add3A_137 : i32
          %dma_wait3A_139 = arith.constant 0 : i32
          %dma_wait3A_140 = arith.constant 0 : i32
          %dma_wait3A_141 = tpu.memref_slice %arg3[%add3A_138, %dma_wait3A_139, %dma_wait3A_140] : memref<2560x2x128xi32, #tpu.memory_space<hbm>> -> memref<1x2x128xi32, #tpu.memory_space<hbm>>
          %dma_wait3A_142 = tpu.memref_squeeze %dma_wait3A_141 : memref<1x2x128xi32, #tpu.memory_space<hbm>> -> memref<2x128xi32, #tpu.memory_space<hbm>>
          %dma_wait3A_143 = arith.constant 0 : i32
          %dma_wait3A_144 = arith.constant 0 : i32
          %dma_wait3A_145 = tpu.memref_slice %arg3[%add3A_138, %dma_wait3A_143, %dma_wait3A_144] : memref<2560x2x128xi32, #tpu.memory_space<hbm>> -> memref<1x2x128xi32, #tpu.memory_space<hbm>>
          %dma_wait3A_146 = tpu.memref_squeeze %dma_wait3A_145 : memref<1x2x128xi32, #tpu.memory_space<hbm>> -> memref<2x128xi32, #tpu.memory_space<hbm>>
          tpu.wait_dma2 semaphore(%arg14 : memref<!tpu.dma_semaphore, #tpu.memory_space<semaphore_mem>>) src(%dma_wait3A_146 : memref<2x128xi32, #tpu.memory_space<hbm>>) dst(%arg8 : memref<2x128xi32, #tpu.memory_space<vmem>>)
          %dma_start3A = arith.constant 0 : i32
          %dma_start3A_147 = arith.constant 0 : i32
          %dma_start3A_148 = tpu.memref_slice %arg8[%dma_start3A, %dma_start3A_147] : memref<2x128xi32, #tpu.memory_space<vmem>> -> memref<1x128xi32, #tpu.memory_space<vmem>>
          %dma_start3A_149 = tpu.memref_squeeze %dma_start3A_148 : memref<1x128xi32, #tpu.memory_space<vmem>> -> memref<128xi32, #tpu.memory_space<vmem>>
          %dma_start3A_150 = arith.constant 0 : i32
          %dma_start3A_151 = arith.constant 0 : i32
          %dma_start3A_152 = tpu.memref_slice %arg2[%dma_start3A_150, %dma_start3A_151] : memref<10000x128xf32, #tpu.memory_space<hbm>> -> memref<10000x128xf32, #tpu.memory_space<hbm>>
          tpu.enqueue_indirect_dma source(%dma_start3A_152 : memref<10000x128xf32, #tpu.memory_space<hbm>>) target(%arg10 : memref<128x128xf32, #tpu.memory_space<vmem>>) offsets(%dma_start3A_149 : memref<128xi32, #tpu.memory_space<vmem>>) semaphore(%arg16 : memref<!tpu.dma_semaphore, #tpu.memory_space<semaphore_mem>>)
        } else {
        }
        %add3A_130 = arith.constant 4 : i32
        %add3A_131 = arith.addi %add3A_101, %add3A_130 : i32
        %lt3A_132 = arith.cmpi slt, %add3A_131, %select_n3A : i32
        %convert_element_type3A_133 = arith.extui %lt3A_132 : i1 to i32
        %cond3A_134 = arith.constant 0 : i32
        %cond3A_135 = arith.cmpi ne, %convert_element_type3A_133, %cond3A_134 : i32
        scf.if %cond3A_135 {
          %add3A_136 = arith.addi %select_n3A_8, %add3A_101 : i32
          %add3A_137 = arith.constant 4 : i32
          %add3A_138 = arith.addi %add3A_136, %add3A_137 : i32
          %dma_start3A = arith.constant 0 : i32
          %dma_start3A_139 = arith.constant 0 : i32
          %dma_start3A_140 = tpu.memref_slice %arg3[%add3A_138, %dma_start3A, %dma_start3A_139] : memref<2560x2x128xi32, #tpu.memory_space<hbm>> -> memref<1x2x128xi32, #tpu.memory_space<hbm>>
          %dma_start3A_141 = tpu.memref_squeeze %dma_start3A_140 : memref<1x2x128xi32, #tpu.memory_space<hbm>> -> memref<2x128xi32, #tpu.memory_space<hbm>>
          %dma_start3A_142 = arith.constant 0 : i32
          %dma_start3A_143 = arith.constant 0 : i32
          %dma_start3A_144 = tpu.memref_slice %arg3[%add3A_138, %dma_start3A_142, %dma_start3A_143] : memref<2560x2x128xi32, #tpu.memory_space<hbm>> -> memref<1x2x128xi32, #tpu.memory_space<hbm>>
          %dma_start3A_145 = tpu.memref_squeeze %dma_start3A_144 : memref<1x2x128xi32, #tpu.memory_space<hbm>> -> memref<2x128xi32, #tpu.memory_space<hbm>>
          tpu.enqueue_dma source(%dma_start3A_145 : memref<2x128xi32, #tpu.memory_space<hbm>>) target(%arg6 : memref<2x128xi32, #tpu.memory_space<vmem>>) target_semaphore(%arg12 : memref<!tpu.dma_semaphore, #tpu.memory_space<semaphore_mem>>)
        } else {
        }
      } else {
      }
      %add3A_106 = arith.constant 2 : i32
      %add3A_107 = arith.addi %add3A_94, %add3A_106 : i32
      %lt3A_108 = arith.cmpi slt, %add3A_107, %select_n3A : i32
      %convert_element_type3A_109 = arith.extui %lt3A_108 : i1 to i32
      %cond3A_110 = arith.constant 0 : i32
      %cond3A_111 = arith.cmpi ne, %convert_element_type3A_109, %cond3A_110 : i32
      scf.if %cond3A_111 {
        %dma_wait3A = arith.constant 0 : i32
        %dma_wait3A_118 = arith.constant 0 : i32
        %dma_wait3A_119 = tpu.memref_slice %arg7[%dma_wait3A, %dma_wait3A_118] : memref<2x128xi32, #tpu.memory_space<vmem>> -> memref<1x128xi32, #tpu.memory_space<vmem>>
        %dma_wait3A_120 = tpu.memref_squeeze %dma_wait3A_119 : memref<1x128xi32, #tpu.memory_space<vmem>> -> memref<128xi32, #tpu.memory_space<vmem>>
        %dma_wait3A_121 = arith.constant 0 : i32
        %dma_wait3A_122 = arith.constant 0 : i32
        %dma_wait3A_123 = tpu.memref_slice %arg2[%dma_wait3A_121, %dma_wait3A_122] : memref<10000x128xf32, #tpu.memory_space<hbm>> -> memref<10000x128xf32, #tpu.memory_space<hbm>>
        tpu.wait_indirect_dma semaphore(%arg15 : memref<!tpu.dma_semaphore, #tpu.memory_space<semaphore_mem>>) src(%dma_wait3A_123 : memref<10000x128xf32, #tpu.memory_space<hbm>>) dst(%arg9 : memref<128x128xf32, #tpu.memory_space<vmem>>)
        %run_scoped3A = arith.constant 1 : i32
        "tpu.region"() ({
          %run_scoped3A_136 = tpu.sem_alloc : memref<!tpu.dma_semaphore, #tpu.memory_space<semaphore_mem>>
          %dma_start3A = arith.constant 0 : i32
          %dma_start3A_137 = tpu.memref_slice %arg7[%run_scoped3A, %dma_start3A] : memref<2x128xi32, #tpu.memory_space<vmem>> -> memref<1x128xi32, #tpu.memory_space<vmem>>
          %dma_start3A_138 = tpu.memref_squeeze %dma_start3A_137 : memref<1x128xi32, #tpu.memory_space<vmem>> -> memref<128xi32, #tpu.memory_space<vmem>>
          %dma_start3A_139 = arith.constant 0 : i32
          %dma_start3A_140 = arith.constant 0 : i32
          %dma_start3A_141 = tpu.memref_slice %arg17[%dma_start3A_139, %dma_start3A_140] : memref<10240x128xf32, #tpu.memory_space<vmem_shared>> -> memref<10240x128xf32, #tpu.memory_space<vmem_shared>>
          tpu.enqueue_indirect_dma source(%arg9 : memref<128x128xf32, #tpu.memory_space<vmem>>) target(%dma_start3A_141 : memref<10240x128xf32, #tpu.memory_space<vmem_shared>>) offsets(%dma_start3A_138 : memref<128xi32, #tpu.memory_space<vmem>>) semaphore(%run_scoped3A_136 : memref<!tpu.dma_semaphore, #tpu.memory_space<semaphore_mem>>) {add = true}
          %dma_wait3A_142 = arith.constant 0 : i32
          %dma_wait3A_143 = tpu.memref_slice %arg7[%run_scoped3A, %dma_wait3A_142] : memref<2x128xi32, #tpu.memory_space<vmem>> -> memref<1x128xi32, #tpu.memory_space<vmem>>
          %dma_wait3A_144 = tpu.memref_squeeze %dma_wait3A_143 : memref<1x128xi32, #tpu.memory_space<vmem>> -> memref<128xi32, #tpu.memory_space<vmem>>
          %dma_wait3A_145 = arith.constant 0 : i32
          %dma_wait3A_146 = arith.constant 0 : i32
          %dma_wait3A_147 = tpu.memref_slice %arg17[%dma_wait3A_145, %dma_wait3A_146] : memref<10240x128xf32, #tpu.memory_space<vmem_shared>> -> memref<10240x128xf32, #tpu.memory_space<vmem_shared>>
          tpu.wait_indirect_dma semaphore(%run_scoped3A_136 : memref<!tpu.dma_semaphore, #tpu.memory_space<semaphore_mem>>) src(%arg9 : memref<128x128xf32, #tpu.memory_space<vmem>>) dst(%dma_wait3A_147 : memref<10240x128xf32, #tpu.memory_space<vmem_shared>>)
          tpu.yield
        }) : () -> ()
        %add3A_124 = arith.constant 2 : i32
        %add3A_125 = arith.addi %add3A_107, %add3A_124 : i32
        %lt3A_126 = arith.cmpi slt, %add3A_125, %select_n3A : i32
        %convert_element_type3A_127 = arith.extui %lt3A_126 : i1 to i32
        %cond3A_128 = arith.constant 0 : i32
        %cond3A_129 = arith.cmpi ne, %convert_element_type3A_127, %cond3A_128 : i32
        scf.if %cond3A_129 {
          %add3A_136 = arith.addi %select_n3A_8, %add3A_107 : i32
          %add3A_137 = arith.constant 2 : i32
          %add3A_138 = arith.addi %add3A_136, %add3A_137 : i32
          %dma_wait3A_139 = arith.constant 0 : i32
          %dma_wait3A_140 = arith.constant 0 : i32
          %dma_wait3A_141 = tpu.memref_slice %arg3[%add3A_138, %dma_wait3A_139, %dma_wait3A_140] : memref<2560x2x128xi32, #tpu.memory_space<hbm>> -> memref<1x2x128xi32, #tpu.memory_space<hbm>>
          %dma_wait3A_142 = tpu.memref_squeeze %dma_wait3A_141 : memref<1x2x128xi32, #tpu.memory_space<hbm>> -> memref<2x128xi32, #tpu.memory_space<hbm>>
          %dma_wait3A_143 = arith.constant 0 : i32
          %dma_wait3A_144 = arith.constant 0 : i32
          %dma_wait3A_145 = tpu.memref_slice %arg3[%add3A_138, %dma_wait3A_143, %dma_wait3A_144] : memref<2560x2x128xi32, #tpu.memory_space<hbm>> -> memref<1x2x128xi32, #tpu.memory_space<hbm>>
          %dma_wait3A_146 = tpu.memref_squeeze %dma_wait3A_145 : memref<1x2x128xi32, #tpu.memory_space<hbm>> -> memref<2x128xi32, #tpu.memory_space<hbm>>
          tpu.wait_dma2 semaphore(%arg11 : memref<!tpu.dma_semaphore, #tpu.memory_space<semaphore_mem>>) src(%dma_wait3A_146 : memref<2x128xi32, #tpu.memory_space<hbm>>) dst(%arg5 : memref<2x128xi32, #tpu.memory_space<vmem>>)
          %dma_start3A = arith.constant 0 : i32
          %dma_start3A_147 = arith.constant 0 : i32
          %dma_start3A_148 = tpu.memref_slice %arg5[%dma_start3A, %dma_start3A_147] : memref<2x128xi32, #tpu.memory_space<vmem>> -> memref<1x128xi32, #tpu.memory_space<vmem>>
          %dma_start3A_149 = tpu.memref_squeeze %dma_start3A_148 : memref<1x128xi32, #tpu.memory_space<vmem>> -> memref<128xi32, #tpu.memory_space<vmem>>
          %dma_start3A_150 = arith.constant 0 : i32
          %dma_start3A_151 = arith.constant 0 : i32
          %dma_start3A_152 = tpu.memref_slice %arg2[%dma_start3A_150, %dma_start3A_151] : memref<10000x128xf32, #tpu.memory_space<hbm>> -> memref<10000x128xf32, #tpu.memory_space<hbm>>
          tpu.enqueue_indirect_dma source(%dma_start3A_152 : memref<10000x128xf32, #tpu.memory_space<hbm>>) target(%arg9 : memref<128x128xf32, #tpu.memory_space<vmem>>) offsets(%dma_start3A_149 : memref<128xi32, #tpu.memory_space<vmem>>) semaphore(%arg15 : memref<!tpu.dma_semaphore, #tpu.memory_space<semaphore_mem>>)
        } else {
        }
        %add3A_130 = arith.constant 4 : i32
        %add3A_131 = arith.addi %add3A_107, %add3A_130 : i32
        %lt3A_132 = arith.cmpi slt, %add3A_131, %select_n3A : i32
        %convert_element_type3A_133 = arith.extui %lt3A_132 : i1 to i32
        %cond3A_134 = arith.constant 0 : i32
        %cond3A_135 = arith.cmpi ne, %convert_element_type3A_133, %cond3A_134 : i32
        scf.if %cond3A_135 {
          %add3A_136 = arith.addi %select_n3A_8, %add3A_107 : i32
          %add3A_137 = arith.constant 4 : i32
          %add3A_138 = arith.addi %add3A_136, %add3A_137 : i32
          %dma_start3A = arith.constant 0 : i32
          %dma_start3A_139 = arith.constant 0 : i32
          %dma_start3A_140 = tpu.memref_slice %arg3[%add3A_138, %dma_start3A, %dma_start3A_139] : memref<2560x2x128xi32, #tpu.memory_space<hbm>> -> memref<1x2x128xi32, #tpu.memory_space<hbm>>
          %dma_start3A_141 = tpu.memref_squeeze %dma_start3A_140 : memref<1x2x128xi32, #tpu.memory_space<hbm>> -> memref<2x128xi32, #tpu.memory_space<hbm>>
          %dma_start3A_142 = arith.constant 0 : i32
          %dma_start3A_143 = arith.constant 0 : i32
          %dma_start3A_144 = tpu.memref_slice %arg3[%add3A_138, %dma_start3A_142, %dma_start3A_143] : memref<2560x2x128xi32, #tpu.memory_space<hbm>> -> memref<1x2x128xi32, #tpu.memory_space<hbm>>
          %dma_start3A_145 = tpu.memref_squeeze %dma_start3A_144 : memref<1x2x128xi32, #tpu.memory_space<hbm>> -> memref<2x128xi32, #tpu.memory_space<hbm>>
          tpu.enqueue_dma source(%dma_start3A_145 : memref<2x128xi32, #tpu.memory_space<hbm>>) target(%arg7 : memref<2x128xi32, #tpu.memory_space<vmem>>) target_semaphore(%arg13 : memref<!tpu.dma_semaphore, #tpu.memory_space<semaphore_mem>>)
        } else {
        }
      } else {
      }
      %add3A_112 = arith.constant 3 : i32
      %add3A_113 = arith.addi %add3A_94, %add3A_112 : i32
      %lt3A_114 = arith.cmpi slt, %add3A_113, %select_n3A : i32
      %convert_element_type3A_115 = arith.extui %lt3A_114 : i1 to i32
      %cond3A_116 = arith.constant 0 : i32
      %cond3A_117 = arith.cmpi ne, %convert_element_type3A_115, %cond3A_116 : i32
      scf.if %cond3A_117 {
        %dma_wait3A = arith.constant 0 : i32
        %dma_wait3A_118 = arith.constant 0 : i32
        %dma_wait3A_119 = tpu.memref_slice %arg8[%dma_wait3A, %dma_wait3A_118] : memref<2x128xi32, #tpu.memory_space<vmem>> -> memref<1x128xi32, #tpu.memory_space<vmem>>
        %dma_wait3A_120 = tpu.memref_squeeze %dma_wait3A_119 : memref<1x128xi32, #tpu.memory_space<vmem>> -> memref<128xi32, #tpu.memory_space<vmem>>
        %dma_wait3A_121 = arith.constant 0 : i32
        %dma_wait3A_122 = arith.constant 0 : i32
        %dma_wait3A_123 = tpu.memref_slice %arg2[%dma_wait3A_121, %dma_wait3A_122] : memref<10000x128xf32, #tpu.memory_space<hbm>> -> memref<10000x128xf32, #tpu.memory_space<hbm>>
        tpu.wait_indirect_dma semaphore(%arg16 : memref<!tpu.dma_semaphore, #tpu.memory_space<semaphore_mem>>) src(%dma_wait3A_123 : memref<10000x128xf32, #tpu.memory_space<hbm>>) dst(%arg10 : memref<128x128xf32, #tpu.memory_space<vmem>>)
        %run_scoped3A = arith.constant 1 : i32
        "tpu.region"() ({
          %run_scoped3A_136 = tpu.sem_alloc : memref<!tpu.dma_semaphore, #tpu.memory_space<semaphore_mem>>
          %dma_start3A = arith.constant 0 : i32
          %dma_start3A_137 = tpu.memref_slice %arg8[%run_scoped3A, %dma_start3A] : memref<2x128xi32, #tpu.memory_space<vmem>> -> memref<1x128xi32, #tpu.memory_space<vmem>>
          %dma_start3A_138 = tpu.memref_squeeze %dma_start3A_137 : memref<1x128xi32, #tpu.memory_space<vmem>> -> memref<128xi32, #tpu.memory_space<vmem>>
          %dma_start3A_139 = arith.constant 0 : i32
          %dma_start3A_140 = arith.constant 0 : i32
          %dma_start3A_141 = tpu.memref_slice %arg17[%dma_start3A_139, %dma_start3A_140] : memref<10240x128xf32, #tpu.memory_space<vmem_shared>> -> memref<10240x128xf32, #tpu.memory_space<vmem_shared>>
          tpu.enqueue_indirect_dma source(%arg10 : memref<128x128xf32, #tpu.memory_space<vmem>>) target(%dma_start3A_141 : memref<10240x128xf32, #tpu.memory_space<vmem_shared>>) offsets(%dma_start3A_138 : memref<128xi32, #tpu.memory_space<vmem>>) semaphore(%run_scoped3A_136 : memref<!tpu.dma_semaphore, #tpu.memory_space<semaphore_mem>>) {add = true}
          %dma_wait3A_142 = arith.constant 0 : i32
          %dma_wait3A_143 = tpu.memref_slice %arg8[%run_scoped3A, %dma_wait3A_142] : memref<2x128xi32, #tpu.memory_space<vmem>> -> memref<1x128xi32, #tpu.memory_space<vmem>>
          %dma_wait3A_144 = tpu.memref_squeeze %dma_wait3A_143 : memref<1x128xi32, #tpu.memory_space<vmem>> -> memref<128xi32, #tpu.memory_space<vmem>>
          %dma_wait3A_145 = arith.constant 0 : i32
          %dma_wait3A_146 = arith.constant 0 : i32
          %dma_wait3A_147 = tpu.memref_slice %arg17[%dma_wait3A_145, %dma_wait3A_146] : memref<10240x128xf32, #tpu.memory_space<vmem_shared>> -> memref<10240x128xf32, #tpu.memory_space<vmem_shared>>
          tpu.wait_indirect_dma semaphore(%run_scoped3A_136 : memref<!tpu.dma_semaphore, #tpu.memory_space<semaphore_mem>>) src(%arg10 : memref<128x128xf32, #tpu.memory_space<vmem>>) dst(%dma_wait3A_147 : memref<10240x128xf32, #tpu.memory_space<vmem_shared>>)
          tpu.yield
        }) : () -> ()
        %add3A_124 = arith.constant 2 : i32
        %add3A_125 = arith.addi %add3A_113, %add3A_124 : i32
        %lt3A_126 = arith.cmpi slt, %add3A_125, %select_n3A : i32
        %convert_element_type3A_127 = arith.extui %lt3A_126 : i1 to i32
        %cond3A_128 = arith.constant 0 : i32
        %cond3A_129 = arith.cmpi ne, %convert_element_type3A_127, %cond3A_128 : i32
        scf.if %cond3A_129 {
          %add3A_136 = arith.addi %select_n3A_8, %add3A_113 : i32
          %add3A_137 = arith.constant 2 : i32
          %add3A_138 = arith.addi %add3A_136, %add3A_137 : i32
          %dma_wait3A_139 = arith.constant 0 : i32
          %dma_wait3A_140 = arith.constant 0 : i32
          %dma_wait3A_141 = tpu.memref_slice %arg3[%add3A_138, %dma_wait3A_139, %dma_wait3A_140] : memref<2560x2x128xi32, #tpu.memory_space<hbm>> -> memref<1x2x128xi32, #tpu.memory_space<hbm>>
          %dma_wait3A_142 = tpu.memref_squeeze %dma_wait3A_141 : memref<1x2x128xi32, #tpu.memory_space<hbm>> -> memref<2x128xi32, #tpu.memory_space<hbm>>
          %dma_wait3A_143 = arith.constant 0 : i32
          %dma_wait3A_144 = arith.constant 0 : i32
          %dma_wait3A_145 = tpu.memref_slice %arg3[%add3A_138, %dma_wait3A_143, %dma_wait3A_144] : memref<2560x2x128xi32, #tpu.memory_space<hbm>> -> memref<1x2x128xi32, #tpu.memory_space<hbm>>
          %dma_wait3A_146 = tpu.memref_squeeze %dma_wait3A_145 : memref<1x2x128xi32, #tpu.memory_space<hbm>> -> memref<2x128xi32, #tpu.memory_space<hbm>>
          tpu.wait_dma2 semaphore(%arg12 : memref<!tpu.dma_semaphore, #tpu.memory_space<semaphore_mem>>) src(%dma_wait3A_146 : memref<2x128xi32, #tpu.memory_space<hbm>>) dst(%arg6 : memref<2x128xi32, #tpu.memory_space<vmem>>)
          %dma_start3A = arith.constant 0 : i32
          %dma_start3A_147 = arith.constant 0 : i32
          %dma_start3A_148 = tpu.memref_slice %arg6[%dma_start3A, %dma_start3A_147] : memref<2x128xi32, #tpu.memory_space<vmem>> -> memref<1x128xi32, #tpu.memory_space<vmem>>
          %dma_start3A_149 = tpu.memref_squeeze %dma_start3A_148 : memref<1x128xi32, #tpu.memory_space<vmem>> -> memref<128xi32, #tpu.memory_space<vmem>>
          %dma_start3A_150 = arith.constant 0 : i32
          %dma_start3A_151 = arith.constant 0 : i32
          %dma_start3A_152 = tpu.memref_slice %arg2[%dma_start3A_150, %dma_start3A_151] : memref<10000x128xf32, #tpu.memory_space<hbm>> -> memref<10000x128xf32, #tpu.memory_space<hbm>>
          tpu.enqueue_indirect_dma source(%dma_start3A_152 : memref<10000x128xf32, #tpu.memory_space<hbm>>) target(%arg10 : memref<128x128xf32, #tpu.memory_space<vmem>>) offsets(%dma_start3A_149 : memref<128xi32, #tpu.memory_space<vmem>>) semaphore(%arg16 : memref<!tpu.dma_semaphore, #tpu.memory_space<semaphore_mem>>)
        } else {
        }
        %add3A_130 = arith.constant 4 : i32
        %add3A_131 = arith.addi %add3A_113, %add3A_130 : i32
        %lt3A_132 = arith.cmpi slt, %add3A_131, %select_n3A : i32
        %convert_element_type3A_133 = arith.extui %lt3A_132 : i1 to i32
        %cond3A_134 = arith.constant 0 : i32
        %cond3A_135 = arith.cmpi ne, %convert_element_type3A_133, %cond3A_134 : i32
        scf.if %cond3A_135 {
          %add3A_136 = arith.addi %select_n3A_8, %add3A_113 : i32
          %add3A_137 = arith.constant 4 : i32
          %add3A_138 = arith.addi %add3A_136, %add3A_137 : i32
          %dma_start3A = arith.constant 0 : i32
          %dma_start3A_139 = arith.constant 0 : i32
          %dma_start3A_140 = tpu.memref_slice %arg3[%add3A_138, %dma_start3A, %dma_start3A_139] : memref<2560x2x128xi32, #tpu.memory_space<hbm>> -> memref<1x2x128xi32, #tpu.memory_space<hbm>>
          %dma_start3A_141 = tpu.memref_squeeze %dma_start3A_140 : memref<1x2x128xi32, #tpu.memory_space<hbm>> -> memref<2x128xi32, #tpu.memory_space<hbm>>
          %dma_start3A_142 = arith.constant 0 : i32
          %dma_start3A_143 = arith.constant 0 : i32
          %dma_start3A_144 = tpu.memref_slice %arg3[%add3A_138, %dma_start3A_142, %dma_start3A_143] : memref<2560x2x128xi32, #tpu.memory_space<hbm>> -> memref<1x2x128xi32, #tpu.memory_space<hbm>>
          %dma_start3A_145 = tpu.memref_squeeze %dma_start3A_144 : memref<1x2x128xi32, #tpu.memory_space<hbm>> -> memref<2x128xi32, #tpu.memory_space<hbm>>
          tpu.enqueue_dma source(%dma_start3A_145 : memref<2x128xi32, #tpu.memory_space<hbm>>) target(%arg8 : memref<2x128xi32, #tpu.memory_space<vmem>>) target_semaphore(%arg14 : memref<!tpu.dma_semaphore, #tpu.memory_space<semaphore_mem>>)
        } else {
        }
      } else {
      }
    }
    %while3A_86 = arith.constant 1 : i32
    scf.for %while3A_92 = %while3A_84 to %while3A_80 step %while3A_86  : i32 {
      %mul3A_93 = arith.muli %while3A_92, %while3A : i32
      %add3A_94 = arith.addi %while3A_77, %mul3A_93 : i32
      %add3A_95 = arith.constant 0 : i32
      %add3A_96 = arith.addi %add3A_94, %add3A_95 : i32
      %lt3A = arith.cmpi slt, %add3A_96, %select_n3A : i32
      %convert_element_type3A_97 = arith.extui %lt3A : i1 to i32
      %cond3A_98 = arith.constant 0 : i32
      %cond3A_99 = arith.cmpi ne, %convert_element_type3A_97, %cond3A_98 : i32
      scf.if %cond3A_99 {
        %dma_wait3A = arith.constant 0 : i32
        %dma_wait3A_118 = arith.constant 0 : i32
        %dma_wait3A_119 = tpu.memref_slice %arg5[%dma_wait3A, %dma_wait3A_118] : memref<2x128xi32, #tpu.memory_space<vmem>> -> memref<1x128xi32, #tpu.memory_space<vmem>>
        %dma_wait3A_120 = tpu.memref_squeeze %dma_wait3A_119 : memref<1x128xi32, #tpu.memory_space<vmem>> -> memref<128xi32, #tpu.memory_space<vmem>>
        %dma_wait3A_121 = arith.constant 0 : i32
        %dma_wait3A_122 = arith.constant 0 : i32
        %dma_wait3A_123 = tpu.memref_slice %arg2[%dma_wait3A_121, %dma_wait3A_122] : memref<10000x128xf32, #tpu.memory_space<hbm>> -> memref<10000x128xf32, #tpu.memory_space<hbm>>
        tpu.wait_indirect_dma semaphore(%arg15 : memref<!tpu.dma_semaphore, #tpu.memory_space<semaphore_mem>>) src(%dma_wait3A_123 : memref<10000x128xf32, #tpu.memory_space<hbm>>) dst(%arg9 : memref<128x128xf32, #tpu.memory_space<vmem>>)
        %run_scoped3A = arith.constant 1 : i32
        "tpu.region"() ({
          %run_scoped3A_136 = tpu.sem_alloc : memref<!tpu.dma_semaphore, #tpu.memory_space<semaphore_mem>>
          %dma_start3A = arith.constant 0 : i32
          %dma_start3A_137 = tpu.memref_slice %arg5[%run_scoped3A, %dma_start3A] : memref<2x128xi32, #tpu.memory_space<vmem>> -> memref<1x128xi32, #tpu.memory_space<vmem>>
          %dma_start3A_138 = tpu.memref_squeeze %dma_start3A_137 : memref<1x128xi32, #tpu.memory_space<vmem>> -> memref<128xi32, #tpu.memory_space<vmem>>
          %dma_start3A_139 = arith.constant 0 : i32
          %dma_start3A_140 = arith.constant 0 : i32
          %dma_start3A_141 = tpu.memref_slice %arg17[%dma_start3A_139, %dma_start3A_140] : memref<10240x128xf32, #tpu.memory_space<vmem_shared>> -> memref<10240x128xf32, #tpu.memory_space<vmem_shared>>
          tpu.enqueue_indirect_dma source(%arg9 : memref<128x128xf32, #tpu.memory_space<vmem>>) target(%dma_start3A_141 : memref<10240x128xf32, #tpu.memory_space<vmem_shared>>) offsets(%dma_start3A_138 : memref<128xi32, #tpu.memory_space<vmem>>) semaphore(%run_scoped3A_136 : memref<!tpu.dma_semaphore, #tpu.memory_space<semaphore_mem>>) {add = true}
          %dma_wait3A_142 = arith.constant 0 : i32
          %dma_wait3A_143 = tpu.memref_slice %arg5[%run_scoped3A, %dma_wait3A_142] : memref<2x128xi32, #tpu.memory_space<vmem>> -> memref<1x128xi32, #tpu.memory_space<vmem>>
          %dma_wait3A_144 = tpu.memref_squeeze %dma_wait3A_143 : memref<1x128xi32, #tpu.memory_space<vmem>> -> memref<128xi32, #tpu.memory_space<vmem>>
          %dma_wait3A_145 = arith.constant 0 : i32
          %dma_wait3A_146 = arith.constant 0 : i32
          %dma_wait3A_147 = tpu.memref_slice %arg17[%dma_wait3A_145, %dma_wait3A_146] : memref<10240x128xf32, #tpu.memory_space<vmem_shared>> -> memref<10240x128xf32, #tpu.memory_space<vmem_shared>>
          tpu.wait_indirect_dma semaphore(%run_scoped3A_136 : memref<!tpu.dma_semaphore, #tpu.memory_space<semaphore_mem>>) src(%arg9 : memref<128x128xf32, #tpu.memory_space<vmem>>) dst(%dma_wait3A_147 : memref<10240x128xf32, #tpu.memory_space<vmem_shared>>)
          tpu.yield
        }) : () -> ()
        %add3A_124 = arith.constant 2 : i32
        %add3A_125 = arith.addi %add3A_96, %add3A_124 : i32
        %lt3A_126 = arith.cmpi slt, %add3A_125, %select_n3A : i32
        %convert_element_type3A_127 = arith.extui %lt3A_126 : i1 to i32
        %cond3A_128 = arith.constant 0 : i32
        %cond3A_129 = arith.cmpi ne, %convert_element_type3A_127, %cond3A_128 : i32
        scf.if %cond3A_129 {
          %add3A_136 = arith.addi %select_n3A_8, %add3A_96 : i32
          %add3A_137 = arith.constant 2 : i32
          %add3A_138 = arith.addi %add3A_136, %add3A_137 : i32
          %dma_wait3A_139 = arith.constant 0 : i32
          %dma_wait3A_140 = arith.constant 0 : i32
          %dma_wait3A_141 = tpu.memref_slice %arg3[%add3A_138, %dma_wait3A_139, %dma_wait3A_140] : memref<2560x2x128xi32, #tpu.memory_space<hbm>> -> memref<1x2x128xi32, #tpu.memory_space<hbm>>
          %dma_wait3A_142 = tpu.memref_squeeze %dma_wait3A_141 : memref<1x2x128xi32, #tpu.memory_space<hbm>> -> memref<2x128xi32, #tpu.memory_space<hbm>>
          %dma_wait3A_143 = arith.constant 0 : i32
          %dma_wait3A_144 = arith.constant 0 : i32
          %dma_wait3A_145 = tpu.memref_slice %arg3[%add3A_138, %dma_wait3A_143, %dma_wait3A_144] : memref<2560x2x128xi32, #tpu.memory_space<hbm>> -> memref<1x2x128xi32, #tpu.memory_space<hbm>>
          %dma_wait3A_146 = tpu.memref_squeeze %dma_wait3A_145 : memref<1x2x128xi32, #tpu.memory_space<hbm>> -> memref<2x128xi32, #tpu.memory_space<hbm>>
          tpu.wait_dma2 semaphore(%arg13 : memref<!tpu.dma_semaphore, #tpu.memory_space<semaphore_mem>>) src(%dma_wait3A_146 : memref<2x128xi32, #tpu.memory_space<hbm>>) dst(%arg7 : memref<2x128xi32, #tpu.memory_space<vmem>>)
          %dma_start3A = arith.constant 0 : i32
          %dma_start3A_147 = arith.constant 0 : i32
          %dma_start3A_148 = tpu.memref_slice %arg7[%dma_start3A, %dma_start3A_147] : memref<2x128xi32, #tpu.memory_space<vmem>> -> memref<1x128xi32, #tpu.memory_space<vmem>>
          %dma_start3A_149 = tpu.memref_squeeze %dma_start3A_148 : memref<1x128xi32, #tpu.memory_space<vmem>> -> memref<128xi32, #tpu.memory_space<vmem>>
          %dma_start3A_150 = arith.constant 0 : i32
          %dma_start3A_151 = arith.constant 0 : i32
          %dma_start3A_152 = tpu.memref_slice %arg2[%dma_start3A_150, %dma_start3A_151] : memref<10000x128xf32, #tpu.memory_space<hbm>> -> memref<10000x128xf32, #tpu.memory_space<hbm>>
          tpu.enqueue_indirect_dma source(%dma_start3A_152 : memref<10000x128xf32, #tpu.memory_space<hbm>>) target(%arg9 : memref<128x128xf32, #tpu.memory_space<vmem>>) offsets(%dma_start3A_149 : memref<128xi32, #tpu.memory_space<vmem>>) semaphore(%arg15 : memref<!tpu.dma_semaphore, #tpu.memory_space<semaphore_mem>>)
        } else {
        }
        %add3A_130 = arith.constant 4 : i32
        %add3A_131 = arith.addi %add3A_96, %add3A_130 : i32
        %lt3A_132 = arith.cmpi slt, %add3A_131, %select_n3A : i32
        %convert_element_type3A_133 = arith.extui %lt3A_132 : i1 to i32
        %cond3A_134 = arith.constant 0 : i32
        %cond3A_135 = arith.cmpi ne, %convert_element_type3A_133, %cond3A_134 : i32
        scf.if %cond3A_135 {
          %add3A_136 = arith.addi %select_n3A_8, %add3A_96 : i32
          %add3A_137 = arith.constant 4 : i32
          %add3A_138 = arith.addi %add3A_136, %add3A_137 : i32
          %dma_start3A = arith.constant 0 : i32
          %dma_start3A_139 = arith.constant 0 : i32
          %dma_start3A_140 = tpu.memref_slice %arg3[%add3A_138, %dma_start3A, %dma_start3A_139] : memref<2560x2x128xi32, #tpu.memory_space<hbm>> -> memref<1x2x128xi32, #tpu.memory_space<hbm>>
          %dma_start3A_141 = tpu.memref_squeeze %dma_start3A_140 : memref<1x2x128xi32, #tpu.memory_space<hbm>> -> memref<2x128xi32, #tpu.memory_space<hbm>>
          %dma_start3A_142 = arith.constant 0 : i32
          %dma_start3A_143 = arith.constant 0 : i32
          %dma_start3A_144 = tpu.memref_slice %arg3[%add3A_138, %dma_start3A_142, %dma_start3A_143] : memref<2560x2x128xi32, #tpu.memory_space<hbm>> -> memref<1x2x128xi32, #tpu.memory_space<hbm>>
          %dma_start3A_145 = tpu.memref_squeeze %dma_start3A_144 : memref<1x2x128xi32, #tpu.memory_space<hbm>> -> memref<2x128xi32, #tpu.memory_space<hbm>>
          tpu.enqueue_dma source(%dma_start3A_145 : memref<2x128xi32, #tpu.memory_space<hbm>>) target(%arg5 : memref<2x128xi32, #tpu.memory_space<vmem>>) target_semaphore(%arg11 : memref<!tpu.dma_semaphore, #tpu.memory_space<semaphore_mem>>)
        } else {
        }
      } else {
      }
      %add3A_100 = arith.constant 1 : i32
      %add3A_101 = arith.addi %add3A_94, %add3A_100 : i32
      %lt3A_102 = arith.cmpi slt, %add3A_101, %select_n3A : i32
      %convert_element_type3A_103 = arith.extui %lt3A_102 : i1 to i32
      %cond3A_104 = arith.constant 0 : i32
      %cond3A_105 = arith.cmpi ne, %convert_element_type3A_103, %cond3A_104 : i32
      scf.if %cond3A_105 {
        %dma_wait3A = arith.constant 0 : i32
        %dma_wait3A_118 = arith.constant 0 : i32
        %dma_wait3A_119 = tpu.memref_slice %arg6[%dma_wait3A, %dma_wait3A_118] : memref<2x128xi32, #tpu.memory_space<vmem>> -> memref<1x128xi32, #tpu.memory_space<vmem>>
        %dma_wait3A_120 = tpu.memref_squeeze %dma_wait3A_119 : memref<1x128xi32, #tpu.memory_space<vmem>> -> memref<128xi32, #tpu.memory_space<vmem>>
        %dma_wait3A_121 = arith.constant 0 : i32
        %dma_wait3A_122 = arith.constant 0 : i32
        %dma_wait3A_123 = tpu.memref_slice %arg2[%dma_wait3A_121, %dma_wait3A_122] : memref<10000x128xf32, #tpu.memory_space<hbm>> -> memref<10000x128xf32, #tpu.memory_space<hbm>>
        tpu.wait_indirect_dma semaphore(%arg16 : memref<!tpu.dma_semaphore, #tpu.memory_space<semaphore_mem>>) src(%dma_wait3A_123 : memref<10000x128xf32, #tpu.memory_space<hbm>>) dst(%arg10 : memref<128x128xf32, #tpu.memory_space<vmem>>)
        %run_scoped3A = arith.constant 1 : i32
        "tpu.region"() ({
          %run_scoped3A_136 = tpu.sem_alloc : memref<!tpu.dma_semaphore, #tpu.memory_space<semaphore_mem>>
          %dma_start3A = arith.constant 0 : i32
          %dma_start3A_137 = tpu.memref_slice %arg6[%run_scoped3A, %dma_start3A] : memref<2x128xi32, #tpu.memory_space<vmem>> -> memref<1x128xi32, #tpu.memory_space<vmem>>
          %dma_start3A_138 = tpu.memref_squeeze %dma_start3A_137 : memref<1x128xi32, #tpu.memory_space<vmem>> -> memref<128xi32, #tpu.memory_space<vmem>>
          %dma_start3A_139 = arith.constant 0 : i32
          %dma_start3A_140 = arith.constant 0 : i32
          %dma_start3A_141 = tpu.memref_slice %arg17[%dma_start3A_139, %dma_start3A_140] : memref<10240x128xf32, #tpu.memory_space<vmem_shared>> -> memref<10240x128xf32, #tpu.memory_space<vmem_shared>>
          tpu.enqueue_indirect_dma source(%arg10 : memref<128x128xf32, #tpu.memory_space<vmem>>) target(%dma_start3A_141 : memref<10240x128xf32, #tpu.memory_space<vmem_shared>>) offsets(%dma_start3A_138 : memref<128xi32, #tpu.memory_space<vmem>>) semaphore(%run_scoped3A_136 : memref<!tpu.dma_semaphore, #tpu.memory_space<semaphore_mem>>) {add = true}
          %dma_wait3A_142 = arith.constant 0 : i32
          %dma_wait3A_143 = tpu.memref_slice %arg6[%run_scoped3A, %dma_wait3A_142] : memref<2x128xi32, #tpu.memory_space<vmem>> -> memref<1x128xi32, #tpu.memory_space<vmem>>
          %dma_wait3A_144 = tpu.memref_squeeze %dma_wait3A_143 : memref<1x128xi32, #tpu.memory_space<vmem>> -> memref<128xi32, #tpu.memory_space<vmem>>
          %dma_wait3A_145 = arith.constant 0 : i32
          %dma_wait3A_146 = arith.constant 0 : i32
          %dma_wait3A_147 = tpu.memref_slice %arg17[%dma_wait3A_145, %dma_wait3A_146] : memref<10240x128xf32, #tpu.memory_space<vmem_shared>> -> memref<10240x128xf32, #tpu.memory_space<vmem_shared>>
          tpu.wait_indirect_dma semaphore(%run_scoped3A_136 : memref<!tpu.dma_semaphore, #tpu.memory_space<semaphore_mem>>) src(%arg10 : memref<128x128xf32, #tpu.memory_space<vmem>>) dst(%dma_wait3A_147 : memref<10240x128xf32, #tpu.memory_space<vmem_shared>>)
          tpu.yield
        }) : () -> ()
        %add3A_124 = arith.constant 2 : i32
        %add3A_125 = arith.addi %add3A_101, %add3A_124 : i32
        %lt3A_126 = arith.cmpi slt, %add3A_125, %select_n3A : i32
        %convert_element_type3A_127 = arith.extui %lt3A_126 : i1 to i32
        %cond3A_128 = arith.constant 0 : i32
        %cond3A_129 = arith.cmpi ne, %convert_element_type3A_127, %cond3A_128 : i32
        scf.if %cond3A_129 {
          %add3A_136 = arith.addi %select_n3A_8, %add3A_101 : i32
          %add3A_137 = arith.constant 2 : i32
          %add3A_138 = arith.addi %add3A_136, %add3A_137 : i32
          %dma_wait3A_139 = arith.constant 0 : i32
          %dma_wait3A_140 = arith.constant 0 : i32
          %dma_wait3A_141 = tpu.memref_slice %arg3[%add3A_138, %dma_wait3A_139, %dma_wait3A_140] : memref<2560x2x128xi32, #tpu.memory_space<hbm>> -> memref<1x2x128xi32, #tpu.memory_space<hbm>>
          %dma_wait3A_142 = tpu.memref_squeeze %dma_wait3A_141 : memref<1x2x128xi32, #tpu.memory_space<hbm>> -> memref<2x128xi32, #tpu.memory_space<hbm>>
          %dma_wait3A_143 = arith.constant 0 : i32
          %dma_wait3A_144 = arith.constant 0 : i32
          %dma_wait3A_145 = tpu.memref_slice %arg3[%add3A_138, %dma_wait3A_143, %dma_wait3A_144] : memref<2560x2x128xi32, #tpu.memory_space<hbm>> -> memref<1x2x128xi32, #tpu.memory_space<hbm>>
          %dma_wait3A_146 = tpu.memref_squeeze %dma_wait3A_145 : memref<1x2x128xi32, #tpu.memory_space<hbm>> -> memref<2x128xi32, #tpu.memory_space<hbm>>
          tpu.wait_dma2 semaphore(%arg14 : memref<!tpu.dma_semaphore, #tpu.memory_space<semaphore_mem>>) src(%dma_wait3A_146 : memref<2x128xi32, #tpu.memory_space<hbm>>) dst(%arg8 : memref<2x128xi32, #tpu.memory_space<vmem>>)
          %dma_start3A = arith.constant 0 : i32
          %dma_start3A_147 = arith.constant 0 : i32
          %dma_start3A_148 = tpu.memref_slice %arg8[%dma_start3A, %dma_start3A_147] : memref<2x128xi32, #tpu.memory_space<vmem>> -> memref<1x128xi32, #tpu.memory_space<vmem>>
          %dma_start3A_149 = tpu.memref_squeeze %dma_start3A_148 : memref<1x128xi32, #tpu.memory_space<vmem>> -> memref<128xi32, #tpu.memory_space<vmem>>
          %dma_start3A_150 = arith.constant 0 : i32
          %dma_start3A_151 = arith.constant 0 : i32
          %dma_start3A_152 = tpu.memref_slice %arg2[%dma_start3A_150, %dma_start3A_151] : memref<10000x128xf32, #tpu.memory_space<hbm>> -> memref<10000x128xf32, #tpu.memory_space<hbm>>
          tpu.enqueue_indirect_dma source(%dma_start3A_152 : memref<10000x128xf32, #tpu.memory_space<hbm>>) target(%arg10 : memref<128x128xf32, #tpu.memory_space<vmem>>) offsets(%dma_start3A_149 : memref<128xi32, #tpu.memory_space<vmem>>) semaphore(%arg16 : memref<!tpu.dma_semaphore, #tpu.memory_space<semaphore_mem>>)
        } else {
        }
        %add3A_130 = arith.constant 4 : i32
        %add3A_131 = arith.addi %add3A_101, %add3A_130 : i32
        %lt3A_132 = arith.cmpi slt, %add3A_131, %select_n3A : i32
        %convert_element_type3A_133 = arith.extui %lt3A_132 : i1 to i32
        %cond3A_134 = arith.constant 0 : i32
        %cond3A_135 = arith.cmpi ne, %convert_element_type3A_133, %cond3A_134 : i32
        scf.if %cond3A_135 {
          %add3A_136 = arith.addi %select_n3A_8, %add3A_101 : i32
          %add3A_137 = arith.constant 4 : i32
          %add3A_138 = arith.addi %add3A_136, %add3A_137 : i32
          %dma_start3A = arith.constant 0 : i32
          %dma_start3A_139 = arith.constant 0 : i32
          %dma_start3A_140 = tpu.memref_slice %arg3[%add3A_138, %dma_start3A, %dma_start3A_139] : memref<2560x2x128xi32, #tpu.memory_space<hbm>> -> memref<1x2x128xi32, #tpu.memory_space<hbm>>
          %dma_start3A_141 = tpu.memref_squeeze %dma_start3A_140 : memref<1x2x128xi32, #tpu.memory_space<hbm>> -> memref<2x128xi32, #tpu.memory_space<hbm>>
          %dma_start3A_142 = arith.constant 0 : i32
          %dma_start3A_143 = arith.constant 0 : i32
          %dma_start3A_144 = tpu.memref_slice %arg3[%add3A_138, %dma_start3A_142, %dma_start3A_143] : memref<2560x2x128xi32, #tpu.memory_space<hbm>> -> memref<1x2x128xi32, #tpu.memory_space<hbm>>
          %dma_start3A_145 = tpu.memref_squeeze %dma_start3A_144 : memref<1x2x128xi32, #tpu.memory_space<hbm>> -> memref<2x128xi32, #tpu.memory_space<hbm>>
          tpu.enqueue_dma source(%dma_start3A_145 : memref<2x128xi32, #tpu.memory_space<hbm>>) target(%arg6 : memref<2x128xi32, #tpu.memory_space<vmem>>) target_semaphore(%arg12 : memref<!tpu.dma_semaphore, #tpu.memory_space<semaphore_mem>>)
        } else {
        }
      } else {
      }
      %add3A_106 = arith.constant 2 : i32
      %add3A_107 = arith.addi %add3A_94, %add3A_106 : i32
      %lt3A_108 = arith.cmpi slt, %add3A_107, %select_n3A : i32
      %convert_element_type3A_109 = arith.extui %lt3A_108 : i1 to i32
      %cond3A_110 = arith.constant 0 : i32
      %cond3A_111 = arith.cmpi ne, %convert_element_type3A_109, %cond3A_110 : i32
      scf.if %cond3A_111 {
        %dma_wait3A = arith.constant 0 : i32
        %dma_wait3A_118 = arith.constant 0 : i32
        %dma_wait3A_119 = tpu.memref_slice %arg7[%dma_wait3A, %dma_wait3A_118] : memref<2x128xi32, #tpu.memory_space<vmem>> -> memref<1x128xi32, #tpu.memory_space<vmem>>
        %dma_wait3A_120 = tpu.memref_squeeze %dma_wait3A_119 : memref<1x128xi32, #tpu.memory_space<vmem>> -> memref<128xi32, #tpu.memory_space<vmem>>
        %dma_wait3A_121 = arith.constant 0 : i32
        %dma_wait3A_122 = arith.constant 0 : i32
        %dma_wait3A_123 = tpu.memref_slice %arg2[%dma_wait3A_121, %dma_wait3A_122] : memref<10000x128xf32, #tpu.memory_space<hbm>> -> memref<10000x128xf32, #tpu.memory_space<hbm>>
        tpu.wait_indirect_dma semaphore(%arg15 : memref<!tpu.dma_semaphore, #tpu.memory_space<semaphore_mem>>) src(%dma_wait3A_123 : memref<10000x128xf32, #tpu.memory_space<hbm>>) dst(%arg9 : memref<128x128xf32, #tpu.memory_space<vmem>>)
        %run_scoped3A = arith.constant 1 : i32
        "tpu.region"() ({
          %run_scoped3A_136 = tpu.sem_alloc : memref<!tpu.dma_semaphore, #tpu.memory_space<semaphore_mem>>
          %dma_start3A = arith.constant 0 : i32
          %dma_start3A_137 = tpu.memref_slice %arg7[%run_scoped3A, %dma_start3A] : memref<2x128xi32, #tpu.memory_space<vmem>> -> memref<1x128xi32, #tpu.memory_space<vmem>>
          %dma_start3A_138 = tpu.memref_squeeze %dma_start3A_137 : memref<1x128xi32, #tpu.memory_space<vmem>> -> memref<128xi32, #tpu.memory_space<vmem>>
          %dma_start3A_139 = arith.constant 0 : i32
          %dma_start3A_140 = arith.constant 0 : i32
          %dma_start3A_141 = tpu.memref_slice %arg17[%dma_start3A_139, %dma_start3A_140] : memref<10240x128xf32, #tpu.memory_space<vmem_shared>> -> memref<10240x128xf32, #tpu.memory_space<vmem_shared>>
          tpu.enqueue_indirect_dma source(%arg9 : memref<128x128xf32, #tpu.memory_space<vmem>>) target(%dma_start3A_141 : memref<10240x128xf32, #tpu.memory_space<vmem_shared>>) offsets(%dma_start3A_138 : memref<128xi32, #tpu.memory_space<vmem>>) semaphore(%run_scoped3A_136 : memref<!tpu.dma_semaphore, #tpu.memory_space<semaphore_mem>>) {add = true}
          %dma_wait3A_142 = arith.constant 0 : i32
          %dma_wait3A_143 = tpu.memref_slice %arg7[%run_scoped3A, %dma_wait3A_142] : memref<2x128xi32, #tpu.memory_space<vmem>> -> memref<1x128xi32, #tpu.memory_space<vmem>>
          %dma_wait3A_144 = tpu.memref_squeeze %dma_wait3A_143 : memref<1x128xi32, #tpu.memory_space<vmem>> -> memref<128xi32, #tpu.memory_space<vmem>>
          %dma_wait3A_145 = arith.constant 0 : i32
          %dma_wait3A_146 = arith.constant 0 : i32
          %dma_wait3A_147 = tpu.memref_slice %arg17[%dma_wait3A_145, %dma_wait3A_146] : memref<10240x128xf32, #tpu.memory_space<vmem_shared>> -> memref<10240x128xf32, #tpu.memory_space<vmem_shared>>
          tpu.wait_indirect_dma semaphore(%run_scoped3A_136 : memref<!tpu.dma_semaphore, #tpu.memory_space<semaphore_mem>>) src(%arg9 : memref<128x128xf32, #tpu.memory_space<vmem>>) dst(%dma_wait3A_147 : memref<10240x128xf32, #tpu.memory_space<vmem_shared>>)
          tpu.yield
        }) : () -> ()
        %add3A_124 = arith.constant 2 : i32
        %add3A_125 = arith.addi %add3A_107, %add3A_124 : i32
        %lt3A_126 = arith.cmpi slt, %add3A_125, %select_n3A : i32
        %convert_element_type3A_127 = arith.extui %lt3A_126 : i1 to i32
        %cond3A_128 = arith.constant 0 : i32
        %cond3A_129 = arith.cmpi ne, %convert_element_type3A_127, %cond3A_128 : i32
        scf.if %cond3A_129 {
          %add3A_136 = arith.addi %select_n3A_8, %add3A_107 : i32
          %add3A_137 = arith.constant 2 : i32
          %add3A_138 = arith.addi %add3A_136, %add3A_137 : i32
          %dma_wait3A_139 = arith.constant 0 : i32
          %dma_wait3A_140 = arith.constant 0 : i32
          %dma_wait3A_141 = tpu.memref_slice %arg3[%add3A_138, %dma_wait3A_139, %dma_wait3A_140] : memref<2560x2x128xi32, #tpu.memory_space<hbm>> -> memref<1x2x128xi32, #tpu.memory_space<hbm>>
          %dma_wait3A_142 = tpu.memref_squeeze %dma_wait3A_141 : memref<1x2x128xi32, #tpu.memory_space<hbm>> -> memref<2x128xi32, #tpu.memory_space<hbm>>
          %dma_wait3A_143 = arith.constant 0 : i32
          %dma_wait3A_144 = arith.constant 0 : i32
          %dma_wait3A_145 = tpu.memref_slice %arg3[%add3A_138, %dma_wait3A_143, %dma_wait3A_144] : memref<2560x2x128xi32, #tpu.memory_space<hbm>> -> memref<1x2x128xi32, #tpu.memory_space<hbm>>
          %dma_wait3A_146 = tpu.memref_squeeze %dma_wait3A_145 : memref<1x2x128xi32, #tpu.memory_space<hbm>> -> memref<2x128xi32, #tpu.memory_space<hbm>>
          tpu.wait_dma2 semaphore(%arg11 : memref<!tpu.dma_semaphore, #tpu.memory_space<semaphore_mem>>) src(%dma_wait3A_146 : memref<2x128xi32, #tpu.memory_space<hbm>>) dst(%arg5 : memref<2x128xi32, #tpu.memory_space<vmem>>)
          %dma_start3A = arith.constant 0 : i32
          %dma_start3A_147 = arith.constant 0 : i32
          %dma_start3A_148 = tpu.memref_slice %arg5[%dma_start3A, %dma_start3A_147] : memref<2x128xi32, #tpu.memory_space<vmem>> -> memref<1x128xi32, #tpu.memory_space<vmem>>
          %dma_start3A_149 = tpu.memref_squeeze %dma_start3A_148 : memref<1x128xi32, #tpu.memory_space<vmem>> -> memref<128xi32, #tpu.memory_space<vmem>>
          %dma_start3A_150 = arith.constant 0 : i32
          %dma_start3A_151 = arith.constant 0 : i32
          %dma_start3A_152 = tpu.memref_slice %arg2[%dma_start3A_150, %dma_start3A_151] : memref<10000x128xf32, #tpu.memory_space<hbm>> -> memref<10000x128xf32, #tpu.memory_space<hbm>>
          tpu.enqueue_indirect_dma source(%dma_start3A_152 : memref<10000x128xf32, #tpu.memory_space<hbm>>) target(%arg9 : memref<128x128xf32, #tpu.memory_space<vmem>>) offsets(%dma_start3A_149 : memref<128xi32, #tpu.memory_space<vmem>>) semaphore(%arg15 : memref<!tpu.dma_semaphore, #tpu.memory_space<semaphore_mem>>)
        } else {
        }
        %add3A_130 = arith.constant 4 : i32
        %add3A_131 = arith.addi %add3A_107, %add3A_130 : i32
        %lt3A_132 = arith.cmpi slt, %add3A_131, %select_n3A : i32
        %convert_element_type3A_133 = arith.extui %lt3A_132 : i1 to i32
        %cond3A_134 = arith.constant 0 : i32
        %cond3A_135 = arith.cmpi ne, %convert_element_type3A_133, %cond3A_134 : i32
        scf.if %cond3A_135 {
          %add3A_136 = arith.addi %select_n3A_8, %add3A_107 : i32
          %add3A_137 = arith.constant 4 : i32
          %add3A_138 = arith.addi %add3A_136, %add3A_137 : i32
          %dma_start3A = arith.constant 0 : i32
          %dma_start3A_139 = arith.constant 0 : i32
          %dma_start3A_140 = tpu.memref_slice %arg3[%add3A_138, %dma_start3A, %dma_start3A_139] : memref<2560x2x128xi32, #tpu.memory_space<hbm>> -> memref<1x2x128xi32, #tpu.memory_space<hbm>>
          %dma_start3A_141 = tpu.memref_squeeze %dma_start3A_140 : memref<1x2x128xi32, #tpu.memory_space<hbm>> -> memref<2x128xi32, #tpu.memory_space<hbm>>
          %dma_start3A_142 = arith.constant 0 : i32
          %dma_start3A_143 = arith.constant 0 : i32
          %dma_start3A_144 = tpu.memref_slice %arg3[%add3A_138, %dma_start3A_142, %dma_start3A_143] : memref<2560x2x128xi32, #tpu.memory_space<hbm>> -> memref<1x2x128xi32, #tpu.memory_space<hbm>>
          %dma_start3A_145 = tpu.memref_squeeze %dma_start3A_144 : memref<1x2x128xi32, #tpu.memory_space<hbm>> -> memref<2x128xi32, #tpu.memory_space<hbm>>
          tpu.enqueue_dma source(%dma_start3A_145 : memref<2x128xi32, #tpu.memory_space<hbm>>) target(%arg7 : memref<2x128xi32, #tpu.memory_space<vmem>>) target_semaphore(%arg13 : memref<!tpu.dma_semaphore, #tpu.memory_space<semaphore_mem>>)
        } else {
        }
      } else {
      }
      %add3A_112 = arith.constant 3 : i32
      %add3A_113 = arith.addi %add3A_94, %add3A_112 : i32
      %lt3A_114 = arith.cmpi slt, %add3A_113, %select_n3A : i32
      %convert_element_type3A_115 = arith.extui %lt3A_114 : i1 to i32
      %cond3A_116 = arith.constant 0 : i32
      %cond3A_117 = arith.cmpi ne, %convert_element_type3A_115, %cond3A_116 : i32
      scf.if %cond3A_117 {
        %dma_wait3A = arith.constant 0 : i32
        %dma_wait3A_118 = arith.constant 0 : i32
        %dma_wait3A_119 = tpu.memref_slice %arg8[%dma_wait3A, %dma_wait3A_118] : memref<2x128xi32, #tpu.memory_space<vmem>> -> memref<1x128xi32, #tpu.memory_space<vmem>>
        %dma_wait3A_120 = tpu.memref_squeeze %dma_wait3A_119 : memref<1x128xi32, #tpu.memory_space<vmem>> -> memref<128xi32, #tpu.memory_space<vmem>>
        %dma_wait3A_121 = arith.constant 0 : i32
        %dma_wait3A_122 = arith.constant 0 : i32
        %dma_wait3A_123 = tpu.memref_slice %arg2[%dma_wait3A_121, %dma_wait3A_122] : memref<10000x128xf32, #tpu.memory_space<hbm>> -> memref<10000x128xf32, #tpu.memory_space<hbm>>
        tpu.wait_indirect_dma semaphore(%arg16 : memref<!tpu.dma_semaphore, #tpu.memory_space<semaphore_mem>>) src(%dma_wait3A_123 : memref<10000x128xf32, #tpu.memory_space<hbm>>) dst(%arg10 : memref<128x128xf32, #tpu.memory_space<vmem>>)
        %run_scoped3A = arith.constant 1 : i32
        "tpu.region"() ({
          %run_scoped3A_136 = tpu.sem_alloc : memref<!tpu.dma_semaphore, #tpu.memory_space<semaphore_mem>>
          %dma_start3A = arith.constant 0 : i32
          %dma_start3A_137 = tpu.memref_slice %arg8[%run_scoped3A, %dma_start3A] : memref<2x128xi32, #tpu.memory_space<vmem>> -> memref<1x128xi32, #tpu.memory_space<vmem>>
          %dma_start3A_138 = tpu.memref_squeeze %dma_start3A_137 : memref<1x128xi32, #tpu.memory_space<vmem>> -> memref<128xi32, #tpu.memory_space<vmem>>
          %dma_start3A_139 = arith.constant 0 : i32
          %dma_start3A_140 = arith.constant 0 : i32
          %dma_start3A_141 = tpu.memref_slice %arg17[%dma_start3A_139, %dma_start3A_140] : memref<10240x128xf32, #tpu.memory_space<vmem_shared>> -> memref<10240x128xf32, #tpu.memory_space<vmem_shared>>
          tpu.enqueue_indirect_dma source(%arg10 : memref<128x128xf32, #tpu.memory_space<vmem>>) target(%dma_start3A_141 : memref<10240x128xf32, #tpu.memory_space<vmem_shared>>) offsets(%dma_start3A_138 : memref<128xi32, #tpu.memory_space<vmem>>) semaphore(%run_scoped3A_136 : memref<!tpu.dma_semaphore, #tpu.memory_space<semaphore_mem>>) {add = true}
          %dma_wait3A_142 = arith.constant 0 : i32
          %dma_wait3A_143 = tpu.memref_slice %arg8[%run_scoped3A, %dma_wait3A_142] : memref<2x128xi32, #tpu.memory_space<vmem>> -> memref<1x128xi32, #tpu.memory_space<vmem>>
          %dma_wait3A_144 = tpu.memref_squeeze %dma_wait3A_143 : memref<1x128xi32, #tpu.memory_space<vmem>> -> memref<128xi32, #tpu.memory_space<vmem>>
          %dma_wait3A_145 = arith.constant 0 : i32
          %dma_wait3A_146 = arith.constant 0 : i32
          %dma_wait3A_147 = tpu.memref_slice %arg17[%dma_wait3A_145, %dma_wait3A_146] : memref<10240x128xf32, #tpu.memory_space<vmem_shared>> -> memref<10240x128xf32, #tpu.memory_space<vmem_shared>>
          tpu.wait_indirect_dma semaphore(%run_scoped3A_136 : memref<!tpu.dma_semaphore, #tpu.memory_space<semaphore_mem>>) src(%arg10 : memref<128x128xf32, #tpu.memory_space<vmem>>) dst(%dma_wait3A_147 : memref<10240x128xf32, #tpu.memory_space<vmem_shared>>)
          tpu.yield
        }) : () -> ()
        %add3A_124 = arith.constant 2 : i32
        %add3A_125 = arith.addi %add3A_113, %add3A_124 : i32
        %lt3A_126 = arith.cmpi slt, %add3A_125, %select_n3A : i32
        %convert_element_type3A_127 = arith.extui %lt3A_126 : i1 to i32
        %cond3A_128 = arith.constant 0 : i32
        %cond3A_129 = arith.cmpi ne, %convert_element_type3A_127, %cond3A_128 : i32
        scf.if %cond3A_129 {
          %add3A_136 = arith.addi %select_n3A_8, %add3A_113 : i32
          %add3A_137 = arith.constant 2 : i32
          %add3A_138 = arith.addi %add3A_136, %add3A_137 : i32
          %dma_wait3A_139 = arith.constant 0 : i32
          %dma_wait3A_140 = arith.constant 0 : i32
          %dma_wait3A_141 = tpu.memref_slice %arg3[%add3A_138, %dma_wait3A_139, %dma_wait3A_140] : memref<2560x2x128xi32, #tpu.memory_space<hbm>> -> memref<1x2x128xi32, #tpu.memory_space<hbm>>
          %dma_wait3A_142 = tpu.memref_squeeze %dma_wait3A_141 : memref<1x2x128xi32, #tpu.memory_space<hbm>> -> memref<2x128xi32, #tpu.memory_space<hbm>>
          %dma_wait3A_143 = arith.constant 0 : i32
          %dma_wait3A_144 = arith.constant 0 : i32
          %dma_wait3A_145 = tpu.memref_slice %arg3[%add3A_138, %dma_wait3A_143, %dma_wait3A_144] : memref<2560x2x128xi32, #tpu.memory_space<hbm>> -> memref<1x2x128xi32, #tpu.memory_space<hbm>>
          %dma_wait3A_146 = tpu.memref_squeeze %dma_wait3A_145 : memref<1x2x128xi32, #tpu.memory_space<hbm>> -> memref<2x128xi32, #tpu.memory_space<hbm>>
          tpu.wait_dma2 semaphore(%arg12 : memref<!tpu.dma_semaphore, #tpu.memory_space<semaphore_mem>>) src(%dma_wait3A_146 : memref<2x128xi32, #tpu.memory_space<hbm>>) dst(%arg6 : memref<2x128xi32, #tpu.memory_space<vmem>>)
          %dma_start3A = arith.constant 0 : i32
          %dma_start3A_147 = arith.constant 0 : i32
          %dma_start3A_148 = tpu.memref_slice %arg6[%dma_start3A, %dma_start3A_147] : memref<2x128xi32, #tpu.memory_space<vmem>> -> memref<1x128xi32, #tpu.memory_space<vmem>>
          %dma_start3A_149 = tpu.memref_squeeze %dma_start3A_148 : memref<1x128xi32, #tpu.memory_space<vmem>> -> memref<128xi32, #tpu.memory_space<vmem>>
          %dma_start3A_150 = arith.constant 0 : i32
          %dma_start3A_151 = arith.constant 0 : i32
          %dma_start3A_152 = tpu.memref_slice %arg2[%dma_start3A_150, %dma_start3A_151] : memref<10000x128xf32, #tpu.memory_space<hbm>> -> memref<10000x128xf32, #tpu.memory_space<hbm>>
          tpu.enqueue_indirect_dma source(%dma_start3A_152 : memref<10000x128xf32, #tpu.memory_space<hbm>>) target(%arg10 : memref<128x128xf32, #tpu.memory_space<vmem>>) offsets(%dma_start3A_149 : memref<128xi32, #tpu.memory_space<vmem>>) semaphore(%arg16 : memref<!tpu.dma_semaphore, #tpu.memory_space<semaphore_mem>>)
        } else {
        }
        %add3A_130 = arith.constant 4 : i32
        %add3A_131 = arith.addi %add3A_113, %add3A_130 : i32
        %lt3A_132 = arith.cmpi slt, %add3A_131, %select_n3A : i32
        %convert_element_type3A_133 = arith.extui %lt3A_132 : i1 to i32
        %cond3A_134 = arith.constant 0 : i32
        %cond3A_135 = arith.cmpi ne, %convert_element_type3A_133, %cond3A_134 : i32
        scf.if %cond3A_135 {
          %add3A_136 = arith.addi %select_n3A_8, %add3A_113 : i32
          %add3A_137 = arith.constant 4 : i32
          %add3A_138 = arith.addi %add3A_136, %add3A_137 : i32
          %dma_start3A = arith.constant 0 : i32
          %dma_start3A_139 = arith.constant 0 : i32
          %dma_start3A_140 = tpu.memref_slice %arg3[%add3A_138, %dma_start3A, %dma_start3A_139] : memref<2560x2x128xi32, #tpu.memory_space<hbm>> -> memref<1x2x128xi32, #tpu.memory_space<hbm>>
          %dma_start3A_141 = tpu.memref_squeeze %dma_start3A_140 : memref<1x2x128xi32, #tpu.memory_space<hbm>> -> memref<2x128xi32, #tpu.memory_space<hbm>>
          %dma_start3A_142 = arith.constant 0 : i32
          %dma_start3A_143 = arith.constant 0 : i32
          %dma_start3A_144 = tpu.memref_slice %arg3[%add3A_138, %dma_start3A_142, %dma_start3A_143] : memref<2560x2x128xi32, #tpu.memory_space<hbm>> -> memref<1x2x128xi32, #tpu.memory_space<hbm>>
          %dma_start3A_145 = tpu.memref_squeeze %dma_start3A_144 : memref<1x2x128xi32, #tpu.memory_space<hbm>> -> memref<2x128xi32, #tpu.memory_space<hbm>>
          tpu.enqueue_dma source(%dma_start3A_145 : memref<2x128xi32, #tpu.memory_space<hbm>>) target(%arg8 : memref<2x128xi32, #tpu.memory_space<vmem>>) target_semaphore(%arg14 : memref<!tpu.dma_semaphore, #tpu.memory_space<semaphore_mem>>)
        } else {
        }
      } else {
      }
    }
    %barrier3A_87 = arith.constant 0 : index
    tpu.barrier barrier_id(%barrier3A_87)
    %mul3A_88 = arith.constant 640 : i32
    %mul3A_89 = arith.muli %arg1, %mul3A_88 : i32
    %mul3A_90 = arith.constant 640 : i32
    %mul3A_91 = arith.muli %arg1, %mul3A_90 : i32
    "tpu.region"() ({
      %run_scoped3A = tpu.sem_alloc : memref<!tpu.dma_semaphore, #tpu.memory_space<semaphore_mem>>
      %dma_start3A = arith.constant 0 : i32
      %dma_start3A_92 = tpu.memref_slice %arg4[%arg0, %mul3A_91, %dma_start3A] : memref<2x10240x128xf32, #tpu.memory_space<hbm>> -> memref<1x640x128xf32, #tpu.memory_space<hbm>>
      %dma_start3A_93 = tpu.memref_squeeze %dma_start3A_92 : memref<1x640x128xf32, #tpu.memory_space<hbm>> -> memref<640x128xf32, #tpu.memory_space<hbm>>
      %dma_start3A_94 = arith.constant 0 : i32
      %dma_start3A_95 = tpu.memref_slice %arg17[%mul3A_89, %dma_start3A_94] : memref<10240x128xf32, #tpu.memory_space<vmem_shared>> -> memref<640x128xf32, #tpu.memory_space<vmem_shared>>
      tpu.enqueue_dma source(%dma_start3A_95 : memref<640x128xf32, #tpu.memory_space<vmem_shared>>) target(%dma_start3A_93 : memref<640x128xf32, #tpu.memory_space<hbm>>) target_semaphore(%run_scoped3A : memref<!tpu.dma_semaphore, #tpu.memory_space<semaphore_mem>>)
      %dma_wait3A = arith.constant 0 : i32
      %dma_wait3A_96 = tpu.memref_slice %arg4[%arg0, %mul3A_91, %dma_wait3A] : memref<2x10240x128xf32, #tpu.memory_space<hbm>> -> memref<1x640x128xf32, #tpu.memory_space<hbm>>
      %dma_wait3A_97 = tpu.memref_squeeze %dma_wait3A_96 : memref<1x640x128xf32, #tpu.memory_space<hbm>> -> memref<640x128xf32, #tpu.memory_space<hbm>>
      %dma_wait3A_98 = arith.constant 0 : i32
      %dma_wait3A_99 = tpu.memref_slice %arg17[%mul3A_89, %dma_wait3A_98] : memref<10240x128xf32, #tpu.memory_space<vmem_shared>> -> memref<640x128xf32, #tpu.memory_space<vmem_shared>>
      tpu.wait_dma2 semaphore(%run_scoped3A : memref<!tpu.dma_semaphore, #tpu.memory_space<semaphore_mem>>) src(%dma_wait3A_99 : memref<640x128xf32, #tpu.memory_space<vmem_shared>>) dst(%dma_wait3A_97 : memref<640x128xf32, #tpu.memory_space<hbm>>)
      tpu.yield
    }) : () -> ()
    return
  }
}

module attributes {stable_mosaic.version = 14 : i64} {
  func.func @_enc_body(%arg0: i32, %arg1: memref<2000x128xf32, #tpu.memory_space<vmem>>, %arg2: memref<128x128xf32, #tpu.memory_space<vmem>>, %arg3: memref<1x128xf32, #tpu.memory_space<vmem>>, %arg4: memref<128x128xf32, #tpu.memory_space<vmem>>, %arg5: memref<1x128xf32, #tpu.memory_space<vmem>>, %arg6: memref<2000x128xf32, #tpu.memory_space<vmem>>) attributes {dimension_semantics = [#tpu.dimension_semantics<arbitrary>], iteration_bounds = array<i64: 5>, scalar_prefetch = 0 : i64, scratch_operands = 0 : i64, tpu.core_type = #tpu.core_type<tc>, window_params = [{transform_indices = @transform_0, window_bounds = array<i64: 2000, 128>}, {pipeline_mode = #tpu.pipeline_mode<synchronous>, transform_indices = @transform_1, window_bounds = array<i64: 128, 128>}, {pipeline_mode = #tpu.pipeline_mode<synchronous>, transform_indices = @transform_2, window_bounds = array<i64: 1, 128>}, {pipeline_mode = #tpu.pipeline_mode<synchronous>, transform_indices = @transform_3, window_bounds = array<i64: 128, 128>}, {pipeline_mode = #tpu.pipeline_mode<synchronous>, transform_indices = @transform_4, window_bounds = array<i64: 1, 128>}, {transform_indices = @transform_5, window_bounds = array<i64: 2000, 128>}]} {
    %get3A = arith.constant 0 : index
    %get3A_0 = arith.constant 0 : index
    %get3A_1 = vector.load %arg1[%get3A, %get3A_0] : memref<2000x128xf32, #tpu.memory_space<vmem>>, vector<2000x128xf32>
    %get3A_2 = arith.constant 0 : index
    %get3A_3 = arith.constant 0 : index
    %get3A_4 = vector.load %arg2[%get3A_2, %get3A_3] : memref<128x128xf32, #tpu.memory_space<vmem>>, vector<128x128xf32>
    %dot_general3A = arith.constant dense<0.000000e+00> : vector<2000x128xf32>
    %dot_general3A_5 = tpu.matmul %get3A_1, %get3A_4, %dot_general3A {dimension_numbers = #tpu.dot_dimension_numbers<[1], [0], [0], [1], [0, 0, 1, 1], [], []>, transpose_lhs_hint = false} : vector<2000x128xf32>, vector<128x128xf32>, vector<2000x128xf32> -> vector<2000x128xf32>
    %get3A_6 = arith.constant 0 : index
    %get3A_7 = arith.constant 0 : index
    %get3A_8 = vector.load %arg3[%get3A_6, %get3A_7] : memref<1x128xf32, #tpu.memory_space<vmem>>, vector<1x128xf32>
    %add3A = vector.broadcast %get3A_8 : vector<1x128xf32> to vector<2000x128xf32>
    %add3A_9 = arith.addf %dot_general3A_5, %add3A : vector<2000x128xf32>
    %max3A = arith.constant 0.000000e+00 : f32
    %max3A_10 = vector.broadcast %max3A : f32 to vector<2000x128xf32>
    %max3A_11 = arith.maximumf %add3A_9, %max3A_10 : vector<2000x128xf32>
    %get3A_12 = arith.constant 0 : index
    %get3A_13 = arith.constant 0 : index
    %get3A_14 = vector.load %arg4[%get3A_12, %get3A_13] : memref<128x128xf32, #tpu.memory_space<vmem>>, vector<128x128xf32>
    %dot_general3A_15 = arith.constant dense<0.000000e+00> : vector<2000x128xf32>
    %dot_general3A_16 = tpu.matmul %max3A_11, %get3A_14, %dot_general3A_15 {dimension_numbers = #tpu.dot_dimension_numbers<[1], [0], [0], [1], [0, 0, 1, 1], [], []>, transpose_lhs_hint = false} : vector<2000x128xf32>, vector<128x128xf32>, vector<2000x128xf32> -> vector<2000x128xf32>
    %get3A_17 = arith.constant 0 : index
    %get3A_18 = arith.constant 0 : index
    %get3A_19 = vector.load %arg5[%get3A_17, %get3A_18] : memref<1x128xf32, #tpu.memory_space<vmem>>, vector<1x128xf32>
    %add3A_20 = vector.broadcast %get3A_19 : vector<1x128xf32> to vector<2000x128xf32>
    %add3A_21 = arith.addf %dot_general3A_16, %add3A_20 : vector<2000x128xf32>
    %max3A_22 = arith.constant 0.000000e+00 : f32
    %max3A_23 = vector.broadcast %max3A_22 : f32 to vector<2000x128xf32>
    %max3A_24 = arith.maximumf %add3A_21, %max3A_23 : vector<2000x128xf32>
    %swap3A = arith.constant 0 : index
    %swap3A_25 = arith.constant 0 : index
    %swap3A_26 = vector.load %arg6[%swap3A, %swap3A_25] : memref<2000x128xf32, #tpu.memory_space<vmem>>, vector<2000x128xf32>
    tpu.vector_store %arg6[%swap3A, %swap3A_25], %max3A_24 {strides = array<i32>} : memref<2000x128xf32, #tpu.memory_space<vmem>>, vector<2000x128xf32>,
    return
  }
  func.func @transform_0(%arg0: i32) -> (i32, i32) {
    %c0_i32 = arith.constant 0 : i32
    %c0_i32_0 = arith.constant 0 : i32
    return %arg0, %c0_i32 : i32, i32
  }
  func.func @transform_1(%arg0: i32) -> (i32, i32) {
    %c0_i32 = arith.constant 0 : i32
    %c0_i32_0 = arith.constant 0 : i32
    %c0_i32_1 = arith.constant 0 : i32
    return %c0_i32, %c0_i32_0 : i32, i32
  }
  func.func @transform_2(%arg0: i32) -> (i32, i32) {
    %c0_i32 = arith.constant 0 : i32
    %c0_i32_0 = arith.constant 0 : i32
    %c0_i32_1 = arith.constant 0 : i32
    return %c0_i32, %c0_i32_0 : i32, i32
  }
  func.func @transform_3(%arg0: i32) -> (i32, i32) {
    %c0_i32 = arith.constant 0 : i32
    %c0_i32_0 = arith.constant 0 : i32
    %c0_i32_1 = arith.constant 0 : i32
    return %c0_i32, %c0_i32_0 : i32, i32
  }
  func.func @transform_4(%arg0: i32) -> (i32, i32) {
    %c0_i32 = arith.constant 0 : i32
    %c0_i32_0 = arith.constant 0 : i32
    %c0_i32_1 = arith.constant 0 : i32
    return %c0_i32, %c0_i32_0 : i32, i32
  }
  func.func @transform_5(%arg0: i32) -> (i32, i32) {
    %c0_i32 = arith.constant 0 : i32
    %c0_i32_0 = arith.constant 0 : i32
    return %arg0, %c0_i32 : i32, i32
  }
}

module attributes {stable_mosaic.version = 14 : i64} {
  func.func @_scale_body(%arg0: i32, %arg1: memref<2x2000x1xf32, #tpu.memory_space<vmem>>, %arg2: memref<2000x128xf32, #tpu.memory_space<vmem>>, %arg3: memref<2000x1xf32, #tpu.memory_space<vmem>>, %arg4: memref<2000x128xf32, #tpu.memory_space<vmem>>) attributes {dimension_semantics = [#tpu.dimension_semantics<arbitrary>], iteration_bounds = array<i64: 5>, scalar_prefetch = 0 : i64, scratch_operands = 0 : i64, tpu.core_type = #tpu.core_type<tc>, window_params = [{transform_indices = @transform_0, window_bounds = array<i64: 2, 2000, 1>}, {transform_indices = @transform_1, window_bounds = array<i64: 2000, 128>}, {transform_indices = @transform_2, window_bounds = array<i64: 2000, 1>}, {transform_indices = @transform_3, window_bounds = array<i64: 2000, 128>}]} {
    %get3A = arith.constant 0 : index
    %get3A_0 = arith.constant 0 : index
    %get3A_1 = arith.constant 0 : index
    %get3A_2 = vector.load %arg1[%get3A, %get3A_0, %get3A_1] : memref<2x2000x1xf32, #tpu.memory_space<vmem>>, vector<2x2000x1xf32>
    %slice3A = vector.extract_strided_slice %get3A_2 {offsets = [0, 0, 0], sizes = [1, 2000, 1], strides = [1, 1, 1]} : vector<2x2000x1xf32> to vector<1x2000x1xf32>
    %squeeze3A = vector.shape_cast %slice3A : vector<1x2000x1xf32> to vector<2000x1xf32>
    %slice3A_3 = vector.extract_strided_slice %get3A_2 {offsets = [1, 0, 0], sizes = [1, 2000, 1], strides = [1, 1, 1]} : vector<2x2000x1xf32> to vector<1x2000x1xf32>
    %squeeze3A_4 = vector.shape_cast %slice3A_3 : vector<1x2000x1xf32> to vector<2000x1xf32>
    %add3A = arith.addf %squeeze3A, %squeeze3A_4 : vector<2000x1xf32>
    %max3A = arith.constant 1.000000e+00 : f32
    %max3A_5 = vector.broadcast %max3A : f32 to vector<2000x1xf32>
    %max3A_6 = arith.maximumf %add3A, %max3A_5 : vector<2000x1xf32>
    %rsqrt3A = math.rsqrt %max3A_6 : vector<2000x1xf32>
    %swap3A = arith.constant 0 : index
    %swap3A_7 = arith.constant 0 : index
    %swap3A_8 = vector.load %arg3[%swap3A, %swap3A_7] : memref<2000x1xf32, #tpu.memory_space<vmem>>, vector<2000x1xf32>
    tpu.vector_store %arg3[%swap3A, %swap3A_7], %rsqrt3A {strides = array<i32>} : memref<2000x1xf32, #tpu.memory_space<vmem>>, vector<2000x1xf32>,
    %get3A_9 = arith.constant 0 : index
    %get3A_10 = arith.constant 0 : index
    %get3A_11 = vector.load %arg2[%get3A_9, %get3A_10] : memref<2000x128xf32, #tpu.memory_space<vmem>>, vector<2000x128xf32>
    %mul3A = vector.broadcast %rsqrt3A : vector<2000x1xf32> to vector<2000x128xf32>
    %mul3A_12 = arith.mulf %get3A_11, %mul3A : vector<2000x128xf32>
    %swap3A_13 = arith.constant 0 : index
    %swap3A_14 = arith.constant 0 : index
    %swap3A_15 = vector.load %arg4[%swap3A_13, %swap3A_14] : memref<2000x128xf32, #tpu.memory_space<vmem>>, vector<2000x128xf32>
    tpu.vector_store %arg4[%swap3A_13, %swap3A_14], %mul3A_12 {strides = array<i32>} : memref<2000x128xf32, #tpu.memory_space<vmem>>, vector<2000x128xf32>,
    return
  }
  func.func @transform_0(%arg0: i32) -> (i32, i32, i32) {
    %c0_i32 = arith.constant 0 : i32
    %c0_i32_0 = arith.constant 0 : i32
    %c0_i32_1 = arith.constant 0 : i32
    return %c0_i32, %arg0, %c0_i32_0 : i32, i32, i32
  }
  func.func @transform_1(%arg0: i32) -> (i32, i32) {
    %c0_i32 = arith.constant 0 : i32
    %c0_i32_0 = arith.constant 0 : i32
    return %arg0, %c0_i32 : i32, i32
  }
  func.func @transform_2(%arg0: i32) -> (i32, i32) {
    %c0_i32 = arith.constant 0 : i32
    %c0_i32_0 = arith.constant 0 : i32
    return %arg0, %c0_i32 : i32, i32
  }
  func.func @transform_3(%arg0: i32) -> (i32, i32) {
    %c0_i32 = arith.constant 0 : i32
    %c0_i32_0 = arith.constant 0 : i32
    return %arg0, %c0_i32 : i32, i32
  }
}

module attributes {stable_mosaic.version = 14 : i64} {
  func.func @_lap_body(%arg0: i32, %arg1: memref<2x2000x128xf32, #tpu.memory_space<vmem>>, %arg2: memref<2000x128xf32, #tpu.memory_space<vmem>>, %arg3: memref<2000x1xf32, #tpu.memory_space<vmem>>, %arg4: memref<2000x128xf32, #tpu.memory_space<vmem>>, %arg5: memref<2000x128xf32, #tpu.memory_space<vmem>>) attributes {dimension_semantics = [#tpu.dimension_semantics<arbitrary>], iteration_bounds = array<i64: 5>, scalar_prefetch = 0 : i64, scratch_operands = 0 : i64, tpu.core_type = #tpu.core_type<tc>, window_params = [{transform_indices = @transform_0, window_bounds = array<i64: 2, 2000, 128>}, {transform_indices = @transform_1, window_bounds = array<i64: 2000, 128>}, {transform_indices = @transform_2, window_bounds = array<i64: 2000, 1>}, {transform_indices = @transform_3, window_bounds = array<i64: 2000, 128>}, {transform_indices = @transform_4, window_bounds = array<i64: 2000, 128>}]} {
    %get3A = arith.constant 0 : index
    %get3A_0 = arith.constant 0 : index
    %get3A_1 = arith.constant 0 : index
    %get3A_2 = vector.load %arg1[%get3A, %get3A_0, %get3A_1] : memref<2x2000x128xf32, #tpu.memory_space<vmem>>, vector<2x2000x128xf32>
    %get3A_3 = arith.constant 0 : index
    %get3A_4 = arith.constant 0 : index
    %get3A_5 = vector.load %arg3[%get3A_3, %get3A_4] : memref<2000x1xf32, #tpu.memory_space<vmem>>, vector<2000x1xf32>
    %get3A_6 = arith.constant 0 : index
    %get3A_7 = arith.constant 0 : index
    %get3A_8 = vector.load %arg2[%get3A_6, %get3A_7] : memref<2000x128xf32, #tpu.memory_space<vmem>>, vector<2000x128xf32>
    %slice3A = vector.extract_strided_slice %get3A_2 {offsets = [0, 0, 0], sizes = [1, 2000, 128], strides = [1, 1, 1]} : vector<2x2000x128xf32> to vector<1x2000x128xf32>
    %squeeze3A = vector.shape_cast %slice3A : vector<1x2000x128xf32> to vector<2000x128xf32>
    %slice3A_9 = vector.extract_strided_slice %get3A_2 {offsets = [1, 0, 0], sizes = [1, 2000, 128], strides = [1, 1, 1]} : vector<2x2000x128xf32> to vector<1x2000x128xf32>
    %squeeze3A_10 = vector.shape_cast %slice3A_9 : vector<1x2000x128xf32> to vector<2000x128xf32>
    %add3A = arith.addf %squeeze3A, %squeeze3A_10 : vector<2000x128xf32>
    %mul3A = vector.broadcast %get3A_5 : vector<2000x1xf32> to vector<2000x128xf32>
    %mul3A_11 = arith.mulf %mul3A, %add3A : vector<2000x128xf32>
    %sub3A = arith.subf %get3A_8, %mul3A_11 : vector<2000x128xf32>
    %swap3A = arith.constant 0 : index
    %swap3A_12 = arith.constant 0 : index
    %swap3A_13 = vector.load %arg4[%swap3A, %swap3A_12] : memref<2000x128xf32, #tpu.memory_space<vmem>>, vector<2000x128xf32>
    tpu.vector_store %arg4[%swap3A, %swap3A_12], %sub3A {strides = array<i32>} : memref<2000x128xf32, #tpu.memory_space<vmem>>, vector<2000x128xf32>,
    %mul3A_14 = vector.broadcast %get3A_5 : vector<2000x1xf32> to vector<2000x128xf32>
    %mul3A_15 = arith.mulf %mul3A_14, %sub3A : vector<2000x128xf32>
    %swap3A_16 = arith.constant 0 : index
    %swap3A_17 = arith.constant 0 : index
    %swap3A_18 = vector.load %arg5[%swap3A_16, %swap3A_17] : memref<2000x128xf32, #tpu.memory_space<vmem>>, vector<2000x128xf32>
    tpu.vector_store %arg5[%swap3A_16, %swap3A_17], %mul3A_15 {strides = array<i32>} : memref<2000x128xf32, #tpu.memory_space<vmem>>, vector<2000x128xf32>,
    return
  }
  func.func @transform_0(%arg0: i32) -> (i32, i32, i32) {
    %c0_i32 = arith.constant 0 : i32
    %c0_i32_0 = arith.constant 0 : i32
    %c0_i32_1 = arith.constant 0 : i32
    return %c0_i32, %arg0, %c0_i32_0 : i32, i32, i32
  }
  func.func @transform_1(%arg0: i32) -> (i32, i32) {
    %c0_i32 = arith.constant 0 : i32
    %c0_i32_0 = arith.constant 0 : i32
    return %arg0, %c0_i32 : i32, i32
  }
  func.func @transform_2(%arg0: i32) -> (i32, i32) {
    %c0_i32 = arith.constant 0 : i32
    %c0_i32_0 = arith.constant 0 : i32
    return %arg0, %c0_i32 : i32, i32
  }
  func.func @transform_3(%arg0: i32) -> (i32, i32) {
    %c0_i32 = arith.constant 0 : i32
    %c0_i32_0 = arith.constant 0 : i32
    return %arg0, %c0_i32 : i32, i32
  }
  func.func @transform_4(%arg0: i32) -> (i32, i32) {
    %c0_i32 = arith.constant 0 : i32
    %c0_i32_0 = arith.constant 0 : i32
    return %arg0, %c0_i32 : i32, i32
  }
}

module attributes {stable_mosaic.version = 14 : i64} {
  func.func @_final_body(%arg0: i32, %arg1: memref<2000x128xf32, #tpu.memory_space<vmem>>, %arg2: memref<2x2000x128xf32, #tpu.memory_space<vmem>>, %arg3: memref<2000x128xf32, #tpu.memory_space<vmem>>, %arg4: memref<2000x1xf32, #tpu.memory_space<vmem>>, %arg5: memref<2000x1xi32, #tpu.memory_space<vmem>>, %arg6: memref<384x128xf32, #tpu.memory_space<vmem>>, %arg7: memref<1x128xf32, #tpu.memory_space<vmem>>, %arg8: memref<128x128xf32, #tpu.memory_space<vmem>>, %arg9: memref<1x128xf32, #tpu.memory_space<vmem>>, %arg10: memref<128x128xf32, #tpu.memory_space<vmem>>, %arg11: memref<128x128xf32, #tpu.memory_space<vmem>>, %arg12: memref<128x1xf32, #tpu.memory_space<vmem>>) attributes {dimension_semantics = [#tpu.dimension_semantics<arbitrary>], iteration_bounds = array<i64: 5>, scalar_prefetch = 0 : i64, scratch_operands = 2 : i64, tpu.core_type = #tpu.core_type<tc>, window_params = [{transform_indices = @transform_0, window_bounds = array<i64: 2000, 128>}, {transform_indices = @transform_1, window_bounds = array<i64: 2, 2000, 128>}, {transform_indices = @transform_2, window_bounds = array<i64: 2000, 128>}, {transform_indices = @transform_3, window_bounds = array<i64: 2000, 1>}, {transform_indices = @transform_4, window_bounds = array<i64: 2000, 1>}, {pipeline_mode = #tpu.pipeline_mode<synchronous>, transform_indices = @transform_5, window_bounds = array<i64: 384, 128>}, {pipeline_mode = #tpu.pipeline_mode<synchronous>, transform_indices = @transform_6, window_bounds = array<i64: 1, 128>}, {pipeline_mode = #tpu.pipeline_mode<synchronous>, transform_indices = @transform_7, window_bounds = array<i64: 128, 128>}, {pipeline_mode = #tpu.pipeline_mode<synchronous>, transform_indices = @transform_8, window_bounds = array<i64: 1, 128>}, {pipeline_mode = #tpu.pipeline_mode<synchronous>, transform_indices = @transform_9, window_bounds = array<i64: 128, 128>}]} {
    %get3A = arith.constant 0 : index
    %get3A_0 = arith.constant 0 : index
    %get3A_1 = arith.constant 0 : index
    %get3A_2 = vector.load %arg2[%get3A, %get3A_0, %get3A_1] : memref<2x2000x128xf32, #tpu.memory_space<vmem>>, vector<2x2000x128xf32>
    %get3A_3 = arith.constant 0 : index
    %get3A_4 = arith.constant 0 : index
    %get3A_5 = vector.load %arg1[%get3A_3, %get3A_4] : memref<2000x128xf32, #tpu.memory_space<vmem>>, vector<2000x128xf32>
    %get3A_6 = arith.constant 0 : index
    %get3A_7 = arith.constant 0 : index
    %get3A_8 = vector.load %arg4[%get3A_6, %get3A_7] : memref<2000x1xf32, #tpu.memory_space<vmem>>, vector<2000x1xf32>
    %slice3A = vector.extract_strided_slice %get3A_2 {offsets = [0, 0, 0], sizes = [1, 2000, 128], strides = [1, 1, 1]} : vector<2x2000x128xf32> to vector<1x2000x128xf32>
    %squeeze3A = vector.shape_cast %slice3A : vector<1x2000x128xf32> to vector<2000x128xf32>
    %slice3A_9 = vector.extract_strided_slice %get3A_2 {offsets = [1, 0, 0], sizes = [1, 2000, 128], strides = [1, 1, 1]} : vector<2x2000x128xf32> to vector<1x2000x128xf32>
    %squeeze3A_10 = vector.shape_cast %slice3A_9 : vector<1x2000x128xf32> to vector<2000x128xf32>
    %add3A = arith.addf %squeeze3A, %squeeze3A_10 : vector<2000x128xf32>
    %mul3A = vector.broadcast %get3A_8 : vector<2000x1xf32> to vector<2000x128xf32>
    %mul3A_11 = arith.mulf %mul3A, %add3A : vector<2000x128xf32>
    %sub3A = arith.subf %get3A_5, %mul3A_11 : vector<2000x128xf32>
    %get3A_12 = arith.constant 0 : index
    %get3A_13 = arith.constant 0 : index
    %get3A_14 = vector.load %arg3[%get3A_12, %get3A_13] : memref<2000x128xf32, #tpu.memory_space<vmem>>, vector<2000x128xf32>
    %get3A_15 = arith.constant 0 : index
    %get3A_16 = arith.constant 0 : index
    %get3A_17 = vector.load %arg6[%get3A_15, %get3A_16] : memref<384x128xf32, #tpu.memory_space<vmem>>, vector<384x128xf32>
    %slice3A_18 = vector.extract_strided_slice %get3A_17 {offsets = [0, 0], sizes = [128, 128], strides = [1, 1]} : vector<384x128xf32> to vector<128x128xf32>
    %mul3A_19 = arith.constant 3.000000e+00 : f32
    %mul3A_20 = vector.broadcast %mul3A_19 : f32 to vector<128x128xf32>
    %mul3A_21 = arith.mulf %mul3A_20, %slice3A_18 : vector<128x128xf32>
    %slice3A_22 = vector.extract_strided_slice %get3A_17 {offsets = [0, 0], sizes = [128, 128], strides = [1, 1]} : vector<384x128xf32> to vector<128x128xf32>
    %mul3A_23 = arith.constant -3.000000e+00 : f32
    %mul3A_24 = vector.broadcast %mul3A_23 : f32 to vector<128x128xf32>
    %mul3A_25 = arith.mulf %mul3A_24, %slice3A_22 : vector<128x128xf32>
    %slice3A_26 = vector.extract_strided_slice %get3A_17 {offsets = [128, 0], sizes = [128, 128], strides = [1, 1]} : vector<384x128xf32> to vector<128x128xf32>
    %mul3A_27 = arith.constant 3.000000e+00 : f32
    %mul3A_28 = vector.broadcast %mul3A_27 : f32 to vector<128x128xf32>
    %mul3A_29 = arith.mulf %mul3A_28, %slice3A_26 : vector<128x128xf32>
    %add3A_30 = arith.addf %mul3A_25, %mul3A_29 : vector<128x128xf32>
    %slice3A_31 = vector.extract_strided_slice %get3A_17 {offsets = [0, 0], sizes = [128, 128], strides = [1, 1]} : vector<384x128xf32> to vector<128x128xf32>
    %mul3A_32 = arith.constant 7.500000e-01 : f32
    %mul3A_33 = vector.broadcast %mul3A_32 : f32 to vector<128x128xf32>
    %mul3A_34 = arith.mulf %mul3A_33, %slice3A_31 : vector<128x128xf32>
    %slice3A_35 = vector.extract_strided_slice %get3A_17 {offsets = [128, 0], sizes = [128, 128], strides = [1, 1]} : vector<384x128xf32> to vector<128x128xf32>
    %mul3A_36 = arith.constant 1.500000e+00 : f32
    %mul3A_37 = vector.broadcast %mul3A_36 : f32 to vector<128x128xf32>
    %mul3A_38 = arith.mulf %mul3A_37, %slice3A_35 : vector<128x128xf32>
    %sub3A_39 = arith.subf %mul3A_34, %mul3A_38 : vector<128x128xf32>
    %slice3A_40 = vector.extract_strided_slice %get3A_17 {offsets = [256, 0], sizes = [128, 128], strides = [1, 1]} : vector<384x128xf32> to vector<128x128xf32>
    %mul3A_41 = arith.constant 7.500000e-01 : f32
    %mul3A_42 = vector.broadcast %mul3A_41 : f32 to vector<128x128xf32>
    %mul3A_43 = arith.mulf %mul3A_42, %slice3A_40 : vector<128x128xf32>
    %add3A_44 = arith.addf %sub3A_39, %mul3A_43 : vector<128x128xf32>
    %dot_general3A = arith.constant dense<0.000000e+00> : vector<2000x128xf32>
    %dot_general3A_45 = tpu.matmul %get3A_14, %mul3A_21, %dot_general3A {dimension_numbers = #tpu.dot_dimension_numbers<[1], [0], [0], [1], [0, 0, 1, 1], [], []>, transpose_lhs_hint = false} : vector<2000x128xf32>, vector<128x128xf32>, vector<2000x128xf32> -> vector<2000x128xf32>
    %dot_general3A_46 = arith.constant dense<0.000000e+00> : vector<2000x128xf32>
    %dot_general3A_47 = tpu.matmul %get3A_5, %add3A_30, %dot_general3A_46 {dimension_numbers = #tpu.dot_dimension_numbers<[1], [0], [0], [1], [0, 0, 1, 1], [], []>, transpose_lhs_hint = false} : vector<2000x128xf32>, vector<128x128xf32>, vector<2000x128xf32> -> vector<2000x128xf32>
    %add3A_48 = arith.addf %dot_general3A_45, %dot_general3A_47 : vector<2000x128xf32>
    %dot_general3A_49 = arith.constant dense<0.000000e+00> : vector<2000x128xf32>
    %dot_general3A_50 = tpu.matmul %sub3A, %add3A_44, %dot_general3A_49 {dimension_numbers = #tpu.dot_dimension_numbers<[1], [0], [0], [1], [0, 0, 1, 1], [], []>, transpose_lhs_hint = false} : vector<2000x128xf32>, vector<128x128xf32>, vector<2000x128xf32> -> vector<2000x128xf32>
    %add3A_51 = arith.addf %add3A_48, %dot_general3A_50 : vector<2000x128xf32>
    %get3A_52 = arith.constant 0 : index
    %get3A_53 = arith.constant 0 : index
    %get3A_54 = vector.load %arg7[%get3A_52, %get3A_53] : memref<1x128xf32, #tpu.memory_space<vmem>>, vector<1x128xf32>
    %add3A_55 = vector.broadcast %get3A_54 : vector<1x128xf32> to vector<2000x128xf32>
    %add3A_56 = arith.addf %add3A_51, %add3A_55 : vector<2000x128xf32>
    %max3A = arith.constant 0.000000e+00 : f32
    %max3A_57 = vector.broadcast %max3A : f32 to vector<2000x128xf32>
    %max3A_58 = arith.maximumf %add3A_56, %max3A_57 : vector<2000x128xf32>
    %get3A_59 = arith.constant 0 : index
    %get3A_60 = arith.constant 0 : index
    %get3A_61 = vector.load %arg8[%get3A_59, %get3A_60] : memref<128x128xf32, #tpu.memory_space<vmem>>, vector<128x128xf32>
    %dot_general3A_62 = arith.constant dense<0.000000e+00> : vector<2000x128xf32>
    %dot_general3A_63 = tpu.matmul %max3A_58, %get3A_61, %dot_general3A_62 {dimension_numbers = #tpu.dot_dimension_numbers<[1], [0], [0], [1], [0, 0, 1, 1], [], []>, transpose_lhs_hint = false} : vector<2000x128xf32>, vector<128x128xf32>, vector<2000x128xf32> -> vector<2000x128xf32>
    %get3A_64 = arith.constant 0 : index
    %get3A_65 = arith.constant 0 : index
    %get3A_66 = vector.load %arg9[%get3A_64, %get3A_65] : memref<1x128xf32, #tpu.memory_space<vmem>>, vector<1x128xf32>
    %add3A_67 = vector.broadcast %get3A_66 : vector<1x128xf32> to vector<2000x128xf32>
    %add3A_68 = arith.addf %dot_general3A_63, %add3A_67 : vector<2000x128xf32>
    %iota3A = tpu.iota {dimensions = array<i32: 1>} : vector<1x128xi32>
    %get3A_69 = arith.constant 0 : index
    %get3A_70 = arith.constant 0 : index
    %get3A_71 = vector.load %arg5[%get3A_69, %get3A_70] : memref<2000x1xi32, #tpu.memory_space<vmem>>, vector<2000x1xi32>
    %eq3A = vector.broadcast %get3A_71 : vector<2000x1xi32> to vector<2000x128xi32>
    %eq3A_72 = vector.broadcast %iota3A : vector<1x128xi32> to vector<2000x128xi32>
    %eq3A_73 = arith.cmpi eq, %eq3A, %eq3A_72 : vector<2000x128xi32>
    %convert_element_type3A = arith.extui %eq3A_73 : vector<2000x128xi1> to vector<2000x128xi32>
    %convert_element_type3A_74 = arith.sitofp %convert_element_type3A : vector<2000x128xi32> to vector<2000x128xf32>
    %dot_general3A_75 = arith.constant dense<0.000000e+00> : vector<128x128xf32>
    %dot_general3A_76 = tpu.matmul %convert_element_type3A_74, %add3A_68, %dot_general3A_75 {dimension_numbers = #tpu.dot_dimension_numbers<[0], [0], [1], [1], [0, 1, 1, 1], [], []>, transpose_lhs_hint = false} : vector<2000x128xf32>, vector<2000x128xf32>, vector<128x128xf32> -> vector<128x128xf32>
    %broadcast_in_dim3A = arith.constant 1.000000e+00 : f32
    %broadcast_in_dim3A_77 = vector.broadcast %broadcast_in_dim3A : f32 to vector<2000x1xf32>
    %dot_general3A_78 = arith.constant dense<0.000000e+00> : vector<128x1xf32>
    %dot_general3A_79 = tpu.matmul %convert_element_type3A_74, %broadcast_in_dim3A_77, %dot_general3A_78 {dimension_numbers = #tpu.dot_dimension_numbers<[0], [0], [1], [1], [0, 1, 1, 1], [], []>, transpose_lhs_hint = false} : vector<2000x128xf32>, vector<2000x1xf32>, vector<128x1xf32> -> vector<128x1xf32>
    %eq3A_80 = arith.constant 0 : i32
    %eq3A_81 = arith.cmpi eq, %arg0, %eq3A_80 : i32
    %convert_element_type3A_82 = arith.extui %eq3A_81 : i1 to i32
    %cond3A = arith.constant 0 : i32
    %cond3A_83 = arith.cmpi ne, %convert_element_type3A_82, %cond3A : i32
    scf.if %cond3A_83 {
      %broadcast_in_dim3A_102 = arith.constant 0.000000e+00 : f32
      %broadcast_in_dim3A_103 = vector.broadcast %broadcast_in_dim3A_102 : f32 to vector<128x128xf32>
      %swap3A_104 = arith.constant 0 : index
      %swap3A_105 = arith.constant 0 : index
      %swap3A_106 = vector.load %arg11[%swap3A_104, %swap3A_105] : memref<128x128xf32, #tpu.memory_space<vmem>>, vector<128x128xf32>
      tpu.vector_store %arg11[%swap3A_104, %swap3A_105], %broadcast_in_dim3A_103 {strides = array<i32>} : memref<128x128xf32, #tpu.memory_space<vmem>>, vector<128x128xf32>,
      %broadcast_in_dim3A_107 = arith.constant 0.000000e+00 : f32
      %broadcast_in_dim3A_108 = vector.broadcast %broadcast_in_dim3A_107 : f32 to vector<128x1xf32>
      %swap3A_109 = arith.constant 0 : index
      %swap3A_110 = arith.constant 0 : index
      %swap3A_111 = vector.load %arg12[%swap3A_109, %swap3A_110] : memref<128x1xf32, #tpu.memory_space<vmem>>, vector<128x1xf32>
      tpu.vector_store %arg12[%swap3A_109, %swap3A_110], %broadcast_in_dim3A_108 {strides = array<i32>} : memref<128x1xf32, #tpu.memory_space<vmem>>, vector<128x1xf32>,
    } else {
    }
    %get3A_84 = arith.constant 0 : index
    %get3A_85 = arith.constant 0 : index
    %get3A_86 = vector.load %arg11[%get3A_84, %get3A_85] : memref<128x128xf32, #tpu.memory_space<vmem>>, vector<128x128xf32>
    %add3A_87 = arith.addf %get3A_86, %dot_general3A_76 : vector<128x128xf32>
    %swap3A = arith.constant 0 : index
    %swap3A_88 = arith.constant 0 : index
    %swap3A_89 = vector.load %arg11[%swap3A, %swap3A_88] : memref<128x128xf32, #tpu.memory_space<vmem>>, vector<128x128xf32>
    tpu.vector_store %arg11[%swap3A, %swap3A_88], %add3A_87 {strides = array<i32>} : memref<128x128xf32, #tpu.memory_space<vmem>>, vector<128x128xf32>,
    %get3A_90 = arith.constant 0 : index
    %get3A_91 = arith.constant 0 : index
    %get3A_92 = vector.load %arg12[%get3A_90, %get3A_91] : memref<128x1xf32, #tpu.memory_space<vmem>>, vector<128x1xf32>
    %add3A_93 = arith.addf %get3A_92, %dot_general3A_79 : vector<128x1xf32>
    %swap3A_94 = arith.constant 0 : index
    %swap3A_95 = arith.constant 0 : index
    %swap3A_96 = vector.load %arg12[%swap3A_94, %swap3A_95] : memref<128x1xf32, #tpu.memory_space<vmem>>, vector<128x1xf32>
    tpu.vector_store %arg12[%swap3A_94, %swap3A_95], %add3A_93 {strides = array<i32>} : memref<128x1xf32, #tpu.memory_space<vmem>>, vector<128x1xf32>,
    %eq3A_97 = arith.constant 4 : i32
    %eq3A_98 = arith.cmpi eq, %arg0, %eq3A_97 : i32
    %convert_element_type3A_99 = arith.extui %eq3A_98 : i1 to i32
    %cond3A_100 = arith.constant 0 : i32
    %cond3A_101 = arith.cmpi ne, %convert_element_type3A_99, %cond3A_100 : i32
    scf.if %cond3A_101 {
      %get3A_102 = arith.constant 0 : index
      %get3A_103 = arith.constant 0 : index
      %get3A_104 = vector.load %arg11[%get3A_102, %get3A_103] : memref<128x128xf32, #tpu.memory_space<vmem>>, vector<128x128xf32>
      %get3A_105 = arith.constant 0 : index
      %get3A_106 = arith.constant 0 : index
      %get3A_107 = vector.load %arg12[%get3A_105, %get3A_106] : memref<128x1xf32, #tpu.memory_space<vmem>>, vector<128x1xf32>
      %max3A_108 = arith.constant 1.000000e+00 : f32
      %max3A_109 = vector.broadcast %max3A_108 : f32 to vector<128x1xf32>
      %max3A_110 = arith.maximumf %get3A_107, %max3A_109 : vector<128x1xf32>
      %div3A = vector.broadcast %max3A_110 : vector<128x1xf32> to vector<128x128xf32>
      %div3A_111 = arith.divf %get3A_104, %div3A : vector<128x128xf32>
      %swap3A_112 = arith.constant 0 : index
      %swap3A_113 = arith.constant 0 : index
      %swap3A_114 = vector.load %arg10[%swap3A_112, %swap3A_113] : memref<128x128xf32, #tpu.memory_space<vmem>>, vector<128x128xf32>
      tpu.vector_store %arg10[%swap3A_112, %swap3A_113], %div3A_111 {strides = array<i32>} : memref<128x128xf32, #tpu.memory_space<vmem>>, vector<128x128xf32>,
    } else {
    }
    return
  }
  func.func @transform_0(%arg0: i32) -> (i32, i32) {
    %c0_i32 = arith.constant 0 : i32
    %c0_i32_0 = arith.constant 0 : i32
    return %arg0, %c0_i32 : i32, i32
  }
  func.func @transform_1(%arg0: i32) -> (i32, i32, i32) {
    %c0_i32 = arith.constant 0 : i32
    %c0_i32_0 = arith.constant 0 : i32
    %c0_i32_1 = arith.constant 0 : i32
    return %c0_i32, %arg0, %c0_i32_0 : i32, i32, i32
  }
  func.func @transform_2(%arg0: i32) -> (i32, i32) {
    %c0_i32 = arith.constant 0 : i32
    %c0_i32_0 = arith.constant 0 : i32
    return %arg0, %c0_i32 : i32, i32
  }
  func.func @transform_3(%arg0: i32) -> (i32, i32) {
    %c0_i32 = arith.constant 0 : i32
    %c0_i32_0 = arith.constant 0 : i32
    return %arg0, %c0_i32 : i32, i32
  }
  func.func @transform_4(%arg0: i32) -> (i32, i32) {
    %c0_i32 = arith.constant 0 : i32
    %c0_i32_0 = arith.constant 0 : i32
    return %arg0, %c0_i32 : i32, i32
  }
  func.func @transform_5(%arg0: i32) -> (i32, i32) {
    %c0_i32 = arith.constant 0 : i32
    %c0_i32_0 = arith.constant 0 : i32
    %c0_i32_1 = arith.constant 0 : i32
    return %c0_i32, %c0_i32_0 : i32, i32
  }
  func.func @transform_6(%arg0: i32) -> (i32, i32) {
    %c0_i32 = arith.constant 0 : i32
    %c0_i32_0 = arith.constant 0 : i32
    %c0_i32_1 = arith.constant 0 : i32
    return %c0_i32, %c0_i32_0 : i32, i32
  }
  func.func @transform_7(%arg0: i32) -> (i32, i32) {
    %c0_i32 = arith.constant 0 : i32
    %c0_i32_0 = arith.constant 0 : i32
    %c0_i32_1 = arith.constant 0 : i32
    return %c0_i32, %c0_i32_0 : i32, i32
  }
  func.func @transform_8(%arg0: i32) -> (i32, i32) {
    %c0_i32 = arith.constant 0 : i32
    %c0_i32_0 = arith.constant 0 : i32
    %c0_i32_1 = arith.constant 0 : i32
    return %c0_i32, %c0_i32_0 : i32, i32
  }
  func.func @transform_9(%arg0: i32) -> (i32, i32) {
    %c0_i32 = arith.constant 0 : i32
    %c0_i32_0 = arith.constant 0 : i32
    %c0_i32_1 = arith.constant 0 : i32
    return %c0_i32, %c0_i32_0 : i32, i32
  }
}

</mosaic_0001>

<sc_bundles>
// kernel: kernel.12.cloned.1.call-start
scs
__scs_entry_jumppad:
0x0: {  	(pc) =	sbr.rel $0x88, $3  }
0x1: {  	(tag) =	ssettag $0x0;
	lr =	simm.s32 $0x1  }
0x2: {  	[smem:$0x3F96] =	sst lr;
	_ =	strace $0xD0000000  }
0x3: {  	_ = 	snop  }
0x4: {  	_ = 	snop  }
0x5: {  	_ = 	snop  }
0x6: {  	_ = 	snop  }
0x7: {  	_ = 	snop  }
__scs_overlays_trampoline_lowered:
0x8: {  	[smem:$0x3FA5] =	sst s0  }
0x9: {  	[smem:$0x3FA6] =	sst s1  }
0xa: {  	[smem:$0x3FA7] =	sst s2  }
0xb: {  	[smem:$0x3FA8] =	sst s3  }
0xc: {  	[smem:$0x3FA9] =	sst s4  }
0xd: {  	[smem:$0x3FAA] =	sst s5  }
0xe: {  	[smem:$0x3FAB] =	sst s6  }
0xf: {  	[smem:$0x3FAC] =	sst s7  }
0x10: {  	[smem:$0x3FAD] =	sst s8  }
0x11: {  	[smem:$0x3FAE] =	sst s9;
	s0 =	simm.s32 @!p0 $0x0  }
0x12: {  	s1 =	sld [smem:$0x3F94];
	s0 =	simm.s32 @p0 $0x1  }
0x13: {  	[smem:$0x3FAF] =	sst s0;
	s0 =	simm.s32 @!p1 $0x0  }
0x14: {  	s2 =	sld [smem:$0x3F93];
	s0 =	simm.s32 @p1 $0x1  }
0x15: {  	[smem:$0x3FB0] =	sst s0;
	s0 =	simm.s32 @!p2 $0x0  }
0x16: {  	s3 =	sld [smem:$0x3FDB];
	s0 =	simm.s32 @p2 $0x1  }
0x17: {  	s4 =	simm.s32 $0x1BF5;
	[smem:$0x3FB2] =	sst s0  }
0x18: {  	s0 =	sld [smem:$0x3F95];
	_ =	swait.ge [sflag:s4], $0x0  }
0x19: {  	s7 =	sld [smem:$0x3F96]  }
0x1a: {  	s8 =	sadd.s32 $0xFFFFE003, lr  }
0x1b: {  	s9 =	sadd.s32 $0xFFFFFEF7, lr;
	s5 =	simm.s32 $0xFFFFFFFF;
	p2 =	slt.u32 s8, $0xFFFFF086  }
0x1c: {  	p1 =	slt.u32 s9, $0xF7A;
	s5 =	simm.s32 @!p2 $0x0  }
0x1d: {  	s5 =	simm.s32 @p1 $0x1;
	p0 =	seq.s32 s7, s2  }
0x1e: {  	s7 =	smul.u32 @!p0 $0xF7A, s2;
	p2 =	seq.s32 @!p0 s5, $0x0  }
0x1f: {  	s9 =	smul.u32 $0xF7A, s1;
	s8 =	simm.s32 @!p0 $0x1BF5;
	p2 =	por !p2, p0  }
0x20: {  	[sflag:s8] =	ssyncset.s32 @!p0 $0xFFFFF086;
	s6 =	sadd.s32 @!p0 s3, s7;
	s7 =	simm.s32 @!p0 $0x108  }
0x21: {  	s3 =	sadd.s32 s3, s9;
	s6 =	sadd.s32 @!p0 $0x88, s6;
	s7 =	simm.s32 @p2 $0x1082  }
0x22: {  	[simem:s7], [sflag:s8] =	dma.local @!p0 [hbm:s6], $0xF7A  }
0x23: {  	s9 =	sor.u32 $0xD0000000, s2;
	s6 =	simm.s32 $0x108;
	_ =	swait.ge @!p0 [sflag:s8], $0x0  }
0x24: {  	s3 =	sadd.s32 $0x88, s3;
	s6 =	simm.s32 @!p1 $0x1082;
	[sflag:s4] =	ssyncset.s32 $0xFFFFF086  }
0x25: {  	[simem:s6], [sflag:s4] =	dma.local [hbm:s3], $0xF7A  }
0x26: {  	[smem:$0x3F96] =	sst s1;
	(tag) =	ssettag s2;
	_ =	strace s9  }
0x27: {  	s1 =	sld [smem:$0x3FA6]  }
0x28: {  	s2 =	sld [smem:$0x3FA7]  }
0x29: {  	s4 =	sld [smem:$0x3FA9]  }
0x2a: {  	p0 =	seq.s32 s5, $0x0;
	s5 =	sld [smem:$0x3FAA]  }
0x2b: {  	s6 =	sld [smem:$0x3FAB]  }
0x2c: {  	s7 =	sld [smem:$0x3FAC]  }
0x2d: {  	s3 =	simm.s32 $0x108;
	s8 =	sld [smem:$0x3FAD]  }
0x2e: {  	s3 =	simm.s32 @!p0 $0x1082;
	s9 =	sld [smem:$0x3FAE]  }
0x2f: {  	lr =	sadd.s32 s0, s3;
	s0 =	sld [smem:$0x3FA5]  }
0x30: {  	s3 =	sld [smem:$0x3FA8]  }
0x31: {  	[smem:$0x3FB1] =	sst s10  }
0x32: {  	s10 =	sld [smem:$0x3FAF];
	_ =	sdelay $0x3  }
0x33: {  	p0 =	seq.s32 s10, $0x1;
	s10 =	sld [smem:$0x3FB1];
	_ =	sdelay $0x3  }
0x34: {  	[smem:$0x3FB1] =	sst s10  }
0x35: {  	s10 =	sld [smem:$0x3FB0];
	_ =	sdelay $0x3  }
0x36: {  	p1 =	seq.s32 s10, $0x1;
	s10 =	sld [smem:$0x3FB1];
	_ =	sdelay $0x3  }
0x37: {  	[smem:$0x3FB1] =	sst s10  }
0x38: {  	s10 =	sld [smem:$0x3FB2]  }
0x39: {  	_ = 	snop;
	(pc) =	sbr.ind lr, $3  }
0x3a: {  	_ = 	snop  }
0x3b: {  	_ = 	snop  }
0x3c: {  	p2 =	seq.s32 s10, $0x1;
	s10 =	sld [smem:$0x3FB1]  }
0x3d: {  	_ =	shalt  }
0x3e: {  	_ =	shalt  }
0x3f: {  	_ =	shalt  }
0x40: {  	_ =	shalt  }
0x41: {  	_ =	shalt  }
0x42: {  	_ =	shalt  }
0x43: {  	_ =	shalt  }
0x44: {  	_ =	shalt  }
0x45: {  	_ =	shalt  }
0x46: {  	_ =	shalt  }
0x47: {  	_ =	shalt  }
0x48: {  	_ =	shalt  }
0x49: {  	_ =	shalt  }
0x4a: {  	_ =	shalt  }
0x4b: {  	_ =	shalt  }
0x4c: {  	_ =	shalt  }
0x4d: {  	_ =	shalt  }
0x4e: {  	_ =	shalt  }
0x4f: {  	_ =	shalt  }
0x50: {  	_ =	shalt  }
0x51: {  	_ =	shalt  }
0x52: {  	_ =	shalt  }
0x53: {  	_ =	shalt  }
0x54: {  	_ =	shalt  }
0x55: {  	_ =	shalt  }
0x56: {  	_ =	shalt  }
0x57: {  	_ =	shalt  }
0x58: {  	_ =	shalt  }
0x59: {  	_ =	shalt  }
0x5a: {  	_ =	shalt  }
0x5b: {  	_ =	shalt  }
0x5c: {  	_ =	shalt  }
0x5d: {  	_ =	shalt  }
0x5e: {  	_ =	shalt  }
0x5f: {  	_ =	shalt  }
0x60: {  	_ =	shalt  }
0x61: {  	_ =	shalt  }
0x62: {  	_ =	shalt  }
0x63: {  	_ =	shalt  }
0x64: {  	_ =	shalt  }
0x65: {  	_ =	shalt  }
0x66: {  	_ =	shalt  }
0x67: {  	_ =	shalt  }
0x68: {  	_ =	shalt  }
0x69: {  	_ =	shalt  }
0x6a: {  	_ =	shalt  }
0x6b: {  	_ =	shalt  }
0x6c: {  	_ =	shalt  }
0x6d: {  	_ =	shalt  }
0x6e: {  	_ =	shalt  }
0x6f: {  	_ =	shalt  }
0x70: {  	_ =	shalt  }
0x71: {  	_ =	shalt  }
0x72: {  	_ =	shalt  }
0x73: {  	_ =	shalt  }
0x74: {  	_ =	shalt  }
0x75: {  	_ =	shalt  }
0x76: {  	_ =	shalt  }
0x77: {  	_ =	shalt  }
0x78: {  	_ =	shalt  }
0x79: {  	_ =	shalt  }
0x7a: {  	_ =	shalt  }
0x7b: {  	_ =	shalt  }
0x7c: {  	_ =	shalt  }
0x7d: {  	_ =	shalt  }
0x7e: {  	_ =	shalt  }
0x7f: {  	_ =	shalt  }
0x80: {  	_ =	shalt  }
0x81: {  	_ =	shalt  }
0x82: {  	_ =	shalt  }
0x83: {  	_ =	shalt  }
0x84: {  	_ =	shalt  }
0x85: {  	_ =	shalt  }
0x86: {  	_ =	shalt  }
0x87: {  	_ =	shalt  }
.Lfunc_end0:
.L_simem_size_0:
called_computation.1_lowered:
.L_overlay_start_0:
0x88: {  	s2 =	sld [smem:$0x3FD9]  }
0x89: {  	s3 =	sld [smem:$0x3FFE];
	_ =	sdelay $0x1  }
0x8a: {  	s1 =	srdreg.scid  }
0x8b: {  	s0 =	sand.u32 $0x1, s1  }
0x8c: {  	s16 =	sshll.u32 s0, $0xA;
	s2 =	sadd.s32 s3, s2  }
0x8d: {  	s2 =	sadd.s32 s2, s16  }
0x8e: {  	[smem:$0x3FBD] =	sst s2  }
0x8f: {  	_ = 	snop  }
0x90: {  	(tm) =	ssettm $0x1  }
0x91: {  	s17 =	sld [smem:$0x3FFB];
	_ =	sdelay $0x3  }
0x92: {  	_ =	strace s17  }
0x93: {  	s2 =	sld [smem:$0x3FFC];
	_ =	sdelay $0x3  }
0x94: {  	_ =	strace s2  }
0x95: {  	s2 =	sld [smem:$0x3FFD];
	_ =	sdelay $0x3  }
0x96: {  	_ =	strace s2  }
0x97: {  	_ =	strace $0x8FFFFFFF  }
0x98: {  	s18 =	sld [smem:$0x3FDB];
	_ =	sdelay $0x1  }
0x99: {  	s19 =	simm.s32 $_scs_section_size  }
0x9a: {  	s4 =	simm.s32 $_size__tile_overlayer_lowered;
	s5 =	simm.s32 $_tile_overlayer_lowered  }
0x9b: {  	s22 =	simm.s32 $0x1BFF;
	s21 =	sshll.u32 s5, $0x1;
	s2 =	sadd.s32 s19, s18  }
0x9c: {  	s6 =	simm.s32 $0x0;
	s20 =	sshll.u32 s4, $0x1;
	s4 =	sadd.s32 s21, s2  }
0x9d: {  	[timem:s6], [sflag:s22] =	dma.local [hbm:s4], s20  }
0x9e: {  	_ =	swait.ge [sflag:s22], s20  }
0x9f: {  	s3 =	ssub.s32 $0x0, s20;
	[sflag:s22] =	ssyncset.done $0x0  }
0xa0: {  	[sflag:s22] =	ssyncadd.s32 s3;
	_ =	sdelay $0x1  }
0xa1: {  	s23 =	simm.s32 $0x1B8B  }
0xa2: {  	_ =	swait.ge [sflag:s23], $0x1  }
0xa3: {  	[sflag:s23] =	ssyncset.done $0x0  }
0xa4: {  	s25 =	simm.s32 $0x1B8E;
	s24 =	sld [smem:$0x3FFE];
	[sflag:s23] =	ssyncadd.s32 $0xFFFFFFFF  }
0xa5: {  	s26 =	simm.s32 $execute0_lowered;
	[smem:$0x3FD2] =	sst s25  }
0xa6: {  	s4 =	sshll.u32 s26, $0x1;
	_ =	strace $0x80000049;
	[dreg:$0x1] =	wrdreg $0xFFFFFFFF  }
0xa7: {  	s28 =	simm.s32 $_size_execute0_lowered;
	s2 =	sadd.s32 s2, s4;
	[dreg:$0x0] =	wrdreg $0x0  }
0xa8: {  	s4 =	sshll.u32 s28, $0x1;
	[dreg:$0x2] =	wrdreg s2  }
0xa9: {  	[dreg:$0x3] =	wrdreg s4  }
0xaa: {  	[dreg:$0x4] =	wrdreg $0xC0  }
0xab: {  	_ =	task [dreg:s6], $0x5FFFF  }
0xac: {  	[dreg:$0x1] =	wrdreg $0xFFFFFFFF  }
0xad: {  	[dreg:$0x0] =	wrdreg $0x60  }
0xae: {  	[dreg:$0x2] =	wrdreg s24  }
0xaf: {  	[dreg:$0x3] =	wrdreg $0x84000  }
0xb0: {  	[dreg:$0x4] =	wrdreg $0x9  }
0xb1: {  	_ =	task.clear_ibuf [dreg:s6], $0x5FFFF;
	_ =	strace $0x90000049  }
0xb2: {  	s29 =	simm.s32 $0x9;
	_ =	strace $0x8000004B  }
0xb3: {  	_ =	swait.ge [sflag:s29], $0x1  }
0xb4: {  	[sflag:s29] =	ssyncadd.s32 $0xFFFFFFFF  }
0xb5: {  	_ =	strace $0x9000004B  }
0xb6: {  	_ =	sfence  }
0xb7: {  	s30 =	sld [smem:$0x0];
	_ =	sdelay $0x2  }
0xb8: {  	s31 =	sshll.u32 s1, $0xD;
	s1 =	sshrl.u32 s1, $0x2  }
0xb9: {  	s3 =	sand.u32 $0x4000, s31;
	s1 =	sadd.s32 s1, s30  }
0xba: {  	s0 =	sor.u32 s3, s0;
	s1 =	sshll.u32 s1, $0x11  }
0xbb: {  	s0 =	sor.u32 s1, s0  }
0xbc: {  	s0 =	sadd.s32 $0x8F2B, s0  }
0xbd: {  	[sflag:s0] =	ssyncadd.remote.s32 $0x1  }
0xbe: {  	_ =	sfence.sel $0xFFFF  }
0xbf: {  	[dreg:$0x0] =	wrdreg $0xFFFFFFFF;
	(pc) =	sbr.abs _section_cstart, $3  }
0xc0: {  	[dreg:$0x1] =	wrdreg $0xFFFFFFFF  }
0xc1: {  	_ =	task.clear_ibuf [dreg:s6], $0x2FFFF;
	_ =	strace $0x9FFFFFFF  }
0xc2: {  	(tm) =	ssettm $0x7FFFFFFF  }
0xc3: {  	_ =	shalt  }
tec
execute0_lowered:
.L_overlay_start_1:
0x0: {  	(tag) =	ssettag $0x1  }
0x1: {  	s0 =	rddreg [dreg:$0x0]  }
0x2: {  	s1 =	rddreg [dreg:$0x1]  }
0x3: {  	s3 =	simm.s32 $0x0;
	s2 =	srdreg.scid;
	s8 =	stileid.u32  }
0x4: {  	s20 =	simm.s32 $0x400;
	s21 =	simm.s32 $0x7;
	s22 =	simm.s32 $0x100  }
0x5: {  	s28 =	simm.s32 $0x2;
	[smem:$0x7FF] =	sst s3;
	s4 =	smul.u32 $0x9C, s8  }
0x6: {  	s2 =	sand.u32 $0x1, s2;
	s5 =	sshll.u32 s8, $0x2;
	s7 =	smul.u32 $0x14000, s8  }
0x7: {  	s24 =	smul.u32 $0x50000, s8;
	p0 =	seq.s32 s2, $0x0;
	s5 =	sor.u32 $0x9C0, s5  }
0x8: {  	s6 =	smul.u32 $0x140000, s2;
	_ =	strace $0x8000004A;
	s2 =	ssub.s32 $0x2, s2  }
0x9: {  	s5 =	smov.u32 @p0 s4;
	s4 =	sadd.s32 $0x21200, s0;
	s25 =	sshrl.u32 s2, $0x1  }
0xa: {  	s5 =	sshll.u32 s5, $0x5;
	s23 =	sadd.s32 s7, s6;
	s2 =	ssub.s32 s2, s25  }
0xb: {  	s6 =	sshrl.u32 s24, $0x2;
	s25 =	simm.s32 $0x1;
	s19 =	sadd.s32 s5, s0  }
0xc: {  	s5 =	sshrl.u32 s23, $0x3;
	s6 =	sadd.s32 s6, s1;
	s14 =	smax.u32 s2, $0x1  }
0xd: {  	s0 =	sadd.s32 s5, s0;
	s5 =	simm.s32 $0x9C;
	s26 =	sadd.s32 $0xD200, s19  }
0xe: {  	s29 =	sadd.s32 $0xD220, s19;
	s30 =	sadd.s32 $0xD240, s19;
	s31 =	sadd.s32 $0xD260, s19  }
0xf: {  	s15 =	sadd.s32 $0x4000, s6;
	s16 =	sadd.s32 $0x8000, s6;
	[dreg:$0x5] =	wrdreg s26  }
0x10: {  	s17 =	sadd.s32 $0xC000, s6;
	s18 =	sadd.s32 $0x10000, s6;
	[dreg:$0x6] =	wrdreg s29  }
0x11: {  	s19 =	sadd.s32 $0xD280, s19;
	s5 =	simm.s32 @!p0 $0x4;
	[dreg:$0x7] =	wrdreg s30  }
0x12: {  	[dreg:$0x8] =	wrdreg s31;
	s26 =	simm.s32 $0x80;
	s12 =	sadd.s32 $0xFFFFFFFE, s5  }
0x13: {  	s11 =	sshrl.u32 s5, $0x2;
	s13 =	sadd.s32 $0xFFFFFFFD, s5;
	[dreg:$0x3] =	wrdreg s12  }
0x14: {  	v0 =	vimm.f32 $0.0e+00;
	s12 =	sadd.s32 $0xFFFFFFFC, s5;
	[dreg:$0x4] =	wrdreg s13;
	s13 =	sadd.s32 $0x48400, s0  }
.LBB2_1:
0x15: {  	s0 =	simm.s32 $0x0;
	s2 =	simm.s32 $0x200  }
.LBB2_2:
0x16: {  	p0 =	sne.s32 s2, $0xFE00;
	[tilespmem:s0+$0x470] =	vst v0  }
0x17: {  	[tilespmem:s0+$0x400] =	vst v0  }
0x18: {  	[tilespmem:s0+$0x410] =	vst v0  }
.Ltmp0:
0x19: {  	[tilespmem:s0+$0x420] =	vst v0;
	(pc) =	sbr.rel @p0 .LBB2_2-.Ltmp0, $4  }
0x1a: {  	[tilespmem:s0+$0x430] =	vst v0  }
0x1b: {  	[tilespmem:s0+$0x440] =	vst v0  }
0x1c: {  	[tilespmem:s0+$0x450] =	vst v0  }
0x1d: {  	[tilespmem:s0+$0x460] =	vst v0;
	s0 =	sshra.s32 s2, $0x2;
	s2 =	sadd.s32 $0x200, s2  }
0x1e: {  	[tilespmem:s0+$0x470] =	vst v0  }
0x1f: {  	[tilespmem:s0+$0x400] =	vst v0  }
0x20: {  	[tilespmem:s0+$0x410] =	vst v0  }
0x21: {  	[tilespmem:s0+$0x420] =	vst v0  }
0x22: {  	[tilespmem:s0+$0x430] =	vst v0  }
0x23: {  	[tilespmem:s0+$0x440] =	vst v0  }
0x24: {  	[tilespmem:s0+$0x450] =	vst v0  }
0x25: {  	[tilespmem:s0+$0x460] =	vst v0  }
0x26: {  	[spmem:s6] =	stream.linear.scatter [tilespmem:s20], [sflag:$0x7], $0x4000, $0x38;
	[tilespmem:$0x1C400] =	vst v63  }
0x27: {  	_ =	swait.ge [sflag:s21], $0x4000  }
0x28: {  	[sflag:s21] =	ssyncset.done $0x0  }
0x29: {  	[sflag:s21] =	ssyncadd.s32 $0xFFFFC000  }
0x2a: {  	[spmem:s15] =	stream.linear.scatter [tilespmem:s20], [sflag:$0x7], $0x4000, $0x38;
	[tilespmem:$0x1C400] =	vst v63  }
0x2b: {  	_ =	swait.ge [sflag:s21], $0x4000  }
0x2c: {  	[sflag:s21] =	ssyncset.done $0x0  }
0x2d: {  	[sflag:s21] =	ssyncadd.s32 $0xFFFFC000  }
0x2e: {  	[spmem:s16] =	stream.linear.scatter [tilespmem:s20], [sflag:$0x7], $0x4000, $0x38;
	[tilespmem:$0x1C400] =	vst v63  }
0x2f: {  	_ =	swait.ge [sflag:s21], $0x4000  }
0x30: {  	[sflag:s21] =	ssyncset.done $0x0  }
0x31: {  	[sflag:s21] =	ssyncadd.s32 $0xFFFFC000  }
0x32: {  	[spmem:s17] =	stream.linear.scatter [tilespmem:s20], [sflag:$0x7], $0x4000, $0x38;
	[tilespmem:$0x1C400] =	vst v63  }
0x33: {  	_ =	swait.ge [sflag:s21], $0x4000  }
0x34: {  	[sflag:s21] =	ssyncset.done $0x0  }
0x35: {  	[sflag:s21] =	ssyncadd.s32 $0xFFFFC000  }
0x36: {  	[spmem:s18] =	stream.linear.scatter [tilespmem:s20], [sflag:$0x7], $0x4000, $0x38;
	[tilespmem:$0x1C400] =	vst v63  }
0x37: {  	_ =	swait.ge [sflag:s21], $0x4000  }
0x38: {  	[sflag:s21] =	ssyncset.done $0x0  }
0x39: {  	s0 =	simm.s32 $0x0;
	s2 =	rddreg [dreg:$0x5];
	[sflag:s21] =	ssyncadd.s32 $0xFFFFC000  }
0x3a: {  	[tilespmem:s0], [sflag:$0x1] =	stream.linear.gather [hbm4b:s2+s0], $0x100, $0x38;
	[tilespmem:$0x1C400] =	vst v63  }
0x3b: {  	s10 =	rddreg [dreg:$0x6]  }
0x3c: {  	[tilespmem:s22], [sflag:$0x2] =	stream.linear.gather [hbm4b:s10+s0], $0x100, $0x38;
	[tilespmem:$0x1C400] =	vst v63  }
0x3d: {  	s7 =	simm.s32 $0x200;
	s23 =	rddreg [dreg:$0x7]  }
0x3e: {  	[tilespmem:s7], [sflag:$0x3] =	stream.linear.gather [hbm4b:s23+s0], $0x100, $0x38;
	[tilespmem:$0x1C400] =	vst v63  }
0x3f: {  	s29 =	simm.s32 $0x300;
	s24 =	rddreg [dreg:$0x8]  }
0x40: {  	[tilespmem:s29], [sflag:$0x4] =	stream.linear.gather [hbm4b:s24+s0], $0x100, $0x38;
	[tilespmem:$0x1C400] =	vst v63  }
0x41: {  	[bflag:$0x0] =	sbarrier.arrive $0xFFFF  }
0x42: {  	_ =	swait.ge [sflag:s25], $0x100  }
0x43: {  	s23 =	sadd.s32 $0xFFFFFFFF, s11;
	[sflag:s25] =	ssyncset.done $0x0  }
0x44: {  	p2 =	sne.s32 s23, $0x0;
	[sflag:s25] =	ssyncadd.s32 $0xFFFFFF00  }
0x45: {  	[tilespmem:s20], [sflag:$0x5] =	stream.indirect.gather [hbm4b:s4+s26], $0x80, s0, s26, $0xb8;
	[tilespmem:$0x1C400] =	vst v63  }
.Ltmp1:
0x46: {  	s30 =	simm.s32 $0x4400;
	p0 =	sle.u32 s5, $0x0;
	(pc) =	sbr.rel @!p2 .LBB2_4-.Ltmp1, $4  }
0x47: {  	s31 =	simm.s32 $0x4;
	p1 =	sle.u32 @!p0 s12, $0x0;
	_ =	swait.ge [sflag:s28], $0x100  }
0x48: {  	p3 =	por p1, p0;
	p1 =	por p0, p0;
	[sflag:s28] =	ssyncset.done $0x0  }
0x49: {  	p0 =	por p3, p3;
	p3 =	por $0x0, $0x0;
	[sflag:s28] =	ssyncadd.s32 $0xFFFFFF00  }
0x4a: {  	[tilespmem:s30], [sflag:$0x6] =	stream.indirect.gather [hbm4b:s4+s26], $0x80, s22, s26, $0xb8;
	[tilespmem:$0x1C400] =	vst v63  }
0x4b: {  	s0 =	simm.s32 @!p1 $0x5  }
0x4c: {  	_ =	swait.ge @!p1 [sflag:s0], $0x4000  }
0x4d: {  	s2 =	simm.s32 @!p1 $0x7;
	[sflag:s0] =	ssyncset.done @!p1 $0x0  }
0x4e: {  	s24 =	simm.s32 @!p1 $0x400;
	[sflag:s0] =	ssyncadd.s32 @!p1 $0xFFFFC000;
	s0 =	simm.s32 @!p1 $0x80  }
0x4f: {  	[spmem:s1] =	stream.indirect.scatter.add.f32 @!p1 [tilespmem:s24], [sflag:$0x7], $0x80, s0, s0, $0xb8;
	[tilespmem:$0x1C400] =	vst v63  }
0x50: {  	_ =	swait.ge @!p1 [sflag:s2], $0x4000  }
0x51: {  	s0 =	rddreg [dreg:$0x3]  }
0x52: {  	p2 =	sle.u32 @!p1 s0, $0x0  }
0x53: {  	[sflag:s2] =	ssyncset.done @!p1 $0x0;
	p2 =	por p2, p1  }
0x54: {  	[sflag:s2] =	ssyncadd.s32 @!p1 $0xFFFFC000;
	s0 =	simm.s32 @!p2 $0x3  }
0x55: {  	_ =	swait.ge @!p2 [sflag:s0], $0x100  }
0x56: {  	s2 =	simm.s32 @!p2 $0x400;
	[sflag:s0] =	ssyncset.done @!p2 $0x0  }
0x57: {  	s24 =	simm.s32 @!p2 $0x200;
	[sflag:s0] =	ssyncadd.s32 @!p2 $0xFFFFFF00;
	s0 =	simm.s32 @!p2 $0x80  }
0x58: {  	[tilespmem:s2], [sflag:$0x5] =	stream.indirect.gather @!p2 [hbm4b:s4+s0], $0x80, s24, s0, $0xb8;
	[tilespmem:$0x1C400] =	vst v63  }
0x59: {  	p1 =	sle.u32 s5, $0x1;
	s0 =	simm.s32 @!p0 $0x0  }
0x5a: {  	[tilespmem:s0], [sflag:$0x1] =	stream.linear.gather @!p0 [hbm4b:s19+s0], $0x100, $0x38;
	[tilespmem:$0x1C400] =	vst v63  }
0x5b: {  	s0 =	simm.s32 @!p1 $0x6  }
0x5c: {  	_ =	swait.ge @!p1 [sflag:s0], $0x4000  }
0x5d: {  	s29 =	simm.s32 @!p1 $0x180;
	s2 =	simm.s32 @!p1 $0x4400;
	[sflag:s0] =	ssyncset.done @!p1 $0x0  }
0x5e: {  	s24 =	simm.s32 @!p1 $0x80;
	[sflag:s0] =	ssyncadd.s32 @!p1 $0xFFFFC000;
	s0 =	simm.s32 @!p1 $0x7  }
0x5f: {  	[spmem:s1] =	stream.indirect.scatter.add.f32 @!p1 [tilespmem:s2], [sflag:$0x7], $0x80, s29, s24, $0xb8;
	[tilespmem:$0x1C400] =	vst v63  }
0x60: {  	_ =	swait.ge @!p1 [sflag:s0], $0x4000  }
0x61: {  	s2 =	rddreg [dreg:$0x4]  }
0x62: {  	p0 =	sle.u32 @!p1 s2, $0x0  }
0x63: {  	[sflag:s0] =	ssyncset.done @!p1 $0x0;
	p0 =	por p0, p1  }
0x64: {  	p2 =	sle.u32 @!p1 s5, $0x5;
	[sflag:s0] =	ssyncadd.s32 @!p1 $0xFFFFC000;
	s0 =	simm.s32 @!p0 $0x4  }
0x65: {  	p2 =	por p2, p1;
	p1 =	sle.u32 s5, $0x2;
	_ =	swait.ge @!p0 [sflag:s0], $0x100  }
0x66: {  	s2 =	simm.s32 @!p0 $0x4400;
	s24 =	simm.s32 @!p0 $0x80;
	[sflag:s0] =	ssyncset.done @!p0 $0x0  }
0x67: {  	s29 =	simm.s32 @!p0 $0x300;
	[sflag:s0] =	ssyncadd.s32 @!p0 $0xFFFFFF00;
	s0 =	sadd.s32 @!p2 $0x20, s19  }
0x68: {  	[tilespmem:s2], [sflag:$0x6] =	stream.indirect.gather @!p0 [hbm4b:s4+s24], $0x80, s29, s24, $0xb8;
	[tilespmem:$0x1C400] =	vst v63  }
0x69: {  	s2 =	simm.s32 @!p2 $0x0;
	s24 =	simm.s32 @!p2 $0x100;
	s29 =	simm.s32 @!p1 $0x5  }
0x6a: {  	[tilespmem:s24], [sflag:$0x2] =	stream.linear.gather @!p2 [hbm4b:s0+s2], $0x100, $0x38;
	[tilespmem:$0x1C400] =	vst v63  }
0x6b: {  	s30 =	sadd.s32 $0x80, s19;
	s0 =	simm.s32 @!p1 $0x400;
	_ =	swait.ge @!p1 [sflag:s29], $0x4000  }
0x6c: {  	s2 =	simm.s32 @!p1 $0x80;
	s24 =	simm.s32 @!p1 $0x280;
	[sflag:s29] =	ssyncset.done @!p1 $0x0  }
0x6d: {  	p2 =	sle.u32 @!p1 s12, $0x0;
	[sflag:s29] =	ssyncadd.s32 @!p1 $0xFFFFC000;
	s29 =	simm.s32 @!p1 $0x7  }
0x6e: {  	[spmem:s1] =	stream.indirect.scatter.add.f32 @!p1 [tilespmem:s0], [sflag:$0x7], $0x80, s24, s2, $0xb8;
	[tilespmem:$0x1C400] =	vst v63  }
0x6f: {  	p0 =	sle.u32 s5, $0x4;
	p3 =	por p2, p1;
	_ =	swait.ge @!p1 [sflag:s29], $0x4000  }
0x70: {  	p2 =	sle.u32 @!p1 s5, $0x6;
	s0 =	simm.s32 @!p3 $0x1;
	[sflag:s29] =	ssyncset.done @!p1 $0x0  }
0x71: {  	s2 =	simm.s32 @!p3 $0x400;
	s24 =	simm.s32 @!p3 $0x80;
	[sflag:s29] =	ssyncadd.s32 @!p1 $0xFFFFC000  }
0x72: {  	p1 =	por p2, p1;
	p2 =	sle.u32 s5, $0x3;
	_ =	swait.ge @!p3 [sflag:s0], $0x100  }
0x73: {  	s29 =	simm.s32 @!p3 $0x0;
	p4 =	sle.u32 @!p2 s5, $0x5;
	[sflag:s0] =	ssyncset.done @!p3 $0x0  }
0x74: {  	p6 =	por p4, p2;
	[sflag:s0] =	ssyncadd.s32 @!p3 $0xFFFFFF00;
	s0 =	sadd.s32 @!p1 $0x40, s19  }
0x75: {  	[tilespmem:s2], [sflag:$0x5] =	stream.indirect.gather @!p3 [hbm4b:s4+s24], $0x80, s29, s24, $0xb8;
	[tilespmem:$0x1C400] =	vst v63  }
0x76: {  	s2 =	simm.s32 @!p1 $0x0;
	s24 =	simm.s32 @!p1 $0x200;
	s29 =	simm.s32 @!p2 $0x6  }
0x77: {  	[tilespmem:s24], [sflag:$0x3] =	stream.linear.gather @!p1 [hbm4b:s0+s2], $0x100, $0x38;
	[tilespmem:$0x1C400] =	vst v63  }
0x78: {  	p4 =	sle.u32 @!p2 s5, $0x7;
	s0 =	sadd.s32 $0xFFFFFFFF, s23;
	_ =	swait.ge @!p2 [sflag:s29], $0x4000  }
0x79: {  	s2 =	simm.s32 @!p2 $0x4400;
	s23 =	simm.s32 @!p2 $0x80;
	[sflag:s29] =	ssyncset.done @!p2 $0x0  }
0x7a: {  	s24 =	simm.s32 @!p2 $0x380;
	[sflag:s29] =	ssyncadd.s32 @!p2 $0xFFFFC000;
	s29 =	simm.s32 @!p2 $0x7  }
0x7b: {  	[spmem:s1] =	stream.indirect.scatter.add.f32 @!p2 [tilespmem:s2], [sflag:$0x7], $0x80, s24, s23, $0xb8;
	[tilespmem:$0x1C400] =	vst v63  }
0x7c: {  	p4 =	por p4, p2;
	p1 =	sle.u32 @!p0 s12, $0x4;
	_ =	swait.ge @!p2 [sflag:s29], $0x4000  }
0x7d: {  	p3 =	sne.s32 s0, $0x0;
	p5 =	por p1, p0;
	[sflag:s29] =	ssyncset.done @!p2 $0x0  }
0x7e: {  	p1 =	por p0, p0;
	s2 =	simm.s32 @!p6 $0x2;
	[sflag:s29] =	ssyncadd.s32 @!p2 $0xFFFFC000  }
.Ltmp2:
0x7f: {  	p0 =	por p5, p5;
	_ =	swait.ge @!p6 [sflag:s2], $0x100;
	(pc) =	sbr.rel @!p3 .LBB2_6-.Ltmp2, $4  }
0x80: {  	s23 =	simm.s32 @!p6 $0x4400;
	s24 =	simm.s32 @!p6 $0x80;
	[sflag:s2] =	ssyncset.done @!p6 $0x0  }
0x81: {  	s29 =	simm.s32 @!p6 $0x100;
	[sflag:s2] =	ssyncadd.s32 @!p6 $0xFFFFFF00;
	s2 =	simm.s32 @!p4 $0x0  }
0x82: {  	[tilespmem:s23], [sflag:$0x6] =	stream.indirect.gather @!p6 [hbm4b:s4+s24], $0x80, s29, s24, $0xb8;
	[tilespmem:$0x1C400] =	vst v63  }
0x83: {  	s29 =	simm.s32 @!p4 $0x300;
	s23 =	simm.s32 $0x8;
	s24 =	sadd.s32 @!p4 $0x60, s19  }
.LBB2_7:
0x84: {  	s7 =	simm.s32 @!p1 $0x5  }
0x85: {  	[tilespmem:s29], [sflag:$0x4] =	stream.linear.gather @!p4 [hbm4b:s24+s2], $0x100, $0x38;
	[tilespmem:$0x1C400] =	vst v63  }
0x86: {  	_ =	swait.ge @!p1 [sflag:s7], $0x4000  }
0x87: {  	s2 =	simm.s32 @!p1 $0x7;
	[sflag:s7] =	ssyncset.done @!p1 $0x0  }
0x88: {  	s24 =	simm.s32 @!p1 $0x400;
	[sflag:s7] =	ssyncadd.s32 @!p1 $0xFFFFC000;
	s7 =	simm.s32 @!p1 $0x80  }
0x89: {  	[spmem:s1] =	stream.indirect.scatter.add.f32 @!p1 [tilespmem:s24], [sflag:$0x7], $0x80, s7, s7, $0xb8;
	[tilespmem:$0x1C400] =	vst v63  }
0x8a: {  	p5 =	sge.u32 s23, s5;
	_ =	swait.ge @!p1 [sflag:s2], $0x4000  }
0x8b: {  	s29 =	smov.u32 s31;
	p2 =	sge.u32 @!p5 s23, s12;
	s7 =	rddreg [dreg:$0x3]  }
0x8c: {  	p4 =	por p2, p5;
	p2 =	sge.u32 @!p1 s29, s7  }
0x8d: {  	[sflag:s2] =	ssyncset.done @!p1 $0x0;
	p2 =	por p2, p1  }
0x8e: {  	[sflag:s2] =	ssyncadd.s32 @!p1 $0xFFFFC000;
	s2 =	simm.s32 @!p2 $0x3  }
0x8f: {  	_ =	swait.ge @!p2 [sflag:s2], $0x100  }
0x90: {  	s8 =	sadd.s32 $0x1, s29;
	s7 =	simm.s32 @!p2 $0x400;
	[sflag:s2] =	ssyncset.done @!p2 $0x0  }
0x91: {  	s9 =	simm.s32 @!p2 $0x200;
	[sflag:s2] =	ssyncadd.s32 @!p2 $0xFFFFFF00;
	s2 =	simm.s32 @!p2 $0x80  }
0x92: {  	[tilespmem:s7], [sflag:$0x5] =	stream.indirect.gather @!p2 [hbm4b:s4+s2], $0x80, s9, s2, $0xb8;
	[tilespmem:$0x1C400] =	vst v63  }
0x93: {  	p6 =	sge.u32 s8, s5;
	s2 =	simm.s32 @!p0 $0x0  }
0x94: {  	[tilespmem:s2], [sflag:$0x1] =	stream.linear.gather @!p0 [hbm4b:s30+s2], $0x100, $0x38;
	[tilespmem:$0x1C400] =	vst v63  }
0x95: {  	s2 =	simm.s32 @!p6 $0x6  }
0x96: {  	s8 =	simm.s32 @!p6 $0x4400;
	s7 =	sadd.s32 @!p6 $0x5, s29;
	_ =	swait.ge @!p6 [sflag:s2], $0x4000  }
0x97: {  	s9 =	simm.s32 @!p6 $0x180;
	p2 =	sge.u32 @!p6 s7, s5;
	[sflag:s2] =	ssyncset.done @!p6 $0x0  }
0x98: {  	s7 =	simm.s32 @!p6 $0x80;
	[sflag:s2] =	ssyncadd.s32 @!p6 $0xFFFFC000;
	s2 =	simm.s32 @!p6 $0x7  }
0x99: {  	[spmem:s1] =	stream.indirect.scatter.add.f32 @!p6 [tilespmem:s8], [sflag:$0x7], $0x80, s9, s7, $0xb8;
	[tilespmem:$0x1C400] =	vst v63  }
0x9a: {  	s0 =	sadd.s32 $0xFFFFFFFF, s0;
	_ =	swait.ge @!p6 [sflag:s2], $0x4000  }
0x9b: {  	s31 =	smov.u32 s23;
	p3 =	sne.s32 s0, $0x0;
	s7 =	rddreg [dreg:$0x4]  }
0x9c: {  	p1 =	por p5, p5;
	p5 =	por p2, p6;
	p2 =	sge.u32 @!p6 s29, s7  }
0x9d: {  	s23 =	sadd.s32 $0x4, s23;
	[sflag:s2] =	ssyncset.done @!p6 $0x0;
	p2 =	por p2, p6  }
0x9e: {  	p0 =	por p4, p4;
	[sflag:s2] =	ssyncadd.s32 @!p6 $0xFFFFC000;
	s2 =	simm.s32 @!p2 $0x4  }
0x9f: {  	s10 =	simm.s32 @!p5 $0x0;
	s9 =	sadd.s32 $0x2, s29;
	_ =	swait.ge @!p2 [sflag:s2], $0x100  }
0xa0: {  	p4 =	sge.u32 s9, s5;
	s8 =	simm.s32 @!p2 $0x4400;
	[sflag:s2] =	ssyncset.done @!p2 $0x0  }
0xa1: {  	s7 =	simm.s32 @!p2 $0x80;
	s9 =	simm.s32 @!p2 $0x300;
	[sflag:s2] =	ssyncadd.s32 @!p2 $0xFFFFFF00  }
0xa2: {  	[tilespmem:s8], [sflag:$0x6] =	stream.indirect.gather @!p2 [hbm4b:s4+s7], $0x80, s9, s7, $0xb8;
	[tilespmem:$0x1C400] =	vst v63  }
0xa3: {  	s2 =	sadd.s32 @!p5 $0x20, s30;
	s7 =	simm.s32 @!p5 $0x100;
	s8 =	simm.s32 @!p4 $0x5  }
0xa4: {  	[tilespmem:s7], [sflag:$0x2] =	stream.linear.gather @!p5 [hbm4b:s2+s10], $0x100, $0x38;
	[tilespmem:$0x1C400] =	vst v63  }
0xa5: {  	s24 =	smov.u32 s30;
	p2 =	sge.u32 @!p4 s29, s12;
	_ =	swait.ge @!p4 [sflag:s8], $0x4000  }
0xa6: {  	s9 =	simm.s32 @!p4 $0x80;
	s2 =	simm.s32 @!p4 $0x400;
	[sflag:s8] =	ssyncset.done @!p4 $0x0  }
0xa7: {  	s10 =	simm.s32 @!p4 $0x280;
	[sflag:s8] =	ssyncadd.s32 @!p4 $0xFFFFC000;
	s8 =	simm.s32 @!p4 $0x7  }
0xa8: {  	[spmem:s1] =	stream.indirect.scatter.add.f32 @!p4 [tilespmem:s2], [sflag:$0x7], $0x80, s10, s9, $0xb8;
	[tilespmem:$0x1C400] =	vst v63  }
0xa9: {  	p2 =	por p2, p4;
	s7 =	sadd.s32 @!p4 $0x6, s29;
	_ =	swait.ge @!p4 [sflag:s8], $0x4000  }
0xaa: {  	p5 =	sge.u32 @!p4 s7, s5;
	s7 =	simm.s32 @!p2 $0x80;
	[sflag:s8] =	ssyncset.done @!p4 $0x0  }
0xab: {  	p6 =	por p5, p4;
	s2 =	simm.s32 @!p2 $0x1;
	[sflag:s8] =	ssyncadd.s32 @!p4 $0xFFFFC000  }
0xac: {  	s10 =	sadd.s32 $0x3, s29;
	s9 =	simm.s32 @!p2 $0x0;
	_ =	swait.ge @!p2 [sflag:s2], $0x100  }
0xad: {  	p5 =	sge.u32 s10, s5;
	s10 =	simm.s32 @!p6 $0x0;
	[sflag:s2] =	ssyncset.done @!p2 $0x0  }
0xae: {  	s8 =	simm.s32 @!p2 $0x400;
	[sflag:s2] =	ssyncadd.s32 @!p2 $0xFFFFFF00;
	s2 =	sadd.s32 @!p6 $0x40, s30  }
0xaf: {  	[tilespmem:s8], [sflag:$0x5] =	stream.indirect.gather @!p2 [hbm4b:s4+s7], $0x80, s9, s7, $0xb8;
	[tilespmem:$0x1C400] =	vst v63  }
0xb0: {  	s7 =	simm.s32 @!p6 $0x200;
	s8 =	simm.s32 @!p5 $0x6;
	s9 =	sadd.s32 @!p5 $0x5, s29  }
0xb1: {  	[tilespmem:s7], [sflag:$0x3] =	stream.linear.gather @!p6 [hbm4b:s2+s10], $0x100, $0x38;
	[tilespmem:$0x1C400] =	vst v63  }
0xb2: {  	p2 =	sge.u32 @!p5 s9, s5;
	s9 =	simm.s32 @!p5 $0x380;
	_ =	swait.ge @!p5 [sflag:s8], $0x4000  }
0xb3: {  	s2 =	simm.s32 @!p5 $0x4400;
	s7 =	simm.s32 @!p5 $0x80;
	[sflag:s8] =	ssyncset.done @!p5 $0x0  }
0xb4: {  	s10 =	sadd.s32 @!p5 $0x7, s29;
	[sflag:s8] =	ssyncadd.s32 @!p5 $0xFFFFC000;
	s8 =	simm.s32 @!p5 $0x7  }
0xb5: {  	[spmem:s1] =	stream.indirect.scatter.add.f32 @!p5 [tilespmem:s2], [sflag:$0x7], $0x80, s9, s7, $0xb8;
	[tilespmem:$0x1C400] =	vst v63  }
0xb6: {  	p6 =	por p2, p5;
	p2 =	sge.u32 @!p5 s10, s5;
	_ =	swait.ge @!p5 [sflag:s8], $0x4000  }
0xb7: {  	s30 =	sadd.s32 $0x80, s30;
	p4 =	por p2, p5;
	[sflag:s8] =	ssyncset.done @!p5 $0x0  }
.Ltmp3:
0xb8: {  	s7 =	simm.s32 @!p6 $0x2;
	[sflag:s8] =	ssyncadd.s32 @!p5 $0xFFFFC000;
	(pc) =	sbr.rel @p3 .LBB2_7-.Ltmp3, $4  }
0xb9: {  	s10 =	simm.s32 @!p6 $0x100;
	s29 =	simm.s32 @!p4 $0x300;
	_ =	swait.ge @!p6 [sflag:s7], $0x100  }
0xba: {  	s24 =	sadd.s32 @!p4 $0x60, s24;
	s2 =	simm.s32 @!p4 $0x0;
	[sflag:s7] =	ssyncset.done @!p6 $0x0  }
0xbb: {  	s9 =	simm.s32 @!p6 $0x80;
	s8 =	simm.s32 @!p6 $0x4400;
	[sflag:s7] =	ssyncadd.s32 @!p6 $0xFFFFFF00  }
0xbc: {  	[tilespmem:s8], [sflag:$0x6] =	stream.indirect.gather @!p6 [hbm4b:s4+s9], $0x80, s10, s9, $0xb8;
	[tilespmem:$0x1C400] =	vst v63  }
0xbd: {  	s0 =	smov.u32 s31;
	p3 =	por $0x1, $0x1  }
.LBB2_9:
0xbe: {  	s7 =	simm.s32 @!p1 $0x5;
	p2 =	por p4, !p3  }
0xbf: {  	[tilespmem:s29], [sflag:$0x4] =	stream.linear.gather @!p2 [hbm4b:s24+s2], $0x100, $0x38;
	[tilespmem:$0x1C400] =	vst v63  }
0xc0: {  	_ =	swait.ge @!p1 [sflag:s7], $0x4000  }
0xc1: {  	s8 =	simm.s32 @!p1 $0x400;
	[sflag:s7] =	ssyncset.done @!p1 $0x0  }
0xc2: {  	s2 =	simm.s32 @!p1 $0x7;
	[sflag:s7] =	ssyncadd.s32 @!p1 $0xFFFFC000;
	s7 =	simm.s32 @!p1 $0x80  }
0xc3: {  	[spmem:s1] =	stream.indirect.scatter.add.f32 @!p1 [tilespmem:s8], [sflag:$0x7], $0x80, s7, s7, $0xb8;
	[tilespmem:$0x1C400] =	vst v63  }
0xc4: {  	_ =	swait.ge @!p1 [sflag:s2], $0x4000  }
0xc5: {  	s7 =	rddreg [dreg:$0x3]  }
0xc6: {  	p2 =	sge.u32 @!p1 s0, s7  }
0xc7: {  	[sflag:s2] =	ssyncset.done @!p1 $0x0;
	p2 =	por p2, p1  }
0xc8: {  	[sflag:s2] =	ssyncadd.s32 @!p1 $0xFFFFC000;
	s2 =	simm.s32 @!p2 $0x3  }
0xc9: {  	_ =	swait.ge @!p2 [sflag:s2], $0x100  }
0xca: {  	s23 =	sadd.s32 $0x1, s0;
	s7 =	simm.s32 @!p2 $0x400;
	[sflag:s2] =	ssyncset.done @!p2 $0x0  }
0xcb: {  	s9 =	simm.s32 @!p2 $0x200;
	[sflag:s2] =	ssyncadd.s32 @!p2 $0xFFFFFF00;
	s2 =	simm.s32 @!p2 $0x80  }
0xcc: {  	[tilespmem:s7], [sflag:$0x5] =	stream.indirect.gather @!p2 [hbm4b:s4+s2], $0x80, s9, s2, $0xb8;
	[tilespmem:$0x1C400] =	vst v63  }
0xcd: {  	p1 =	sge.u32 s23, s5;
	s2 =	simm.s32 @!p0 $0x0  }
0xce: {  	[tilespmem:s2], [sflag:$0x1] =	stream.linear.gather @!p0 [hbm4b:s30+s2], $0x100, $0x38;
	[tilespmem:$0x1C400] =	vst v63  }
0xcf: {  	s2 =	simm.s32 @!p1 $0x6  }
0xd0: {  	_ =	swait.ge @!p1 [sflag:s2], $0x4000  }
0xd1: {  	s8 =	simm.s32 @!p1 $0x80;
	s7 =	simm.s32 @!p1 $0x4400;
	[sflag:s2] =	ssyncset.done @!p1 $0x0  }
0xd2: {  	s9 =	simm.s32 @!p1 $0x180;
	[sflag:s2] =	ssyncadd.s32 @!p1 $0xFFFFC000;
	s2 =	simm.s32 @!p1 $0x7  }
0xd3: {  	[spmem:s1] =	stream.indirect.scatter.add.f32 @!p1 [tilespmem:s7], [sflag:$0x7], $0x80, s9, s8, $0xb8;
	[tilespmem:$0x1C400] =	vst v63  }
0xd4: {  	_ =	swait.ge @!p1 [sflag:s2], $0x4000  }
0xd5: {  	s7 =	rddreg [dreg:$0x4]  }
0xd6: {  	s24 =	sadd.s32 $0x2, s0;
	p0 =	sge.u32 @!p1 s0, s7  }
0xd7: {  	s8 =	sadd.s32 @!p1 $0x5, s0;
	[sflag:s2] =	ssyncset.done @!p1 $0x0;
	p3 =	por p0, p1  }
0xd8: {  	p2 =	sge.u32 @!p1 s8, s5;
	[sflag:s2] =	ssyncadd.s32 @!p1 $0xFFFFC000;
	s2 =	simm.s32 @!p3 $0x4  }
0xd9: {  	p2 =	por p2, p1;
	p0 =	sge.u32 s24, s5;
	_ =	swait.ge @!p3 [sflag:s2], $0x100  }
0xda: {  	s8 =	simm.s32 @!p3 $0x4400;
	s7 =	simm.s32 @!p3 $0x80;
	[sflag:s2] =	ssyncset.done @!p3 $0x0  }
0xdb: {  	s9 =	simm.s32 @!p3 $0x300;
	[sflag:s2] =	ssyncadd.s32 @!p3 $0xFFFFFF00;
	s2 =	sadd.s32 @!p2 $0x20, s30  }
0xdc: {  	[tilespmem:s8], [sflag:$0x6] =	stream.indirect.gather @!p3 [hbm4b:s4+s7], $0x80, s9, s7, $0xb8;
	[tilespmem:$0x1C400] =	vst v63  }
0xdd: {  	s7 =	simm.s32 @!p2 $0x0;
	s8 =	simm.s32 @!p2 $0x100;
	s9 =	simm.s32 @!p0 $0x5  }
0xde: {  	[tilespmem:s8], [sflag:$0x2] =	stream.linear.gather @!p2 [hbm4b:s2+s7], $0x100, $0x38;
	[tilespmem:$0x1C400] =	vst v63  }
0xdf: {  	_ =	swait.ge @!p0 [sflag:s9], $0x4000  }
0xe0: {  	s2 =	simm.s32 @!p0 $0x400;
	s7 =	simm.s32 @!p0 $0x80;
	[sflag:s9] =	ssyncset.done @!p0 $0x0  }
0xe1: {  	s8 =	simm.s32 @!p0 $0x280;
	[sflag:s9] =	ssyncadd.s32 @!p0 $0xFFFFC000;
	s9 =	simm.s32 @!p0 $0x7  }
0xe2: {  	[spmem:s1] =	stream.indirect.scatter.add.f32 @!p0 [tilespmem:s2], [sflag:$0x7], $0x80, s8, s7, $0xb8;
	[tilespmem:$0x1C400] =	vst v63  }
0xe3: {  	s29 =	sadd.s32 $0x3, s0;
	p1 =	sge.u32 @!p0 s0, s12;
	_ =	swait.ge @!p0 [sflag:s9], $0x4000  }
0xe4: {  	p3 =	por p1, p0;
	s2 =	sadd.s32 @!p0 $0x6, s0;
	[sflag:s9] =	ssyncset.done @!p0 $0x0  }
0xe5: {  	p2 =	sge.u32 @!p0 s2, s5;
	s2 =	simm.s32 @!p3 $0x1;
	[sflag:s9] =	ssyncadd.s32 @!p0 $0xFFFFC000  }
0xe6: {  	s8 =	simm.s32 @!p3 $0x400;
	s7 =	simm.s32 @!p3 $0x80;
	_ =	swait.ge @!p3 [sflag:s2], $0x100  }
0xe7: {  	p1 =	por p2, p0;
	p0 =	sge.u32 s29, s5;
	[sflag:s2] =	ssyncset.done @!p3 $0x0  }
0xe8: {  	s9 =	simm.s32 @!p3 $0x0;
	[sflag:s2] =	ssyncadd.s32 @!p3 $0xFFFFFF00;
	s2 =	sadd.s32 @!p1 $0x40, s30  }
0xe9: {  	[tilespmem:s8], [sflag:$0x5] =	stream.indirect.gather @!p3 [hbm4b:s4+s7], $0x80, s9, s7, $0xb8;
	[tilespmem:$0x1C400] =	vst v63  }
0xea: {  	s7 =	simm.s32 @!p1 $0x0;
	s8 =	simm.s32 @!p1 $0x200;
	s9 =	simm.s32 @!p0 $0x6  }
0xeb: {  	[tilespmem:s8], [sflag:$0x3] =	stream.linear.gather @!p1 [hbm4b:s2+s7], $0x100, $0x38;
	[tilespmem:$0x1C400] =	vst v63  }
0xec: {  	s10 =	simm.s32 @!p0 $0x380;
	_ =	swait.ge @!p0 [sflag:s9], $0x4000  }
0xed: {  	s2 =	sadd.s32 @!p0 $0x5, s0;
	s7 =	simm.s32 @!p0 $0x4400;
	[sflag:s9] =	ssyncset.done @!p0 $0x0  }
0xee: {  	s8 =	simm.s32 @!p0 $0x80;
	[sflag:s9] =	ssyncadd.s32 @!p0 $0xFFFFC000;
	s9 =	simm.s32 @!p0 $0x7  }
0xef: {  	[spmem:s1] =	stream.indirect.scatter.add.f32 @!p0 [tilespmem:s7], [sflag:$0x7], $0x80, s10, s8, $0xb8;
	[tilespmem:$0x1C400] =	vst v63  }
0xf0: {  	p1 =	sge.u32 @!p0 s2, s5;
	_ =	swait.ge @!p0 [sflag:s9], $0x4000  }
0xf1: {  	p1 =	por p1, p0;
	[sflag:s9] =	ssyncset.done @!p0 $0x0  }
0xf2: {  	s0 =	sadd.s32 @!p0 $0x7, s0;
	s2 =	simm.s32 @!p1 $0x2;
	[sflag:s9] =	ssyncadd.s32 @!p0 $0xFFFFC000  }
0xf3: {  	p2 =	sge.u32 @!p0 s0, s5;
	s0 =	simm.s32 @!p1 $0x4400;
	_ =	swait.ge @!p1 [sflag:s2], $0x100  }
0xf4: {  	s7 =	simm.s32 @!p1 $0x80;
	p0 =	por p2, p0;
	[sflag:s2] =	ssyncset.done @!p1 $0x0  }
0xf5: {  	s8 =	simm.s32 @!p1 $0x100;
	[sflag:s2] =	ssyncadd.s32 @!p1 $0xFFFFFF00;
	s2 =	simm.s32 @!p0 $0x0  }
0xf6: {  	[tilespmem:s0], [sflag:$0x6] =	stream.indirect.gather @!p1 [hbm4b:s4+s7], $0x80, s8, s7, $0xb8;
	[tilespmem:$0x1C400] =	vst v63  }
0xf7: {  	s0 =	simm.s32 @!p0 $0x300;
	s7 =	sadd.s32 @!p0 $0x60, s30;
	s30 =	stileid.u32  }
0xf8: {  	[tilespmem:s0], [sflag:$0x4] =	stream.linear.gather @!p0 [hbm4b:s7+s2], $0x100, $0x38;
	[tilespmem:$0x1C400] =	vst v63  }
0xf9: {  	s31 =	sshrl.u32 s6, $0x3;
	s3 =	sadd.s32 $0x1, s3;
	s0 =	sshll.u32 s30, $0x6  }
0xfa: {  	p0 =	sne.s32 s3, s14;
	[bflag:$0x0] =	sbarrier.arrive $0xFFFF;
	s0 =	sor.u32 $0x1C07, s0  }
0xfb: {  	[hbm:s13], [sflag:s0] =	dma.local [spmem:s31], $0x2800  }
.Ltmp4:
0xfc: {  	_ = 	snop;
	(pc) =	sbr.rel @p0 .LBB2_1-.Ltmp4, $4  }
.Ltmp5:
0xfd: {  	_ = 	snop;
	(pc) =	sbr.rel @!p0 .LBB2_10-.Ltmp5, $4  }
0xfe: {  	_ =	swait.ge [sflag:s21], $0x2800  }
0xff: {  	[sflag:s21] =	ssyncset.done $0x0  }
0x100: {  	[sflag:s21] =	ssyncadd.s32 $0xFFFFD800  }
0x101: {  	_ = 	snop  }
.LBB2_4:
.Ltmp6:
0x102: {  	(pc) =	sbr.rel .LBB2_9-.Ltmp6, $2  }
0x103: {  	_ =	sdelay $0x2  }
0x104: {  	s30 =	smov.u32 s19  }
.LBB2_6:
.Ltmp7:
0x105: {  	(pc) =	sbr.rel .LBB2_9-.Ltmp7, $2  }
0x106: {  	_ =	sdelay $0x2  }
0x107: {  	s0 =	simm.s32 $0x4;
	p3 =	por $0x1, $0x1  }
.LBB2_10:
0x108: {  	_ =	sfence.sel $0x180000  }
0x109: {  	[bflag:$0x0] =	sbarrier.arrive $0xFFFF  }
0x10a: {  	_ =	strace $0x9000004A  }
0x10b: {  	s0 =	stileid.u32;
	[bflag:$0x2] =	sbarrier.arrive $0xFFFF  }
0x10c: {  	p0 =	sne.s32 s0, $0x0;
	s0 =	rddreg [dreg:$0x2]  }
0x10d: {  	s0 =	sadd.s32 @!p0 $0x100000, s0  }
0x10e: {  	[sflag:s0] =	ssyncadd.tile.s32 @!p0 $0x1;
	_ =	shalt  }
.Lfunc_end2:
_tile_overlayer_lowered:
.L_overlay_start_2:
0x10f: {  	(tag) =	ssettag $0x2  }
0x110: {  	s0 =	rddreg [dreg:$0x0];
	s2 =	stileid.u32  }
0x111: {  	s1 =	rddreg [dreg:$0x1];
	p0 =	sne.s32 s2, $0x0  }
0x112: {  	s3 =	rddreg [dreg:$0x2];
	[bflag:$0x3] =	sbarrier.arrive $0xFFFF;
	s2 =	simm.s32 @!p0 $0x1C07  }
0x113: {  	[timem:s3], [sflag:s2] =	dma.local @!p0 [hbm:s0], s1  }
0x114: {  	s0 =	simm.s32 @!p0 $0x7  }
0x115: {  	_ =	swait.ge @!p0 [sflag:s0], s1  }
0x116: {  	s1 =	ssub.s32 @!p0 $0x0, s1;
	[sflag:s0] =	ssyncset.done @!p0 $0x0  }
0x117: {  	[sflag:s0] =	ssyncadd.s32 @!p0 s1  }
0x118: {  	[bflag:$0x3] =	sbarrier.arrive $0xFFFF  }
0x119: {  	_ =	shalt  }

// kernel: kernel.15.cloned.1.call-start
scs
__scs_entry_jumppad:
0x0: {  	(pc) =	sbr.rel $0x88, $3  }
0x1: {  	(tag) =	ssettag $0x0;
	lr =	simm.s32 $0x1  }
0x2: {  	[smem:$0x3F96] =	sst lr;
	_ =	strace $0xD0000000  }
0x3: {  	_ = 	snop  }
0x4: {  	_ = 	snop  }
0x5: {  	_ = 	snop  }
0x6: {  	_ = 	snop  }
0x7: {  	_ = 	snop  }
__scs_overlays_trampoline_lowered:
0x8: {  	[smem:$0x3FA5] =	sst s0  }
0x9: {  	[smem:$0x3FA6] =	sst s1  }
0xa: {  	[smem:$0x3FA7] =	sst s2  }
0xb: {  	[smem:$0x3FA8] =	sst s3  }
0xc: {  	[smem:$0x3FA9] =	sst s4  }
0xd: {  	[smem:$0x3FAA] =	sst s5  }
0xe: {  	[smem:$0x3FAB] =	sst s6  }
0xf: {  	[smem:$0x3FAC] =	sst s7  }
0x10: {  	[smem:$0x3FAD] =	sst s8  }
0x11: {  	[smem:$0x3FAE] =	sst s9;
	s0 =	simm.s32 @!p0 $0x0  }
0x12: {  	s1 =	sld [smem:$0x3F94];
	s0 =	simm.s32 @p0 $0x1  }
0x13: {  	[smem:$0x3FAF] =	sst s0;
	s0 =	simm.s32 @!p1 $0x0  }
0x14: {  	s2 =	sld [smem:$0x3F93];
	s0 =	simm.s32 @p1 $0x1  }
0x15: {  	[smem:$0x3FB0] =	sst s0;
	s0 =	simm.s32 @!p2 $0x0  }
0x16: {  	s3 =	sld [smem:$0x3FDB];
	s0 =	simm.s32 @p2 $0x1  }
0x17: {  	s4 =	simm.s32 $0x1BF5;
	[smem:$0x3FB2] =	sst s0  }
0x18: {  	s0 =	sld [smem:$0x3F95];
	_ =	swait.ge [sflag:s4], $0x0  }
0x19: {  	s7 =	sld [smem:$0x3F96]  }
0x1a: {  	s8 =	sadd.s32 $0xFFFFE003, lr  }
0x1b: {  	s9 =	sadd.s32 $0xFFFFFEF7, lr;
	s5 =	simm.s32 $0xFFFFFFFF;
	p2 =	slt.u32 s8, $0xFFFFF086  }
0x1c: {  	p1 =	slt.u32 s9, $0xF7A;
	s5 =	simm.s32 @!p2 $0x0  }
0x1d: {  	s5 =	simm.s32 @p1 $0x1;
	p0 =	seq.s32 s7, s2  }
0x1e: {  	s7 =	smul.u32 @!p0 $0xF7A, s2;
	p2 =	seq.s32 @!p0 s5, $0x0  }
0x1f: {  	s9 =	smul.u32 $0xF7A, s1;
	s8 =	simm.s32 @!p0 $0x1BF5;
	p2 =	por !p2, p0  }
0x20: {  	[sflag:s8] =	ssyncset.s32 @!p0 $0xFFFFF086;
	s6 =	sadd.s32 @!p0 s3, s7;
	s7 =	simm.s32 @!p0 $0x108  }
0x21: {  	s3 =	sadd.s32 s3, s9;
	s6 =	sadd.s32 @!p0 $0x88, s6;
	s7 =	simm.s32 @p2 $0x1082  }
0x22: {  	[simem:s7], [sflag:s8] =	dma.local @!p0 [hbm:s6], $0xF7A  }
0x23: {  	s9 =	sor.u32 $0xD0000000, s2;
	s6 =	simm.s32 $0x108;
	_ =	swait.ge @!p0 [sflag:s8], $0x0  }
0x24: {  	s3 =	sadd.s32 $0x88, s3;
	s6 =	simm.s32 @!p1 $0x1082;
	[sflag:s4] =	ssyncset.s32 $0xFFFFF086  }
0x25: {  	[simem:s6], [sflag:s4] =	dma.local [hbm:s3], $0xF7A  }
0x26: {  	[smem:$0x3F96] =	sst s1;
	(tag) =	ssettag s2;
	_ =	strace s9  }
0x27: {  	s1 =	sld [smem:$0x3FA6]  }
0x28: {  	s2 =	sld [smem:$0x3FA7]  }
0x29: {  	s4 =	sld [smem:$0x3FA9]  }
0x2a: {  	p0 =	seq.s32 s5, $0x0;
	s5 =	sld [smem:$0x3FAA]  }
0x2b: {  	s6 =	sld [smem:$0x3FAB]  }
0x2c: {  	s7 =	sld [smem:$0x3FAC]  }
0x2d: {  	s3 =	simm.s32 $0x108;
	s8 =	sld [smem:$0x3FAD]  }
0x2e: {  	s3 =	simm.s32 @!p0 $0x1082;
	s9 =	sld [smem:$0x3FAE]  }
0x2f: {  	lr =	sadd.s32 s0, s3;
	s0 =	sld [smem:$0x3FA5]  }
0x30: {  	s3 =	sld [smem:$0x3FA8]  }
0x31: {  	[smem:$0x3FB1] =	sst s10  }
0x32: {  	s10 =	sld [smem:$0x3FAF];
	_ =	sdelay $0x3  }
0x33: {  	p0 =	seq.s32 s10, $0x1;
	s10 =	sld [smem:$0x3FB1];
	_ =	sdelay $0x3  }
0x34: {  	[smem:$0x3FB1] =	sst s10  }
0x35: {  	s10 =	sld [smem:$0x3FB0];
	_ =	sdelay $0x3  }
0x36: {  	p1 =	seq.s32 s10, $0x1;
	s10 =	sld [smem:$0x3FB1];
	_ =	sdelay $0x3  }
0x37: {  	[smem:$0x3FB1] =	sst s10  }
0x38: {  	s10 =	sld [smem:$0x3FB2]  }
0x39: {  	_ = 	snop;
	(pc) =	sbr.ind lr, $3  }
0x3a: {  	_ = 	snop  }
0x3b: {  	_ = 	snop  }
0x3c: {  	p2 =	seq.s32 s10, $0x1;
	s10 =	sld [smem:$0x3FB1]  }
0x3d: {  	_ =	shalt  }
0x3e: {  	_ =	shalt  }
0x3f: {  	_ =	shalt  }
0x40: {  	_ =	shalt  }
0x41: {  	_ =	shalt  }
0x42: {  	_ =	shalt  }
0x43: {  	_ =	shalt  }
0x44: {  	_ =	shalt  }
0x45: {  	_ =	shalt  }
0x46: {  	_ =	shalt  }
0x47: {  	_ =	shalt  }
0x48: {  	_ =	shalt  }
0x49: {  	_ =	shalt  }
0x4a: {  	_ =	shalt  }
0x4b: {  	_ =	shalt  }
0x4c: {  	_ =	shalt  }
0x4d: {  	_ =	shalt  }
0x4e: {  	_ =	shalt  }
0x4f: {  	_ =	shalt  }
0x50: {  	_ =	shalt  }
0x51: {  	_ =	shalt  }
0x52: {  	_ =	shalt  }
0x53: {  	_ =	shalt  }
0x54: {  	_ =	shalt  }
0x55: {  	_ =	shalt  }
0x56: {  	_ =	shalt  }
0x57: {  	_ =	shalt  }
0x58: {  	_ =	shalt  }
0x59: {  	_ =	shalt  }
0x5a: {  	_ =	shalt  }
0x5b: {  	_ =	shalt  }
0x5c: {  	_ =	shalt  }
0x5d: {  	_ =	shalt  }
0x5e: {  	_ =	shalt  }
0x5f: {  	_ =	shalt  }
0x60: {  	_ =	shalt  }
0x61: {  	_ =	shalt  }
0x62: {  	_ =	shalt  }
0x63: {  	_ =	shalt  }
0x64: {  	_ =	shalt  }
0x65: {  	_ =	shalt  }
0x66: {  	_ =	shalt  }
0x67: {  	_ =	shalt  }
0x68: {  	_ =	shalt  }
0x69: {  	_ =	shalt  }
0x6a: {  	_ =	shalt  }
0x6b: {  	_ =	shalt  }
0x6c: {  	_ =	shalt  }
0x6d: {  	_ =	shalt  }
0x6e: {  	_ =	shalt  }
0x6f: {  	_ =	shalt  }
0x70: {  	_ =	shalt  }
0x71: {  	_ =	shalt  }
0x72: {  	_ =	shalt  }
0x73: {  	_ =	shalt  }
0x74: {  	_ =	shalt  }
0x75: {  	_ =	shalt  }
0x76: {  	_ =	shalt  }
0x77: {  	_ =	shalt  }
0x78: {  	_ =	shalt  }
0x79: {  	_ =	shalt  }
0x7a: {  	_ =	shalt  }
0x7b: {  	_ =	shalt  }
0x7c: {  	_ =	shalt  }
0x7d: {  	_ =	shalt  }
0x7e: {  	_ =	shalt  }
0x7f: {  	_ =	shalt  }
0x80: {  	_ =	shalt  }
0x81: {  	_ =	shalt  }
0x82: {  	_ =	shalt  }
0x83: {  	_ =	shalt  }
0x84: {  	_ =	shalt  }
0x85: {  	_ =	shalt  }
0x86: {  	_ =	shalt  }
0x87: {  	_ =	shalt  }
.Lfunc_end0:
.L_simem_size_0:
called_computation.2_lowered:
.L_overlay_start_0:
0x88: {  	s2 =	sld [smem:$0x3FD9]  }
0x89: {  	s3 =	sld [smem:$0x3FFE];
	_ =	sdelay $0x1  }
0x8a: {  	s1 =	srdreg.scid  }
0x8b: {  	s0 =	sand.u32 $0x1, s1  }
0x8c: {  	s16 =	sshll.u32 s0, $0xA;
	s2 =	sadd.s32 s3, s2  }
0x8d: {  	s2 =	sadd.s32 s2, s16  }
0x8e: {  	[smem:$0x3FBD] =	sst s2  }
0x8f: {  	_ = 	snop  }
0x90: {  	(tm) =	ssettm $0x1  }
0x91: {  	s17 =	sld [smem:$0x3FFB];
	_ =	sdelay $0x3  }
0x92: {  	_ =	strace s17  }
0x93: {  	s2 =	sld [smem:$0x3FFC];
	_ =	sdelay $0x3  }
0x94: {  	_ =	strace s2  }
0x95: {  	s2 =	sld [smem:$0x3FFD];
	_ =	sdelay $0x3  }
0x96: {  	_ =	strace s2  }
0x97: {  	_ =	strace $0x8FFFFFFF  }
0x98: {  	s18 =	sld [smem:$0x3FDB];
	_ =	sdelay $0x1  }
0x99: {  	s19 =	simm.s32 $_scs_section_size  }
0x9a: {  	s4 =	simm.s32 $_size__tile_overlayer_lowered;
	s5 =	simm.s32 $_tile_overlayer_lowered  }
0x9b: {  	s22 =	simm.s32 $0x1BFF;
	s21 =	sshll.u32 s5, $0x1;
	s2 =	sadd.s32 s19, s18  }
0x9c: {  	s6 =	simm.s32 $0x0;
	s20 =	sshll.u32 s4, $0x1;
	s4 =	sadd.s32 s21, s2  }
0x9d: {  	[timem:s6], [sflag:s22] =	dma.local [hbm:s4], s20  }
0x9e: {  	_ =	swait.ge [sflag:s22], s20  }
0x9f: {  	s3 =	ssub.s32 $0x0, s20;
	[sflag:s22] =	ssyncset.done $0x0  }
0xa0: {  	[sflag:s22] =	ssyncadd.s32 s3;
	_ =	sdelay $0x1  }
0xa1: {  	s23 =	simm.s32 $0x1B8B  }
0xa2: {  	_ =	swait.ge [sflag:s23], $0x1  }
0xa3: {  	[sflag:s23] =	ssyncset.done $0x0  }
0xa4: {  	s25 =	simm.s32 $0x1B8E;
	s24 =	sld [smem:$0x3FFE];
	[sflag:s23] =	ssyncadd.s32 $0xFFFFFFFF  }
0xa5: {  	s26 =	simm.s32 $execute0_lowered;
	[smem:$0x3FD2] =	sst s25  }
0xa6: {  	s4 =	sshll.u32 s26, $0x1;
	_ =	strace $0x8000004C;
	[dreg:$0x1] =	wrdreg $0xFFFFFFFF  }
0xa7: {  	s28 =	simm.s32 $_size_execute0_lowered;
	s2 =	sadd.s32 s2, s4;
	[dreg:$0x0] =	wrdreg $0x0  }
0xa8: {  	s4 =	sshll.u32 s28, $0x1;
	[dreg:$0x2] =	wrdreg s2  }
0xa9: {  	[dreg:$0x3] =	wrdreg s4  }
0xaa: {  	[dreg:$0x4] =	wrdreg $0xC0  }
0xab: {  	_ =	task [dreg:s6], $0x5FFFF  }
0xac: {  	[dreg:$0x1] =	wrdreg $0xFFFFFFFF  }
0xad: {  	[dreg:$0x0] =	wrdreg $0x60  }
0xae: {  	[dreg:$0x2] =	wrdreg s24  }
0xaf: {  	[dreg:$0x3] =	wrdreg $0x84000  }
0xb0: {  	[dreg:$0x4] =	wrdreg $0x9  }
0xb1: {  	_ =	task.clear_ibuf [dreg:s6], $0x5FFFF;
	_ =	strace $0x9000004C  }
0xb2: {  	s29 =	simm.s32 $0x9;
	_ =	strace $0x8000004E  }
0xb3: {  	_ =	swait.ge [sflag:s29], $0x1  }
0xb4: {  	[sflag:s29] =	ssyncadd.s32 $0xFFFFFFFF  }
0xb5: {  	_ =	strace $0x9000004E  }
0xb6: {  	_ =	sfence  }
0xb7: {  	s30 =	sld [smem:$0x0];
	_ =	sdelay $0x2  }
0xb8: {  	s31 =	sshll.u32 s1, $0xD;
	s1 =	sshrl.u32 s1, $0x2  }
0xb9: {  	s3 =	sand.u32 $0x4000, s31;
	s1 =	sadd.s32 s1, s30  }
0xba: {  	s0 =	sor.u32 s3, s0;
	s1 =	sshll.u32 s1, $0x11  }
0xbb: {  	s0 =	sor.u32 s1, s0  }
0xbc: {  	s0 =	sadd.s32 $0x8F2B, s0  }
0xbd: {  	[sflag:s0] =	ssyncadd.remote.s32 $0x1  }
0xbe: {  	_ =	sfence.sel $0xFFFF  }
0xbf: {  	[dreg:$0x0] =	wrdreg $0xFFFFFFFF;
	(pc) =	sbr.abs _section_cstart, $3  }
0xc0: {  	[dreg:$0x1] =	wrdreg $0xFFFFFFFF  }
0xc1: {  	_ =	task.clear_ibuf [dreg:s6], $0x2FFFF;
	_ =	strace $0x9FFFFFFF  }
0xc2: {  	(tm) =	ssettm $0x7FFFFFFF  }
0xc3: {  	_ =	shalt  }
tec
execute0_lowered:
.L_overlay_start_1:
0x0: {  	(tag) =	ssettag $0x1  }
0x1: {  	s0 =	rddreg [dreg:$0x0]  }
0x2: {  	s1 =	rddreg [dreg:$0x1]  }
0x3: {  	s3 =	simm.s32 $0x0;
	s2 =	srdreg.scid;
	s8 =	stileid.u32  }
0x4: {  	s20 =	simm.s32 $0x400;
	s21 =	simm.s32 $0x7;
	s22 =	simm.s32 $0x100  }
0x5: {  	s28 =	simm.s32 $0x2;
	[smem:$0x7FF] =	sst s3;
	s4 =	smul.u32 $0x9C, s8  }
0x6: {  	s2 =	sand.u32 $0x1, s2;
	s5 =	sshll.u32 s8, $0x2;
	s7 =	smul.u32 $0x14000, s8  }
0x7: {  	s24 =	smul.u32 $0x50000, s8;
	p0 =	seq.s32 s2, $0x0;
	s5 =	sor.u32 $0x9C0, s5  }
0x8: {  	s6 =	smul.u32 $0x140000, s2;
	_ =	strace $0x8000004D;
	s2 =	ssub.s32 $0x2, s2  }
0x9: {  	s5 =	smov.u32 @p0 s4;
	s4 =	sadd.s32 $0x21200, s0;
	s25 =	sshrl.u32 s2, $0x1  }
0xa: {  	s5 =	sshll.u32 s5, $0x5;
	s23 =	sadd.s32 s7, s6;
	s2 =	ssub.s32 s2, s25  }
0xb: {  	s6 =	sshrl.u32 s24, $0x2;
	s25 =	simm.s32 $0x1;
	s19 =	sadd.s32 s5, s0  }
0xc: {  	s5 =	sshrl.u32 s23, $0x3;
	s6 =	sadd.s32 s6, s1;
	s14 =	smax.u32 s2, $0x1  }
0xd: {  	s0 =	sadd.s32 s5, s0;
	s5 =	simm.s32 $0x9C;
	s26 =	sadd.s32 $0xD200, s19  }
0xe: {  	s29 =	sadd.s32 $0xD220, s19;
	s30 =	sadd.s32 $0xD240, s19;
	s31 =	sadd.s32 $0xD260, s19  }
0xf: {  	s15 =	sadd.s32 $0x4000, s6;
	s16 =	sadd.s32 $0x8000, s6;
	[dreg:$0x5] =	wrdreg s26  }
0x10: {  	s17 =	sadd.s32 $0xC000, s6;
	s18 =	sadd.s32 $0x10000, s6;
	[dreg:$0x6] =	wrdreg s29  }
0x11: {  	s19 =	sadd.s32 $0xD280, s19;
	s5 =	simm.s32 @!p0 $0x4;
	[dreg:$0x7] =	wrdreg s30  }
0x12: {  	[dreg:$0x8] =	wrdreg s31;
	s26 =	simm.s32 $0x80;
	s12 =	sadd.s32 $0xFFFFFFFE, s5  }
0x13: {  	s11 =	sshrl.u32 s5, $0x2;
	s13 =	sadd.s32 $0xFFFFFFFD, s5;
	[dreg:$0x3] =	wrdreg s12  }
0x14: {  	v0 =	vimm.f32 $0.0e+00;
	s12 =	sadd.s32 $0xFFFFFFFC, s5;
	[dreg:$0x4] =	wrdreg s13;
	s13 =	sadd.s32 $0x48400, s0  }
.LBB2_1:
0x15: {  	s0 =	simm.s32 $0x0;
	s2 =	simm.s32 $0x200  }
.LBB2_2:
0x16: {  	p0 =	sne.s32 s2, $0xFE00;
	[tilespmem:s0+$0x470] =	vst v0  }
0x17: {  	[tilespmem:s0+$0x400] =	vst v0  }
0x18: {  	[tilespmem:s0+$0x410] =	vst v0  }
.Ltmp0:
0x19: {  	[tilespmem:s0+$0x420] =	vst v0;
	(pc) =	sbr.rel @p0 .LBB2_2-.Ltmp0, $4  }
0x1a: {  	[tilespmem:s0+$0x430] =	vst v0  }
0x1b: {  	[tilespmem:s0+$0x440] =	vst v0  }
0x1c: {  	[tilespmem:s0+$0x450] =	vst v0  }
0x1d: {  	[tilespmem:s0+$0x460] =	vst v0;
	s0 =	sshra.s32 s2, $0x2;
	s2 =	sadd.s32 $0x200, s2  }
0x1e: {  	[tilespmem:s0+$0x470] =	vst v0  }
0x1f: {  	[tilespmem:s0+$0x400] =	vst v0  }
0x20: {  	[tilespmem:s0+$0x410] =	vst v0  }
0x21: {  	[tilespmem:s0+$0x420] =	vst v0  }
0x22: {  	[tilespmem:s0+$0x430] =	vst v0  }
0x23: {  	[tilespmem:s0+$0x440] =	vst v0  }
0x24: {  	[tilespmem:s0+$0x450] =	vst v0  }
0x25: {  	[tilespmem:s0+$0x460] =	vst v0  }
0x26: {  	[spmem:s6] =	stream.linear.scatter [tilespmem:s20], [sflag:$0x7], $0x4000, $0x38;
	[tilespmem:$0x1C400] =	vst v63  }
0x27: {  	_ =	swait.ge [sflag:s21], $0x4000  }
0x28: {  	[sflag:s21] =	ssyncset.done $0x0  }
0x29: {  	[sflag:s21] =	ssyncadd.s32 $0xFFFFC000  }
0x2a: {  	[spmem:s15] =	stream.linear.scatter [tilespmem:s20], [sflag:$0x7], $0x4000, $0x38;
	[tilespmem:$0x1C400] =	vst v63  }
0x2b: {  	_ =	swait.ge [sflag:s21], $0x4000  }
0x2c: {  	[sflag:s21] =	ssyncset.done $0x0  }
0x2d: {  	[sflag:s21] =	ssyncadd.s32 $0xFFFFC000  }
0x2e: {  	[spmem:s16] =	stream.linear.scatter [tilespmem:s20], [sflag:$0x7], $0x4000, $0x38;
	[tilespmem:$0x1C400] =	vst v63  }
0x2f: {  	_ =	swait.ge [sflag:s21], $0x4000  }
0x30: {  	[sflag:s21] =	ssyncset.done $0x0  }
0x31: {  	[sflag:s21] =	ssyncadd.s32 $0xFFFFC000  }
0x32: {  	[spmem:s17] =	stream.linear.scatter [tilespmem:s20], [sflag:$0x7], $0x4000, $0x38;
	[tilespmem:$0x1C400] =	vst v63  }
0x33: {  	_ =	swait.ge [sflag:s21], $0x4000  }
0x34: {  	[sflag:s21] =	ssyncset.done $0x0  }
0x35: {  	[sflag:s21] =	ssyncadd.s32 $0xFFFFC000  }
0x36: {  	[spmem:s18] =	stream.linear.scatter [tilespmem:s20], [sflag:$0x7], $0x4000, $0x38;
	[tilespmem:$0x1C400] =	vst v63  }
0x37: {  	_ =	swait.ge [sflag:s21], $0x4000  }
0x38: {  	[sflag:s21] =	ssyncset.done $0x0  }
0x39: {  	s0 =	simm.s32 $0x0;
	s2 =	rddreg [dreg:$0x5];
	[sflag:s21] =	ssyncadd.s32 $0xFFFFC000  }
0x3a: {  	[tilespmem:s0], [sflag:$0x1] =	stream.linear.gather [hbm4b:s2+s0], $0x100, $0x38;
	[tilespmem:$0x1C400] =	vst v63  }
0x3b: {  	s10 =	rddreg [dreg:$0x6]  }
0x3c: {  	[tilespmem:s22], [sflag:$0x2] =	stream.linear.gather [hbm4b:s10+s0], $0x100, $0x38;
	[tilespmem:$0x1C400] =	vst v63  }
0x3d: {  	s7 =	simm.s32 $0x200;
	s23 =	rddreg [dreg:$0x7]  }
0x3e: {  	[tilespmem:s7], [sflag:$0x3] =	stream.linear.gather [hbm4b:s23+s0], $0x100, $0x38;
	[tilespmem:$0x1C400] =	vst v63  }
0x3f: {  	s29 =	simm.s32 $0x300;
	s24 =	rddreg [dreg:$0x8]  }
0x40: {  	[tilespmem:s29], [sflag:$0x4] =	stream.linear.gather [hbm4b:s24+s0], $0x100, $0x38;
	[tilespmem:$0x1C400] =	vst v63  }
0x41: {  	[bflag:$0x0] =	sbarrier.arrive $0xFFFF  }
0x42: {  	_ =	swait.ge [sflag:s25], $0x100  }
0x43: {  	s23 =	sadd.s32 $0xFFFFFFFF, s11;
	[sflag:s25] =	ssyncset.done $0x0  }
0x44: {  	p2 =	sne.s32 s23, $0x0;
	[sflag:s25] =	ssyncadd.s32 $0xFFFFFF00  }
0x45: {  	[tilespmem:s20], [sflag:$0x5] =	stream.indirect.gather [hbm4b:s4+s26], $0x80, s0, s26, $0xb8;
	[tilespmem:$0x1C400] =	vst v63  }
.Ltmp1:
0x46: {  	s30 =	simm.s32 $0x4400;
	p0 =	sle.u32 s5, $0x0;
	(pc) =	sbr.rel @!p2 .LBB2_4-.Ltmp1, $4  }
0x47: {  	s31 =	simm.s32 $0x4;
	p1 =	sle.u32 @!p0 s12, $0x0;
	_ =	swait.ge [sflag:s28], $0x100  }
0x48: {  	p3 =	por p1, p0;
	p1 =	por p0, p0;
	[sflag:s28] =	ssyncset.done $0x0  }
0x49: {  	p0 =	por p3, p3;
	p3 =	por $0x0, $0x0;
	[sflag:s28] =	ssyncadd.s32 $0xFFFFFF00  }
0x4a: {  	[tilespmem:s30], [sflag:$0x6] =	stream.indirect.gather [hbm4b:s4+s26], $0x80, s22, s26, $0xb8;
	[tilespmem:$0x1C400] =	vst v63  }
0x4b: {  	s0 =	simm.s32 @!p1 $0x5  }
0x4c: {  	_ =	swait.ge @!p1 [sflag:s0], $0x4000  }
0x4d: {  	s2 =	simm.s32 @!p1 $0x7;
	[sflag:s0] =	ssyncset.done @!p1 $0x0  }
0x4e: {  	s24 =	simm.s32 @!p1 $0x400;
	[sflag:s0] =	ssyncadd.s32 @!p1 $0xFFFFC000;
	s0 =	simm.s32 @!p1 $0x80  }
0x4f: {  	[spmem:s1] =	stream.indirect.scatter.add.f32 @!p1 [tilespmem:s24], [sflag:$0x7], $0x80, s0, s0, $0xb8;
	[tilespmem:$0x1C400] =	vst v63  }
0x50: {  	_ =	swait.ge @!p1 [sflag:s2], $0x4000  }
0x51: {  	s0 =	rddreg [dreg:$0x3]  }
0x52: {  	p2 =	sle.u32 @!p1 s0, $0x0  }
0x53: {  	[sflag:s2] =	ssyncset.done @!p1 $0x0;
	p2 =	por p2, p1  }
0x54: {  	[sflag:s2] =	ssyncadd.s32 @!p1 $0xFFFFC000;
	s0 =	simm.s32 @!p2 $0x3  }
0x55: {  	_ =	swait.ge @!p2 [sflag:s0], $0x100  }
0x56: {  	s2 =	simm.s32 @!p2 $0x400;
	[sflag:s0] =	ssyncset.done @!p2 $0x0  }
0x57: {  	s24 =	simm.s32 @!p2 $0x200;
	[sflag:s0] =	ssyncadd.s32 @!p2 $0xFFFFFF00;
	s0 =	simm.s32 @!p2 $0x80  }
0x58: {  	[tilespmem:s2], [sflag:$0x5] =	stream.indirect.gather @!p2 [hbm4b:s4+s0], $0x80, s24, s0, $0xb8;
	[tilespmem:$0x1C400] =	vst v63  }
0x59: {  	p1 =	sle.u32 s5, $0x1;
	s0 =	simm.s32 @!p0 $0x0  }
0x5a: {  	[tilespmem:s0], [sflag:$0x1] =	stream.linear.gather @!p0 [hbm4b:s19+s0], $0x100, $0x38;
	[tilespmem:$0x1C400] =	vst v63  }
0x5b: {  	s0 =	simm.s32 @!p1 $0x6  }
0x5c: {  	_ =	swait.ge @!p1 [sflag:s0], $0x4000  }
0x5d: {  	s29 =	simm.s32 @!p1 $0x180;
	s2 =	simm.s32 @!p1 $0x4400;
	[sflag:s0] =	ssyncset.done @!p1 $0x0  }
0x5e: {  	s24 =	simm.s32 @!p1 $0x80;
	[sflag:s0] =	ssyncadd.s32 @!p1 $0xFFFFC000;
	s0 =	simm.s32 @!p1 $0x7  }
0x5f: {  	[spmem:s1] =	stream.indirect.scatter.add.f32 @!p1 [tilespmem:s2], [sflag:$0x7], $0x80, s29, s24, $0xb8;
	[tilespmem:$0x1C400] =	vst v63  }
0x60: {  	_ =	swait.ge @!p1 [sflag:s0], $0x4000  }
0x61: {  	s2 =	rddreg [dreg:$0x4]  }
0x62: {  	p0 =	sle.u32 @!p1 s2, $0x0  }
0x63: {  	[sflag:s0] =	ssyncset.done @!p1 $0x0;
	p0 =	por p0, p1  }
0x64: {  	p2 =	sle.u32 @!p1 s5, $0x5;
	[sflag:s0] =	ssyncadd.s32 @!p1 $0xFFFFC000;
	s0 =	simm.s32 @!p0 $0x4  }
0x65: {  	p2 =	por p2, p1;
	p1 =	sle.u32 s5, $0x2;
	_ =	swait.ge @!p0 [sflag:s0], $0x100  }
0x66: {  	s2 =	simm.s32 @!p0 $0x4400;
	s24 =	simm.s32 @!p0 $0x80;
	[sflag:s0] =	ssyncset.done @!p0 $0x0  }
0x67: {  	s29 =	simm.s32 @!p0 $0x300;
	[sflag:s0] =	ssyncadd.s32 @!p0 $0xFFFFFF00;
	s0 =	sadd.s32 @!p2 $0x20, s19  }
0x68: {  	[tilespmem:s2], [sflag:$0x6] =	stream.indirect.gather @!p0 [hbm4b:s4+s24], $0x80, s29, s24, $0xb8;
	[tilespmem:$0x1C400] =	vst v63  }
0x69: {  	s2 =	simm.s32 @!p2 $0x0;
	s24 =	simm.s32 @!p2 $0x100;
	s29 =	simm.s32 @!p1 $0x5  }
0x6a: {  	[tilespmem:s24], [sflag:$0x2] =	stream.linear.gather @!p2 [hbm4b:s0+s2], $0x100, $0x38;
	[tilespmem:$0x1C400] =	vst v63  }
0x6b: {  	s30 =	sadd.s32 $0x80, s19;
	s0 =	simm.s32 @!p1 $0x400;
	_ =	swait.ge @!p1 [sflag:s29], $0x4000  }
0x6c: {  	s2 =	simm.s32 @!p1 $0x80;
	s24 =	simm.s32 @!p1 $0x280;
	[sflag:s29] =	ssyncset.done @!p1 $0x0  }
0x6d: {  	p2 =	sle.u32 @!p1 s12, $0x0;
	[sflag:s29] =	ssyncadd.s32 @!p1 $0xFFFFC000;
	s29 =	simm.s32 @!p1 $0x7  }
0x6e: {  	[spmem:s1] =	stream.indirect.scatter.add.f32 @!p1 [tilespmem:s0], [sflag:$0x7], $0x80, s24, s2, $0xb8;
	[tilespmem:$0x1C400] =	vst v63  }
0x6f: {  	p0 =	sle.u32 s5, $0x4;
	p3 =	por p2, p1;
	_ =	swait.ge @!p1 [sflag:s29], $0x4000  }
0x70: {  	p2 =	sle.u32 @!p1 s5, $0x6;
	s0 =	simm.s32 @!p3 $0x1;
	[sflag:s29] =	ssyncset.done @!p1 $0x0  }
0x71: {  	s2 =	simm.s32 @!p3 $0x400;
	s24 =	simm.s32 @!p3 $0x80;
	[sflag:s29] =	ssyncadd.s32 @!p1 $0xFFFFC000  }
0x72: {  	p1 =	por p2, p1;
	p2 =	sle.u32 s5, $0x3;
	_ =	swait.ge @!p3 [sflag:s0], $0x100  }
0x73: {  	s29 =	simm.s32 @!p3 $0x0;
	p4 =	sle.u32 @!p2 s5, $0x5;
	[sflag:s0] =	ssyncset.done @!p3 $0x0  }
0x74: {  	p6 =	por p4, p2;
	[sflag:s0] =	ssyncadd.s32 @!p3 $0xFFFFFF00;
	s0 =	sadd.s32 @!p1 $0x40, s19  }
0x75: {  	[tilespmem:s2], [sflag:$0x5] =	stream.indirect.gather @!p3 [hbm4b:s4+s24], $0x80, s29, s24, $0xb8;
	[tilespmem:$0x1C400] =	vst v63  }
0x76: {  	s2 =	simm.s32 @!p1 $0x0;
	s24 =	simm.s32 @!p1 $0x200;
	s29 =	simm.s32 @!p2 $0x6  }
0x77: {  	[tilespmem:s24], [sflag:$0x3] =	stream.linear.gather @!p1 [hbm4b:s0+s2], $0x100, $0x38;
	[tilespmem:$0x1C400] =	vst v63  }
0x78: {  	p4 =	sle.u32 @!p2 s5, $0x7;
	s0 =	sadd.s32 $0xFFFFFFFF, s23;
	_ =	swait.ge @!p2 [sflag:s29], $0x4000  }
0x79: {  	s2 =	simm.s32 @!p2 $0x4400;
	s23 =	simm.s32 @!p2 $0x80;
	[sflag:s29] =	ssyncset.done @!p2 $0x0  }
0x7a: {  	s24 =	simm.s32 @!p2 $0x380;
	[sflag:s29] =	ssyncadd.s32 @!p2 $0xFFFFC000;
	s29 =	simm.s32 @!p2 $0x7  }
0x7b: {  	[spmem:s1] =	stream.indirect.scatter.add.f32 @!p2 [tilespmem:s2], [sflag:$0x7], $0x80, s24, s23, $0xb8;
	[tilespmem:$0x1C400] =	vst v63  }
0x7c: {  	p4 =	por p4, p2;
	p1 =	sle.u32 @!p0 s12, $0x4;
	_ =	swait.ge @!p2 [sflag:s29], $0x4000  }
0x7d: {  	p3 =	sne.s32 s0, $0x0;
	p5 =	por p1, p0;
	[sflag:s29] =	ssyncset.done @!p2 $0x0  }
0x7e: {  	p1 =	por p0, p0;
	s2 =	simm.s32 @!p6 $0x2;
	[sflag:s29] =	ssyncadd.s32 @!p2 $0xFFFFC000  }
.Ltmp2:
0x7f: {  	p0 =	por p5, p5;
	_ =	swait.ge @!p6 [sflag:s2], $0x100;
	(pc) =	sbr.rel @!p3 .LBB2_6-.Ltmp2, $4  }
0x80: {  	s23 =	simm.s32 @!p6 $0x4400;
	s24 =	simm.s32 @!p6 $0x80;
	[sflag:s2] =	ssyncset.done @!p6 $0x0  }
0x81: {  	s29 =	simm.s32 @!p6 $0x100;
	[sflag:s2] =	ssyncadd.s32 @!p6 $0xFFFFFF00;
	s2 =	simm.s32 @!p4 $0x0  }
0x82: {  	[tilespmem:s23], [sflag:$0x6] =	stream.indirect.gather @!p6 [hbm4b:s4+s24], $0x80, s29, s24, $0xb8;
	[tilespmem:$0x1C400] =	vst v63  }
0x83: {  	s29 =	simm.s32 @!p4 $0x300;
	s23 =	simm.s32 $0x8;
	s24 =	sadd.s32 @!p4 $0x60, s19  }
.LBB2_7:
0x84: {  	s7 =	simm.s32 @!p1 $0x5  }
0x85: {  	[tilespmem:s29], [sflag:$0x4] =	stream.linear.gather @!p4 [hbm4b:s24+s2], $0x100, $0x38;
	[tilespmem:$0x1C400] =	vst v63  }
0x86: {  	_ =	swait.ge @!p1 [sflag:s7], $0x4000  }
0x87: {  	s2 =	simm.s32 @!p1 $0x7;
	[sflag:s7] =	ssyncset.done @!p1 $0x0  }
0x88: {  	s24 =	simm.s32 @!p1 $0x400;
	[sflag:s7] =	ssyncadd.s32 @!p1 $0xFFFFC000;
	s7 =	simm.s32 @!p1 $0x80  }
0x89: {  	[spmem:s1] =	stream.indirect.scatter.add.f32 @!p1 [tilespmem:s24], [sflag:$0x7], $0x80, s7, s7, $0xb8;
	[tilespmem:$0x1C400] =	vst v63  }
0x8a: {  	p5 =	sge.u32 s23, s5;
	_ =	swait.ge @!p1 [sflag:s2], $0x4000  }
0x8b: {  	s29 =	smov.u32 s31;
	p2 =	sge.u32 @!p5 s23, s12;
	s7 =	rddreg [dreg:$0x3]  }
0x8c: {  	p4 =	por p2, p5;
	p2 =	sge.u32 @!p1 s29, s7  }
0x8d: {  	[sflag:s2] =	ssyncset.done @!p1 $0x0;
	p2 =	por p2, p1  }
0x8e: {  	[sflag:s2] =	ssyncadd.s32 @!p1 $0xFFFFC000;
	s2 =	simm.s32 @!p2 $0x3  }
0x8f: {  	_ =	swait.ge @!p2 [sflag:s2], $0x100  }
0x90: {  	s8 =	sadd.s32 $0x1, s29;
	s7 =	simm.s32 @!p2 $0x400;
	[sflag:s2] =	ssyncset.done @!p2 $0x0  }
0x91: {  	s9 =	simm.s32 @!p2 $0x200;
	[sflag:s2] =	ssyncadd.s32 @!p2 $0xFFFFFF00;
	s2 =	simm.s32 @!p2 $0x80  }
0x92: {  	[tilespmem:s7], [sflag:$0x5] =	stream.indirect.gather @!p2 [hbm4b:s4+s2], $0x80, s9, s2, $0xb8;
	[tilespmem:$0x1C400] =	vst v63  }
0x93: {  	p6 =	sge.u32 s8, s5;
	s2 =	simm.s32 @!p0 $0x0  }
0x94: {  	[tilespmem:s2], [sflag:$0x1] =	stream.linear.gather @!p0 [hbm4b:s30+s2], $0x100, $0x38;
	[tilespmem:$0x1C400] =	vst v63  }
0x95: {  	s2 =	simm.s32 @!p6 $0x6  }
0x96: {  	s8 =	simm.s32 @!p6 $0x4400;
	s7 =	sadd.s32 @!p6 $0x5, s29;
	_ =	swait.ge @!p6 [sflag:s2], $0x4000  }
0x97: {  	s9 =	simm.s32 @!p6 $0x180;
	p2 =	sge.u32 @!p6 s7, s5;
	[sflag:s2] =	ssyncset.done @!p6 $0x0  }
0x98: {  	s7 =	simm.s32 @!p6 $0x80;
	[sflag:s2] =	ssyncadd.s32 @!p6 $0xFFFFC000;
	s2 =	simm.s32 @!p6 $0x7  }
0x99: {  	[spmem:s1] =	stream.indirect.scatter.add.f32 @!p6 [tilespmem:s8], [sflag:$0x7], $0x80, s9, s7, $0xb8;
	[tilespmem:$0x1C400] =	vst v63  }
0x9a: {  	s0 =	sadd.s32 $0xFFFFFFFF, s0;
	_ =	swait.ge @!p6 [sflag:s2], $0x4000  }
0x9b: {  	s31 =	smov.u32 s23;
	p3 =	sne.s32 s0, $0x0;
	s7 =	rddreg [dreg:$0x4]  }
0x9c: {  	p1 =	por p5, p5;
	p5 =	por p2, p6;
	p2 =	sge.u32 @!p6 s29, s7  }
0x9d: {  	s23 =	sadd.s32 $0x4, s23;
	[sflag:s2] =	ssyncset.done @!p6 $0x0;
	p2 =	por p2, p6  }
0x9e: {  	p0 =	por p4, p4;
	[sflag:s2] =	ssyncadd.s32 @!p6 $0xFFFFC000;
	s2 =	simm.s32 @!p2 $0x4  }
0x9f: {  	s10 =	simm.s32 @!p5 $0x0;
	s9 =	sadd.s32 $0x2, s29;
	_ =	swait.ge @!p2 [sflag:s2], $0x100  }
0xa0: {  	p4 =	sge.u32 s9, s5;
	s8 =	simm.s32 @!p2 $0x4400;
	[sflag:s2] =	ssyncset.done @!p2 $0x0  }
0xa1: {  	s7 =	simm.s32 @!p2 $0x80;
	s9 =	simm.s32 @!p2 $0x300;
	[sflag:s2] =	ssyncadd.s32 @!p2 $0xFFFFFF00  }
0xa2: {  	[tilespmem:s8], [sflag:$0x6] =	stream.indirect.gather @!p2 [hbm4b:s4+s7], $0x80, s9, s7, $0xb8;
	[tilespmem:$0x1C400] =	vst v63  }
0xa3: {  	s2 =	sadd.s32 @!p5 $0x20, s30;
	s7 =	simm.s32 @!p5 $0x100;
	s8 =	simm.s32 @!p4 $0x5  }
0xa4: {  	[tilespmem:s7], [sflag:$0x2] =	stream.linear.gather @!p5 [hbm4b:s2+s10], $0x100, $0x38;
	[tilespmem:$0x1C400] =	vst v63  }
0xa5: {  	s24 =	smov.u32 s30;
	p2 =	sge.u32 @!p4 s29, s12;
	_ =	swait.ge @!p4 [sflag:s8], $0x4000  }
0xa6: {  	s9 =	simm.s32 @!p4 $0x80;
	s2 =	simm.s32 @!p4 $0x400;
	[sflag:s8] =	ssyncset.done @!p4 $0x0  }
0xa7: {  	s10 =	simm.s32 @!p4 $0x280;
	[sflag:s8] =	ssyncadd.s32 @!p4 $0xFFFFC000;
	s8 =	simm.s32 @!p4 $0x7  }
0xa8: {  	[spmem:s1] =	stream.indirect.scatter.add.f32 @!p4 [tilespmem:s2], [sflag:$0x7], $0x80, s10, s9, $0xb8;
	[tilespmem:$0x1C400] =	vst v63  }
0xa9: {  	p2 =	por p2, p4;
	s7 =	sadd.s32 @!p4 $0x6, s29;
	_ =	swait.ge @!p4 [sflag:s8], $0x4000  }
0xaa: {  	p5 =	sge.u32 @!p4 s7, s5;
	s7 =	simm.s32 @!p2 $0x80;
	[sflag:s8] =	ssyncset.done @!p4 $0x0  }
0xab: {  	p6 =	por p5, p4;
	s2 =	simm.s32 @!p2 $0x1;
	[sflag:s8] =	ssyncadd.s32 @!p4 $0xFFFFC000  }
0xac: {  	s10 =	sadd.s32 $0x3, s29;
	s9 =	simm.s32 @!p2 $0x0;
	_ =	swait.ge @!p2 [sflag:s2], $0x100  }
0xad: {  	p5 =	sge.u32 s10, s5;
	s10 =	simm.s32 @!p6 $0x0;
	[sflag:s2] =	ssyncset.done @!p2 $0x0  }
0xae: {  	s8 =	simm.s32 @!p2 $0x400;
	[sflag:s2] =	ssyncadd.s32 @!p2 $0xFFFFFF00;
	s2 =	sadd.s32 @!p6 $0x40, s30  }
0xaf: {  	[tilespmem:s8], [sflag:$0x5] =	stream.indirect.gather @!p2 [hbm4b:s4+s7], $0x80, s9, s7, $0xb8;
	[tilespmem:$0x1C400] =	vst v63  }
0xb0: {  	s7 =	simm.s32 @!p6 $0x200;
	s8 =	simm.s32 @!p5 $0x6;
	s9 =	sadd.s32 @!p5 $0x5, s29  }
0xb1: {  	[tilespmem:s7], [sflag:$0x3] =	stream.linear.gather @!p6 [hbm4b:s2+s10], $0x100, $0x38;
	[tilespmem:$0x1C400] =	vst v63  }
0xb2: {  	p2 =	sge.u32 @!p5 s9, s5;
	s9 =	simm.s32 @!p5 $0x380;
	_ =	swait.ge @!p5 [sflag:s8], $0x4000  }
0xb3: {  	s2 =	simm.s32 @!p5 $0x4400;
	s7 =	simm.s32 @!p5 $0x80;
	[sflag:s8] =	ssyncset.done @!p5 $0x0  }
0xb4: {  	s10 =	sadd.s32 @!p5 $0x7, s29;
	[sflag:s8] =	ssyncadd.s32 @!p5 $0xFFFFC000;
	s8 =	simm.s32 @!p5 $0x7  }
0xb5: {  	[spmem:s1] =	stream.indirect.scatter.add.f32 @!p5 [tilespmem:s2], [sflag:$0x7], $0x80, s9, s7, $0xb8;
	[tilespmem:$0x1C400] =	vst v63  }
0xb6: {  	p6 =	por p2, p5;
	p2 =	sge.u32 @!p5 s10, s5;
	_ =	swait.ge @!p5 [sflag:s8], $0x4000  }
0xb7: {  	s30 =	sadd.s32 $0x80, s30;
	p4 =	por p2, p5;
	[sflag:s8] =	ssyncset.done @!p5 $0x0  }
.Ltmp3:
0xb8: {  	s7 =	simm.s32 @!p6 $0x2;
	[sflag:s8] =	ssyncadd.s32 @!p5 $0xFFFFC000;
	(pc) =	sbr.rel @p3 .LBB2_7-.Ltmp3, $4  }
0xb9: {  	s10 =	simm.s32 @!p6 $0x100;
	s29 =	simm.s32 @!p4 $0x300;
	_ =	swait.ge @!p6 [sflag:s7], $0x100  }
0xba: {  	s24 =	sadd.s32 @!p4 $0x60, s24;
	s2 =	simm.s32 @!p4 $0x0;
	[sflag:s7] =	ssyncset.done @!p6 $0x0  }
0xbb: {  	s9 =	simm.s32 @!p6 $0x80;
	s8 =	simm.s32 @!p6 $0x4400;
	[sflag:s7] =	ssyncadd.s32 @!p6 $0xFFFFFF00  }
0xbc: {  	[tilespmem:s8], [sflag:$0x6] =	stream.indirect.gather @!p6 [hbm4b:s4+s9], $0x80, s10, s9, $0xb8;
	[tilespmem:$0x1C400] =	vst v63  }
0xbd: {  	s0 =	smov.u32 s31;
	p3 =	por $0x1, $0x1  }
.LBB2_9:
0xbe: {  	s7 =	simm.s32 @!p1 $0x5;
	p2 =	por p4, !p3  }
0xbf: {  	[tilespmem:s29], [sflag:$0x4] =	stream.linear.gather @!p2 [hbm4b:s24+s2], $0x100, $0x38;
	[tilespmem:$0x1C400] =	vst v63  }
0xc0: {  	_ =	swait.ge @!p1 [sflag:s7], $0x4000  }
0xc1: {  	s8 =	simm.s32 @!p1 $0x400;
	[sflag:s7] =	ssyncset.done @!p1 $0x0  }
0xc2: {  	s2 =	simm.s32 @!p1 $0x7;
	[sflag:s7] =	ssyncadd.s32 @!p1 $0xFFFFC000;
	s7 =	simm.s32 @!p1 $0x80  }
0xc3: {  	[spmem:s1] =	stream.indirect.scatter.add.f32 @!p1 [tilespmem:s8], [sflag:$0x7], $0x80, s7, s7, $0xb8;
	[tilespmem:$0x1C400] =	vst v63  }
0xc4: {  	_ =	swait.ge @!p1 [sflag:s2], $0x4000  }
0xc5: {  	s7 =	rddreg [dreg:$0x3]  }
0xc6: {  	p2 =	sge.u32 @!p1 s0, s7  }
0xc7: {  	[sflag:s2] =	ssyncset.done @!p1 $0x0;
	p2 =	por p2, p1  }
0xc8: {  	[sflag:s2] =	ssyncadd.s32 @!p1 $0xFFFFC000;
	s2 =	simm.s32 @!p2 $0x3  }
0xc9: {  	_ =	swait.ge @!p2 [sflag:s2], $0x100  }
0xca: {  	s23 =	sadd.s32 $0x1, s0;
	s7 =	simm.s32 @!p2 $0x400;
	[sflag:s2] =	ssyncset.done @!p2 $0x0  }
0xcb: {  	s9 =	simm.s32 @!p2 $0x200;
	[sflag:s2] =	ssyncadd.s32 @!p2 $0xFFFFFF00;
	s2 =	simm.s32 @!p2 $0x80  }
0xcc: {  	[tilespmem:s7], [sflag:$0x5] =	stream.indirect.gather @!p2 [hbm4b:s4+s2], $0x80, s9, s2, $0xb8;
	[tilespmem:$0x1C400] =	vst v63  }
0xcd: {  	p1 =	sge.u32 s23, s5;
	s2 =	simm.s32 @!p0 $0x0  }
0xce: {  	[tilespmem:s2], [sflag:$0x1] =	stream.linear.gather @!p0 [hbm4b:s30+s2], $0x100, $0x38;
	[tilespmem:$0x1C400] =	vst v63  }
0xcf: {  	s2 =	simm.s32 @!p1 $0x6  }
0xd0: {  	_ =	swait.ge @!p1 [sflag:s2], $0x4000  }
0xd1: {  	s8 =	simm.s32 @!p1 $0x80;
	s7 =	simm.s32 @!p1 $0x4400;
	[sflag:s2] =	ssyncset.done @!p1 $0x0  }
0xd2: {  	s9 =	simm.s32 @!p1 $0x180;
	[sflag:s2] =	ssyncadd.s32 @!p1 $0xFFFFC000;
	s2 =	simm.s32 @!p1 $0x7  }
0xd3: {  	[spmem:s1] =	stream.indirect.scatter.add.f32 @!p1 [tilespmem:s7], [sflag:$0x7], $0x80, s9, s8, $0xb8;
	[tilespmem:$0x1C400] =	vst v63  }
0xd4: {  	_ =	swait.ge @!p1 [sflag:s2], $0x4000  }
0xd5: {  	s7 =	rddreg [dreg:$0x4]  }
0xd6: {  	s24 =	sadd.s32 $0x2, s0;
	p0 =	sge.u32 @!p1 s0, s7  }
0xd7: {  	s8 =	sadd.s32 @!p1 $0x5, s0;
	[sflag:s2] =	ssyncset.done @!p1 $0x0;
	p3 =	por p0, p1  }
0xd8: {  	p2 =	sge.u32 @!p1 s8, s5;
	[sflag:s2] =	ssyncadd.s32 @!p1 $0xFFFFC000;
	s2 =	simm.s32 @!p3 $0x4  }
0xd9: {  	p2 =	por p2, p1;
	p0 =	sge.u32 s24, s5;
	_ =	swait.ge @!p3 [sflag:s2], $0x100  }
0xda: {  	s8 =	simm.s32 @!p3 $0x4400;
	s7 =	simm.s32 @!p3 $0x80;
	[sflag:s2] =	ssyncset.done @!p3 $0x0  }
0xdb: {  	s9 =	simm.s32 @!p3 $0x300;
	[sflag:s2] =	ssyncadd.s32 @!p3 $0xFFFFFF00;
	s2 =	sadd.s32 @!p2 $0x20, s30  }
0xdc: {  	[tilespmem:s8], [sflag:$0x6] =	stream.indirect.gather @!p3 [hbm4b:s4+s7], $0x80, s9, s7, $0xb8;
	[tilespmem:$0x1C400] =	vst v63  }
0xdd: {  	s7 =	simm.s32 @!p2 $0x0;
	s8 =	simm.s32 @!p2 $0x100;
	s9 =	simm.s32 @!p0 $0x5  }
0xde: {  	[tilespmem:s8], [sflag:$0x2] =	stream.linear.gather @!p2 [hbm4b:s2+s7], $0x100, $0x38;
	[tilespmem:$0x1C400] =	vst v63  }
0xdf: {  	_ =	swait.ge @!p0 [sflag:s9], $0x4000  }
0xe0: {  	s2 =	simm.s32 @!p0 $0x400;
	s7 =	simm.s32 @!p0 $0x80;
	[sflag:s9] =	ssyncset.done @!p0 $0x0  }
0xe1: {  	s8 =	simm.s32 @!p0 $0x280;
	[sflag:s9] =	ssyncadd.s32 @!p0 $0xFFFFC000;
	s9 =	simm.s32 @!p0 $0x7  }
0xe2: {  	[spmem:s1] =	stream.indirect.scatter.add.f32 @!p0 [tilespmem:s2], [sflag:$0x7], $0x80, s8, s7, $0xb8;
	[tilespmem:$0x1C400] =	vst v63  }
0xe3: {  	s29 =	sadd.s32 $0x3, s0;
	p1 =	sge.u32 @!p0 s0, s12;
	_ =	swait.ge @!p0 [sflag:s9], $0x4000  }
0xe4: {  	p3 =	por p1, p0;
	s2 =	sadd.s32 @!p0 $0x6, s0;
	[sflag:s9] =	ssyncset.done @!p0 $0x0  }
0xe5: {  	p2 =	sge.u32 @!p0 s2, s5;
	s2 =	simm.s32 @!p3 $0x1;
	[sflag:s9] =	ssyncadd.s32 @!p0 $0xFFFFC000  }
0xe6: {  	s8 =	simm.s32 @!p3 $0x400;
	s7 =	simm.s32 @!p3 $0x80;
	_ =	swait.ge @!p3 [sflag:s2], $0x100  }
0xe7: {  	p1 =	por p2, p0;
	p0 =	sge.u32 s29, s5;
	[sflag:s2] =	ssyncset.done @!p3 $0x0  }
0xe8: {  	s9 =	simm.s32 @!p3 $0x0;
	[sflag:s2] =	ssyncadd.s32 @!p3 $0xFFFFFF00;
	s2 =	sadd.s32 @!p1 $0x40, s30  }
0xe9: {  	[tilespmem:s8], [sflag:$0x5] =	stream.indirect.gather @!p3 [hbm4b:s4+s7], $0x80, s9, s7, $0xb8;
	[tilespmem:$0x1C400] =	vst v63  }
0xea: {  	s7 =	simm.s32 @!p1 $0x0;
	s8 =	simm.s32 @!p1 $0x200;
	s9 =	simm.s32 @!p0 $0x6  }
0xeb: {  	[tilespmem:s8], [sflag:$0x3] =	stream.linear.gather @!p1 [hbm4b:s2+s7], $0x100, $0x38;
	[tilespmem:$0x1C400] =	vst v63  }
0xec: {  	s10 =	simm.s32 @!p0 $0x380;
	_ =	swait.ge @!p0 [sflag:s9], $0x4000  }
0xed: {  	s2 =	sadd.s32 @!p0 $0x5, s0;
	s7 =	simm.s32 @!p0 $0x4400;
	[sflag:s9] =	ssyncset.done @!p0 $0x0  }
0xee: {  	s8 =	simm.s32 @!p0 $0x80;
	[sflag:s9] =	ssyncadd.s32 @!p0 $0xFFFFC000;
	s9 =	simm.s32 @!p0 $0x7  }
0xef: {  	[spmem:s1] =	stream.indirect.scatter.add.f32 @!p0 [tilespmem:s7], [sflag:$0x7], $0x80, s10, s8, $0xb8;
	[tilespmem:$0x1C400] =	vst v63  }
0xf0: {  	p1 =	sge.u32 @!p0 s2, s5;
	_ =	swait.ge @!p0 [sflag:s9], $0x4000  }
0xf1: {  	p1 =	por p1, p0;
	[sflag:s9] =	ssyncset.done @!p0 $0x0  }
0xf2: {  	s0 =	sadd.s32 @!p0 $0x7, s0;
	s2 =	simm.s32 @!p1 $0x2;
	[sflag:s9] =	ssyncadd.s32 @!p0 $0xFFFFC000  }
0xf3: {  	p2 =	sge.u32 @!p0 s0, s5;
	s0 =	simm.s32 @!p1 $0x4400;
	_ =	swait.ge @!p1 [sflag:s2], $0x100  }
0xf4: {  	s7 =	simm.s32 @!p1 $0x80;
	p0 =	por p2, p0;
	[sflag:s2] =	ssyncset.done @!p1 $0x0  }
0xf5: {  	s8 =	simm.s32 @!p1 $0x100;
	[sflag:s2] =	ssyncadd.s32 @!p1 $0xFFFFFF00;
	s2 =	simm.s32 @!p0 $0x0  }
0xf6: {  	[tilespmem:s0], [sflag:$0x6] =	stream.indirect.gather @!p1 [hbm4b:s4+s7], $0x80, s8, s7, $0xb8;
	[tilespmem:$0x1C400] =	vst v63  }
0xf7: {  	s0 =	simm.s32 @!p0 $0x300;
	s7 =	sadd.s32 @!p0 $0x60, s30;
	s30 =	stileid.u32  }
0xf8: {  	[tilespmem:s0], [sflag:$0x4] =	stream.linear.gather @!p0 [hbm4b:s7+s2], $0x100, $0x38;
	[tilespmem:$0x1C400] =	vst v63  }
0xf9: {  	s31 =	sshrl.u32 s6, $0x3;
	s3 =	sadd.s32 $0x1, s3;
	s0 =	sshll.u32 s30, $0x6  }
0xfa: {  	p0 =	sne.s32 s3, s14;
	[bflag:$0x0] =	sbarrier.arrive $0xFFFF;
	s0 =	sor.u32 $0x1C07, s0  }
0xfb: {  	[hbm:s13], [sflag:s0] =	dma.local [spmem:s31], $0x2800  }
.Ltmp4:
0xfc: {  	_ = 	snop;
	(pc) =	sbr.rel @p0 .LBB2_1-.Ltmp4, $4  }
.Ltmp5:
0xfd: {  	_ = 	snop;
	(pc) =	sbr.rel @!p0 .LBB2_10-.Ltmp5, $4  }
0xfe: {  	_ =	swait.ge [sflag:s21], $0x2800  }
0xff: {  	[sflag:s21] =	ssyncset.done $0x0  }
0x100: {  	[sflag:s21] =	ssyncadd.s32 $0xFFFFD800  }
0x101: {  	_ = 	snop  }
.LBB2_4:
.Ltmp6:
0x102: {  	(pc) =	sbr.rel .LBB2_9-.Ltmp6, $2  }
0x103: {  	_ =	sdelay $0x2  }
0x104: {  	s30 =	smov.u32 s19  }
.LBB2_6:
.Ltmp7:
0x105: {  	(pc) =	sbr.rel .LBB2_9-.Ltmp7, $2  }
0x106: {  	_ =	sdelay $0x2  }
0x107: {  	s0 =	simm.s32 $0x4;
	p3 =	por $0x1, $0x1  }
.LBB2_10:
0x108: {  	_ =	sfence.sel $0x180000  }
0x109: {  	[bflag:$0x0] =	sbarrier.arrive $0xFFFF  }
0x10a: {  	_ =	strace $0x9000004D  }
0x10b: {  	s0 =	stileid.u32;
	[bflag:$0x2] =	sbarrier.arrive $0xFFFF  }
0x10c: {  	p0 =	sne.s32 s0, $0x0;
	s0 =	rddreg [dreg:$0x2]  }
0x10d: {  	s0 =	sadd.s32 @!p0 $0x100000, s0  }
0x10e: {  	[sflag:s0] =	ssyncadd.tile.s32 @!p0 $0x1;
	_ =	shalt  }
.Lfunc_end2:
_tile_overlayer_lowered:
.L_overlay_start_2:
0x10f: {  	(tag) =	ssettag $0x2  }
0x110: {  	s0 =	rddreg [dreg:$0x0];
	s2 =	stileid.u32  }
0x111: {  	s1 =	rddreg [dreg:$0x1];
	p0 =	sne.s32 s2, $0x0  }
0x112: {  	s3 =	rddreg [dreg:$0x2];
	[bflag:$0x3] =	sbarrier.arrive $0xFFFF;
	s2 =	simm.s32 @!p0 $0x1C07  }
0x113: {  	[timem:s3], [sflag:s2] =	dma.local @!p0 [hbm:s0], s1  }
0x114: {  	s0 =	simm.s32 @!p0 $0x7  }
0x115: {  	_ =	swait.ge @!p0 [sflag:s0], s1  }
0x116: {  	s1 =	ssub.s32 @!p0 $0x0, s1;
	[sflag:s0] =	ssyncset.done @!p0 $0x0  }
0x117: {  	[sflag:s0] =	ssyncadd.s32 @!p0 s1  }
0x118: {  	[bflag:$0x3] =	sbarrier.arrive $0xFFFF  }
0x119: {  	_ =	shalt  }

// kernel: kernel.9.cloned.1.call-start
scs
__scs_entry_jumppad:
0x0: {  	(pc) =	sbr.rel $0x88, $3  }
0x1: {  	(tag) =	ssettag $0x0;
	lr =	simm.s32 $0x1  }
0x2: {  	[smem:$0x3F96] =	sst lr;
	_ =	strace $0xD0000000  }
0x3: {  	_ = 	snop  }
0x4: {  	_ = 	snop  }
0x5: {  	_ = 	snop  }
0x6: {  	_ = 	snop  }
0x7: {  	_ = 	snop  }
__scs_overlays_trampoline_lowered:
0x8: {  	[smem:$0x3FA5] =	sst s0  }
0x9: {  	[smem:$0x3FA6] =	sst s1  }
0xa: {  	[smem:$0x3FA7] =	sst s2  }
0xb: {  	[smem:$0x3FA8] =	sst s3  }
0xc: {  	[smem:$0x3FA9] =	sst s4  }
0xd: {  	[smem:$0x3FAA] =	sst s5  }
0xe: {  	[smem:$0x3FAB] =	sst s6  }
0xf: {  	[smem:$0x3FAC] =	sst s7  }
0x10: {  	[smem:$0x3FAD] =	sst s8  }
0x11: {  	[smem:$0x3FAE] =	sst s9;
	s0 =	simm.s32 @!p0 $0x0  }
0x12: {  	s1 =	sld [smem:$0x3F94];
	s0 =	simm.s32 @p0 $0x1  }
0x13: {  	[smem:$0x3FAF] =	sst s0;
	s0 =	simm.s32 @!p1 $0x0  }
0x14: {  	s2 =	sld [smem:$0x3F93];
	s0 =	simm.s32 @p1 $0x1  }
0x15: {  	[smem:$0x3FB0] =	sst s0;
	s0 =	simm.s32 @!p2 $0x0  }
0x16: {  	s3 =	sld [smem:$0x3FDB];
	s0 =	simm.s32 @p2 $0x1  }
0x17: {  	s4 =	simm.s32 $0x1BF5;
	[smem:$0x3FB2] =	sst s0  }
0x18: {  	s0 =	sld [smem:$0x3F95];
	_ =	swait.ge [sflag:s4], $0x0  }
0x19: {  	s7 =	sld [smem:$0x3F96]  }
0x1a: {  	s8 =	sadd.s32 $0xFFFFE003, lr  }
0x1b: {  	s9 =	sadd.s32 $0xFFFFFEF7, lr;
	s5 =	simm.s32 $0xFFFFFFFF;
	p2 =	slt.u32 s8, $0xFFFFF086  }
0x1c: {  	p1 =	slt.u32 s9, $0xF7A;
	s5 =	simm.s32 @!p2 $0x0  }
0x1d: {  	s5 =	simm.s32 @p1 $0x1;
	p0 =	seq.s32 s7, s2  }
0x1e: {  	s7 =	smul.u32 @!p0 $0xF7A, s2;
	p2 =	seq.s32 @!p0 s5, $0x0  }
0x1f: {  	s9 =	smul.u32 $0xF7A, s1;
	s8 =	simm.s32 @!p0 $0x1BF5;
	p2 =	por !p2, p0  }
0x20: {  	[sflag:s8] =	ssyncset.s32 @!p0 $0xFFFFF086;
	s6 =	sadd.s32 @!p0 s3, s7;
	s7 =	simm.s32 @!p0 $0x108  }
0x21: {  	s3 =	sadd.s32 s3, s9;
	s6 =	sadd.s32 @!p0 $0x88, s6;
	s7 =	simm.s32 @p2 $0x1082  }
0x22: {  	[simem:s7], [sflag:s8] =	dma.local @!p0 [hbm:s6], $0xF7A  }
0x23: {  	s9 =	sor.u32 $0xD0000000, s2;
	s6 =	simm.s32 $0x108;
	_ =	swait.ge @!p0 [sflag:s8], $0x0  }
0x24: {  	s3 =	sadd.s32 $0x88, s3;
	s6 =	simm.s32 @!p1 $0x1082;
	[sflag:s4] =	ssyncset.s32 $0xFFFFF086  }
0x25: {  	[simem:s6], [sflag:s4] =	dma.local [hbm:s3], $0xF7A  }
0x26: {  	[smem:$0x3F96] =	sst s1;
	(tag) =	ssettag s2;
	_ =	strace s9  }
0x27: {  	s1 =	sld [smem:$0x3FA6]  }
0x28: {  	s2 =	sld [smem:$0x3FA7]  }
0x29: {  	s4 =	sld [smem:$0x3FA9]  }
0x2a: {  	p0 =	seq.s32 s5, $0x0;
	s5 =	sld [smem:$0x3FAA]  }
0x2b: {  	s6 =	sld [smem:$0x3FAB]  }
0x2c: {  	s7 =	sld [smem:$0x3FAC]  }
0x2d: {  	s3 =	simm.s32 $0x108;
	s8 =	sld [smem:$0x3FAD]  }
0x2e: {  	s3 =	simm.s32 @!p0 $0x1082;
	s9 =	sld [smem:$0x3FAE]  }
0x2f: {  	lr =	sadd.s32 s0, s3;
	s0 =	sld [smem:$0x3FA5]  }
0x30: {  	s3 =	sld [smem:$0x3FA8]  }
0x31: {  	[smem:$0x3FB1] =	sst s10  }
0x32: {  	s10 =	sld [smem:$0x3FAF];
	_ =	sdelay $0x3  }
0x33: {  	p0 =	seq.s32 s10, $0x1;
	s10 =	sld [smem:$0x3FB1];
	_ =	sdelay $0x3  }
0x34: {  	[smem:$0x3FB1] =	sst s10  }
0x35: {  	s10 =	sld [smem:$0x3FB0];
	_ =	sdelay $0x3  }
0x36: {  	p1 =	seq.s32 s10, $0x1;
	s10 =	sld [smem:$0x3FB1];
	_ =	sdelay $0x3  }
0x37: {  	[smem:$0x3FB1] =	sst s10  }
0x38: {  	s10 =	sld [smem:$0x3FB2]  }
0x39: {  	_ = 	snop;
	(pc) =	sbr.ind lr, $3  }
0x3a: {  	_ = 	snop  }
0x3b: {  	_ = 	snop  }
0x3c: {  	p2 =	seq.s32 s10, $0x1;
	s10 =	sld [smem:$0x3FB1]  }
0x3d: {  	_ =	shalt  }
0x3e: {  	_ =	shalt  }
0x3f: {  	_ =	shalt  }
0x40: {  	_ =	shalt  }
0x41: {  	_ =	shalt  }
0x42: {  	_ =	shalt  }
0x43: {  	_ =	shalt  }
0x44: {  	_ =	shalt  }
0x45: {  	_ =	shalt  }
0x46: {  	_ =	shalt  }
0x47: {  	_ =	shalt  }
0x48: {  	_ =	shalt  }
0x49: {  	_ =	shalt  }
0x4a: {  	_ =	shalt  }
0x4b: {  	_ =	shalt  }
0x4c: {  	_ =	shalt  }
0x4d: {  	_ =	shalt  }
0x4e: {  	_ =	shalt  }
0x4f: {  	_ =	shalt  }
0x50: {  	_ =	shalt  }
0x51: {  	_ =	shalt  }
0x52: {  	_ =	shalt  }
0x53: {  	_ =	shalt  }
0x54: {  	_ =	shalt  }
0x55: {  	_ =	shalt  }
0x56: {  	_ =	shalt  }
0x57: {  	_ =	shalt  }
0x58: {  	_ =	shalt  }
0x59: {  	_ =	shalt  }
0x5a: {  	_ =	shalt  }
0x5b: {  	_ =	shalt  }
0x5c: {  	_ =	shalt  }
0x5d: {  	_ =	shalt  }
0x5e: {  	_ =	shalt  }
0x5f: {  	_ =	shalt  }
0x60: {  	_ =	shalt  }
0x61: {  	_ =	shalt  }
0x62: {  	_ =	shalt  }
0x63: {  	_ =	shalt  }
0x64: {  	_ =	shalt  }
0x65: {  	_ =	shalt  }
0x66: {  	_ =	shalt  }
0x67: {  	_ =	shalt  }
0x68: {  	_ =	shalt  }
0x69: {  	_ =	shalt  }
0x6a: {  	_ =	shalt  }
0x6b: {  	_ =	shalt  }
0x6c: {  	_ =	shalt  }
0x6d: {  	_ =	shalt  }
0x6e: {  	_ =	shalt  }
0x6f: {  	_ =	shalt  }
0x70: {  	_ =	shalt  }
0x71: {  	_ =	shalt  }
0x72: {  	_ =	shalt  }
0x73: {  	_ =	shalt  }
0x74: {  	_ =	shalt  }
0x75: {  	_ =	shalt  }
0x76: {  	_ =	shalt  }
0x77: {  	_ =	shalt  }
0x78: {  	_ =	shalt  }
0x79: {  	_ =	shalt  }
0x7a: {  	_ =	shalt  }
0x7b: {  	_ =	shalt  }
0x7c: {  	_ =	shalt  }
0x7d: {  	_ =	shalt  }
0x7e: {  	_ =	shalt  }
0x7f: {  	_ =	shalt  }
0x80: {  	_ =	shalt  }
0x81: {  	_ =	shalt  }
0x82: {  	_ =	shalt  }
0x83: {  	_ =	shalt  }
0x84: {  	_ =	shalt  }
0x85: {  	_ =	shalt  }
0x86: {  	_ =	shalt  }
0x87: {  	_ =	shalt  }
.Lfunc_end0:
.L_simem_size_0:
called_computation_lowered:
.L_overlay_start_0:
0x88: {  	s2 =	sld [smem:$0x3FD9]  }
0x89: {  	s3 =	sld [smem:$0x3FFE];
	_ =	sdelay $0x1  }
0x8a: {  	s1 =	srdreg.scid  }
0x8b: {  	s0 =	sand.u32 $0x1, s1  }
0x8c: {  	s16 =	sshll.u32 s0, $0xA;
	s2 =	sadd.s32 s3, s2  }
0x8d: {  	s2 =	sadd.s32 s2, s16  }
0x8e: {  	[smem:$0x3FBD] =	sst s2  }
0x8f: {  	_ = 	snop  }
0x90: {  	(tm) =	ssettm $0x1  }
0x91: {  	s17 =	sld [smem:$0x3FFB];
	_ =	sdelay $0x3  }
0x92: {  	_ =	strace s17  }
0x93: {  	s2 =	sld [smem:$0x3FFC];
	_ =	sdelay $0x3  }
0x94: {  	_ =	strace s2  }
0x95: {  	s2 =	sld [smem:$0x3FFD];
	_ =	sdelay $0x3  }
0x96: {  	_ =	strace s2  }
0x97: {  	_ =	strace $0x8FFFFFFF  }
0x98: {  	s18 =	sld [smem:$0x3FDB];
	_ =	sdelay $0x1  }
0x99: {  	s19 =	simm.s32 $_scs_section_size  }
0x9a: {  	s4 =	simm.s32 $_size__tile_overlayer_lowered;
	s5 =	simm.s32 $_tile_overlayer_lowered  }
0x9b: {  	s22 =	simm.s32 $0x1BFF;
	s21 =	sshll.u32 s5, $0x1;
	s2 =	sadd.s32 s19, s18  }
0x9c: {  	s6 =	simm.s32 $0x0;
	s20 =	sshll.u32 s4, $0x1;
	s4 =	sadd.s32 s21, s2  }
0x9d: {  	[timem:s6], [sflag:s22] =	dma.local [hbm:s4], s20  }
0x9e: {  	_ =	swait.ge [sflag:s22], s20  }
0x9f: {  	s3 =	ssub.s32 $0x0, s20;
	[sflag:s22] =	ssyncset.done $0x0  }
0xa0: {  	[sflag:s22] =	ssyncadd.s32 s3;
	_ =	sdelay $0x1  }
0xa1: {  	s23 =	simm.s32 $0x1B8B  }
0xa2: {  	_ =	swait.ge [sflag:s23], $0x1  }
0xa3: {  	[sflag:s23] =	ssyncset.done $0x0  }
0xa4: {  	s25 =	simm.s32 $0x1B8E;
	s24 =	sld [smem:$0x3FFE];
	[sflag:s23] =	ssyncadd.s32 $0xFFFFFFFF  }
0xa5: {  	s26 =	simm.s32 $execute0_lowered;
	[smem:$0x3FD2] =	sst s25  }
0xa6: {  	s4 =	sshll.u32 s26, $0x1;
	_ =	strace $0x80000046;
	[dreg:$0x1] =	wrdreg $0xFFFFFFFF  }
0xa7: {  	s28 =	simm.s32 $_size_execute0_lowered;
	s2 =	sadd.s32 s2, s4;
	[dreg:$0x0] =	wrdreg $0x0  }
0xa8: {  	s4 =	sshll.u32 s28, $0x1;
	[dreg:$0x2] =	wrdreg s2  }
0xa9: {  	[dreg:$0x3] =	wrdreg s4  }
0xaa: {  	[dreg:$0x4] =	wrdreg $0xC0  }
0xab: {  	_ =	task [dreg:s6], $0x5FFFF  }
0xac: {  	[dreg:$0x1] =	wrdreg $0xFFFFFFFF  }
0xad: {  	[dreg:$0x0] =	wrdreg $0x60  }
0xae: {  	[dreg:$0x2] =	wrdreg s24  }
0xaf: {  	[dreg:$0x3] =	wrdreg $0x2B000  }
0xb0: {  	[dreg:$0x4] =	wrdreg $0x9  }
0xb1: {  	_ =	task.clear_ibuf [dreg:s6], $0x5FFFF;
	_ =	strace $0x90000046  }
0xb2: {  	s29 =	simm.s32 $0x9;
	_ =	strace $0x80000048  }
0xb3: {  	_ =	swait.ge [sflag:s29], $0x1  }
0xb4: {  	[sflag:s29] =	ssyncadd.s32 $0xFFFFFFFF  }
0xb5: {  	_ =	strace $0x90000048  }
0xb6: {  	_ =	sfence  }
0xb7: {  	s30 =	sld [smem:$0x0];
	_ =	sdelay $0x2  }
0xb8: {  	s31 =	sshll.u32 s1, $0xD;
	s1 =	sshrl.u32 s1, $0x2  }
0xb9: {  	s3 =	sand.u32 $0x4000, s31;
	s1 =	sadd.s32 s1, s30  }
0xba: {  	s0 =	sor.u32 s3, s0;
	s1 =	sshll.u32 s1, $0x11  }
0xbb: {  	s0 =	sor.u32 s1, s0  }
0xbc: {  	s0 =	sadd.s32 $0x8F2B, s0  }
0xbd: {  	[sflag:s0] =	ssyncadd.remote.s32 $0x1  }
0xbe: {  	_ =	sfence.sel $0xFFFF  }
0xbf: {  	[dreg:$0x0] =	wrdreg $0xFFFFFFFF;
	(pc) =	sbr.abs _section_cstart, $3  }
0xc0: {  	[dreg:$0x1] =	wrdreg $0xFFFFFFFF  }
0xc1: {  	_ =	task.clear_ibuf [dreg:s6], $0x2FFFF;
	_ =	strace $0x9FFFFFFF  }
0xc2: {  	(tm) =	ssettm $0x7FFFFFFF  }
0xc3: {  	_ =	shalt  }
tec
execute0_lowered:
.L_overlay_start_1:
0x0: {  	(tag) =	ssettag $0x1  }
0x1: {  	s4 =	rddreg [dreg:$0x0]  }
0x2: {  	s2 =	rddreg [dreg:$0x1]  }
0x3: {  	s3 =	srdreg.scid;
	s1 =	stileid.u32  }
0x4: {  	s0 =	rddreg [dreg:$0x2];
	s10 =	simm.s32 $0x80;
	s11 =	simm.s32 $0x2A80  }
0x5: {  	s14 =	simm.s32 $0x20;
	s15 =	simm.s32 $0x10;
	s16 =	simm.s32 $0x0  }
0x6: {  	s5 =	sand.u32 $0x1, s3;
	s6 =	sshll.u32 s1, $0x1;
	s7 =	smul.u32 $0x500, s1  }
0x7: {  	s3 =	simm.s32 $0x0;
	s30 =	smul.u32 $0xA00, s1;
	s12 =	sshll.u32 s1, $0x6  }
0x8: {  	s6 =	sor.u32 s5, s6;
	[smem:$0x7FF] =	sst s3;
	s8 =	sshll.u32 s5, $0x7  }
0x9: {  	s5 =	ssub.s32 $0x2, s5;
	s12 =	sor.u32 $0x1C01, s12;
	s6 =	smul.u32 $0x500, s6  }
0xa: {  	_ =	strace $0x80000047;
	s7 =	sor.u32 s8, s7;
	s31 =	sshrl.u32 s5, $0x1  }
0xb: {  	s8 =	sshrl.u32 s30, $0x2;
	s7 =	sshrl.u32 s7, $0x3;
	s9 =	ssub.s32 s5, s31  }
0xc: {  	s6 =	sadd.s32 s6, s4;
	s7 =	sadd.s32 s7, s4;
	s4 =	sadd.s32 s8, s2  }
0xd: {  	s8 =	simm.s32 $0x2800;
	s5 =	sadd.s32 $0x2800, s6;
	s6 =	sadd.s32 $0xC800, s7  }
0xe: {  	v0 =	vimm.f32 $0.0e+00;
	v1 =	vimm.f32 $1.000000000e+00;
	s7 =	smax.u32 s9, $0x1;
	s9 =	simm.s32 $0x1;
	s13 =	sshrl.u32 s4, $0x3  }
.LBB2_1:
0xf: {  	[tilespmem:$0x2800] =	vst v0  }
0x10: {  	[tilespmem:$0x2810] =	vst v0  }
0x11: {  	[tilespmem:$0x2820] =	vst v0  }
0x12: {  	[tilespmem:$0x2830] =	vst v0  }
0x13: {  	[tilespmem:$0x2840] =	vst v0  }
0x14: {  	[tilespmem:$0x2850] =	vst v0  }
0x15: {  	[tilespmem:$0x2860] =	vst v0  }
0x16: {  	[tilespmem:$0x2870] =	vst v0  }
0x17: {  	[tilespmem:$0x2880] =	vst v0  }
0x18: {  	[tilespmem:$0x2890] =	vst v0  }
0x19: {  	[tilespmem:$0x28A0] =	vst v0  }
0x1a: {  	[tilespmem:$0x28B0] =	vst v0  }
0x1b: {  	[tilespmem:$0x28C0] =	vst v0  }
0x1c: {  	[tilespmem:$0x28D0] =	vst v0  }
0x1d: {  	[tilespmem:$0x28E0] =	vst v0  }
0x1e: {  	[tilespmem:$0x28F0] =	vst v0  }
0x1f: {  	[tilespmem:$0x2900] =	vst v0  }
0x20: {  	[tilespmem:$0x2910] =	vst v0  }
0x21: {  	[tilespmem:$0x2920] =	vst v0  }
0x22: {  	[tilespmem:$0x2930] =	vst v0  }
0x23: {  	[tilespmem:$0x2940] =	vst v0  }
0x24: {  	[tilespmem:$0x2950] =	vst v0  }
0x25: {  	[tilespmem:$0x2960] =	vst v0  }
0x26: {  	[tilespmem:$0x2970] =	vst v0  }
0x27: {  	[tilespmem:$0x2980] =	vst v0  }
0x28: {  	[tilespmem:$0x2990] =	vst v0  }
0x29: {  	[tilespmem:$0x29A0] =	vst v0  }
0x2a: {  	[tilespmem:$0x29B0] =	vst v0  }
0x2b: {  	[tilespmem:$0x29C0] =	vst v0  }
0x2c: {  	[tilespmem:$0x29D0] =	vst v0  }
0x2d: {  	[tilespmem:$0x29E0] =	vst v0  }
0x2e: {  	[tilespmem:$0x29F0] =	vst v0  }
0x2f: {  	[tilespmem:$0x2A00] =	vst v0  }
0x30: {  	[tilespmem:$0x2A10] =	vst v0  }
0x31: {  	[tilespmem:$0x2A20] =	vst v0  }
0x32: {  	[tilespmem:$0x2A30] =	vst v0  }
0x33: {  	[tilespmem:$0x2A40] =	vst v0  }
0x34: {  	[tilespmem:$0x2A50] =	vst v0  }
0x35: {  	[tilespmem:$0x2A60] =	vst v0  }
0x36: {  	[tilespmem:$0x2A70] =	vst v0  }
0x37: {  	[tilespmem:$0x2A80] =	vst v1  }
0x38: {  	[tilespmem:$0x2A90] =	vst v1  }
0x39: {  	[tilespmem:$0x2AA0] =	vst v1  }
0x3a: {  	[tilespmem:$0x2AB0] =	vst v1  }
0x3b: {  	[tilespmem:$0x2AC0] =	vst v1  }
0x3c: {  	[tilespmem:$0x2AD0] =	vst v1  }
0x3d: {  	[tilespmem:$0x2AE0] =	vst v1  }
0x3e: {  	[tilespmem:$0x2AF0] =	vst v1  }
0x3f: {  	[spmem:s4] =	stream.linear.scatter [tilespmem:s8], [sflag:$0x1], $0x280, $0x38;
	[tilespmem:$0x2D80] =	vst v63  }
0x40: {  	_ =	swait.ge [sflag:s9], $0x280  }
0x41: {  	[sflag:s9] =	ssyncset.done $0x0  }
0x42: {  	[sflag:s9] =	ssyncadd.s32 $0xFFFFFD80  }
0x43: {  	[tilespmem:s3], [sflag:$0x1] =	stream.linear.gather [hbm4b:s5+s3], $0x2800, $0x38;
	[tilespmem:$0x2D80] =	vst v63  }
0x44: {  	_ =	swait.ge [sflag:s9], $0x2800  }
0x45: {  	[sflag:s9] =	ssyncset.done $0x0  }
0x46: {  	[sflag:s9] =	ssyncadd.s32 $0xFFFFD800  }
0x47: {  	s17 =	simm.s32 $0x0;
	[bflag:$0x0] =	sbarrier.arrive $0xFFFF  }
0x48: {  	[spmem:s2] =	stream.indirect.scatter.add.f32 [tilespmem:s11], [sflag:$0x1], $0x1, s17, s10, $0xb8;
	[tilespmem:$0x2D80] =	vst v63  }
0x49: {  	_ =	swait.ge [sflag:s9], $0x80  }
0x4a: {  	s17 =	simm.s32 $0x200;
	[sflag:s9] =	ssyncset.done $0x0  }
.LBB2_2:
0x4b: {  	s18 =	sshra.s32 s17, $0x2;
	[sflag:s9] =	ssyncadd.s32 $0xFFFFFF80;
	p0 =	sne.s32 s17, $0x9E00  }
0x4c: {  	[spmem:s2] =	stream.indirect.scatter.add.f32 [tilespmem:s11], [sflag:$0x1], $0x1, s18, s10, $0xb8;
	[tilespmem:$0x2D80] =	vst v63  }
.Ltmp0:
0x4d: {  	_ = 	snop;
	(pc) =	sbr.rel @p0 .LBB2_2-.Ltmp0, $4  }
0x4e: {  	_ = 	snop  }
0x4f: {  	s17 =	sadd.s32 $0x200, s17  }
0x50: {  	_ =	swait.ge [sflag:s9], $0x80  }
0x51: {  	[sflag:s9] =	ssyncset.done $0x0  }
0x52: {  	s16 =	sadd.s32 $0x1, s16  }
0x53: {  	[sflag:s9] =	ssyncadd.s32 $0xFFFFFF80;
	p0 =	sne.s32 s16, s7  }
.Ltmp1:
0x54: {  	[bflag:$0x0] =	sbarrier.arrive $0xFFFF;
	(pc) =	sbr.rel @p0 .LBB2_1-.Ltmp1, $4  }
0x55: {  	[hbm:s6@s14], [sflag:s12] =	dma.strided [spmem:s13@s15], $0x50, s9, $0x10   }
0x56: {  	_ =	swait.ge [sflag:s9], $0x50  }
0x57: {  	[sflag:s9] =	ssyncset.done $0x0  }
0x58: {  	[sflag:s9] =	ssyncadd.s32 $0xFFFFFFB0  }
0x59: {  	_ =	sfence.sel $0x180000  }
0x5a: {  	[bflag:$0x0] =	sbarrier.arrive $0xFFFF  }
0x5b: {  	p0 =	sne.s32 s1, $0x0;
	_ =	strace $0x90000047  }
0x5c: {  	s0 =	sadd.s32 @!p0 $0x100000, s0;
	[bflag:$0x2] =	sbarrier.arrive $0xFFFF  }
0x5d: {  	[sflag:s0] =	ssyncadd.tile.s32 @!p0 $0x1;
	_ =	shalt  }
.Lfunc_end2:
_tile_overlayer_lowered:
.L_overlay_start_2:
0x5e: {  	(tag) =	ssettag $0x2  }
0x5f: {  	s0 =	rddreg [dreg:$0x0];
	s2 =	stileid.u32  }
0x60: {  	s1 =	rddreg [dreg:$0x1];
	p0 =	sne.s32 s2, $0x0  }
0x61: {  	s3 =	rddreg [dreg:$0x2];
	[bflag:$0x3] =	sbarrier.arrive $0xFFFF;
	s2 =	simm.s32 @!p0 $0x1C01  }
0x62: {  	[timem:s3], [sflag:s2] =	dma.local @!p0 [hbm:s0], s1  }
0x63: {  	s0 =	simm.s32 @!p0 $0x1  }
0x64: {  	_ =	swait.ge @!p0 [sflag:s0], s1  }
0x65: {  	s1 =	ssub.s32 @!p0 $0x0, s1;
	[sflag:s0] =	ssyncset.done @!p0 $0x0  }
0x66: {  	[sflag:s0] =	ssyncadd.s32 @!p0 s1  }
0x67: {  	[bflag:$0x3] =	sbarrier.arrive $0xFFFF  }
0x68: {  	_ =	shalt  }

</sc_bundles>
